<compile_context>
chip_gen: v7x
topology: tpu7x:2x2x1
jax: 0.10.2.dev20260603
libtpu: 0.0.44.dev20260713+nightly
codegen_flags: <defaults>
</compile_context>

<pallas_src>
import functools

import jax
import jax.numpy as jnp
from jax import lax
from jax.experimental import pallas as pl
from jax.experimental.pallas import tpu as pltpu
from jax.experimental.pallas import tpu_sc as plsc

NC = 2
NS = 16
NT = NC * NS
CH = 64
NBUF = 3
D = 128


def _make_sc_agg(n_pad, k_chunks, with_cnt):
  mesh = plsc.VectorSubcoreMesh(core_axis_name="c", subcore_axis_name="s")
  rows_per_tile = n_pad // NS
  kb = 16

  out_type = [jax.ShapeDtypeStruct((NC, n_pad, D), jnp.float32)]
  if with_cnt:
    out_type.append(jax.ShapeDtypeStruct((NC, n_pad, D), jnp.float32))

  @functools.partial(
      pl.kernel,
      out_type=out_type,
      mesh=mesh,
      scratch_types=[
          pltpu.VMEM((kb, CH), jnp.int32),
          pltpu.VMEM((kb, CH), jnp.int32),
      ] + [pltpu.VMEM((CH, D), jnp.float32) for _ in range(NBUF)] + [
          pltpu.VMEM_SHARED((n_pad, D), jnp.float32),
          pltpu.SemaphoreType.DMA,
          pltpu.SemaphoreType.DMA,
      ])
  def body(feat_hbm, src_hbm, dst_hbm, agg_out, *rest):
    if with_cnt:
      cnt_out, src_v, dst_v, *bufs, agg_sh, sem_g, sem_s = rest
    else:
      src_v, dst_v, *bufs, agg_sh, sem_g, sem_s = rest
    cid = lax.axis_index("c")
    sid = lax.axis_index("s")
    wid = cid * NS + sid
    rows_a, rows_b = bufs[0], bufs[1]
    zero16 = jnp.zeros((16,), jnp.float32)

    def fill_a(val):
      def fb(i, c):
        for j in range(D // 16):
          rows_a[i, pl.ds(j * 16, 16)] = zero16 + val
        return c
      lax.fori_loop(0, CH, fb, 0)

    def zero_acc():
      def zb(i, c):
        pltpu.sync_copy(rows_a.at[pl.ds(0, 64)],
                        agg_sh.at[pl.ds(sid * rows_per_tile + i * 64, 64)])
        return c
      lax.fori_loop(0, rows_per_tile // 64, zb, 0)

    def writeback(out_ref):
      def wb(i, c):
        base = sid * rows_per_tile + i * 64
        pltpu.sync_copy(agg_sh.at[pl.ds(base, 64)], rows_b.at[pl.ds(0, 64)])
        pltpu.sync_copy(rows_b.at[pl.ds(0, 64)],
                        out_ref.at[cid, pl.ds(base, 64)])
        return c
      lax.fori_loop(0, rows_per_tile // 64, wb, 0)

    if with_cnt:
      fill_a(0.0)
      zero_acc()
      fill_a(1.0)
      plsc.subcore_barrier()

      def cnt_block(b, c):
        base = wid * k_chunks + b * kb
        pltpu.sync_copy(dst_hbm.at[pl.ds(base, kb)], dst_v)
        for j in range(kb):
          pltpu.async_copy(rows_a, agg_sh.at[dst_v.at[j]], sem_s, add=True)
        for j in range(kb):
          pltpu.make_async_copy(rows_a, agg_sh.at[dst_v.at[0]],
                                sem_s).wait()
        return c
      lax.fori_loop(0, k_chunks // kb, cnt_block, 0)
      plsc.subcore_barrier()
      writeback(cnt_out)
      plsc.subcore_barrier()

    fill_a(0.0)
    zero_acc()
    plsc.subcore_barrier()

    def agg_block(b, c):
      base = wid * k_chunks + b * kb
      pltpu.sync_copy(src_hbm.at[pl.ds(base, kb)], src_v)
      pltpu.sync_copy(dst_hbm.at[pl.ds(base, kb)], dst_v)

      for j in range(NBUF - 1):
        pltpu.async_copy(feat_hbm.at[src_v.at[j]], bufs[j], sem_g)
      for j in range(kb):
        pltpu.make_async_copy(feat_hbm.at[src_v.at[0]], bufs[j % NBUF],
                              sem_g).wait()
        if j >= 1:
          pltpu.make_async_copy(bufs[0], agg_sh.at[dst_v.at[0]],
                                sem_s).wait()
        pltpu.async_copy(bufs[j % NBUF], agg_sh.at[dst_v.at[j]], sem_s,
                         add=True)
        nxt = j + NBUF - 1
        if nxt < kb:
          pltpu.async_copy(feat_hbm.at[src_v.at[nxt]], bufs[nxt % NBUF],
                           sem_g)
      pltpu.make_async_copy(bufs[0], agg_sh.at[dst_v.at[0]],
                            sem_s).wait()
      return c
    lax.fori_loop(0, k_chunks // kb, agg_block, 0)
    plsc.subcore_barrier()
    writeback(agg_out)

  return body


def _tc_fuse(agg, cnt, feat, w_l, b, w_r, relu):
  n = feat.shape[0]
  blk = 400
  grid = n // blk

  def body(a0_ref, a1_ref, c0_ref, c1_ref, f_ref, wl_ref, b_ref, wr_ref,
           o_ref):
    cnt_col = c0_ref[0, :, 0:1] + c1_ref[0, :, 0:1]
    mean = (a0_ref[0] + a1_ref[0]) / jnp.maximum(cnt_col, 1.0)
    dn = (((1,), (1,)), ((), ()))
    acc = lax.dot_general(mean, wl_ref[...], dn,
                          preferred_element_type=jnp.float32)
    acc += lax.dot_general(f_ref[...], wr_ref[...], dn,
                           preferred_element_type=jnp.float32)
    acc += b_ref[...]
    if relu:
      acc = jnp.maximum(acc, 0.0)
    o_ref[...] = acc

  part0 = pl.BlockSpec((1, blk, D), lambda i: (0, i, 0))
  part1 = pl.BlockSpec((1, blk, D), lambda i: (1, i, 0))
  row_spec = pl.BlockSpec((blk, D), lambda i: (i, 0))
  full_spec = pl.BlockSpec((D, D), lambda i: (0, 0))
  b_spec = pl.BlockSpec((1, D), lambda i: (0, 0))
  return pl.pallas_call(
      body,
      grid=(grid,),
      in_specs=[part0, part1, part0, part1, row_spec,
                full_spec, b_spec, full_spec],
      out_specs=row_spec,
      out_shape=jax.ShapeDtypeStruct((n, D), jnp.float32),
  )(agg, agg, cnt, cnt, feat, w_l, b, w_r)


def kernel(x, edge_index, W1_l, b1, W1_r, W2_l, b2, W2_r):
  n = x.shape[0]
  e = edge_index.shape[1]
  n_pad = ((n // 256) + 1) * 256
  k_chunks = -(-e // (NT * CH * 8)) * 8
  e_pad = NT * CH * k_chunks

  src = edge_index[0]
  dst = edge_index[1]
  pad = e_pad - e
  pad_i = jnp.arange(pad, dtype=jnp.int32)
  src_p = jnp.concatenate([src, pad_i % n])
  dst_p = jnp.concatenate([dst, n + pad_i % (n_pad - n)])
  src2d = src_p.reshape(NT * k_chunks, CH)
  dst2d = dst_p.reshape(NT * k_chunks, CH)

  sc_agg_cnt = _make_sc_agg(n_pad, k_chunks, with_cnt=True)
  sc_agg = _make_sc_agg(n_pad, k_chunks, with_cnt=False)

  agg1, cnt = sc_agg_cnt(x, src2d, dst2d)
  b1r = b1.reshape(1, D)
  b2r = b2.reshape(1, D)
  h = _tc_fuse(agg1, cnt, x, W1_l, b1r, W1_r, relu=True)
  (agg2,) = sc_agg(h, src2d, dst2d)
  out = _tc_fuse(agg2, cnt, h, W2_l, b2r, W2_r, relu=False)
  return out

# --- scband reference (transcript-rebuilt; emitter-appended) ---
"""Pipeline reference for scband-graph-sage-74586402062468 (READ-ONLY COPY).

The authoritative reference and input builder live on the scoring server;
editing this copy changes nothing except your own understanding.
"""

import jax, jax.numpy as jnp
import numpy as np

N = 10000
E = 320000
D_IN = 128
D_HID = 128
D_OUT = 128


def setup_inputs(seed: int = 0) -> dict:
    key = jax.random.key(seed)
    ks = jax.random.split(key, 8)
    x = jax.random.normal(ks[0], (N, D_IN), dtype=jnp.float32)
    edge_index = jax.random.randint(ks[1], (2, E), 0, N, dtype=jnp.int32)
    s1 = 1.0 / np.sqrt(D_IN)
    s2 = 1.0 / np.sqrt(D_HID)
    W1_l = jax.random.uniform(ks[2], (D_HID, D_IN), jnp.float32, -s1, s1)
    W1_r = jax.random.uniform(ks[3], (D_HID, D_IN), jnp.float32, -s1, s1)
    b1 = jnp.zeros((D_HID,), jnp.float32)
    W2_l = jax.random.uniform(ks[4], (D_OUT, D_HID), jnp.float32, -s2, s2)
    W2_r = jax.random.uniform(ks[5], (D_OUT, D_HID), jnp.float32, -s2, s2)
    b2 = jnp.zeros((D_OUT,), jnp.float32)
    return {"x": x, "edge_index": edge_index, "W1_l": W1_l, "b1": b1, "W1_r": W1_r,
            "W2_l": W2_l, "b2": b2, "W2_r": W2_r}


def _sage_conv(x, src, dst, W_l, b_l, W_r, num_nodes):
    # PyG SAGEConv with mean aggregation: out = lin_l(mean_{j in N(i)} x_j) + lin_r(x_i)
    msg = jnp.take(x, src, axis=0)                                   # gather  [E, d]
    agg = jax.ops.segment_sum(msg, dst, num_segments=num_nodes)      # scatter-add
    cnt = jax.ops.segment_sum(jnp.ones((src.shape[0],), x.dtype), dst, num_segments=num_nodes)
    mean = agg / jnp.clip(cnt, 1.0)[:, None]
    return mean @ W_l.T + b_l + x @ W_r.T


def reference(x, edge_index, W1_l, b1, W1_r, W2_l, b2, W2_r):
    src = edge_index[0]
    dst = edge_index[1]
    n = x.shape[0]
    h = _sage_conv(x, src, dst, W1_l, b1, W1_r, n)
    h = jax.nn.relu(h)
    # dropout is identity in eval mode
    out = _sage_conv(h, src, dst, W2_l, b2, W2_r, n)
    return out

if __name__ == "__main__":
    import jax
    _d = setup_inputs()
    print(jax.jit(kernel)(*tuple(_d.values())))

</pallas_src>

<mosaic_0001>
#map = affine_map<(d0, d1) -> (0, 0)>
#map1 = affine_map<(d0, d1) -> (0, 0, 0)>
module attributes {stable_mosaic.version = 14 : i64} {
  func.func @body(%arg0: i32, %arg1: i32, %arg2: memref<10000x128xf32, #tpu.memory_space<hbm>>, %arg3: memref<5120x64xi32, #tpu.memory_space<hbm>>, %arg4: memref<5120x64xi32, #tpu.memory_space<hbm>>, %arg5: memref<2x10240x128xf32, #tpu.memory_space<hbm>>, %arg6: memref<16x64xi32, #tpu.memory_space<vmem>>, %arg7: memref<16x64xi32, #tpu.memory_space<vmem>>, %arg8: memref<64x128xf32, #tpu.memory_space<vmem>>, %arg9: memref<64x128xf32, #tpu.memory_space<vmem>>, %arg10: memref<64x128xf32, #tpu.memory_space<vmem>>, %arg11: memref<10240x128xf32, #tpu.memory_space<vmem_shared>>, %arg12: memref<!tpu.dma_semaphore, #tpu.memory_space<semaphore_mem>>, %arg13: memref<!tpu.dma_semaphore, #tpu.memory_space<semaphore_mem>>) attributes {dimension_semantics = [#tpu.dimension_semantics<core_parallel>, #tpu.dimension_semantics<subcore_parallel>], iteration_bounds = array<i64: 2, 16>, scalar_prefetch = 0 : i64, scratch_operands = 8 : i64, tpu.core_type = #tpu.core_type<sc_vector_subcore>, window_params = [{transform_indices = #map}, {transform_indices = #map}, {transform_indices = #map}, {transform_indices = #map1}]} {
    %mul3A = arith.constant 16 : i32
    %mul3A_0 = arith.muli %arg0, %mul3A : i32
    %add3A = arith.addi %mul3A_0, %arg1 : i32
    %broadcast_in_dim3A = arith.constant 0.000000e+00 : f32
    %broadcast_in_dim3A_1 = vector.broadcast %broadcast_in_dim3A : f32 to vector<16xf32>
    %scan3A = arith.constant 0 : i32
    %scan3A_2 = arith.constant 0 : i32
    %scan3A_3 = arith.constant 64 : i32
    %scan3A_4 = arith.addi %scan3A_2, %scan3A_3 : i32
    %scan3A_5 = arith.constant 1 : i32
    scf.for %scan3A_26 = %scan3A_2 to %scan3A_4 step %scan3A_5  : i32 {
      %add3A_27 = arith.constant 0.000000e+00 : f32
      %add3A_28 = vector.broadcast %add3A_27 : f32 to vector<16xf32>
      %add3A_29 = arith.addf %broadcast_in_dim3A_1, %add3A_28 : vector<16xf32>
      %swap3A = arith.index_cast %scan3A_26 : i32 to index
      %swap3A_30 = arith.constant 0 : index
      %swap3A_31 = tpu.vector_load %arg8[%swap3A, %swap3A_30] {strides = array<i32>} : memref<64x128xf32, #tpu.memory_space<vmem>>, vector<1x16xf32>,
      %swap3A_32 = vector.shape_cast %swap3A_31 : vector<1x16xf32> to vector<16xf32>
      %swap3A_33 = vector.shape_cast %add3A_29 : vector<16xf32> to vector<1x16xf32>
      tpu.vector_store %arg8[%swap3A, %swap3A_30], %swap3A_33 {strides = array<i32>} : memref<64x128xf32, #tpu.memory_space<vmem>>, vector<1x16xf32>,
      %add3A_34 = arith.constant 0.000000e+00 : f32
      %add3A_35 = vector.broadcast %add3A_34 : f32 to vector<16xf32>
      %add3A_36 = arith.addf %broadcast_in_dim3A_1, %add3A_35 : vector<16xf32>
      %swap3A_37 = arith.index_cast %scan3A_26 : i32 to index
      %swap3A_38 = arith.constant 16 : index
      %swap3A_39 = tpu.vector_load %arg8[%swap3A_37, %swap3A_38] {strides = array<i32>} : memref<64x128xf32, #tpu.memory_space<vmem>>, vector<1x16xf32>,
      %swap3A_40 = vector.shape_cast %swap3A_39 : vector<1x16xf32> to vector<16xf32>
      %swap3A_41 = vector.shape_cast %add3A_36 : vector<16xf32> to vector<1x16xf32>
      tpu.vector_store %arg8[%swap3A_37, %swap3A_38], %swap3A_41 {strides = array<i32>} : memref<64x128xf32, #tpu.memory_space<vmem>>, vector<1x16xf32>,
      %add3A_42 = arith.constant 0.000000e+00 : f32
      %add3A_43 = vector.broadcast %add3A_42 : f32 to vector<16xf32>
      %add3A_44 = arith.addf %broadcast_in_dim3A_1, %add3A_43 : vector<16xf32>
      %swap3A_45 = arith.index_cast %scan3A_26 : i32 to index
      %swap3A_46 = arith.constant 32 : index
      %swap3A_47 = tpu.vector_load %arg8[%swap3A_45, %swap3A_46] {strides = array<i32>} : memref<64x128xf32, #tpu.memory_space<vmem>>, vector<1x16xf32>,
      %swap3A_48 = vector.shape_cast %swap3A_47 : vector<1x16xf32> to vector<16xf32>
      %swap3A_49 = vector.shape_cast %add3A_44 : vector<16xf32> to vector<1x16xf32>
      tpu.vector_store %arg8[%swap3A_45, %swap3A_46], %swap3A_49 {strides = array<i32>} : memref<64x128xf32, #tpu.memory_space<vmem>>, vector<1x16xf32>,
      %add3A_50 = arith.constant 0.000000e+00 : f32
      %add3A_51 = vector.broadcast %add3A_50 : f32 to vector<16xf32>
      %add3A_52 = arith.addf %broadcast_in_dim3A_1, %add3A_51 : vector<16xf32>
      %swap3A_53 = arith.index_cast %scan3A_26 : i32 to index
      %swap3A_54 = arith.constant 48 : index
      %swap3A_55 = tpu.vector_load %arg8[%swap3A_53, %swap3A_54] {strides = array<i32>} : memref<64x128xf32, #tpu.memory_space<vmem>>, vector<1x16xf32>,
      %swap3A_56 = vector.shape_cast %swap3A_55 : vector<1x16xf32> to vector<16xf32>
      %swap3A_57 = vector.shape_cast %add3A_52 : vector<16xf32> to vector<1x16xf32>
      tpu.vector_store %arg8[%swap3A_53, %swap3A_54], %swap3A_57 {strides = array<i32>} : memref<64x128xf32, #tpu.memory_space<vmem>>, vector<1x16xf32>,
      %add3A_58 = arith.constant 0.000000e+00 : f32
      %add3A_59 = vector.broadcast %add3A_58 : f32 to vector<16xf32>
      %add3A_60 = arith.addf %broadcast_in_dim3A_1, %add3A_59 : vector<16xf32>
      %swap3A_61 = arith.index_cast %scan3A_26 : i32 to index
      %swap3A_62 = arith.constant 64 : index
      %swap3A_63 = tpu.vector_load %arg8[%swap3A_61, %swap3A_62] {strides = array<i32>} : memref<64x128xf32, #tpu.memory_space<vmem>>, vector<1x16xf32>,
      %swap3A_64 = vector.shape_cast %swap3A_63 : vector<1x16xf32> to vector<16xf32>
      %swap3A_65 = vector.shape_cast %add3A_60 : vector<16xf32> to vector<1x16xf32>
      tpu.vector_store %arg8[%swap3A_61, %swap3A_62], %swap3A_65 {strides = array<i32>} : memref<64x128xf32, #tpu.memory_space<vmem>>, vector<1x16xf32>,
      %add3A_66 = arith.constant 0.000000e+00 : f32
      %add3A_67 = vector.broadcast %add3A_66 : f32 to vector<16xf32>
      %add3A_68 = arith.addf %broadcast_in_dim3A_1, %add3A_67 : vector<16xf32>
      %swap3A_69 = arith.index_cast %scan3A_26 : i32 to index
      %swap3A_70 = arith.constant 80 : index
      %swap3A_71 = tpu.vector_load %arg8[%swap3A_69, %swap3A_70] {strides = array<i32>} : memref<64x128xf32, #tpu.memory_space<vmem>>, vector<1x16xf32>,
      %swap3A_72 = vector.shape_cast %swap3A_71 : vector<1x16xf32> to vector<16xf32>
      %swap3A_73 = vector.shape_cast %add3A_68 : vector<16xf32> to vector<1x16xf32>
      tpu.vector_store %arg8[%swap3A_69, %swap3A_70], %swap3A_73 {strides = array<i32>} : memref<64x128xf32, #tpu.memory_space<vmem>>, vector<1x16xf32>,
      %add3A_74 = arith.constant 0.000000e+00 : f32
      %add3A_75 = vector.broadcast %add3A_74 : f32 to vector<16xf32>
      %add3A_76 = arith.addf %broadcast_in_dim3A_1, %add3A_75 : vector<16xf32>
      %swap3A_77 = arith.index_cast %scan3A_26 : i32 to index
      %swap3A_78 = arith.constant 96 : index
      %swap3A_79 = tpu.vector_load %arg8[%swap3A_77, %swap3A_78] {strides = array<i32>} : memref<64x128xf32, #tpu.memory_space<vmem>>, vector<1x16xf32>,
      %swap3A_80 = vector.shape_cast %swap3A_79 : vector<1x16xf32> to vector<16xf32>
      %swap3A_81 = vector.shape_cast %add3A_76 : vector<16xf32> to vector<1x16xf32>
      tpu.vector_store %arg8[%swap3A_77, %swap3A_78], %swap3A_81 {strides = array<i32>} : memref<64x128xf32, #tpu.memory_space<vmem>>, vector<1x16xf32>,
      %add3A_82 = arith.constant 0.000000e+00 : f32
      %add3A_83 = vector.broadcast %add3A_82 : f32 to vector<16xf32>
      %add3A_84 = arith.addf %broadcast_in_dim3A_1, %add3A_83 : vector<16xf32>
      %swap3A_85 = arith.index_cast %scan3A_26 : i32 to index
      %swap3A_86 = arith.constant 112 : index
      %swap3A_87 = tpu.vector_load %arg8[%swap3A_85, %swap3A_86] {strides = array<i32>} : memref<64x128xf32, #tpu.memory_space<vmem>>, vector<1x16xf32>,
      %swap3A_88 = vector.shape_cast %swap3A_87 : vector<1x16xf32> to vector<16xf32>
      %swap3A_89 = vector.shape_cast %add3A_84 : vector<16xf32> to vector<1x16xf32>
      tpu.vector_store %arg8[%swap3A_85, %swap3A_86], %swap3A_89 {strides = array<i32>} : memref<64x128xf32, #tpu.memory_space<vmem>>, vector<1x16xf32>,
    }
    %scan3A_6 = arith.constant 64 : i32
    %scan3A_7 = arith.constant 0 : i32
    %scan3A_8 = arith.constant 0 : i32
    %scan3A_9 = arith.constant 10 : i32
    %scan3A_10 = arith.addi %scan3A_8, %scan3A_9 : i32
    %scan3A_11 = arith.constant 1 : i32
    scf.for %scan3A_26 = %scan3A_8 to %scan3A_10 step %scan3A_11  : i32 {
      %mul3A_27 = arith.constant 640 : i32
      %mul3A_28 = arith.muli %arg1, %mul3A_27 : i32
      %mul3A_29 = arith.constant 64 : i32
      %mul3A_30 = arith.muli %scan3A_26, %mul3A_29 : i32
      %add3A_31 = arith.addi %mul3A_28, %mul3A_30 : i32
      "tpu.region"() ({
        %run_scoped3A = tpu.sem_alloc : memref<!tpu.dma_semaphore, #tpu.memory_space<semaphore_mem>>
        %dma_start3A = arith.constant 0 : i32
        %dma_start3A_32 = arith.constant 0 : i32
        %dma_start3A_33 = tpu.memref_slice %arg8[%dma_start3A, %dma_start3A_32] : memref<64x128xf32, #tpu.memory_space<vmem>> -> memref<64x128xf32, #tpu.memory_space<vmem>>
        %dma_start3A_34 = arith.constant 0 : i32
        %dma_start3A_35 = tpu.memref_slice %arg11[%add3A_31, %dma_start3A_34] : memref<10240x128xf32, #tpu.memory_space<vmem_shared>> -> memref<64x128xf32, #tpu.memory_space<vmem_shared>>
        %dma_start3A_36 = arith.constant 0 : i32
        %dma_start3A_37 = tpu.memref_slice %arg11[%add3A_31, %dma_start3A_36] : memref<10240x128xf32, #tpu.memory_space<vmem_shared>> -> memref<64x128xf32, #tpu.memory_space<vmem_shared>>
        %dma_start3A_38 = arith.constant 0 : i32
        %dma_start3A_39 = arith.constant 0 : i32
        %dma_start3A_40 = tpu.memref_slice %arg8[%dma_start3A_38, %dma_start3A_39] : memref<64x128xf32, #tpu.memory_space<vmem>> -> memref<64x128xf32, #tpu.memory_space<vmem>>
        tpu.enqueue_dma source(%dma_start3A_40 : memref<64x128xf32, #tpu.memory_space<vmem>>) target(%dma_start3A_37 : memref<64x128xf32, #tpu.memory_space<vmem_shared>>) target_semaphore(%run_scoped3A : memref<!tpu.dma_semaphore, #tpu.memory_space<semaphore_mem>>)
        %dma_wait3A = arith.constant 0 : i32
        %dma_wait3A_41 = arith.constant 0 : i32
        %dma_wait3A_42 = tpu.memref_slice %arg8[%dma_wait3A, %dma_wait3A_41] : memref<64x128xf32, #tpu.memory_space<vmem>> -> memref<64x128xf32, #tpu.memory_space<vmem>>
        %dma_wait3A_43 = arith.constant 0 : i32
        %dma_wait3A_44 = tpu.memref_slice %arg11[%add3A_31, %dma_wait3A_43] : memref<10240x128xf32, #tpu.memory_space<vmem_shared>> -> memref<64x128xf32, #tpu.memory_space<vmem_shared>>
        %dma_wait3A_45 = arith.constant 0 : i32
        %dma_wait3A_46 = tpu.memref_slice %arg11[%add3A_31, %dma_wait3A_45] : memref<10240x128xf32, #tpu.memory_space<vmem_shared>> -> memref<64x128xf32, #tpu.memory_space<vmem_shared>>
        %dma_wait3A_47 = arith.constant 0 : i32
        %dma_wait3A_48 = arith.constant 0 : i32
        %dma_wait3A_49 = tpu.memref_slice %arg8[%dma_wait3A_47, %dma_wait3A_48] : memref<64x128xf32, #tpu.memory_space<vmem>> -> memref<64x128xf32, #tpu.memory_space<vmem>>
        tpu.wait_dma2 semaphore(%run_scoped3A : memref<!tpu.dma_semaphore, #tpu.memory_space<semaphore_mem>>) src(%dma_wait3A_49 : memref<64x128xf32, #tpu.memory_space<vmem>>) dst(%dma_wait3A_46 : memref<64x128xf32, #tpu.memory_space<vmem_shared>>)
        tpu.yield
      }) : () -> ()
    }
    %scan3A_12 = arith.constant 10 : i32
    %barrier3A = arith.constant 0 : index
    tpu.barrier barrier_id(%barrier3A)
    %scan3A_13 = arith.constant 0 : i32
    %scan3A_14 = arith.constant 0 : i32
    %scan3A_15 = arith.constant 10 : i32
    %scan3A_16 = arith.addi %scan3A_14, %scan3A_15 : i32
    %scan3A_17 = arith.constant 1 : i32
    scf.for %scan3A_26 = %scan3A_14 to %scan3A_16 step %scan3A_17  : i32 {
      %mul3A_27 = arith.constant 160 : i32
      %mul3A_28 = arith.muli %add3A, %mul3A_27 : i32
      %mul3A_29 = arith.constant 16 : i32
      %mul3A_30 = arith.muli %scan3A_26, %mul3A_29 : i32
      %add3A_31 = arith.addi %mul3A_28, %mul3A_30 : i32
      "tpu.region"() ({
        %run_scoped3A = tpu.sem_alloc : memref<!tpu.dma_semaphore, #tpu.memory_space<semaphore_mem>>
        %dma_start3A_478 = arith.constant 0 : i32
        %dma_start3A_479 = tpu.memref_slice %arg3[%add3A_31, %dma_start3A_478] : memref<5120x64xi32, #tpu.memory_space<hbm>> -> memref<16x64xi32, #tpu.memory_space<hbm>>
        %dma_start3A_480 = arith.constant 0 : i32
        %dma_start3A_481 = tpu.memref_slice %arg3[%add3A_31, %dma_start3A_480] : memref<5120x64xi32, #tpu.memory_space<hbm>> -> memref<16x64xi32, #tpu.memory_space<hbm>>
        tpu.enqueue_dma source(%dma_start3A_481 : memref<16x64xi32, #tpu.memory_space<hbm>>) target(%arg6 : memref<16x64xi32, #tpu.memory_space<vmem>>) target_semaphore(%run_scoped3A : memref<!tpu.dma_semaphore, #tpu.memory_space<semaphore_mem>>)
        %dma_wait3A_482 = arith.constant 0 : i32
        %dma_wait3A_483 = tpu.memref_slice %arg3[%add3A_31, %dma_wait3A_482] : memref<5120x64xi32, #tpu.memory_space<hbm>> -> memref<16x64xi32, #tpu.memory_space<hbm>>
        %dma_wait3A_484 = arith.constant 0 : i32
        %dma_wait3A_485 = tpu.memref_slice %arg3[%add3A_31, %dma_wait3A_484] : memref<5120x64xi32, #tpu.memory_space<hbm>> -> memref<16x64xi32, #tpu.memory_space<hbm>>
        tpu.wait_dma2 semaphore(%run_scoped3A : memref<!tpu.dma_semaphore, #tpu.memory_space<semaphore_mem>>) src(%dma_wait3A_485 : memref<16x64xi32, #tpu.memory_space<hbm>>) dst(%arg6 : memref<16x64xi32, #tpu.memory_space<vmem>>)
        tpu.yield
      }) : () -> ()
      "tpu.region"() ({
        %run_scoped3A = tpu.sem_alloc : memref<!tpu.dma_semaphore, #tpu.memory_space<semaphore_mem>>
        %dma_start3A_478 = arith.constant 0 : i32
        %dma_start3A_479 = tpu.memref_slice %arg4[%add3A_31, %dma_start3A_478] : memref<5120x64xi32, #tpu.memory_space<hbm>> -> memref<16x64xi32, #tpu.memory_space<hbm>>
        %dma_start3A_480 = arith.constant 0 : i32
        %dma_start3A_481 = tpu.memref_slice %arg4[%add3A_31, %dma_start3A_480] : memref<5120x64xi32, #tpu.memory_space<hbm>> -> memref<16x64xi32, #tpu.memory_space<hbm>>
        tpu.enqueue_dma source(%dma_start3A_481 : memref<16x64xi32, #tpu.memory_space<hbm>>) target(%arg7 : memref<16x64xi32, #tpu.memory_space<vmem>>) target_semaphore(%run_scoped3A : memref<!tpu.dma_semaphore, #tpu.memory_space<semaphore_mem>>)
        %dma_wait3A_482 = arith.constant 0 : i32
        %dma_wait3A_483 = tpu.memref_slice %arg4[%add3A_31, %dma_wait3A_482] : memref<5120x64xi32, #tpu.memory_space<hbm>> -> memref<16x64xi32, #tpu.memory_space<hbm>>
        %dma_wait3A_484 = arith.constant 0 : i32
        %dma_wait3A_485 = tpu.memref_slice %arg4[%add3A_31, %dma_wait3A_484] : memref<5120x64xi32, #tpu.memory_space<hbm>> -> memref<16x64xi32, #tpu.memory_space<hbm>>
        tpu.wait_dma2 semaphore(%run_scoped3A : memref<!tpu.dma_semaphore, #tpu.memory_space<semaphore_mem>>) src(%dma_wait3A_485 : memref<16x64xi32, #tpu.memory_space<hbm>>) dst(%arg7 : memref<16x64xi32, #tpu.memory_space<vmem>>)
        tpu.yield
      }) : () -> ()
      %dma_start3A = arith.constant 0 : i32
      %dma_start3A_32 = arith.constant 0 : i32
      %dma_start3A_33 = tpu.memref_slice %arg6[%dma_start3A, %dma_start3A_32] : memref<16x64xi32, #tpu.memory_space<vmem>> -> memref<1x64xi32, #tpu.memory_space<vmem>>
      %dma_start3A_34 = tpu.memref_squeeze %dma_start3A_33 : memref<1x64xi32, #tpu.memory_space<vmem>> -> memref<64xi32, #tpu.memory_space<vmem>>
      %dma_start3A_35 = arith.constant 0 : i32
      %dma_start3A_36 = arith.constant 0 : i32
      %dma_start3A_37 = tpu.memref_slice %arg2[%dma_start3A_35, %dma_start3A_36] : memref<10000x128xf32, #tpu.memory_space<hbm>> -> memref<10000x128xf32, #tpu.memory_space<hbm>>
      tpu.enqueue_indirect_dma source(%dma_start3A_37 : memref<10000x128xf32, #tpu.memory_space<hbm>>) target(%arg8 : memref<64x128xf32, #tpu.memory_space<vmem>>) offsets(%dma_start3A_34 : memref<64xi32, #tpu.memory_space<vmem>>) semaphore(%arg12 : memref<!tpu.dma_semaphore, #tpu.memory_space<semaphore_mem>>)
      %dma_start3A_38 = arith.constant 1 : i32
      %dma_start3A_39 = arith.constant 0 : i32
      %dma_start3A_40 = tpu.memref_slice %arg6[%dma_start3A_38, %dma_start3A_39] : memref<16x64xi32, #tpu.memory_space<vmem>> -> memref<1x64xi32, #tpu.memory_space<vmem>>
      %dma_start3A_41 = tpu.memref_squeeze %dma_start3A_40 : memref<1x64xi32, #tpu.memory_space<vmem>> -> memref<64xi32, #tpu.memory_space<vmem>>
      %dma_start3A_42 = arith.constant 0 : i32
      %dma_start3A_43 = arith.constant 0 : i32
      %dma_start3A_44 = tpu.memref_slice %arg2[%dma_start3A_42, %dma_start3A_43] : memref<10000x128xf32, #tpu.memory_space<hbm>> -> memref<10000x128xf32, #tpu.memory_space<hbm>>
      tpu.enqueue_indirect_dma source(%dma_start3A_44 : memref<10000x128xf32, #tpu.memory_space<hbm>>) target(%arg9 : memref<64x128xf32, #tpu.memory_space<vmem>>) offsets(%dma_start3A_41 : memref<64xi32, #tpu.memory_space<vmem>>) semaphore(%arg12 : memref<!tpu.dma_semaphore, #tpu.memory_space<semaphore_mem>>)
      %dma_wait3A = arith.constant 0 : i32
      %dma_wait3A_45 = arith.constant 0 : i32
      %dma_wait3A_46 = tpu.memref_slice %arg6[%dma_wait3A, %dma_wait3A_45] : memref<16x64xi32, #tpu.memory_space<vmem>> -> memref<1x64xi32, #tpu.memory_space<vmem>>
      %dma_wait3A_47 = tpu.memref_squeeze %dma_wait3A_46 : memref<1x64xi32, #tpu.memory_space<vmem>> -> memref<64xi32, #tpu.memory_space<vmem>>
      %dma_wait3A_48 = arith.constant 0 : i32
      %dma_wait3A_49 = arith.constant 0 : i32
      %dma_wait3A_50 = tpu.memref_slice %arg2[%dma_wait3A_48, %dma_wait3A_49] : memref<10000x128xf32, #tpu.memory_space<hbm>> -> memref<10000x128xf32, #tpu.memory_space<hbm>>
      tpu.wait_indirect_dma semaphore(%arg12 : memref<!tpu.dma_semaphore, #tpu.memory_space<semaphore_mem>>) src(%dma_wait3A_50 : memref<10000x128xf32, #tpu.memory_space<hbm>>) dst(%arg8 : memref<64x128xf32, #tpu.memory_space<vmem>>)
      %dma_start3A_51 = arith.constant 0 : i32
      %dma_start3A_52 = arith.constant 0 : i32
      %dma_start3A_53 = tpu.memref_slice %arg7[%dma_start3A_51, %dma_start3A_52] : memref<16x64xi32, #tpu.memory_space<vmem>> -> memref<1x64xi32, #tpu.memory_space<vmem>>
      %dma_start3A_54 = tpu.memref_squeeze %dma_start3A_53 : memref<1x64xi32, #tpu.memory_space<vmem>> -> memref<64xi32, #tpu.memory_space<vmem>>
      %dma_start3A_55 = arith.constant 0 : i32
      %dma_start3A_56 = arith.constant 0 : i32
      %dma_start3A_57 = tpu.memref_slice %arg11[%dma_start3A_55, %dma_start3A_56] : memref<10240x128xf32, #tpu.memory_space<vmem_shared>> -> memref<10240x128xf32, #tpu.memory_space<vmem_shared>>
      tpu.enqueue_indirect_dma source(%arg8 : memref<64x128xf32, #tpu.memory_space<vmem>>) target(%dma_start3A_57 : memref<10240x128xf32, #tpu.memory_space<vmem_shared>>) offsets(%dma_start3A_54 : memref<64xi32, #tpu.memory_space<vmem>>) semaphore(%arg13 : memref<!tpu.dma_semaphore, #tpu.memory_space<semaphore_mem>>) {add = true}
      %dma_start3A_58 = arith.constant 2 : i32
      %dma_start3A_59 = arith.constant 0 : i32
      %dma_start3A_60 = tpu.memref_slice %arg6[%dma_start3A_58, %dma_start3A_59] : memref<16x64xi32, #tpu.memory_space<vmem>> -> memref<1x64xi32, #tpu.memory_space<vmem>>
      %dma_start3A_61 = tpu.memref_squeeze %dma_start3A_60 : memref<1x64xi32, #tpu.memory_space<vmem>> -> memref<64xi32, #tpu.memory_space<vmem>>
      %dma_start3A_62 = arith.constant 0 : i32
      %dma_start3A_63 = arith.constant 0 : i32
      %dma_start3A_64 = tpu.memref_slice %arg2[%dma_start3A_62, %dma_start3A_63] : memref<10000x128xf32, #tpu.memory_space<hbm>> -> memref<10000x128xf32, #tpu.memory_space<hbm>>
      tpu.enqueue_indirect_dma source(%dma_start3A_64 : memref<10000x128xf32, #tpu.memory_space<hbm>>) target(%arg10 : memref<64x128xf32, #tpu.memory_space<vmem>>) offsets(%dma_start3A_61 : memref<64xi32, #tpu.memory_space<vmem>>) semaphore(%arg12 : memref<!tpu.dma_semaphore, #tpu.memory_space<semaphore_mem>>)
      %dma_wait3A_65 = arith.constant 0 : i32
      %dma_wait3A_66 = arith.constant 0 : i32
      %dma_wait3A_67 = tpu.memref_slice %arg6[%dma_wait3A_65, %dma_wait3A_66] : memref<16x64xi32, #tpu.memory_space<vmem>> -> memref<1x64xi32, #tpu.memory_space<vmem>>
      %dma_wait3A_68 = tpu.memref_squeeze %dma_wait3A_67 : memref<1x64xi32, #tpu.memory_space<vmem>> -> memref<64xi32, #tpu.memory_space<vmem>>
      %dma_wait3A_69 = arith.constant 0 : i32
      %dma_wait3A_70 = arith.constant 0 : i32
      %dma_wait3A_71 = tpu.memref_slice %arg2[%dma_wait3A_69, %dma_wait3A_70] : memref<10000x128xf32, #tpu.memory_space<hbm>> -> memref<10000x128xf32, #tpu.memory_space<hbm>>
      tpu.wait_indirect_dma semaphore(%arg12 : memref<!tpu.dma_semaphore, #tpu.memory_space<semaphore_mem>>) src(%dma_wait3A_71 : memref<10000x128xf32, #tpu.memory_space<hbm>>) dst(%arg9 : memref<64x128xf32, #tpu.memory_space<vmem>>)
      %dma_wait3A_72 = arith.constant 0 : i32
      %dma_wait3A_73 = arith.constant 0 : i32
      %dma_wait3A_74 = tpu.memref_slice %arg7[%dma_wait3A_72, %dma_wait3A_73] : memref<16x64xi32, #tpu.memory_space<vmem>> -> memref<1x64xi32, #tpu.memory_space<vmem>>
      %dma_wait3A_75 = tpu.memref_squeeze %dma_wait3A_74 : memref<1x64xi32, #tpu.memory_space<vmem>> -> memref<64xi32, #tpu.memory_space<vmem>>
      %dma_wait3A_76 = arith.constant 0 : i32
      %dma_wait3A_77 = arith.constant 0 : i32
      %dma_wait3A_78 = tpu.memref_slice %arg11[%dma_wait3A_76, %dma_wait3A_77] : memref<10240x128xf32, #tpu.memory_space<vmem_shared>> -> memref<10240x128xf32, #tpu.memory_space<vmem_shared>>
      tpu.wait_indirect_dma semaphore(%arg13 : memref<!tpu.dma_semaphore, #tpu.memory_space<semaphore_mem>>) src(%arg8 : memref<64x128xf32, #tpu.memory_space<vmem>>) dst(%dma_wait3A_78 : memref<10240x128xf32, #tpu.memory_space<vmem_shared>>)
      %dma_start3A_79 = arith.constant 1 : i32
      %dma_start3A_80 = arith.constant 0 : i32
      %dma_start3A_81 = tpu.memref_slice %arg7[%dma_start3A_79, %dma_start3A_80] : memref<16x64xi32, #tpu.memory_space<vmem>> -> memref<1x64xi32, #tpu.memory_space<vmem>>
      %dma_start3A_82 = tpu.memref_squeeze %dma_start3A_81 : memref<1x64xi32, #tpu.memory_space<vmem>> -> memref<64xi32, #tpu.memory_space<vmem>>
      %dma_start3A_83 = arith.constant 0 : i32
      %dma_start3A_84 = arith.constant 0 : i32
      %dma_start3A_85 = tpu.memref_slice %arg11[%dma_start3A_83, %dma_start3A_84] : memref<10240x128xf32, #tpu.memory_space<vmem_shared>> -> memref<10240x128xf32, #tpu.memory_space<vmem_shared>>
      tpu.enqueue_indirect_dma source(%arg9 : memref<64x128xf32, #tpu.memory_space<vmem>>) target(%dma_start3A_85 : memref<10240x128xf32, #tpu.memory_space<vmem_shared>>) offsets(%dma_start3A_82 : memref<64xi32, #tpu.memory_space<vmem>>) semaphore(%arg13 : memref<!tpu.dma_semaphore, #tpu.memory_space<semaphore_mem>>) {add = true}
      %dma_start3A_86 = arith.constant 3 : i32
      %dma_start3A_87 = arith.constant 0 : i32
      %dma_start3A_88 = tpu.memref_slice %arg6[%dma_start3A_86, %dma_start3A_87] : memref<16x64xi32, #tpu.memory_space<vmem>> -> memref<1x64xi32, #tpu.memory_space<vmem>>
      %dma_start3A_89 = tpu.memref_squeeze %dma_start3A_88 : memref<1x64xi32, #tpu.memory_space<vmem>> -> memref<64xi32, #tpu.memory_space<vmem>>
      %dma_start3A_90 = arith.constant 0 : i32
      %dma_start3A_91 = arith.constant 0 : i32
      %dma_start3A_92 = tpu.memref_slice %arg2[%dma_start3A_90, %dma_start3A_91] : memref<10000x128xf32, #tpu.memory_space<hbm>> -> memref<10000x128xf32, #tpu.memory_space<hbm>>
      tpu.enqueue_indirect_dma source(%dma_start3A_92 : memref<10000x128xf32, #tpu.memory_space<hbm>>) target(%arg8 : memref<64x128xf32, #tpu.memory_space<vmem>>) offsets(%dma_start3A_89 : memref<64xi32, #tpu.memory_space<vmem>>) semaphore(%arg12 : memref<!tpu.dma_semaphore, #tpu.memory_space<semaphore_mem>>)
      %dma_wait3A_93 = arith.constant 0 : i32
      %dma_wait3A_94 = arith.constant 0 : i32
      %dma_wait3A_95 = tpu.memref_slice %arg6[%dma_wait3A_93, %dma_wait3A_94] : memref<16x64xi32, #tpu.memory_space<vmem>> -> memref<1x64xi32, #tpu.memory_space<vmem>>
      %dma_wait3A_96 = tpu.memref_squeeze %dma_wait3A_95 : memref<1x64xi32, #tpu.memory_space<vmem>> -> memref<64xi32, #tpu.memory_space<vmem>>
      %dma_wait3A_97 = arith.constant 0 : i32
      %dma_wait3A_98 = arith.constant 0 : i32
      %dma_wait3A_99 = tpu.memref_slice %arg2[%dma_wait3A_97, %dma_wait3A_98] : memref<10000x128xf32, #tpu.memory_space<hbm>> -> memref<10000x128xf32, #tpu.memory_space<hbm>>
      tpu.wait_indirect_dma semaphore(%arg12 : memref<!tpu.dma_semaphore, #tpu.memory_space<semaphore_mem>>) src(%dma_wait3A_99 : memref<10000x128xf32, #tpu.memory_space<hbm>>) dst(%arg10 : memref<64x128xf32, #tpu.memory_space<vmem>>)
      %dma_wait3A_100 = arith.constant 0 : i32
      %dma_wait3A_101 = arith.constant 0 : i32
      %dma_wait3A_102 = tpu.memref_slice %arg7[%dma_wait3A_100, %dma_wait3A_101] : memref<16x64xi32, #tpu.memory_space<vmem>> -> memref<1x64xi32, #tpu.memory_space<vmem>>
      %dma_wait3A_103 = tpu.memref_squeeze %dma_wait3A_102 : memref<1x64xi32, #tpu.memory_space<vmem>> -> memref<64xi32, #tpu.memory_space<vmem>>
      %dma_wait3A_104 = arith.constant 0 : i32
      %dma_wait3A_105 = arith.constant 0 : i32
      %dma_wait3A_106 = tpu.memref_slice %arg11[%dma_wait3A_104, %dma_wait3A_105] : memref<10240x128xf32, #tpu.memory_space<vmem_shared>> -> memref<10240x128xf32, #tpu.memory_space<vmem_shared>>
      tpu.wait_indirect_dma semaphore(%arg13 : memref<!tpu.dma_semaphore, #tpu.memory_space<semaphore_mem>>) src(%arg8 : memref<64x128xf32, #tpu.memory_space<vmem>>) dst(%dma_wait3A_106 : memref<10240x128xf32, #tpu.memory_space<vmem_shared>>)
      %dma_start3A_107 = arith.constant 2 : i32
      %dma_start3A_108 = arith.constant 0 : i32
      %dma_start3A_109 = tpu.memref_slice %arg7[%dma_start3A_107, %dma_start3A_108] : memref<16x64xi32, #tpu.memory_space<vmem>> -> memref<1x64xi32, #tpu.memory_space<vmem>>
      %dma_start3A_110 = tpu.memref_squeeze %dma_start3A_109 : memref<1x64xi32, #tpu.memory_space<vmem>> -> memref<64xi32, #tpu.memory_space<vmem>>
      %dma_start3A_111 = arith.constant 0 : i32
      %dma_start3A_112 = arith.constant 0 : i32
      %dma_start3A_113 = tpu.memref_slice %arg11[%dma_start3A_111, %dma_start3A_112] : memref<10240x128xf32, #tpu.memory_space<vmem_shared>> -> memref<10240x128xf32, #tpu.memory_space<vmem_shared>>
      tpu.enqueue_indirect_dma source(%arg10 : memref<64x128xf32, #tpu.memory_space<vmem>>) target(%dma_start3A_113 : memref<10240x128xf32, #tpu.memory_space<vmem_shared>>) offsets(%dma_start3A_110 : memref<64xi32, #tpu.memory_space<vmem>>) semaphore(%arg13 : memref<!tpu.dma_semaphore, #tpu.memory_space<semaphore_mem>>) {add = true}
      %dma_start3A_114 = arith.constant 4 : i32
      %dma_start3A_115 = arith.constant 0 : i32
      %dma_start3A_116 = tpu.memref_slice %arg6[%dma_start3A_114, %dma_start3A_115] : memref<16x64xi32, #tpu.memory_space<vmem>> -> memref<1x64xi32, #tpu.memory_space<vmem>>
      %dma_start3A_117 = tpu.memref_squeeze %dma_start3A_116 : memref<1x64xi32, #tpu.memory_space<vmem>> -> memref<64xi32, #tpu.memory_space<vmem>>
      %dma_start3A_118 = arith.constant 0 : i32
      %dma_start3A_119 = arith.constant 0 : i32
      %dma_start3A_120 = tpu.memref_slice %arg2[%dma_start3A_118, %dma_start3A_119] : memref<10000x128xf32, #tpu.memory_space<hbm>> -> memref<10000x128xf32, #tpu.memory_space<hbm>>
      tpu.enqueue_indirect_dma source(%dma_start3A_120 : memref<10000x128xf32, #tpu.memory_space<hbm>>) target(%arg9 : memref<64x128xf32, #tpu.memory_space<vmem>>) offsets(%dma_start3A_117 : memref<64xi32, #tpu.memory_space<vmem>>) semaphore(%arg12 : memref<!tpu.dma_semaphore, #tpu.memory_space<semaphore_mem>>)
      %dma_wait3A_121 = arith.constant 0 : i32
      %dma_wait3A_122 = arith.constant 0 : i32
      %dma_wait3A_123 = tpu.memref_slice %arg6[%dma_wait3A_121, %dma_wait3A_122] : memref<16x64xi32, #tpu.memory_space<vmem>> -> memref<1x64xi32, #tpu.memory_space<vmem>>
      %dma_wait3A_124 = tpu.memref_squeeze %dma_wait3A_123 : memref<1x64xi32, #tpu.memory_space<vmem>> -> memref<64xi32, #tpu.memory_space<vmem>>
      %dma_wait3A_125 = arith.constant 0 : i32
      %dma_wait3A_126 = arith.constant 0 : i32
      %dma_wait3A_127 = tpu.memref_slice %arg2[%dma_wait3A_125, %dma_wait3A_126] : memref<10000x128xf32, #tpu.memory_space<hbm>> -> memref<10000x128xf32, #tpu.memory_space<hbm>>
      tpu.wait_indirect_dma semaphore(%arg12 : memref<!tpu.dma_semaphore, #tpu.memory_space<semaphore_mem>>) src(%dma_wait3A_127 : memref<10000x128xf32, #tpu.memory_space<hbm>>) dst(%arg8 : memref<64x128xf32, #tpu.memory_space<vmem>>)
      %dma_wait3A_128 = arith.constant 0 : i32
      %dma_wait3A_129 = arith.constant 0 : i32
      %dma_wait3A_130 = tpu.memref_slice %arg7[%dma_wait3A_128, %dma_wait3A_129] : memref<16x64xi32, #tpu.memory_space<vmem>> -> memref<1x64xi32, #tpu.memory_space<vmem>>
      %dma_wait3A_131 = tpu.memref_squeeze %dma_wait3A_130 : memref<1x64xi32, #tpu.memory_space<vmem>> -> memref<64xi32, #tpu.memory_space<vmem>>
      %dma_wait3A_132 = arith.constant 0 : i32
      %dma_wait3A_133 = arith.constant 0 : i32
      %dma_wait3A_134 = tpu.memref_slice %arg11[%dma_wait3A_132, %dma_wait3A_133] : memref<10240x128xf32, #tpu.memory_space<vmem_shared>> -> memref<10240x128xf32, #tpu.memory_space<vmem_shared>>
      tpu.wait_indirect_dma semaphore(%arg13 : memref<!tpu.dma_semaphore, #tpu.memory_space<semaphore_mem>>) src(%arg8 : memref<64x128xf32, #tpu.memory_space<vmem>>) dst(%dma_wait3A_134 : memref<10240x128xf32, #tpu.memory_space<vmem_shared>>)
      %dma_start3A_135 = arith.constant 3 : i32
      %dma_start3A_136 = arith.constant 0 : i32
      %dma_start3A_137 = tpu.memref_slice %arg7[%dma_start3A_135, %dma_start3A_136] : memref<16x64xi32, #tpu.memory_space<vmem>> -> memref<1x64xi32, #tpu.memory_space<vmem>>
      %dma_start3A_138 = tpu.memref_squeeze %dma_start3A_137 : memref<1x64xi32, #tpu.memory_space<vmem>> -> memref<64xi32, #tpu.memory_space<vmem>>
      %dma_start3A_139 = arith.constant 0 : i32
      %dma_start3A_140 = arith.constant 0 : i32
      %dma_start3A_141 = tpu.memref_slice %arg11[%dma_start3A_139, %dma_start3A_140] : memref<10240x128xf32, #tpu.memory_space<vmem_shared>> -> memref<10240x128xf32, #tpu.memory_space<vmem_shared>>
      tpu.enqueue_indirect_dma source(%arg8 : memref<64x128xf32, #tpu.memory_space<vmem>>) target(%dma_start3A_141 : memref<10240x128xf32, #tpu.memory_space<vmem_shared>>) offsets(%dma_start3A_138 : memref<64xi32, #tpu.memory_space<vmem>>) semaphore(%arg13 : memref<!tpu.dma_semaphore, #tpu.memory_space<semaphore_mem>>) {add = true}
      %dma_start3A_142 = arith.constant 5 : i32
      %dma_start3A_143 = arith.constant 0 : i32
      %dma_start3A_144 = tpu.memref_slice %arg6[%dma_start3A_142, %dma_start3A_143] : memref<16x64xi32, #tpu.memory_space<vmem>> -> memref<1x64xi32, #tpu.memory_space<vmem>>
      %dma_start3A_145 = tpu.memref_squeeze %dma_start3A_144 : memref<1x64xi32, #tpu.memory_space<vmem>> -> memref<64xi32, #tpu.memory_space<vmem>>
      %dma_start3A_146 = arith.constant 0 : i32
      %dma_start3A_147 = arith.constant 0 : i32
      %dma_start3A_148 = tpu.memref_slice %arg2[%dma_start3A_146, %dma_start3A_147] : memref<10000x128xf32, #tpu.memory_space<hbm>> -> memref<10000x128xf32, #tpu.memory_space<hbm>>
      tpu.enqueue_indirect_dma source(%dma_start3A_148 : memref<10000x128xf32, #tpu.memory_space<hbm>>) target(%arg10 : memref<64x128xf32, #tpu.memory_space<vmem>>) offsets(%dma_start3A_145 : memref<64xi32, #tpu.memory_space<vmem>>) semaphore(%arg12 : memref<!tpu.dma_semaphore, #tpu.memory_space<semaphore_mem>>)
      %dma_wait3A_149 = arith.constant 0 : i32
      %dma_wait3A_150 = arith.constant 0 : i32
      %dma_wait3A_151 = tpu.memref_slice %arg6[%dma_wait3A_149, %dma_wait3A_150] : memref<16x64xi32, #tpu.memory_space<vmem>> -> memref<1x64xi32, #tpu.memory_space<vmem>>
      %dma_wait3A_152 = tpu.memref_squeeze %dma_wait3A_151 : memref<1x64xi32, #tpu.memory_space<vmem>> -> memref<64xi32, #tpu.memory_space<vmem>>
      %dma_wait3A_153 = arith.constant 0 : i32
      %dma_wait3A_154 = arith.constant 0 : i32
      %dma_wait3A_155 = tpu.memref_slice %arg2[%dma_wait3A_153, %dma_wait3A_154] : memref<10000x128xf32, #tpu.memory_space<hbm>> -> memref<10000x128xf32, #tpu.memory_space<hbm>>
      tpu.wait_indirect_dma semaphore(%arg12 : memref<!tpu.dma_semaphore, #tpu.memory_space<semaphore_mem>>) src(%dma_wait3A_155 : memref<10000x128xf32, #tpu.memory_space<hbm>>) dst(%arg9 : memref<64x128xf32, #tpu.memory_space<vmem>>)
      %dma_wait3A_156 = arith.constant 0 : i32
      %dma_wait3A_157 = arith.constant 0 : i32
      %dma_wait3A_158 = tpu.memref_slice %arg7[%dma_wait3A_156, %dma_wait3A_157] : memref<16x64xi32, #tpu.memory_space<vmem>> -> memref<1x64xi32, #tpu.memory_space<vmem>>
      %dma_wait3A_159 = tpu.memref_squeeze %dma_wait3A_158 : memref<1x64xi32, #tpu.memory_space<vmem>> -> memref<64xi32, #tpu.memory_space<vmem>>
      %dma_wait3A_160 = arith.constant 0 : i32
      %dma_wait3A_161 = arith.constant 0 : i32
      %dma_wait3A_162 = tpu.memref_slice %arg11[%dma_wait3A_160, %dma_wait3A_161] : memref<10240x128xf32, #tpu.memory_space<vmem_shared>> -> memref<10240x128xf32, #tpu.memory_space<vmem_shared>>
      tpu.wait_indirect_dma semaphore(%arg13 : memref<!tpu.dma_semaphore, #tpu.memory_space<semaphore_mem>>) src(%arg8 : memref<64x128xf32, #tpu.memory_space<vmem>>) dst(%dma_wait3A_162 : memref<10240x128xf32, #tpu.memory_space<vmem_shared>>)
      %dma_start3A_163 = arith.constant 4 : i32
      %dma_start3A_164 = arith.constant 0 : i32
      %dma_start3A_165 = tpu.memref_slice %arg7[%dma_start3A_163, %dma_start3A_164] : memref<16x64xi32, #tpu.memory_space<vmem>> -> memref<1x64xi32, #tpu.memory_space<vmem>>
      %dma_start3A_166 = tpu.memref_squeeze %dma_start3A_165 : memref<1x64xi32, #tpu.memory_space<vmem>> -> memref<64xi32, #tpu.memory_space<vmem>>
      %dma_start3A_167 = arith.constant 0 : i32
      %dma_start3A_168 = arith.constant 0 : i32
      %dma_start3A_169 = tpu.memref_slice %arg11[%dma_start3A_167, %dma_start3A_168] : memref<10240x128xf32, #tpu.memory_space<vmem_shared>> -> memref<10240x128xf32, #tpu.memory_space<vmem_shared>>
      tpu.enqueue_indirect_dma source(%arg9 : memref<64x128xf32, #tpu.memory_space<vmem>>) target(%dma_start3A_169 : memref<10240x128xf32, #tpu.memory_space<vmem_shared>>) offsets(%dma_start3A_166 : memref<64xi32, #tpu.memory_space<vmem>>) semaphore(%arg13 : memref<!tpu.dma_semaphore, #tpu.memory_space<semaphore_mem>>) {add = true}
      %dma_start3A_170 = arith.constant 6 : i32
      %dma_start3A_171 = arith.constant 0 : i32
      %dma_start3A_172 = tpu.memref_slice %arg6[%dma_start3A_170, %dma_start3A_171] : memref<16x64xi32, #tpu.memory_space<vmem>> -> memref<1x64xi32, #tpu.memory_space<vmem>>
      %dma_start3A_173 = tpu.memref_squeeze %dma_start3A_172 : memref<1x64xi32, #tpu.memory_space<vmem>> -> memref<64xi32, #tpu.memory_space<vmem>>
      %dma_start3A_174 = arith.constant 0 : i32
      %dma_start3A_175 = arith.constant 0 : i32
      %dma_start3A_176 = tpu.memref_slice %arg2[%dma_start3A_174, %dma_start3A_175] : memref<10000x128xf32, #tpu.memory_space<hbm>> -> memref<10000x128xf32, #tpu.memory_space<hbm>>
      tpu.enqueue_indirect_dma source(%dma_start3A_176 : memref<10000x128xf32, #tpu.memory_space<hbm>>) target(%arg8 : memref<64x128xf32, #tpu.memory_space<vmem>>) offsets(%dma_start3A_173 : memref<64xi32, #tpu.memory_space<vmem>>) semaphore(%arg12 : memref<!tpu.dma_semaphore, #tpu.memory_space<semaphore_mem>>)
      %dma_wait3A_177 = arith.constant 0 : i32
      %dma_wait3A_178 = arith.constant 0 : i32
      %dma_wait3A_179 = tpu.memref_slice %arg6[%dma_wait3A_177, %dma_wait3A_178] : memref<16x64xi32, #tpu.memory_space<vmem>> -> memref<1x64xi32, #tpu.memory_space<vmem>>
      %dma_wait3A_180 = tpu.memref_squeeze %dma_wait3A_179 : memref<1x64xi32, #tpu.memory_space<vmem>> -> memref<64xi32, #tpu.memory_space<vmem>>
      %dma_wait3A_181 = arith.constant 0 : i32
      %dma_wait3A_182 = arith.constant 0 : i32
      %dma_wait3A_183 = tpu.memref_slice %arg2[%dma_wait3A_181, %dma_wait3A_182] : memref<10000x128xf32, #tpu.memory_space<hbm>> -> memref<10000x128xf32, #tpu.memory_space<hbm>>
      tpu.wait_indirect_dma semaphore(%arg12 : memref<!tpu.dma_semaphore, #tpu.memory_space<semaphore_mem>>) src(%dma_wait3A_183 : memref<10000x128xf32, #tpu.memory_space<hbm>>) dst(%arg10 : memref<64x128xf32, #tpu.memory_space<vmem>>)
      %dma_wait3A_184 = arith.constant 0 : i32
      %dma_wait3A_185 = arith.constant 0 : i32
      %dma_wait3A_186 = tpu.memref_slice %arg7[%dma_wait3A_184, %dma_wait3A_185] : memref<16x64xi32, #tpu.memory_space<vmem>> -> memref<1x64xi32, #tpu.memory_space<vmem>>
      %dma_wait3A_187 = tpu.memref_squeeze %dma_wait3A_186 : memref<1x64xi32, #tpu.memory_space<vmem>> -> memref<64xi32, #tpu.memory_space<vmem>>
      %dma_wait3A_188 = arith.constant 0 : i32
      %dma_wait3A_189 = arith.constant 0 : i32
      %dma_wait3A_190 = tpu.memref_slice %arg11[%dma_wait3A_188, %dma_wait3A_189] : memref<10240x128xf32, #tpu.memory_space<vmem_shared>> -> memref<10240x128xf32, #tpu.memory_space<vmem_shared>>
      tpu.wait_indirect_dma semaphore(%arg13 : memref<!tpu.dma_semaphore, #tpu.memory_space<semaphore_mem>>) src(%arg8 : memref<64x128xf32, #tpu.memory_space<vmem>>) dst(%dma_wait3A_190 : memref<10240x128xf32, #tpu.memory_space<vmem_shared>>)
      %dma_start3A_191 = arith.constant 5 : i32
      %dma_start3A_192 = arith.constant 0 : i32
      %dma_start3A_193 = tpu.memref_slice %arg7[%dma_start3A_191, %dma_start3A_192] : memref<16x64xi32, #tpu.memory_space<vmem>> -> memref<1x64xi32, #tpu.memory_space<vmem>>
      %dma_start3A_194 = tpu.memref_squeeze %dma_start3A_193 : memref<1x64xi32, #tpu.memory_space<vmem>> -> memref<64xi32, #tpu.memory_space<vmem>>
      %dma_start3A_195 = arith.constant 0 : i32
      %dma_start3A_196 = arith.constant 0 : i32
      %dma_start3A_197 = tpu.memref_slice %arg11[%dma_start3A_195, %dma_start3A_196] : memref<10240x128xf32, #tpu.memory_space<vmem_shared>> -> memref<10240x128xf32, #tpu.memory_space<vmem_shared>>
      tpu.enqueue_indirect_dma source(%arg10 : memref<64x128xf32, #tpu.memory_space<vmem>>) target(%dma_start3A_197 : memref<10240x128xf32, #tpu.memory_space<vmem_shared>>) offsets(%dma_start3A_194 : memref<64xi32, #tpu.memory_space<vmem>>) semaphore(%arg13 : memref<!tpu.dma_semaphore, #tpu.memory_space<semaphore_mem>>) {add = true}
      %dma_start3A_198 = arith.constant 7 : i32
      %dma_start3A_199 = arith.constant 0 : i32
      %dma_start3A_200 = tpu.memref_slice %arg6[%dma_start3A_198, %dma_start3A_199] : memref<16x64xi32, #tpu.memory_space<vmem>> -> memref<1x64xi32, #tpu.memory_space<vmem>>
      %dma_start3A_201 = tpu.memref_squeeze %dma_start3A_200 : memref<1x64xi32, #tpu.memory_space<vmem>> -> memref<64xi32, #tpu.memory_space<vmem>>
      %dma_start3A_202 = arith.constant 0 : i32
      %dma_start3A_203 = arith.constant 0 : i32
      %dma_start3A_204 = tpu.memref_slice %arg2[%dma_start3A_202, %dma_start3A_203] : memref<10000x128xf32, #tpu.memory_space<hbm>> -> memref<10000x128xf32, #tpu.memory_space<hbm>>
      tpu.enqueue_indirect_dma source(%dma_start3A_204 : memref<10000x128xf32, #tpu.memory_space<hbm>>) target(%arg9 : memref<64x128xf32, #tpu.memory_space<vmem>>) offsets(%dma_start3A_201 : memref<64xi32, #tpu.memory_space<vmem>>) semaphore(%arg12 : memref<!tpu.dma_semaphore, #tpu.memory_space<semaphore_mem>>)
      %dma_wait3A_205 = arith.constant 0 : i32
      %dma_wait3A_206 = arith.constant 0 : i32
      %dma_wait3A_207 = tpu.memref_slice %arg6[%dma_wait3A_205, %dma_wait3A_206] : memref<16x64xi32, #tpu.memory_space<vmem>> -> memref<1x64xi32, #tpu.memory_space<vmem>>
      %dma_wait3A_208 = tpu.memref_squeeze %dma_wait3A_207 : memref<1x64xi32, #tpu.memory_space<vmem>> -> memref<64xi32, #tpu.memory_space<vmem>>
      %dma_wait3A_209 = arith.constant 0 : i32
      %dma_wait3A_210 = arith.constant 0 : i32
      %dma_wait3A_211 = tpu.memref_slice %arg2[%dma_wait3A_209, %dma_wait3A_210] : memref<10000x128xf32, #tpu.memory_space<hbm>> -> memref<10000x128xf32, #tpu.memory_space<hbm>>
      tpu.wait_indirect_dma semaphore(%arg12 : memref<!tpu.dma_semaphore, #tpu.memory_space<semaphore_mem>>) src(%dma_wait3A_211 : memref<10000x128xf32, #tpu.memory_space<hbm>>) dst(%arg8 : memref<64x128xf32, #tpu.memory_space<vmem>>)
      %dma_wait3A_212 = arith.constant 0 : i32
      %dma_wait3A_213 = arith.constant 0 : i32
      %dma_wait3A_214 = tpu.memref_slice %arg7[%dma_wait3A_212, %dma_wait3A_213] : memref<16x64xi32, #tpu.memory_space<vmem>> -> memref<1x64xi32, #tpu.memory_space<vmem>>
      %dma_wait3A_215 = tpu.memref_squeeze %dma_wait3A_214 : memref<1x64xi32, #tpu.memory_space<vmem>> -> memref<64xi32, #tpu.memory_space<vmem>>
      %dma_wait3A_216 = arith.constant 0 : i32
      %dma_wait3A_217 = arith.constant 0 : i32
      %dma_wait3A_218 = tpu.memref_slice %arg11[%dma_wait3A_216, %dma_wait3A_217] : memref<10240x128xf32, #tpu.memory_space<vmem_shared>> -> memref<10240x128xf32, #tpu.memory_space<vmem_shared>>
      tpu.wait_indirect_dma semaphore(%arg13 : memref<!tpu.dma_semaphore, #tpu.memory_space<semaphore_mem>>) src(%arg8 : memref<64x128xf32, #tpu.memory_space<vmem>>) dst(%dma_wait3A_218 : memref<10240x128xf32, #tpu.memory_space<vmem_shared>>)
      %dma_start3A_219 = arith.constant 6 : i32
      %dma_start3A_220 = arith.constant 0 : i32
      %dma_start3A_221 = tpu.memref_slice %arg7[%dma_start3A_219, %dma_start3A_220] : memref<16x64xi32, #tpu.memory_space<vmem>> -> memref<1x64xi32, #tpu.memory_space<vmem>>
      %dma_start3A_222 = tpu.memref_squeeze %dma_start3A_221 : memref<1x64xi32, #tpu.memory_space<vmem>> -> memref<64xi32, #tpu.memory_space<vmem>>
      %dma_start3A_223 = arith.constant 0 : i32
      %dma_start3A_224 = arith.constant 0 : i32
      %dma_start3A_225 = tpu.memref_slice %arg11[%dma_start3A_223, %dma_start3A_224] : memref<10240x128xf32, #tpu.memory_space<vmem_shared>> -> memref<10240x128xf32, #tpu.memory_space<vmem_shared>>
      tpu.enqueue_indirect_dma source(%arg8 : memref<64x128xf32, #tpu.memory_space<vmem>>) target(%dma_start3A_225 : memref<10240x128xf32, #tpu.memory_space<vmem_shared>>) offsets(%dma_start3A_222 : memref<64xi32, #tpu.memory_space<vmem>>) semaphore(%arg13 : memref<!tpu.dma_semaphore, #tpu.memory_space<semaphore_mem>>) {add = true}
      %dma_start3A_226 = arith.constant 8 : i32
      %dma_start3A_227 = arith.constant 0 : i32
      %dma_start3A_228 = tpu.memref_slice %arg6[%dma_start3A_226, %dma_start3A_227] : memref<16x64xi32, #tpu.memory_space<vmem>> -> memref<1x64xi32, #tpu.memory_space<vmem>>
      %dma_start3A_229 = tpu.memref_squeeze %dma_start3A_228 : memref<1x64xi32, #tpu.memory_space<vmem>> -> memref<64xi32, #tpu.memory_space<vmem>>
      %dma_start3A_230 = arith.constant 0 : i32
      %dma_start3A_231 = arith.constant 0 : i32
      %dma_start3A_232 = tpu.memref_slice %arg2[%dma_start3A_230, %dma_start3A_231] : memref<10000x128xf32, #tpu.memory_space<hbm>> -> memref<10000x128xf32, #tpu.memory_space<hbm>>
      tpu.enqueue_indirect_dma source(%dma_start3A_232 : memref<10000x128xf32, #tpu.memory_space<hbm>>) target(%arg10 : memref<64x128xf32, #tpu.memory_space<vmem>>) offsets(%dma_start3A_229 : memref<64xi32, #tpu.memory_space<vmem>>) semaphore(%arg12 : memref<!tpu.dma_semaphore, #tpu.memory_space<semaphore_mem>>)
      %dma_wait3A_233 = arith.constant 0 : i32
      %dma_wait3A_234 = arith.constant 0 : i32
      %dma_wait3A_235 = tpu.memref_slice %arg6[%dma_wait3A_233, %dma_wait3A_234] : memref<16x64xi32, #tpu.memory_space<vmem>> -> memref<1x64xi32, #tpu.memory_space<vmem>>
      %dma_wait3A_236 = tpu.memref_squeeze %dma_wait3A_235 : memref<1x64xi32, #tpu.memory_space<vmem>> -> memref<64xi32, #tpu.memory_space<vmem>>
      %dma_wait3A_237 = arith.constant 0 : i32
      %dma_wait3A_238 = arith.constant 0 : i32
      %dma_wait3A_239 = tpu.memref_slice %arg2[%dma_wait3A_237, %dma_wait3A_238] : memref<10000x128xf32, #tpu.memory_space<hbm>> -> memref<10000x128xf32, #tpu.memory_space<hbm>>
      tpu.wait_indirect_dma semaphore(%arg12 : memref<!tpu.dma_semaphore, #tpu.memory_space<semaphore_mem>>) src(%dma_wait3A_239 : memref<10000x128xf32, #tpu.memory_space<hbm>>) dst(%arg9 : memref<64x128xf32, #tpu.memory_space<vmem>>)
      %dma_wait3A_240 = arith.constant 0 : i32
      %dma_wait3A_241 = arith.constant 0 : i32
      %dma_wait3A_242 = tpu.memref_slice %arg7[%dma_wait3A_240, %dma_wait3A_241] : memref<16x64xi32, #tpu.memory_space<vmem>> -> memref<1x64xi32, #tpu.memory_space<vmem>>
      %dma_wait3A_243 = tpu.memref_squeeze %dma_wait3A_242 : memref<1x64xi32, #tpu.memory_space<vmem>> -> memref<64xi32, #tpu.memory_space<vmem>>
      %dma_wait3A_244 = arith.constant 0 : i32
      %dma_wait3A_245 = arith.constant 0 : i32
      %dma_wait3A_246 = tpu.memref_slice %arg11[%dma_wait3A_244, %dma_wait3A_245] : memref<10240x128xf32, #tpu.memory_space<vmem_shared>> -> memref<10240x128xf32, #tpu.memory_space<vmem_shared>>
      tpu.wait_indirect_dma semaphore(%arg13 : memref<!tpu.dma_semaphore, #tpu.memory_space<semaphore_mem>>) src(%arg8 : memref<64x128xf32, #tpu.memory_space<vmem>>) dst(%dma_wait3A_246 : memref<10240x128xf32, #tpu.memory_space<vmem_shared>>)
      %dma_start3A_247 = arith.constant 7 : i32
      %dma_start3A_248 = arith.constant 0 : i32
      %dma_start3A_249 = tpu.memref_slice %arg7[%dma_start3A_247, %dma_start3A_248] : memref<16x64xi32, #tpu.memory_space<vmem>> -> memref<1x64xi32, #tpu.memory_space<vmem>>
      %dma_start3A_250 = tpu.memref_squeeze %dma_start3A_249 : memref<1x64xi32, #tpu.memory_space<vmem>> -> memref<64xi32, #tpu.memory_space<vmem>>
      %dma_start3A_251 = arith.constant 0 : i32
      %dma_start3A_252 = arith.constant 0 : i32
      %dma_start3A_253 = tpu.memref_slice %arg11[%dma_start3A_251, %dma_start3A_252] : memref<10240x128xf32, #tpu.memory_space<vmem_shared>> -> memref<10240x128xf32, #tpu.memory_space<vmem_shared>>
      tpu.enqueue_indirect_dma source(%arg9 : memref<64x128xf32, #tpu.memory_space<vmem>>) target(%dma_start3A_253 : memref<10240x128xf32, #tpu.memory_space<vmem_shared>>) offsets(%dma_start3A_250 : memref<64xi32, #tpu.memory_space<vmem>>) semaphore(%arg13 : memref<!tpu.dma_semaphore, #tpu.memory_space<semaphore_mem>>) {add = true}
      %dma_start3A_254 = arith.constant 9 : i32
      %dma_start3A_255 = arith.constant 0 : i32
      %dma_start3A_256 = tpu.memref_slice %arg6[%dma_start3A_254, %dma_start3A_255] : memref<16x64xi32, #tpu.memory_space<vmem>> -> memref<1x64xi32, #tpu.memory_space<vmem>>
      %dma_start3A_257 = tpu.memref_squeeze %dma_start3A_256 : memref<1x64xi32, #tpu.memory_space<vmem>> -> memref<64xi32, #tpu.memory_space<vmem>>
      %dma_start3A_258 = arith.constant 0 : i32
      %dma_start3A_259 = arith.constant 0 : i32
      %dma_start3A_260 = tpu.memref_slice %arg2[%dma_start3A_258, %dma_start3A_259] : memref<10000x128xf32, #tpu.memory_space<hbm>> -> memref<10000x128xf32, #tpu.memory_space<hbm>>
      tpu.enqueue_indirect_dma source(%dma_start3A_260 : memref<10000x128xf32, #tpu.memory_space<hbm>>) target(%arg8 : memref<64x128xf32, #tpu.memory_space<vmem>>) offsets(%dma_start3A_257 : memref<64xi32, #tpu.memory_space<vmem>>) semaphore(%arg12 : memref<!tpu.dma_semaphore, #tpu.memory_space<semaphore_mem>>)
      %dma_wait3A_261 = arith.constant 0 : i32
      %dma_wait3A_262 = arith.constant 0 : i32
      %dma_wait3A_263 = tpu.memref_slice %arg6[%dma_wait3A_261, %dma_wait3A_262] : memref<16x64xi32, #tpu.memory_space<vmem>> -> memref<1x64xi32, #tpu.memory_space<vmem>>
      %dma_wait3A_264 = tpu.memref_squeeze %dma_wait3A_263 : memref<1x64xi32, #tpu.memory_space<vmem>> -> memref<64xi32, #tpu.memory_space<vmem>>
      %dma_wait3A_265 = arith.constant 0 : i32
      %dma_wait3A_266 = arith.constant 0 : i32
      %dma_wait3A_267 = tpu.memref_slice %arg2[%dma_wait3A_265, %dma_wait3A_266] : memref<10000x128xf32, #tpu.memory_space<hbm>> -> memref<10000x128xf32, #tpu.memory_space<hbm>>
      tpu.wait_indirect_dma semaphore(%arg12 : memref<!tpu.dma_semaphore, #tpu.memory_space<semaphore_mem>>) src(%dma_wait3A_267 : memref<10000x128xf32, #tpu.memory_space<hbm>>) dst(%arg10 : memref<64x128xf32, #tpu.memory_space<vmem>>)
      %dma_wait3A_268 = arith.constant 0 : i32
      %dma_wait3A_269 = arith.constant 0 : i32
      %dma_wait3A_270 = tpu.memref_slice %arg7[%dma_wait3A_268, %dma_wait3A_269] : memref<16x64xi32, #tpu.memory_space<vmem>> -> memref<1x64xi32, #tpu.memory_space<vmem>>
      %dma_wait3A_271 = tpu.memref_squeeze %dma_wait3A_270 : memref<1x64xi32, #tpu.memory_space<vmem>> -> memref<64xi32, #tpu.memory_space<vmem>>
      %dma_wait3A_272 = arith.constant 0 : i32
      %dma_wait3A_273 = arith.constant 0 : i32
      %dma_wait3A_274 = tpu.memref_slice %arg11[%dma_wait3A_272, %dma_wait3A_273] : memref<10240x128xf32, #tpu.memory_space<vmem_shared>> -> memref<10240x128xf32, #tpu.memory_space<vmem_shared>>
      tpu.wait_indirect_dma semaphore(%arg13 : memref<!tpu.dma_semaphore, #tpu.memory_space<semaphore_mem>>) src(%arg8 : memref<64x128xf32, #tpu.memory_space<vmem>>) dst(%dma_wait3A_274 : memref<10240x128xf32, #tpu.memory_space<vmem_shared>>)
      %dma_start3A_275 = arith.constant 8 : i32
      %dma_start3A_276 = arith.constant 0 : i32
      %dma_start3A_277 = tpu.memref_slice %arg7[%dma_start3A_275, %dma_start3A_276] : memref<16x64xi32, #tpu.memory_space<vmem>> -> memref<1x64xi32, #tpu.memory_space<vmem>>
      %dma_start3A_278 = tpu.memref_squeeze %dma_start3A_277 : memref<1x64xi32, #tpu.memory_space<vmem>> -> memref<64xi32, #tpu.memory_space<vmem>>
      %dma_start3A_279 = arith.constant 0 : i32
      %dma_start3A_280 = arith.constant 0 : i32
      %dma_start3A_281 = tpu.memref_slice %arg11[%dma_start3A_279, %dma_start3A_280] : memref<10240x128xf32, #tpu.memory_space<vmem_shared>> -> memref<10240x128xf32, #tpu.memory_space<vmem_shared>>
      tpu.enqueue_indirect_dma source(%arg10 : memref<64x128xf32, #tpu.memory_space<vmem>>) target(%dma_start3A_281 : memref<10240x128xf32, #tpu.memory_space<vmem_shared>>) offsets(%dma_start3A_278 : memref<64xi32, #tpu.memory_space<vmem>>) semaphore(%arg13 : memref<!tpu.dma_semaphore, #tpu.memory_space<semaphore_mem>>) {add = true}
      %dma_start3A_282 = arith.constant 10 : i32
      %dma_start3A_283 = arith.constant 0 : i32
      %dma_start3A_284 = tpu.memref_slice %arg6[%dma_start3A_282, %dma_start3A_283] : memref<16x64xi32, #tpu.memory_space<vmem>> -> memref<1x64xi32, #tpu.memory_space<vmem>>
      %dma_start3A_285 = tpu.memref_squeeze %dma_start3A_284 : memref<1x64xi32, #tpu.memory_space<vmem>> -> memref<64xi32, #tpu.memory_space<vmem>>
      %dma_start3A_286 = arith.constant 0 : i32
      %dma_start3A_287 = arith.constant 0 : i32
      %dma_start3A_288 = tpu.memref_slice %arg2[%dma_start3A_286, %dma_start3A_287] : memref<10000x128xf32, #tpu.memory_space<hbm>> -> memref<10000x128xf32, #tpu.memory_space<hbm>>
      tpu.enqueue_indirect_dma source(%dma_start3A_288 : memref<10000x128xf32, #tpu.memory_space<hbm>>) target(%arg9 : memref<64x128xf32, #tpu.memory_space<vmem>>) offsets(%dma_start3A_285 : memref<64xi32, #tpu.memory_space<vmem>>) semaphore(%arg12 : memref<!tpu.dma_semaphore, #tpu.memory_space<semaphore_mem>>)
      %dma_wait3A_289 = arith.constant 0 : i32
      %dma_wait3A_290 = arith.constant 0 : i32
      %dma_wait3A_291 = tpu.memref_slice %arg6[%dma_wait3A_289, %dma_wait3A_290] : memref<16x64xi32, #tpu.memory_space<vmem>> -> memref<1x64xi32, #tpu.memory_space<vmem>>
      %dma_wait3A_292 = tpu.memref_squeeze %dma_wait3A_291 : memref<1x64xi32, #tpu.memory_space<vmem>> -> memref<64xi32, #tpu.memory_space<vmem>>
      %dma_wait3A_293 = arith.constant 0 : i32
      %dma_wait3A_294 = arith.constant 0 : i32
      %dma_wait3A_295 = tpu.memref_slice %arg2[%dma_wait3A_293, %dma_wait3A_294] : memref<10000x128xf32, #tpu.memory_space<hbm>> -> memref<10000x128xf32, #tpu.memory_space<hbm>>
      tpu.wait_indirect_dma semaphore(%arg12 : memref<!tpu.dma_semaphore, #tpu.memory_space<semaphore_mem>>) src(%dma_wait3A_295 : memref<10000x128xf32, #tpu.memory_space<hbm>>) dst(%arg8 : memref<64x128xf32, #tpu.memory_space<vmem>>)
      %dma_wait3A_296 = arith.constant 0 : i32
      %dma_wait3A_297 = arith.constant 0 : i32
      %dma_wait3A_298 = tpu.memref_slice %arg7[%dma_wait3A_296, %dma_wait3A_297] : memref<16x64xi32, #tpu.memory_space<vmem>> -> memref<1x64xi32, #tpu.memory_space<vmem>>
      %dma_wait3A_299 = tpu.memref_squeeze %dma_wait3A_298 : memref<1x64xi32, #tpu.memory_space<vmem>> -> memref<64xi32, #tpu.memory_space<vmem>>
      %dma_wait3A_300 = arith.constant 0 : i32
      %dma_wait3A_301 = arith.constant 0 : i32
      %dma_wait3A_302 = tpu.memref_slice %arg11[%dma_wait3A_300, %dma_wait3A_301] : memref<10240x128xf32, #tpu.memory_space<vmem_shared>> -> memref<10240x128xf32, #tpu.memory_space<vmem_shared>>
      tpu.wait_indirect_dma semaphore(%arg13 : memref<!tpu.dma_semaphore, #tpu.memory_space<semaphore_mem>>) src(%arg8 : memref<64x128xf32, #tpu.memory_space<vmem>>) dst(%dma_wait3A_302 : memref<10240x128xf32, #tpu.memory_space<vmem_shared>>)
      %dma_start3A_303 = arith.constant 9 : i32
      %dma_start3A_304 = arith.constant 0 : i32
      %dma_start3A_305 = tpu.memref_slice %arg7[%dma_start3A_303, %dma_start3A_304] : memref<16x64xi32, #tpu.memory_space<vmem>> -> memref<1x64xi32, #tpu.memory_space<vmem>>
      %dma_start3A_306 = tpu.memref_squeeze %dma_start3A_305 : memref<1x64xi32, #tpu.memory_space<vmem>> -> memref<64xi32, #tpu.memory_space<vmem>>
      %dma_start3A_307 = arith.constant 0 : i32
      %dma_start3A_308 = arith.constant 0 : i32
      %dma_start3A_309 = tpu.memref_slice %arg11[%dma_start3A_307, %dma_start3A_308] : memref<10240x128xf32, #tpu.memory_space<vmem_shared>> -> memref<10240x128xf32, #tpu.memory_space<vmem_shared>>
      tpu.enqueue_indirect_dma source(%arg8 : memref<64x128xf32, #tpu.memory_space<vmem>>) target(%dma_start3A_309 : memref<10240x128xf32, #tpu.memory_space<vmem_shared>>) offsets(%dma_start3A_306 : memref<64xi32, #tpu.memory_space<vmem>>) semaphore(%arg13 : memref<!tpu.dma_semaphore, #tpu.memory_space<semaphore_mem>>) {add = true}
      %dma_start3A_310 = arith.constant 11 : i32
      %dma_start3A_311 = arith.constant 0 : i32
      %dma_start3A_312 = tpu.memref_slice %arg6[%dma_start3A_310, %dma_start3A_311] : memref<16x64xi32, #tpu.memory_space<vmem>> -> memref<1x64xi32, #tpu.memory_space<vmem>>
      %dma_start3A_313 = tpu.memref_squeeze %dma_start3A_312 : memref<1x64xi32, #tpu.memory_space<vmem>> -> memref<64xi32, #tpu.memory_space<vmem>>
      %dma_start3A_314 = arith.constant 0 : i32
      %dma_start3A_315 = arith.constant 0 : i32
      %dma_start3A_316 = tpu.memref_slice %arg2[%dma_start3A_314, %dma_start3A_315] : memref<10000x128xf32, #tpu.memory_space<hbm>> -> memref<10000x128xf32, #tpu.memory_space<hbm>>
      tpu.enqueue_indirect_dma source(%dma_start3A_316 : memref<10000x128xf32, #tpu.memory_space<hbm>>) target(%arg10 : memref<64x128xf32, #tpu.memory_space<vmem>>) offsets(%dma_start3A_313 : memref<64xi32, #tpu.memory_space<vmem>>) semaphore(%arg12 : memref<!tpu.dma_semaphore, #tpu.memory_space<semaphore_mem>>)
      %dma_wait3A_317 = arith.constant 0 : i32
      %dma_wait3A_318 = arith.constant 0 : i32
      %dma_wait3A_319 = tpu.memref_slice %arg6[%dma_wait3A_317, %dma_wait3A_318] : memref<16x64xi32, #tpu.memory_space<vmem>> -> memref<1x64xi32, #tpu.memory_space<vmem>>
      %dma_wait3A_320 = tpu.memref_squeeze %dma_wait3A_319 : memref<1x64xi32, #tpu.memory_space<vmem>> -> memref<64xi32, #tpu.memory_space<vmem>>
      %dma_wait3A_321 = arith.constant 0 : i32
      %dma_wait3A_322 = arith.constant 0 : i32
      %dma_wait3A_323 = tpu.memref_slice %arg2[%dma_wait3A_321, %dma_wait3A_322] : memref<10000x128xf32, #tpu.memory_space<hbm>> -> memref<10000x128xf32, #tpu.memory_space<hbm>>
      tpu.wait_indirect_dma semaphore(%arg12 : memref<!tpu.dma_semaphore, #tpu.memory_space<semaphore_mem>>) src(%dma_wait3A_323 : memref<10000x128xf32, #tpu.memory_space<hbm>>) dst(%arg9 : memref<64x128xf32, #tpu.memory_space<vmem>>)
      %dma_wait3A_324 = arith.constant 0 : i32
      %dma_wait3A_325 = arith.constant 0 : i32
      %dma_wait3A_326 = tpu.memref_slice %arg7[%dma_wait3A_324, %dma_wait3A_325] : memref<16x64xi32, #tpu.memory_space<vmem>> -> memref<1x64xi32, #tpu.memory_space<vmem>>
      %dma_wait3A_327 = tpu.memref_squeeze %dma_wait3A_326 : memref<1x64xi32, #tpu.memory_space<vmem>> -> memref<64xi32, #tpu.memory_space<vmem>>
      %dma_wait3A_328 = arith.constant 0 : i32
      %dma_wait3A_329 = arith.constant 0 : i32
      %dma_wait3A_330 = tpu.memref_slice %arg11[%dma_wait3A_328, %dma_wait3A_329] : memref<10240x128xf32, #tpu.memory_space<vmem_shared>> -> memref<10240x128xf32, #tpu.memory_space<vmem_shared>>
      tpu.wait_indirect_dma semaphore(%arg13 : memref<!tpu.dma_semaphore, #tpu.memory_space<semaphore_mem>>) src(%arg8 : memref<64x128xf32, #tpu.memory_space<vmem>>) dst(%dma_wait3A_330 : memref<10240x128xf32, #tpu.memory_space<vmem_shared>>)
      %dma_start3A_331 = arith.constant 10 : i32
      %dma_start3A_332 = arith.constant 0 : i32
      %dma_start3A_333 = tpu.memref_slice %arg7[%dma_start3A_331, %dma_start3A_332] : memref<16x64xi32, #tpu.memory_space<vmem>> -> memref<1x64xi32, #tpu.memory_space<vmem>>
      %dma_start3A_334 = tpu.memref_squeeze %dma_start3A_333 : memref<1x64xi32, #tpu.memory_space<vmem>> -> memref<64xi32, #tpu.memory_space<vmem>>
      %dma_start3A_335 = arith.constant 0 : i32
      %dma_start3A_336 = arith.constant 0 : i32
      %dma_start3A_337 = tpu.memref_slice %arg11[%dma_start3A_335, %dma_start3A_336] : memref<10240x128xf32, #tpu.memory_space<vmem_shared>> -> memref<10240x128xf32, #tpu.memory_space<vmem_shared>>
      tpu.enqueue_indirect_dma source(%arg9 : memref<64x128xf32, #tpu.memory_space<vmem>>) target(%dma_start3A_337 : memref<10240x128xf32, #tpu.memory_space<vmem_shared>>) offsets(%dma_start3A_334 : memref<64xi32, #tpu.memory_space<vmem>>) semaphore(%arg13 : memref<!tpu.dma_semaphore, #tpu.memory_space<semaphore_mem>>) {add = true}
      %dma_start3A_338 = arith.constant 12 : i32
      %dma_start3A_339 = arith.constant 0 : i32
      %dma_start3A_340 = tpu.memref_slice %arg6[%dma_start3A_338, %dma_start3A_339] : memref<16x64xi32, #tpu.memory_space<vmem>> -> memref<1x64xi32, #tpu.memory_space<vmem>>
      %dma_start3A_341 = tpu.memref_squeeze %dma_start3A_340 : memref<1x64xi32, #tpu.memory_space<vmem>> -> memref<64xi32, #tpu.memory_space<vmem>>
      %dma_start3A_342 = arith.constant 0 : i32
      %dma_start3A_343 = arith.constant 0 : i32
      %dma_start3A_344 = tpu.memref_slice %arg2[%dma_start3A_342, %dma_start3A_343] : memref<10000x128xf32, #tpu.memory_space<hbm>> -> memref<10000x128xf32, #tpu.memory_space<hbm>>
      tpu.enqueue_indirect_dma source(%dma_start3A_344 : memref<10000x128xf32, #tpu.memory_space<hbm>>) target(%arg8 : memref<64x128xf32, #tpu.memory_space<vmem>>) offsets(%dma_start3A_341 : memref<64xi32, #tpu.memory_space<vmem>>) semaphore(%arg12 : memref<!tpu.dma_semaphore, #tpu.memory_space<semaphore_mem>>)
      %dma_wait3A_345 = arith.constant 0 : i32
      %dma_wait3A_346 = arith.constant 0 : i32
      %dma_wait3A_347 = tpu.memref_slice %arg6[%dma_wait3A_345, %dma_wait3A_346] : memref<16x64xi32, #tpu.memory_space<vmem>> -> memref<1x64xi32, #tpu.memory_space<vmem>>
      %dma_wait3A_348 = tpu.memref_squeeze %dma_wait3A_347 : memref<1x64xi32, #tpu.memory_space<vmem>> -> memref<64xi32, #tpu.memory_space<vmem>>
      %dma_wait3A_349 = arith.constant 0 : i32
      %dma_wait3A_350 = arith.constant 0 : i32
      %dma_wait3A_351 = tpu.memref_slice %arg2[%dma_wait3A_349, %dma_wait3A_350] : memref<10000x128xf32, #tpu.memory_space<hbm>> -> memref<10000x128xf32, #tpu.memory_space<hbm>>
      tpu.wait_indirect_dma semaphore(%arg12 : memref<!tpu.dma_semaphore, #tpu.memory_space<semaphore_mem>>) src(%dma_wait3A_351 : memref<10000x128xf32, #tpu.memory_space<hbm>>) dst(%arg10 : memref<64x128xf32, #tpu.memory_space<vmem>>)
      %dma_wait3A_352 = arith.constant 0 : i32
      %dma_wait3A_353 = arith.constant 0 : i32
      %dma_wait3A_354 = tpu.memref_slice %arg7[%dma_wait3A_352, %dma_wait3A_353] : memref<16x64xi32, #tpu.memory_space<vmem>> -> memref<1x64xi32, #tpu.memory_space<vmem>>
      %dma_wait3A_355 = tpu.memref_squeeze %dma_wait3A_354 : memref<1x64xi32, #tpu.memory_space<vmem>> -> memref<64xi32, #tpu.memory_space<vmem>>
      %dma_wait3A_356 = arith.constant 0 : i32
      %dma_wait3A_357 = arith.constant 0 : i32
      %dma_wait3A_358 = tpu.memref_slice %arg11[%dma_wait3A_356, %dma_wait3A_357] : memref<10240x128xf32, #tpu.memory_space<vmem_shared>> -> memref<10240x128xf32, #tpu.memory_space<vmem_shared>>
      tpu.wait_indirect_dma semaphore(%arg13 : memref<!tpu.dma_semaphore, #tpu.memory_space<semaphore_mem>>) src(%arg8 : memref<64x128xf32, #tpu.memory_space<vmem>>) dst(%dma_wait3A_358 : memref<10240x128xf32, #tpu.memory_space<vmem_shared>>)
      %dma_start3A_359 = arith.constant 11 : i32
      %dma_start3A_360 = arith.constant 0 : i32
      %dma_start3A_361 = tpu.memref_slice %arg7[%dma_start3A_359, %dma_start3A_360] : memref<16x64xi32, #tpu.memory_space<vmem>> -> memref<1x64xi32, #tpu.memory_space<vmem>>
      %dma_start3A_362 = tpu.memref_squeeze %dma_start3A_361 : memref<1x64xi32, #tpu.memory_space<vmem>> -> memref<64xi32, #tpu.memory_space<vmem>>
      %dma_start3A_363 = arith.constant 0 : i32
      %dma_start3A_364 = arith.constant 0 : i32
      %dma_start3A_365 = tpu.memref_slice %arg11[%dma_start3A_363, %dma_start3A_364] : memref<10240x128xf32, #tpu.memory_space<vmem_shared>> -> memref<10240x128xf32, #tpu.memory_space<vmem_shared>>
      tpu.enqueue_indirect_dma source(%arg10 : memref<64x128xf32, #tpu.memory_space<vmem>>) target(%dma_start3A_365 : memref<10240x128xf32, #tpu.memory_space<vmem_shared>>) offsets(%dma_start3A_362 : memref<64xi32, #tpu.memory_space<vmem>>) semaphore(%arg13 : memref<!tpu.dma_semaphore, #tpu.memory_space<semaphore_mem>>) {add = true}
      %dma_start3A_366 = arith.constant 13 : i32
      %dma_start3A_367 = arith.constant 0 : i32
      %dma_start3A_368 = tpu.memref_slice %arg6[%dma_start3A_366, %dma_start3A_367] : memref<16x64xi32, #tpu.memory_space<vmem>> -> memref<1x64xi32, #tpu.memory_space<vmem>>
      %dma_start3A_369 = tpu.memref_squeeze %dma_start3A_368 : memref<1x64xi32, #tpu.memory_space<vmem>> -> memref<64xi32, #tpu.memory_space<vmem>>
      %dma_start3A_370 = arith.constant 0 : i32
      %dma_start3A_371 = arith.constant 0 : i32
      %dma_start3A_372 = tpu.memref_slice %arg2[%dma_start3A_370, %dma_start3A_371] : memref<10000x128xf32, #tpu.memory_space<hbm>> -> memref<10000x128xf32, #tpu.memory_space<hbm>>
      tpu.enqueue_indirect_dma source(%dma_start3A_372 : memref<10000x128xf32, #tpu.memory_space<hbm>>) target(%arg9 : memref<64x128xf32, #tpu.memory_space<vmem>>) offsets(%dma_start3A_369 : memref<64xi32, #tpu.memory_space<vmem>>) semaphore(%arg12 : memref<!tpu.dma_semaphore, #tpu.memory_space<semaphore_mem>>)
      %dma_wait3A_373 = arith.constant 0 : i32
      %dma_wait3A_374 = arith.constant 0 : i32
      %dma_wait3A_375 = tpu.memref_slice %arg6[%dma_wait3A_373, %dma_wait3A_374] : memref<16x64xi32, #tpu.memory_space<vmem>> -> memref<1x64xi32, #tpu.memory_space<vmem>>
      %dma_wait3A_376 = tpu.memref_squeeze %dma_wait3A_375 : memref<1x64xi32, #tpu.memory_space<vmem>> -> memref<64xi32, #tpu.memory_space<vmem>>
      %dma_wait3A_377 = arith.constant 0 : i32
      %dma_wait3A_378 = arith.constant 0 : i32
      %dma_wait3A_379 = tpu.memref_slice %arg2[%dma_wait3A_377, %dma_wait3A_378] : memref<10000x128xf32, #tpu.memory_space<hbm>> -> memref<10000x128xf32, #tpu.memory_space<hbm>>
      tpu.wait_indirect_dma semaphore(%arg12 : memref<!tpu.dma_semaphore, #tpu.memory_space<semaphore_mem>>) src(%dma_wait3A_379 : memref<10000x128xf32, #tpu.memory_space<hbm>>) dst(%arg8 : memref<64x128xf32, #tpu.memory_space<vmem>>)
      %dma_wait3A_380 = arith.constant 0 : i32
      %dma_wait3A_381 = arith.constant 0 : i32
      %dma_wait3A_382 = tpu.memref_slice %arg7[%dma_wait3A_380, %dma_wait3A_381] : memref<16x64xi32, #tpu.memory_space<vmem>> -> memref<1x64xi32, #tpu.memory_space<vmem>>
      %dma_wait3A_383 = tpu.memref_squeeze %dma_wait3A_382 : memref<1x64xi32, #tpu.memory_space<vmem>> -> memref<64xi32, #tpu.memory_space<vmem>>
      %dma_wait3A_384 = arith.constant 0 : i32
      %dma_wait3A_385 = arith.constant 0 : i32
      %dma_wait3A_386 = tpu.memref_slice %arg11[%dma_wait3A_384, %dma_wait3A_385] : memref<10240x128xf32, #tpu.memory_space<vmem_shared>> -> memref<10240x128xf32, #tpu.memory_space<vmem_shared>>
      tpu.wait_indirect_dma semaphore(%arg13 : memref<!tpu.dma_semaphore, #tpu.memory_space<semaphore_mem>>) src(%arg8 : memref<64x128xf32, #tpu.memory_space<vmem>>) dst(%dma_wait3A_386 : memref<10240x128xf32, #tpu.memory_space<vmem_shared>>)
      %dma_start3A_387 = arith.constant 12 : i32
      %dma_start3A_388 = arith.constant 0 : i32
      %dma_start3A_389 = tpu.memref_slice %arg7[%dma_start3A_387, %dma_start3A_388] : memref<16x64xi32, #tpu.memory_space<vmem>> -> memref<1x64xi32, #tpu.memory_space<vmem>>
      %dma_start3A_390 = tpu.memref_squeeze %dma_start3A_389 : memref<1x64xi32, #tpu.memory_space<vmem>> -> memref<64xi32, #tpu.memory_space<vmem>>
      %dma_start3A_391 = arith.constant 0 : i32
      %dma_start3A_392 = arith.constant 0 : i32
      %dma_start3A_393 = tpu.memref_slice %arg11[%dma_start3A_391, %dma_start3A_392] : memref<10240x128xf32, #tpu.memory_space<vmem_shared>> -> memref<10240x128xf32, #tpu.memory_space<vmem_shared>>
      tpu.enqueue_indirect_dma source(%arg8 : memref<64x128xf32, #tpu.memory_space<vmem>>) target(%dma_start3A_393 : memref<10240x128xf32, #tpu.memory_space<vmem_shared>>) offsets(%dma_start3A_390 : memref<64xi32, #tpu.memory_space<vmem>>) semaphore(%arg13 : memref<!tpu.dma_semaphore, #tpu.memory_space<semaphore_mem>>) {add = true}
      %dma_start3A_394 = arith.constant 14 : i32
      %dma_start3A_395 = arith.constant 0 : i32
      %dma_start3A_396 = tpu.memref_slice %arg6[%dma_start3A_394, %dma_start3A_395] : memref<16x64xi32, #tpu.memory_space<vmem>> -> memref<1x64xi32, #tpu.memory_space<vmem>>
      %dma_start3A_397 = tpu.memref_squeeze %dma_start3A_396 : memref<1x64xi32, #tpu.memory_space<vmem>> -> memref<64xi32, #tpu.memory_space<vmem>>
      %dma_start3A_398 = arith.constant 0 : i32
      %dma_start3A_399 = arith.constant 0 : i32
      %dma_start3A_400 = tpu.memref_slice %arg2[%dma_start3A_398, %dma_start3A_399] : memref<10000x128xf32, #tpu.memory_space<hbm>> -> memref<10000x128xf32, #tpu.memory_space<hbm>>
      tpu.enqueue_indirect_dma source(%dma_start3A_400 : memref<10000x128xf32, #tpu.memory_space<hbm>>) target(%arg10 : memref<64x128xf32, #tpu.memory_space<vmem>>) offsets(%dma_start3A_397 : memref<64xi32, #tpu.memory_space<vmem>>) semaphore(%arg12 : memref<!tpu.dma_semaphore, #tpu.memory_space<semaphore_mem>>)
      %dma_wait3A_401 = arith.constant 0 : i32
      %dma_wait3A_402 = arith.constant 0 : i32
      %dma_wait3A_403 = tpu.memref_slice %arg6[%dma_wait3A_401, %dma_wait3A_402] : memref<16x64xi32, #tpu.memory_space<vmem>> -> memref<1x64xi32, #tpu.memory_space<vmem>>
      %dma_wait3A_404 = tpu.memref_squeeze %dma_wait3A_403 : memref<1x64xi32, #tpu.memory_space<vmem>> -> memref<64xi32, #tpu.memory_space<vmem>>
      %dma_wait3A_405 = arith.constant 0 : i32
      %dma_wait3A_406 = arith.constant 0 : i32
      %dma_wait3A_407 = tpu.memref_slice %arg2[%dma_wait3A_405, %dma_wait3A_406] : memref<10000x128xf32, #tpu.memory_space<hbm>> -> memref<10000x128xf32, #tpu.memory_space<hbm>>
      tpu.wait_indirect_dma semaphore(%arg12 : memref<!tpu.dma_semaphore, #tpu.memory_space<semaphore_mem>>) src(%dma_wait3A_407 : memref<10000x128xf32, #tpu.memory_space<hbm>>) dst(%arg9 : memref<64x128xf32, #tpu.memory_space<vmem>>)
      %dma_wait3A_408 = arith.constant 0 : i32
      %dma_wait3A_409 = arith.constant 0 : i32
      %dma_wait3A_410 = tpu.memref_slice %arg7[%dma_wait3A_408, %dma_wait3A_409] : memref<16x64xi32, #tpu.memory_space<vmem>> -> memref<1x64xi32, #tpu.memory_space<vmem>>
      %dma_wait3A_411 = tpu.memref_squeeze %dma_wait3A_410 : memref<1x64xi32, #tpu.memory_space<vmem>> -> memref<64xi32, #tpu.memory_space<vmem>>
      %dma_wait3A_412 = arith.constant 0 : i32
      %dma_wait3A_413 = arith.constant 0 : i32
      %dma_wait3A_414 = tpu.memref_slice %arg11[%dma_wait3A_412, %dma_wait3A_413] : memref<10240x128xf32, #tpu.memory_space<vmem_shared>> -> memref<10240x128xf32, #tpu.memory_space<vmem_shared>>
      tpu.wait_indirect_dma semaphore(%arg13 : memref<!tpu.dma_semaphore, #tpu.memory_space<semaphore_mem>>) src(%arg8 : memref<64x128xf32, #tpu.memory_space<vmem>>) dst(%dma_wait3A_414 : memref<10240x128xf32, #tpu.memory_space<vmem_shared>>)
      %dma_start3A_415 = arith.constant 13 : i32
      %dma_start3A_416 = arith.constant 0 : i32
      %dma_start3A_417 = tpu.memref_slice %arg7[%dma_start3A_415, %dma_start3A_416] : memref<16x64xi32, #tpu.memory_space<vmem>> -> memref<1x64xi32, #tpu.memory_space<vmem>>
      %dma_start3A_418 = tpu.memref_squeeze %dma_start3A_417 : memref<1x64xi32, #tpu.memory_space<vmem>> -> memref<64xi32, #tpu.memory_space<vmem>>
      %dma_start3A_419 = arith.constant 0 : i32
      %dma_start3A_420 = arith.constant 0 : i32
      %dma_start3A_421 = tpu.memref_slice %arg11[%dma_start3A_419, %dma_start3A_420] : memref<10240x128xf32, #tpu.memory_space<vmem_shared>> -> memref<10240x128xf32, #tpu.memory_space<vmem_shared>>
      tpu.enqueue_indirect_dma source(%arg9 : memref<64x128xf32, #tpu.memory_space<vmem>>) target(%dma_start3A_421 : memref<10240x128xf32, #tpu.memory_space<vmem_shared>>) offsets(%dma_start3A_418 : memref<64xi32, #tpu.memory_space<vmem>>) semaphore(%arg13 : memref<!tpu.dma_semaphore, #tpu.memory_space<semaphore_mem>>) {add = true}
      %dma_start3A_422 = arith.constant 15 : i32
      %dma_start3A_423 = arith.constant 0 : i32
      %dma_start3A_424 = tpu.memref_slice %arg6[%dma_start3A_422, %dma_start3A_423] : memref<16x64xi32, #tpu.memory_space<vmem>> -> memref<1x64xi32, #tpu.memory_space<vmem>>
      %dma_start3A_425 = tpu.memref_squeeze %dma_start3A_424 : memref<1x64xi32, #tpu.memory_space<vmem>> -> memref<64xi32, #tpu.memory_space<vmem>>
      %dma_start3A_426 = arith.constant 0 : i32
      %dma_start3A_427 = arith.constant 0 : i32
      %dma_start3A_428 = tpu.memref_slice %arg2[%dma_start3A_426, %dma_start3A_427] : memref<10000x128xf32, #tpu.memory_space<hbm>> -> memref<10000x128xf32, #tpu.memory_space<hbm>>
      tpu.enqueue_indirect_dma source(%dma_start3A_428 : memref<10000x128xf32, #tpu.memory_space<hbm>>) target(%arg8 : memref<64x128xf32, #tpu.memory_space<vmem>>) offsets(%dma_start3A_425 : memref<64xi32, #tpu.memory_space<vmem>>) semaphore(%arg12 : memref<!tpu.dma_semaphore, #tpu.memory_space<semaphore_mem>>)
      %dma_wait3A_429 = arith.constant 0 : i32
      %dma_wait3A_430 = arith.constant 0 : i32
      %dma_wait3A_431 = tpu.memref_slice %arg6[%dma_wait3A_429, %dma_wait3A_430] : memref<16x64xi32, #tpu.memory_space<vmem>> -> memref<1x64xi32, #tpu.memory_space<vmem>>
      %dma_wait3A_432 = tpu.memref_squeeze %dma_wait3A_431 : memref<1x64xi32, #tpu.memory_space<vmem>> -> memref<64xi32, #tpu.memory_space<vmem>>
      %dma_wait3A_433 = arith.constant 0 : i32
      %dma_wait3A_434 = arith.constant 0 : i32
      %dma_wait3A_435 = tpu.memref_slice %arg2[%dma_wait3A_433, %dma_wait3A_434] : memref<10000x128xf32, #tpu.memory_space<hbm>> -> memref<10000x128xf32, #tpu.memory_space<hbm>>
      tpu.wait_indirect_dma semaphore(%arg12 : memref<!tpu.dma_semaphore, #tpu.memory_space<semaphore_mem>>) src(%dma_wait3A_435 : memref<10000x128xf32, #tpu.memory_space<hbm>>) dst(%arg10 : memref<64x128xf32, #tpu.memory_space<vmem>>)
      %dma_wait3A_436 = arith.constant 0 : i32
      %dma_wait3A_437 = arith.constant 0 : i32
      %dma_wait3A_438 = tpu.memref_slice %arg7[%dma_wait3A_436, %dma_wait3A_437] : memref<16x64xi32, #tpu.memory_space<vmem>> -> memref<1x64xi32, #tpu.memory_space<vmem>>
      %dma_wait3A_439 = tpu.memref_squeeze %dma_wait3A_438 : memref<1x64xi32, #tpu.memory_space<vmem>> -> memref<64xi32, #tpu.memory_space<vmem>>
      %dma_wait3A_440 = arith.constant 0 : i32
      %dma_wait3A_441 = arith.constant 0 : i32
      %dma_wait3A_442 = tpu.memref_slice %arg11[%dma_wait3A_440, %dma_wait3A_441] : memref<10240x128xf32, #tpu.memory_space<vmem_shared>> -> memref<10240x128xf32, #tpu.memory_space<vmem_shared>>
      tpu.wait_indirect_dma semaphore(%arg13 : memref<!tpu.dma_semaphore, #tpu.memory_space<semaphore_mem>>) src(%arg8 : memref<64x128xf32, #tpu.memory_space<vmem>>) dst(%dma_wait3A_442 : memref<10240x128xf32, #tpu.memory_space<vmem_shared>>)
      %dma_start3A_443 = arith.constant 14 : i32
      %dma_start3A_444 = arith.constant 0 : i32
      %dma_start3A_445 = tpu.memref_slice %arg7[%dma_start3A_443, %dma_start3A_444] : memref<16x64xi32, #tpu.memory_space<vmem>> -> memref<1x64xi32, #tpu.memory_space<vmem>>
      %dma_start3A_446 = tpu.memref_squeeze %dma_start3A_445 : memref<1x64xi32, #tpu.memory_space<vmem>> -> memref<64xi32, #tpu.memory_space<vmem>>
      %dma_start3A_447 = arith.constant 0 : i32
      %dma_start3A_448 = arith.constant 0 : i32
      %dma_start3A_449 = tpu.memref_slice %arg11[%dma_start3A_447, %dma_start3A_448] : memref<10240x128xf32, #tpu.memory_space<vmem_shared>> -> memref<10240x128xf32, #tpu.memory_space<vmem_shared>>
      tpu.enqueue_indirect_dma source(%arg10 : memref<64x128xf32, #tpu.memory_space<vmem>>) target(%dma_start3A_449 : memref<10240x128xf32, #tpu.memory_space<vmem_shared>>) offsets(%dma_start3A_446 : memref<64xi32, #tpu.memory_space<vmem>>) semaphore(%arg13 : memref<!tpu.dma_semaphore, #tpu.memory_space<semaphore_mem>>) {add = true}
      %dma_wait3A_450 = arith.constant 0 : i32
      %dma_wait3A_451 = arith.constant 0 : i32
      %dma_wait3A_452 = tpu.memref_slice %arg6[%dma_wait3A_450, %dma_wait3A_451] : memref<16x64xi32, #tpu.memory_space<vmem>> -> memref<1x64xi32, #tpu.memory_space<vmem>>
      %dma_wait3A_453 = tpu.memref_squeeze %dma_wait3A_452 : memref<1x64xi32, #tpu.memory_space<vmem>> -> memref<64xi32, #tpu.memory_space<vmem>>
      %dma_wait3A_454 = arith.constant 0 : i32
      %dma_wait3A_455 = arith.constant 0 : i32
      %dma_wait3A_456 = tpu.memref_slice %arg2[%dma_wait3A_454, %dma_wait3A_455] : memref<10000x128xf32, #tpu.memory_space<hbm>> -> memref<10000x128xf32, #tpu.memory_space<hbm>>
      tpu.wait_indirect_dma semaphore(%arg12 : memref<!tpu.dma_semaphore, #tpu.memory_space<semaphore_mem>>) src(%dma_wait3A_456 : memref<10000x128xf32, #tpu.memory_space<hbm>>) dst(%arg8 : memref<64x128xf32, #tpu.memory_space<vmem>>)
      %dma_wait3A_457 = arith.constant 0 : i32
      %dma_wait3A_458 = arith.constant 0 : i32
      %dma_wait3A_459 = tpu.memref_slice %arg7[%dma_wait3A_457, %dma_wait3A_458] : memref<16x64xi32, #tpu.memory_space<vmem>> -> memref<1x64xi32, #tpu.memory_space<vmem>>
      %dma_wait3A_460 = tpu.memref_squeeze %dma_wait3A_459 : memref<1x64xi32, #tpu.memory_space<vmem>> -> memref<64xi32, #tpu.memory_space<vmem>>
      %dma_wait3A_461 = arith.constant 0 : i32
      %dma_wait3A_462 = arith.constant 0 : i32
      %dma_wait3A_463 = tpu.memref_slice %arg11[%dma_wait3A_461, %dma_wait3A_462] : memref<10240x128xf32, #tpu.memory_space<vmem_shared>> -> memref<10240x128xf32, #tpu.memory_space<vmem_shared>>
      tpu.wait_indirect_dma semaphore(%arg13 : memref<!tpu.dma_semaphore, #tpu.memory_space<semaphore_mem>>) src(%arg8 : memref<64x128xf32, #tpu.memory_space<vmem>>) dst(%dma_wait3A_463 : memref<10240x128xf32, #tpu.memory_space<vmem_shared>>)
      %dma_start3A_464 = arith.constant 15 : i32
      %dma_start3A_465 = arith.constant 0 : i32
      %dma_start3A_466 = tpu.memref_slice %arg7[%dma_start3A_464, %dma_start3A_465] : memref<16x64xi32, #tpu.memory_space<vmem>> -> memref<1x64xi32, #tpu.memory_space<vmem>>
      %dma_start3A_467 = tpu.memref_squeeze %dma_start3A_466 : memref<1x64xi32, #tpu.memory_space<vmem>> -> memref<64xi32, #tpu.memory_space<vmem>>
      %dma_start3A_468 = arith.constant 0 : i32
      %dma_start3A_469 = arith.constant 0 : i32
      %dma_start3A_470 = tpu.memref_slice %arg11[%dma_start3A_468, %dma_start3A_469] : memref<10240x128xf32, #tpu.memory_space<vmem_shared>> -> memref<10240x128xf32, #tpu.memory_space<vmem_shared>>
      tpu.enqueue_indirect_dma source(%arg8 : memref<64x128xf32, #tpu.memory_space<vmem>>) target(%dma_start3A_470 : memref<10240x128xf32, #tpu.memory_space<vmem_shared>>) offsets(%dma_start3A_467 : memref<64xi32, #tpu.memory_space<vmem>>) semaphore(%arg13 : memref<!tpu.dma_semaphore, #tpu.memory_space<semaphore_mem>>) {add = true}
      %dma_wait3A_471 = arith.constant 0 : i32
      %dma_wait3A_472 = arith.constant 0 : i32
      %dma_wait3A_473 = tpu.memref_slice %arg7[%dma_wait3A_471, %dma_wait3A_472] : memref<16x64xi32, #tpu.memory_space<vmem>> -> memref<1x64xi32, #tpu.memory_space<vmem>>
      %dma_wait3A_474 = tpu.memref_squeeze %dma_wait3A_473 : memref<1x64xi32, #tpu.memory_space<vmem>> -> memref<64xi32, #tpu.memory_space<vmem>>
      %dma_wait3A_475 = arith.constant 0 : i32
      %dma_wait3A_476 = arith.constant 0 : i32
      %dma_wait3A_477 = tpu.memref_slice %arg11[%dma_wait3A_475, %dma_wait3A_476] : memref<10240x128xf32, #tpu.memory_space<vmem_shared>> -> memref<10240x128xf32, #tpu.memory_space<vmem_shared>>
      tpu.wait_indirect_dma semaphore(%arg13 : memref<!tpu.dma_semaphore, #tpu.memory_space<semaphore_mem>>) src(%arg8 : memref<64x128xf32, #tpu.memory_space<vmem>>) dst(%dma_wait3A_477 : memref<10240x128xf32, #tpu.memory_space<vmem_shared>>)
    }
    %scan3A_18 = arith.constant 10 : i32
    %barrier3A_19 = arith.constant 0 : index
    tpu.barrier barrier_id(%barrier3A_19)
    %scan3A_20 = arith.constant 0 : i32
    %scan3A_21 = arith.constant 0 : i32
    %scan3A_22 = arith.constant 10 : i32
    %scan3A_23 = arith.addi %scan3A_21, %scan3A_22 : i32
    %scan3A_24 = arith.constant 1 : i32
    scf.for %scan3A_26 = %scan3A_21 to %scan3A_23 step %scan3A_24  : i32 {
      %mul3A_27 = arith.constant 640 : i32
      %mul3A_28 = arith.muli %arg1, %mul3A_27 : i32
      %mul3A_29 = arith.constant 64 : i32
      %mul3A_30 = arith.muli %scan3A_26, %mul3A_29 : i32
      %add3A_31 = arith.addi %mul3A_28, %mul3A_30 : i32
      "tpu.region"() ({
        %run_scoped3A = tpu.sem_alloc : memref<!tpu.dma_semaphore, #tpu.memory_space<semaphore_mem>>
        %dma_start3A = arith.constant 0 : i32
        %dma_start3A_32 = arith.constant 0 : i32
        %dma_start3A_33 = tpu.memref_slice %arg9[%dma_start3A, %dma_start3A_32] : memref<64x128xf32, #tpu.memory_space<vmem>> -> memref<64x128xf32, #tpu.memory_space<vmem>>
        %dma_start3A_34 = arith.constant 0 : i32
        %dma_start3A_35 = tpu.memref_slice %arg11[%add3A_31, %dma_start3A_34] : memref<10240x128xf32, #tpu.memory_space<vmem_shared>> -> memref<64x128xf32, #tpu.memory_space<vmem_shared>>
        %dma_start3A_36 = arith.constant 0 : i32
        %dma_start3A_37 = arith.constant 0 : i32
        %dma_start3A_38 = tpu.memref_slice %arg9[%dma_start3A_36, %dma_start3A_37] : memref<64x128xf32, #tpu.memory_space<vmem>> -> memref<64x128xf32, #tpu.memory_space<vmem>>
        %dma_start3A_39 = arith.constant 0 : i32
        %dma_start3A_40 = tpu.memref_slice %arg11[%add3A_31, %dma_start3A_39] : memref<10240x128xf32, #tpu.memory_space<vmem_shared>> -> memref<64x128xf32, #tpu.memory_space<vmem_shared>>
        tpu.enqueue_dma source(%dma_start3A_40 : memref<64x128xf32, #tpu.memory_space<vmem_shared>>) target(%dma_start3A_38 : memref<64x128xf32, #tpu.memory_space<vmem>>) target_semaphore(%run_scoped3A : memref<!tpu.dma_semaphore, #tpu.memory_space<semaphore_mem>>)
        %dma_wait3A = arith.constant 0 : i32
        %dma_wait3A_41 = arith.constant 0 : i32
        %dma_wait3A_42 = tpu.memref_slice %arg9[%dma_wait3A, %dma_wait3A_41] : memref<64x128xf32, #tpu.memory_space<vmem>> -> memref<64x128xf32, #tpu.memory_space<vmem>>
        %dma_wait3A_43 = arith.constant 0 : i32
        %dma_wait3A_44 = tpu.memref_slice %arg11[%add3A_31, %dma_wait3A_43] : memref<10240x128xf32, #tpu.memory_space<vmem_shared>> -> memref<64x128xf32, #tpu.memory_space<vmem_shared>>
        %dma_wait3A_45 = arith.constant 0 : i32
        %dma_wait3A_46 = arith.constant 0 : i32
        %dma_wait3A_47 = tpu.memref_slice %arg9[%dma_wait3A_45, %dma_wait3A_46] : memref<64x128xf32, #tpu.memory_space<vmem>> -> memref<64x128xf32, #tpu.memory_space<vmem>>
        %dma_wait3A_48 = arith.constant 0 : i32
        %dma_wait3A_49 = tpu.memref_slice %arg11[%add3A_31, %dma_wait3A_48] : memref<10240x128xf32, #tpu.memory_space<vmem_shared>> -> memref<64x128xf32, #tpu.memory_space<vmem_shared>>
        tpu.wait_dma2 semaphore(%run_scoped3A : memref<!tpu.dma_semaphore, #tpu.memory_space<semaphore_mem>>) src(%dma_wait3A_49 : memref<64x128xf32, #tpu.memory_space<vmem_shared>>) dst(%dma_wait3A_47 : memref<64x128xf32, #tpu.memory_space<vmem>>)
        tpu.yield
      }) : () -> ()
      "tpu.region"() ({
        %run_scoped3A = tpu.sem_alloc : memref<!tpu.dma_semaphore, #tpu.memory_space<semaphore_mem>>
        %dma_start3A = arith.constant 0 : i32
        %dma_start3A_32 = arith.constant 0 : i32
        %dma_start3A_33 = tpu.memref_slice %arg9[%dma_start3A, %dma_start3A_32] : memref<64x128xf32, #tpu.memory_space<vmem>> -> memref<64x128xf32, #tpu.memory_space<vmem>>
        %dma_start3A_34 = arith.constant 0 : i32
        %dma_start3A_35 = tpu.memref_slice %arg5[%arg0, %add3A_31, %dma_start3A_34] : memref<2x10240x128xf32, #tpu.memory_space<hbm>> -> memref<1x64x128xf32, #tpu.memory_space<hbm>>
        %dma_start3A_36 = tpu.memref_squeeze %dma_start3A_35 : memref<1x64x128xf32, #tpu.memory_space<hbm>> -> memref<64x128xf32, #tpu.memory_space<hbm>>
        %dma_start3A_37 = arith.constant 0 : i32
        %dma_start3A_38 = tpu.memref_slice %arg5[%arg0, %add3A_31, %dma_start3A_37] : memref<2x10240x128xf32, #tpu.memory_space<hbm>> -> memref<1x64x128xf32, #tpu.memory_space<hbm>>
        %dma_start3A_39 = tpu.memref_squeeze %dma_start3A_38 : memref<1x64x128xf32, #tpu.memory_space<hbm>> -> memref<64x128xf32, #tpu.memory_space<hbm>>
        %dma_start3A_40 = arith.constant 0 : i32
        %dma_start3A_41 = arith.constant 0 : i32
        %dma_start3A_42 = tpu.memref_slice %arg9[%dma_start3A_40, %dma_start3A_41] : memref<64x128xf32, #tpu.memory_space<vmem>> -> memref<64x128xf32, #tpu.memory_space<vmem>>
        tpu.enqueue_dma source(%dma_start3A_42 : memref<64x128xf32, #tpu.memory_space<vmem>>) target(%dma_start3A_39 : memref<64x128xf32, #tpu.memory_space<hbm>>) target_semaphore(%run_scoped3A : memref<!tpu.dma_semaphore, #tpu.memory_space<semaphore_mem>>)
        %dma_wait3A = arith.constant 0 : i32
        %dma_wait3A_43 = arith.constant 0 : i32
        %dma_wait3A_44 = tpu.memref_slice %arg9[%dma_wait3A, %dma_wait3A_43] : memref<64x128xf32, #tpu.memory_space<vmem>> -> memref<64x128xf32, #tpu.memory_space<vmem>>
        %dma_wait3A_45 = arith.constant 0 : i32
        %dma_wait3A_46 = tpu.memref_slice %arg5[%arg0, %add3A_31, %dma_wait3A_45] : memref<2x10240x128xf32, #tpu.memory_space<hbm>> -> memref<1x64x128xf32, #tpu.memory_space<hbm>>
        %dma_wait3A_47 = tpu.memref_squeeze %dma_wait3A_46 : memref<1x64x128xf32, #tpu.memory_space<hbm>> -> memref<64x128xf32, #tpu.memory_space<hbm>>
        %dma_wait3A_48 = arith.constant 0 : i32
        %dma_wait3A_49 = tpu.memref_slice %arg5[%arg0, %add3A_31, %dma_wait3A_48] : memref<2x10240x128xf32, #tpu.memory_space<hbm>> -> memref<1x64x128xf32, #tpu.memory_space<hbm>>
        %dma_wait3A_50 = tpu.memref_squeeze %dma_wait3A_49 : memref<1x64x128xf32, #tpu.memory_space<hbm>> -> memref<64x128xf32, #tpu.memory_space<hbm>>
        %dma_wait3A_51 = arith.constant 0 : i32
        %dma_wait3A_52 = arith.constant 0 : i32
        %dma_wait3A_53 = tpu.memref_slice %arg9[%dma_wait3A_51, %dma_wait3A_52] : memref<64x128xf32, #tpu.memory_space<vmem>> -> memref<64x128xf32, #tpu.memory_space<vmem>>
        tpu.wait_dma2 semaphore(%run_scoped3A : memref<!tpu.dma_semaphore, #tpu.memory_space<semaphore_mem>>) src(%dma_wait3A_53 : memref<64x128xf32, #tpu.memory_space<vmem>>) dst(%dma_wait3A_50 : memref<64x128xf32, #tpu.memory_space<hbm>>)
        tpu.yield
      }) : () -> ()
    }
    %scan3A_25 = arith.constant 10 : i32
    return
  }
}

#map = affine_map<(d0, d1) -> (0, 0)>
#map1 = affine_map<(d0, d1) -> (0, 0, 0)>
module attributes {stable_mosaic.version = 14 : i64} {
  func.func @body(%arg0: i32, %arg1: i32, %arg2: memref<10000x128xf32, #tpu.memory_space<hbm>>, %arg3: memref<5120x64xi32, #tpu.memory_space<hbm>>, %arg4: memref<5120x64xi32, #tpu.memory_space<hbm>>, %arg5: memref<2x10240x128xf32, #tpu.memory_space<hbm>>, %arg6: memref<2x10240x128xf32, #tpu.memory_space<hbm>>, %arg7: memref<16x64xi32, #tpu.memory_space<vmem>>, %arg8: memref<16x64xi32, #tpu.memory_space<vmem>>, %arg9: memref<64x128xf32, #tpu.memory_space<vmem>>, %arg10: memref<64x128xf32, #tpu.memory_space<vmem>>, %arg11: memref<64x128xf32, #tpu.memory_space<vmem>>, %arg12: memref<10240x128xf32, #tpu.memory_space<vmem_shared>>, %arg13: memref<!tpu.dma_semaphore, #tpu.memory_space<semaphore_mem>>, %arg14: memref<!tpu.dma_semaphore, #tpu.memory_space<semaphore_mem>>) attributes {dimension_semantics = [#tpu.dimension_semantics<core_parallel>, #tpu.dimension_semantics<subcore_parallel>], iteration_bounds = array<i64: 2, 16>, scalar_prefetch = 0 : i64, scratch_operands = 8 : i64, tpu.core_type = #tpu.core_type<sc_vector_subcore>, window_params = [{transform_indices = #map}, {transform_indices = #map}, {transform_indices = #map}, {transform_indices = #map1}, {transform_indices = #map1}]} {
    %mul3A = arith.constant 16 : i32
    %mul3A_0 = arith.muli %arg0, %mul3A : i32
    %add3A = arith.addi %mul3A_0, %arg1 : i32
    %broadcast_in_dim3A = arith.constant 0.000000e+00 : f32
    %broadcast_in_dim3A_1 = vector.broadcast %broadcast_in_dim3A : f32 to vector<16xf32>
    %scan3A = arith.constant 0 : i32
    %scan3A_2 = arith.constant 0 : i32
    %scan3A_3 = arith.constant 64 : i32
    %scan3A_4 = arith.addi %scan3A_2, %scan3A_3 : i32
    %scan3A_5 = arith.constant 1 : i32
    scf.for %scan3A_59 = %scan3A_2 to %scan3A_4 step %scan3A_5  : i32 {
      %add3A_60 = arith.constant 0.000000e+00 : f32
      %add3A_61 = vector.broadcast %add3A_60 : f32 to vector<16xf32>
      %add3A_62 = arith.addf %broadcast_in_dim3A_1, %add3A_61 : vector<16xf32>
      %swap3A = arith.index_cast %scan3A_59 : i32 to index
      %swap3A_63 = arith.constant 0 : index
      %swap3A_64 = tpu.vector_load %arg9[%swap3A, %swap3A_63] {strides = array<i32>} : memref<64x128xf32, #tpu.memory_space<vmem>>, vector<1x16xf32>,
      %swap3A_65 = vector.shape_cast %swap3A_64 : vector<1x16xf32> to vector<16xf32>
      %swap3A_66 = vector.shape_cast %add3A_62 : vector<16xf32> to vector<1x16xf32>
      tpu.vector_store %arg9[%swap3A, %swap3A_63], %swap3A_66 {strides = array<i32>} : memref<64x128xf32, #tpu.memory_space<vmem>>, vector<1x16xf32>,
      %add3A_67 = arith.constant 0.000000e+00 : f32
      %add3A_68 = vector.broadcast %add3A_67 : f32 to vector<16xf32>
      %add3A_69 = arith.addf %broadcast_in_dim3A_1, %add3A_68 : vector<16xf32>
      %swap3A_70 = arith.index_cast %scan3A_59 : i32 to index
      %swap3A_71 = arith.constant 16 : index
      %swap3A_72 = tpu.vector_load %arg9[%swap3A_70, %swap3A_71] {strides = array<i32>} : memref<64x128xf32, #tpu.memory_space<vmem>>, vector<1x16xf32>,
      %swap3A_73 = vector.shape_cast %swap3A_72 : vector<1x16xf32> to vector<16xf32>
      %swap3A_74 = vector.shape_cast %add3A_69 : vector<16xf32> to vector<1x16xf32>
      tpu.vector_store %arg9[%swap3A_70, %swap3A_71], %swap3A_74 {strides = array<i32>} : memref<64x128xf32, #tpu.memory_space<vmem>>, vector<1x16xf32>,
      %add3A_75 = arith.constant 0.000000e+00 : f32
      %add3A_76 = vector.broadcast %add3A_75 : f32 to vector<16xf32>
      %add3A_77 = arith.addf %broadcast_in_dim3A_1, %add3A_76 : vector<16xf32>
      %swap3A_78 = arith.index_cast %scan3A_59 : i32 to index
      %swap3A_79 = arith.constant 32 : index
      %swap3A_80 = tpu.vector_load %arg9[%swap3A_78, %swap3A_79] {strides = array<i32>} : memref<64x128xf32, #tpu.memory_space<vmem>>, vector<1x16xf32>,
      %swap3A_81 = vector.shape_cast %swap3A_80 : vector<1x16xf32> to vector<16xf32>
      %swap3A_82 = vector.shape_cast %add3A_77 : vector<16xf32> to vector<1x16xf32>
      tpu.vector_store %arg9[%swap3A_78, %swap3A_79], %swap3A_82 {strides = array<i32>} : memref<64x128xf32, #tpu.memory_space<vmem>>, vector<1x16xf32>,
      %add3A_83 = arith.constant 0.000000e+00 : f32
      %add3A_84 = vector.broadcast %add3A_83 : f32 to vector<16xf32>
      %add3A_85 = arith.addf %broadcast_in_dim3A_1, %add3A_84 : vector<16xf32>
      %swap3A_86 = arith.index_cast %scan3A_59 : i32 to index
      %swap3A_87 = arith.constant 48 : index
      %swap3A_88 = tpu.vector_load %arg9[%swap3A_86, %swap3A_87] {strides = array<i32>} : memref<64x128xf32, #tpu.memory_space<vmem>>, vector<1x16xf32>,
      %swap3A_89 = vector.shape_cast %swap3A_88 : vector<1x16xf32> to vector<16xf32>
      %swap3A_90 = vector.shape_cast %add3A_85 : vector<16xf32> to vector<1x16xf32>
      tpu.vector_store %arg9[%swap3A_86, %swap3A_87], %swap3A_90 {strides = array<i32>} : memref<64x128xf32, #tpu.memory_space<vmem>>, vector<1x16xf32>,
      %add3A_91 = arith.constant 0.000000e+00 : f32
      %add3A_92 = vector.broadcast %add3A_91 : f32 to vector<16xf32>
      %add3A_93 = arith.addf %broadcast_in_dim3A_1, %add3A_92 : vector<16xf32>
      %swap3A_94 = arith.index_cast %scan3A_59 : i32 to index
      %swap3A_95 = arith.constant 64 : index
      %swap3A_96 = tpu.vector_load %arg9[%swap3A_94, %swap3A_95] {strides = array<i32>} : memref<64x128xf32, #tpu.memory_space<vmem>>, vector<1x16xf32>,
      %swap3A_97 = vector.shape_cast %swap3A_96 : vector<1x16xf32> to vector<16xf32>
      %swap3A_98 = vector.shape_cast %add3A_93 : vector<16xf32> to vector<1x16xf32>
      tpu.vector_store %arg9[%swap3A_94, %swap3A_95], %swap3A_98 {strides = array<i32>} : memref<64x128xf32, #tpu.memory_space<vmem>>, vector<1x16xf32>,
      %add3A_99 = arith.constant 0.000000e+00 : f32
      %add3A_100 = vector.broadcast %add3A_99 : f32 to vector<16xf32>
      %add3A_101 = arith.addf %broadcast_in_dim3A_1, %add3A_100 : vector<16xf32>
      %swap3A_102 = arith.index_cast %scan3A_59 : i32 to index
      %swap3A_103 = arith.constant 80 : index
      %swap3A_104 = tpu.vector_load %arg9[%swap3A_102, %swap3A_103] {strides = array<i32>} : memref<64x128xf32, #tpu.memory_space<vmem>>, vector<1x16xf32>,
      %swap3A_105 = vector.shape_cast %swap3A_104 : vector<1x16xf32> to vector<16xf32>
      %swap3A_106 = vector.shape_cast %add3A_101 : vector<16xf32> to vector<1x16xf32>
      tpu.vector_store %arg9[%swap3A_102, %swap3A_103], %swap3A_106 {strides = array<i32>} : memref<64x128xf32, #tpu.memory_space<vmem>>, vector<1x16xf32>,
      %add3A_107 = arith.constant 0.000000e+00 : f32
      %add3A_108 = vector.broadcast %add3A_107 : f32 to vector<16xf32>
      %add3A_109 = arith.addf %broadcast_in_dim3A_1, %add3A_108 : vector<16xf32>
      %swap3A_110 = arith.index_cast %scan3A_59 : i32 to index
      %swap3A_111 = arith.constant 96 : index
      %swap3A_112 = tpu.vector_load %arg9[%swap3A_110, %swap3A_111] {strides = array<i32>} : memref<64x128xf32, #tpu.memory_space<vmem>>, vector<1x16xf32>,
      %swap3A_113 = vector.shape_cast %swap3A_112 : vector<1x16xf32> to vector<16xf32>
      %swap3A_114 = vector.shape_cast %add3A_109 : vector<16xf32> to vector<1x16xf32>
      tpu.vector_store %arg9[%swap3A_110, %swap3A_111], %swap3A_114 {strides = array<i32>} : memref<64x128xf32, #tpu.memory_space<vmem>>, vector<1x16xf32>,
      %add3A_115 = arith.constant 0.000000e+00 : f32
      %add3A_116 = vector.broadcast %add3A_115 : f32 to vector<16xf32>
      %add3A_117 = arith.addf %broadcast_in_dim3A_1, %add3A_116 : vector<16xf32>
      %swap3A_118 = arith.index_cast %scan3A_59 : i32 to index
      %swap3A_119 = arith.constant 112 : index
      %swap3A_120 = tpu.vector_load %arg9[%swap3A_118, %swap3A_119] {strides = array<i32>} : memref<64x128xf32, #tpu.memory_space<vmem>>, vector<1x16xf32>,
      %swap3A_121 = vector.shape_cast %swap3A_120 : vector<1x16xf32> to vector<16xf32>
      %swap3A_122 = vector.shape_cast %add3A_117 : vector<16xf32> to vector<1x16xf32>
      tpu.vector_store %arg9[%swap3A_118, %swap3A_119], %swap3A_122 {strides = array<i32>} : memref<64x128xf32, #tpu.memory_space<vmem>>, vector<1x16xf32>,
    }
    %scan3A_6 = arith.constant 64 : i32
    %scan3A_7 = arith.constant 0 : i32
    %scan3A_8 = arith.constant 0 : i32
    %scan3A_9 = arith.constant 10 : i32
    %scan3A_10 = arith.addi %scan3A_8, %scan3A_9 : i32
    %scan3A_11 = arith.constant 1 : i32
    scf.for %scan3A_59 = %scan3A_8 to %scan3A_10 step %scan3A_11  : i32 {
      %mul3A_60 = arith.constant 640 : i32
      %mul3A_61 = arith.muli %arg1, %mul3A_60 : i32
      %mul3A_62 = arith.constant 64 : i32
      %mul3A_63 = arith.muli %scan3A_59, %mul3A_62 : i32
      %add3A_64 = arith.addi %mul3A_61, %mul3A_63 : i32
      "tpu.region"() ({
        %run_scoped3A = tpu.sem_alloc : memref<!tpu.dma_semaphore, #tpu.memory_space<semaphore_mem>>
        %dma_start3A = arith.constant 0 : i32
        %dma_start3A_65 = arith.constant 0 : i32
        %dma_start3A_66 = tpu.memref_slice %arg9[%dma_start3A, %dma_start3A_65] : memref<64x128xf32, #tpu.memory_space<vmem>> -> memref<64x128xf32, #tpu.memory_space<vmem>>
        %dma_start3A_67 = arith.constant 0 : i32
        %dma_start3A_68 = tpu.memref_slice %arg12[%add3A_64, %dma_start3A_67] : memref<10240x128xf32, #tpu.memory_space<vmem_shared>> -> memref<64x128xf32, #tpu.memory_space<vmem_shared>>
        %dma_start3A_69 = arith.constant 0 : i32
        %dma_start3A_70 = tpu.memref_slice %arg12[%add3A_64, %dma_start3A_69] : memref<10240x128xf32, #tpu.memory_space<vmem_shared>> -> memref<64x128xf32, #tpu.memory_space<vmem_shared>>
        %dma_start3A_71 = arith.constant 0 : i32
        %dma_start3A_72 = arith.constant 0 : i32
        %dma_start3A_73 = tpu.memref_slice %arg9[%dma_start3A_71, %dma_start3A_72] : memref<64x128xf32, #tpu.memory_space<vmem>> -> memref<64x128xf32, #tpu.memory_space<vmem>>
        tpu.enqueue_dma source(%dma_start3A_73 : memref<64x128xf32, #tpu.memory_space<vmem>>) target(%dma_start3A_70 : memref<64x128xf32, #tpu.memory_space<vmem_shared>>) target_semaphore(%run_scoped3A : memref<!tpu.dma_semaphore, #tpu.memory_space<semaphore_mem>>)
        %dma_wait3A = arith.constant 0 : i32
        %dma_wait3A_74 = arith.constant 0 : i32
        %dma_wait3A_75 = tpu.memref_slice %arg9[%dma_wait3A, %dma_wait3A_74] : memref<64x128xf32, #tpu.memory_space<vmem>> -> memref<64x128xf32, #tpu.memory_space<vmem>>
        %dma_wait3A_76 = arith.constant 0 : i32
        %dma_wait3A_77 = tpu.memref_slice %arg12[%add3A_64, %dma_wait3A_76] : memref<10240x128xf32, #tpu.memory_space<vmem_shared>> -> memref<64x128xf32, #tpu.memory_space<vmem_shared>>
        %dma_wait3A_78 = arith.constant 0 : i32
        %dma_wait3A_79 = tpu.memref_slice %arg12[%add3A_64, %dma_wait3A_78] : memref<10240x128xf32, #tpu.memory_space<vmem_shared>> -> memref<64x128xf32, #tpu.memory_space<vmem_shared>>
        %dma_wait3A_80 = arith.constant 0 : i32
        %dma_wait3A_81 = arith.constant 0 : i32
        %dma_wait3A_82 = tpu.memref_slice %arg9[%dma_wait3A_80, %dma_wait3A_81] : memref<64x128xf32, #tpu.memory_space<vmem>> -> memref<64x128xf32, #tpu.memory_space<vmem>>
        tpu.wait_dma2 semaphore(%run_scoped3A : memref<!tpu.dma_semaphore, #tpu.memory_space<semaphore_mem>>) src(%dma_wait3A_82 : memref<64x128xf32, #tpu.memory_space<vmem>>) dst(%dma_wait3A_79 : memref<64x128xf32, #tpu.memory_space<vmem_shared>>)
        tpu.yield
      }) : () -> ()
    }
    %scan3A_12 = arith.constant 10 : i32
    %scan3A_13 = arith.constant 0 : i32
    %scan3A_14 = arith.constant 0 : i32
    %scan3A_15 = arith.constant 64 : i32
    %scan3A_16 = arith.addi %scan3A_14, %scan3A_15 : i32
    %scan3A_17 = arith.constant 1 : i32
    scf.for %scan3A_59 = %scan3A_14 to %scan3A_16 step %scan3A_17  : i32 {
      %add3A_60 = arith.constant 1.000000e+00 : f32
      %add3A_61 = vector.broadcast %add3A_60 : f32 to vector<16xf32>
      %add3A_62 = arith.addf %broadcast_in_dim3A_1, %add3A_61 : vector<16xf32>
      %swap3A = arith.index_cast %scan3A_59 : i32 to index
      %swap3A_63 = arith.constant 0 : index
      %swap3A_64 = tpu.vector_load %arg9[%swap3A, %swap3A_63] {strides = array<i32>} : memref<64x128xf32, #tpu.memory_space<vmem>>, vector<1x16xf32>,
      %swap3A_65 = vector.shape_cast %swap3A_64 : vector<1x16xf32> to vector<16xf32>
      %swap3A_66 = vector.shape_cast %add3A_62 : vector<16xf32> to vector<1x16xf32>
      tpu.vector_store %arg9[%swap3A, %swap3A_63], %swap3A_66 {strides = array<i32>} : memref<64x128xf32, #tpu.memory_space<vmem>>, vector<1x16xf32>,
      %add3A_67 = arith.constant 1.000000e+00 : f32
      %add3A_68 = vector.broadcast %add3A_67 : f32 to vector<16xf32>
      %add3A_69 = arith.addf %broadcast_in_dim3A_1, %add3A_68 : vector<16xf32>
      %swap3A_70 = arith.index_cast %scan3A_59 : i32 to index
      %swap3A_71 = arith.constant 16 : index
      %swap3A_72 = tpu.vector_load %arg9[%swap3A_70, %swap3A_71] {strides = array<i32>} : memref<64x128xf32, #tpu.memory_space<vmem>>, vector<1x16xf32>,
      %swap3A_73 = vector.shape_cast %swap3A_72 : vector<1x16xf32> to vector<16xf32>
      %swap3A_74 = vector.shape_cast %add3A_69 : vector<16xf32> to vector<1x16xf32>
      tpu.vector_store %arg9[%swap3A_70, %swap3A_71], %swap3A_74 {strides = array<i32>} : memref<64x128xf32, #tpu.memory_space<vmem>>, vector<1x16xf32>,
      %add3A_75 = arith.constant 1.000000e+00 : f32
      %add3A_76 = vector.broadcast %add3A_75 : f32 to vector<16xf32>
      %add3A_77 = arith.addf %broadcast_in_dim3A_1, %add3A_76 : vector<16xf32>
      %swap3A_78 = arith.index_cast %scan3A_59 : i32 to index
      %swap3A_79 = arith.constant 32 : index
      %swap3A_80 = tpu.vector_load %arg9[%swap3A_78, %swap3A_79] {strides = array<i32>} : memref<64x128xf32, #tpu.memory_space<vmem>>, vector<1x16xf32>,
      %swap3A_81 = vector.shape_cast %swap3A_80 : vector<1x16xf32> to vector<16xf32>
      %swap3A_82 = vector.shape_cast %add3A_77 : vector<16xf32> to vector<1x16xf32>
      tpu.vector_store %arg9[%swap3A_78, %swap3A_79], %swap3A_82 {strides = array<i32>} : memref<64x128xf32, #tpu.memory_space<vmem>>, vector<1x16xf32>,
      %add3A_83 = arith.constant 1.000000e+00 : f32
      %add3A_84 = vector.broadcast %add3A_83 : f32 to vector<16xf32>
      %add3A_85 = arith.addf %broadcast_in_dim3A_1, %add3A_84 : vector<16xf32>
      %swap3A_86 = arith.index_cast %scan3A_59 : i32 to index
      %swap3A_87 = arith.constant 48 : index
      %swap3A_88 = tpu.vector_load %arg9[%swap3A_86, %swap3A_87] {strides = array<i32>} : memref<64x128xf32, #tpu.memory_space<vmem>>, vector<1x16xf32>,
      %swap3A_89 = vector.shape_cast %swap3A_88 : vector<1x16xf32> to vector<16xf32>
      %swap3A_90 = vector.shape_cast %add3A_85 : vector<16xf32> to vector<1x16xf32>
      tpu.vector_store %arg9[%swap3A_86, %swap3A_87], %swap3A_90 {strides = array<i32>} : memref<64x128xf32, #tpu.memory_space<vmem>>, vector<1x16xf32>,
      %add3A_91 = arith.constant 1.000000e+00 : f32
      %add3A_92 = vector.broadcast %add3A_91 : f32 to vector<16xf32>
      %add3A_93 = arith.addf %broadcast_in_dim3A_1, %add3A_92 : vector<16xf32>
      %swap3A_94 = arith.index_cast %scan3A_59 : i32 to index
      %swap3A_95 = arith.constant 64 : index
      %swap3A_96 = tpu.vector_load %arg9[%swap3A_94, %swap3A_95] {strides = array<i32>} : memref<64x128xf32, #tpu.memory_space<vmem>>, vector<1x16xf32>,
      %swap3A_97 = vector.shape_cast %swap3A_96 : vector<1x16xf32> to vector<16xf32>
      %swap3A_98 = vector.shape_cast %add3A_93 : vector<16xf32> to vector<1x16xf32>
      tpu.vector_store %arg9[%swap3A_94, %swap3A_95], %swap3A_98 {strides = array<i32>} : memref<64x128xf32, #tpu.memory_space<vmem>>, vector<1x16xf32>,
      %add3A_99 = arith.constant 1.000000e+00 : f32
      %add3A_100 = vector.broadcast %add3A_99 : f32 to vector<16xf32>
      %add3A_101 = arith.addf %broadcast_in_dim3A_1, %add3A_100 : vector<16xf32>
      %swap3A_102 = arith.index_cast %scan3A_59 : i32 to index
      %swap3A_103 = arith.constant 80 : index
      %swap3A_104 = tpu.vector_load %arg9[%swap3A_102, %swap3A_103] {strides = array<i32>} : memref<64x128xf32, #tpu.memory_space<vmem>>, vector<1x16xf32>,
      %swap3A_105 = vector.shape_cast %swap3A_104 : vector<1x16xf32> to vector<16xf32>
      %swap3A_106 = vector.shape_cast %add3A_101 : vector<16xf32> to vector<1x16xf32>
      tpu.vector_store %arg9[%swap3A_102, %swap3A_103], %swap3A_106 {strides = array<i32>} : memref<64x128xf32, #tpu.memory_space<vmem>>, vector<1x16xf32>,
      %add3A_107 = arith.constant 1.000000e+00 : f32
      %add3A_108 = vector.broadcast %add3A_107 : f32 to vector<16xf32>
      %add3A_109 = arith.addf %broadcast_in_dim3A_1, %add3A_108 : vector<16xf32>
      %swap3A_110 = arith.index_cast %scan3A_59 : i32 to index
      %swap3A_111 = arith.constant 96 : index
      %swap3A_112 = tpu.vector_load %arg9[%swap3A_110, %swap3A_111] {strides = array<i32>} : memref<64x128xf32, #tpu.memory_space<vmem>>, vector<1x16xf32>,
      %swap3A_113 = vector.shape_cast %swap3A_112 : vector<1x16xf32> to vector<16xf32>
      %swap3A_114 = vector.shape_cast %add3A_109 : vector<16xf32> to vector<1x16xf32>
      tpu.vector_store %arg9[%swap3A_110, %swap3A_111], %swap3A_114 {strides = array<i32>} : memref<64x128xf32, #tpu.memory_space<vmem>>, vector<1x16xf32>,
      %add3A_115 = arith.constant 1.000000e+00 : f32
      %add3A_116 = vector.broadcast %add3A_115 : f32 to vector<16xf32>
      %add3A_117 = arith.addf %broadcast_in_dim3A_1, %add3A_116 : vector<16xf32>
      %swap3A_118 = arith.index_cast %scan3A_59 : i32 to index
      %swap3A_119 = arith.constant 112 : index
      %swap3A_120 = tpu.vector_load %arg9[%swap3A_118, %swap3A_119] {strides = array<i32>} : memref<64x128xf32, #tpu.memory_space<vmem>>, vector<1x16xf32>,
      %swap3A_121 = vector.shape_cast %swap3A_120 : vector<1x16xf32> to vector<16xf32>
      %swap3A_122 = vector.shape_cast %add3A_117 : vector<16xf32> to vector<1x16xf32>
      tpu.vector_store %arg9[%swap3A_118, %swap3A_119], %swap3A_122 {strides = array<i32>} : memref<64x128xf32, #tpu.memory_space<vmem>>, vector<1x16xf32>,
    }
    %scan3A_18 = arith.constant 64 : i32
    %barrier3A = arith.constant 0 : index
    tpu.barrier barrier_id(%barrier3A)
    %scan3A_19 = arith.constant 0 : i32
    %scan3A_20 = arith.constant 0 : i32
    %scan3A_21 = arith.constant 10 : i32
    %scan3A_22 = arith.addi %scan3A_20, %scan3A_21 : i32
    %scan3A_23 = arith.constant 1 : i32
    scf.for %scan3A_59 = %scan3A_20 to %scan3A_22 step %scan3A_23  : i32 {
      %mul3A_60 = arith.constant 160 : i32
      %mul3A_61 = arith.muli %add3A, %mul3A_60 : i32
      %mul3A_62 = arith.constant 16 : i32
      %mul3A_63 = arith.muli %scan3A_59, %mul3A_62 : i32
      %add3A_64 = arith.addi %mul3A_61, %mul3A_63 : i32
      "tpu.region"() ({
        %run_scoped3A = tpu.sem_alloc : memref<!tpu.dma_semaphore, #tpu.memory_space<semaphore_mem>>
        %dma_start3A_287 = arith.constant 0 : i32
        %dma_start3A_288 = tpu.memref_slice %arg4[%add3A_64, %dma_start3A_287] : memref<5120x64xi32, #tpu.memory_space<hbm>> -> memref<16x64xi32, #tpu.memory_space<hbm>>
        %dma_start3A_289 = arith.constant 0 : i32
        %dma_start3A_290 = tpu.memref_slice %arg4[%add3A_64, %dma_start3A_289] : memref<5120x64xi32, #tpu.memory_space<hbm>> -> memref<16x64xi32, #tpu.memory_space<hbm>>
        tpu.enqueue_dma source(%dma_start3A_290 : memref<16x64xi32, #tpu.memory_space<hbm>>) target(%arg8 : memref<16x64xi32, #tpu.memory_space<vmem>>) target_semaphore(%run_scoped3A : memref<!tpu.dma_semaphore, #tpu.memory_space<semaphore_mem>>)
        %dma_wait3A_291 = arith.constant 0 : i32
        %dma_wait3A_292 = tpu.memref_slice %arg4[%add3A_64, %dma_wait3A_291] : memref<5120x64xi32, #tpu.memory_space<hbm>> -> memref<16x64xi32, #tpu.memory_space<hbm>>
        %dma_wait3A_293 = arith.constant 0 : i32
        %dma_wait3A_294 = tpu.memref_slice %arg4[%add3A_64, %dma_wait3A_293] : memref<5120x64xi32, #tpu.memory_space<hbm>> -> memref<16x64xi32, #tpu.memory_space<hbm>>
        tpu.wait_dma2 semaphore(%run_scoped3A : memref<!tpu.dma_semaphore, #tpu.memory_space<semaphore_mem>>) src(%dma_wait3A_294 : memref<16x64xi32, #tpu.memory_space<hbm>>) dst(%arg8 : memref<16x64xi32, #tpu.memory_space<vmem>>)
        tpu.yield
      }) : () -> ()
      %dma_start3A = arith.constant 0 : i32
      %dma_start3A_65 = arith.constant 0 : i32
      %dma_start3A_66 = tpu.memref_slice %arg8[%dma_start3A, %dma_start3A_65] : memref<16x64xi32, #tpu.memory_space<vmem>> -> memref<1x64xi32, #tpu.memory_space<vmem>>
      %dma_start3A_67 = tpu.memref_squeeze %dma_start3A_66 : memref<1x64xi32, #tpu.memory_space<vmem>> -> memref<64xi32, #tpu.memory_space<vmem>>
      %dma_start3A_68 = arith.constant 0 : i32
      %dma_start3A_69 = arith.constant 0 : i32
      %dma_start3A_70 = tpu.memref_slice %arg12[%dma_start3A_68, %dma_start3A_69] : memref<10240x128xf32, #tpu.memory_space<vmem_shared>> -> memref<10240x128xf32, #tpu.memory_space<vmem_shared>>
      tpu.enqueue_indirect_dma source(%arg9 : memref<64x128xf32, #tpu.memory_space<vmem>>) target(%dma_start3A_70 : memref<10240x128xf32, #tpu.memory_space<vmem_shared>>) offsets(%dma_start3A_67 : memref<64xi32, #tpu.memory_space<vmem>>) semaphore(%arg14 : memref<!tpu.dma_semaphore, #tpu.memory_space<semaphore_mem>>) {add = true}
      %dma_start3A_71 = arith.constant 1 : i32
      %dma_start3A_72 = arith.constant 0 : i32
      %dma_start3A_73 = tpu.memref_slice %arg8[%dma_start3A_71, %dma_start3A_72] : memref<16x64xi32, #tpu.memory_space<vmem>> -> memref<1x64xi32, #tpu.memory_space<vmem>>
      %dma_start3A_74 = tpu.memref_squeeze %dma_start3A_73 : memref<1x64xi32, #tpu.memory_space<vmem>> -> memref<64xi32, #tpu.memory_space<vmem>>
      %dma_start3A_75 = arith.constant 0 : i32
      %dma_start3A_76 = arith.constant 0 : i32
      %dma_start3A_77 = tpu.memref_slice %arg12[%dma_start3A_75, %dma_start3A_76] : memref<10240x128xf32, #tpu.memory_space<vmem_shared>> -> memref<10240x128xf32, #tpu.memory_space<vmem_shared>>
      tpu.enqueue_indirect_dma source(%arg9 : memref<64x128xf32, #tpu.memory_space<vmem>>) target(%dma_start3A_77 : memref<10240x128xf32, #tpu.memory_space<vmem_shared>>) offsets(%dma_start3A_74 : memref<64xi32, #tpu.memory_space<vmem>>) semaphore(%arg14 : memref<!tpu.dma_semaphore, #tpu.memory_space<semaphore_mem>>) {add = true}
      %dma_start3A_78 = arith.constant 2 : i32
      %dma_start3A_79 = arith.constant 0 : i32
      %dma_start3A_80 = tpu.memref_slice %arg8[%dma_start3A_78, %dma_start3A_79] : memref<16x64xi32, #tpu.memory_space<vmem>> -> memref<1x64xi32, #tpu.memory_space<vmem>>
      %dma_start3A_81 = tpu.memref_squeeze %dma_start3A_80 : memref<1x64xi32, #tpu.memory_space<vmem>> -> memref<64xi32, #tpu.memory_space<vmem>>
      %dma_start3A_82 = arith.constant 0 : i32
      %dma_start3A_83 = arith.constant 0 : i32
      %dma_start3A_84 = tpu.memref_slice %arg12[%dma_start3A_82, %dma_start3A_83] : memref<10240x128xf32, #tpu.memory_space<vmem_shared>> -> memref<10240x128xf32, #tpu.memory_space<vmem_shared>>
      tpu.enqueue_indirect_dma source(%arg9 : memref<64x128xf32, #tpu.memory_space<vmem>>) target(%dma_start3A_84 : memref<10240x128xf32, #tpu.memory_space<vmem_shared>>) offsets(%dma_start3A_81 : memref<64xi32, #tpu.memory_space<vmem>>) semaphore(%arg14 : memref<!tpu.dma_semaphore, #tpu.memory_space<semaphore_mem>>) {add = true}
      %dma_start3A_85 = arith.constant 3 : i32
      %dma_start3A_86 = arith.constant 0 : i32
      %dma_start3A_87 = tpu.memref_slice %arg8[%dma_start3A_85, %dma_start3A_86] : memref<16x64xi32, #tpu.memory_space<vmem>> -> memref<1x64xi32, #tpu.memory_space<vmem>>
      %dma_start3A_88 = tpu.memref_squeeze %dma_start3A_87 : memref<1x64xi32, #tpu.memory_space<vmem>> -> memref<64xi32, #tpu.memory_space<vmem>>
      %dma_start3A_89 = arith.constant 0 : i32
      %dma_start3A_90 = arith.constant 0 : i32
      %dma_start3A_91 = tpu.memref_slice %arg12[%dma_start3A_89, %dma_start3A_90] : memref<10240x128xf32, #tpu.memory_space<vmem_shared>> -> memref<10240x128xf32, #tpu.memory_space<vmem_shared>>
      tpu.enqueue_indirect_dma source(%arg9 : memref<64x128xf32, #tpu.memory_space<vmem>>) target(%dma_start3A_91 : memref<10240x128xf32, #tpu.memory_space<vmem_shared>>) offsets(%dma_start3A_88 : memref<64xi32, #tpu.memory_space<vmem>>) semaphore(%arg14 : memref<!tpu.dma_semaphore, #tpu.memory_space<semaphore_mem>>) {add = true}
      %dma_start3A_92 = arith.constant 4 : i32
      %dma_start3A_93 = arith.constant 0 : i32
      %dma_start3A_94 = tpu.memref_slice %arg8[%dma_start3A_92, %dma_start3A_93] : memref<16x64xi32, #tpu.memory_space<vmem>> -> memref<1x64xi32, #tpu.memory_space<vmem>>
      %dma_start3A_95 = tpu.memref_squeeze %dma_start3A_94 : memref<1x64xi32, #tpu.memory_space<vmem>> -> memref<64xi32, #tpu.memory_space<vmem>>
      %dma_start3A_96 = arith.constant 0 : i32
      %dma_start3A_97 = arith.constant 0 : i32
      %dma_start3A_98 = tpu.memref_slice %arg12[%dma_start3A_96, %dma_start3A_97] : memref<10240x128xf32, #tpu.memory_space<vmem_shared>> -> memref<10240x128xf32, #tpu.memory_space<vmem_shared>>
      tpu.enqueue_indirect_dma source(%arg9 : memref<64x128xf32, #tpu.memory_space<vmem>>) target(%dma_start3A_98 : memref<10240x128xf32, #tpu.memory_space<vmem_shared>>) offsets(%dma_start3A_95 : memref<64xi32, #tpu.memory_space<vmem>>) semaphore(%arg14 : memref<!tpu.dma_semaphore, #tpu.memory_space<semaphore_mem>>) {add = true}
      %dma_start3A_99 = arith.constant 5 : i32
      %dma_start3A_100 = arith.constant 0 : i32
      %dma_start3A_101 = tpu.memref_slice %arg8[%dma_start3A_99, %dma_start3A_100] : memref<16x64xi32, #tpu.memory_space<vmem>> -> memref<1x64xi32, #tpu.memory_space<vmem>>
      %dma_start3A_102 = tpu.memref_squeeze %dma_start3A_101 : memref<1x64xi32, #tpu.memory_space<vmem>> -> memref<64xi32, #tpu.memory_space<vmem>>
      %dma_start3A_103 = arith.constant 0 : i32
      %dma_start3A_104 = arith.constant 0 : i32
      %dma_start3A_105 = tpu.memref_slice %arg12[%dma_start3A_103, %dma_start3A_104] : memref<10240x128xf32, #tpu.memory_space<vmem_shared>> -> memref<10240x128xf32, #tpu.memory_space<vmem_shared>>
      tpu.enqueue_indirect_dma source(%arg9 : memref<64x128xf32, #tpu.memory_space<vmem>>) target(%dma_start3A_105 : memref<10240x128xf32, #tpu.memory_space<vmem_shared>>) offsets(%dma_start3A_102 : memref<64xi32, #tpu.memory_space<vmem>>) semaphore(%arg14 : memref<!tpu.dma_semaphore, #tpu.memory_space<semaphore_mem>>) {add = true}
      %dma_start3A_106 = arith.constant 6 : i32
      %dma_start3A_107 = arith.constant 0 : i32
      %dma_start3A_108 = tpu.memref_slice %arg8[%dma_start3A_106, %dma_start3A_107] : memref<16x64xi32, #tpu.memory_space<vmem>> -> memref<1x64xi32, #tpu.memory_space<vmem>>
      %dma_start3A_109 = tpu.memref_squeeze %dma_start3A_108 : memref<1x64xi32, #tpu.memory_space<vmem>> -> memref<64xi32, #tpu.memory_space<vmem>>
      %dma_start3A_110 = arith.constant 0 : i32
      %dma_start3A_111 = arith.constant 0 : i32
      %dma_start3A_112 = tpu.memref_slice %arg12[%dma_start3A_110, %dma_start3A_111] : memref<10240x128xf32, #tpu.memory_space<vmem_shared>> -> memref<10240x128xf32, #tpu.memory_space<vmem_shared>>
      tpu.enqueue_indirect_dma source(%arg9 : memref<64x128xf32, #tpu.memory_space<vmem>>) target(%dma_start3A_112 : memref<10240x128xf32, #tpu.memory_space<vmem_shared>>) offsets(%dma_start3A_109 : memref<64xi32, #tpu.memory_space<vmem>>) semaphore(%arg14 : memref<!tpu.dma_semaphore, #tpu.memory_space<semaphore_mem>>) {add = true}
      %dma_start3A_113 = arith.constant 7 : i32
      %dma_start3A_114 = arith.constant 0 : i32
      %dma_start3A_115 = tpu.memref_slice %arg8[%dma_start3A_113, %dma_start3A_114] : memref<16x64xi32, #tpu.memory_space<vmem>> -> memref<1x64xi32, #tpu.memory_space<vmem>>
      %dma_start3A_116 = tpu.memref_squeeze %dma_start3A_115 : memref<1x64xi32, #tpu.memory_space<vmem>> -> memref<64xi32, #tpu.memory_space<vmem>>
      %dma_start3A_117 = arith.constant 0 : i32
      %dma_start3A_118 = arith.constant 0 : i32
      %dma_start3A_119 = tpu.memref_slice %arg12[%dma_start3A_117, %dma_start3A_118] : memref<10240x128xf32, #tpu.memory_space<vmem_shared>> -> memref<10240x128xf32, #tpu.memory_space<vmem_shared>>
      tpu.enqueue_indirect_dma source(%arg9 : memref<64x128xf32, #tpu.memory_space<vmem>>) target(%dma_start3A_119 : memref<10240x128xf32, #tpu.memory_space<vmem_shared>>) offsets(%dma_start3A_116 : memref<64xi32, #tpu.memory_space<vmem>>) semaphore(%arg14 : memref<!tpu.dma_semaphore, #tpu.memory_space<semaphore_mem>>) {add = true}
      %dma_start3A_120 = arith.constant 8 : i32
      %dma_start3A_121 = arith.constant 0 : i32
      %dma_start3A_122 = tpu.memref_slice %arg8[%dma_start3A_120, %dma_start3A_121] : memref<16x64xi32, #tpu.memory_space<vmem>> -> memref<1x64xi32, #tpu.memory_space<vmem>>
      %dma_start3A_123 = tpu.memref_squeeze %dma_start3A_122 : memref<1x64xi32, #tpu.memory_space<vmem>> -> memref<64xi32, #tpu.memory_space<vmem>>
      %dma_start3A_124 = arith.constant 0 : i32
      %dma_start3A_125 = arith.constant 0 : i32
      %dma_start3A_126 = tpu.memref_slice %arg12[%dma_start3A_124, %dma_start3A_125] : memref<10240x128xf32, #tpu.memory_space<vmem_shared>> -> memref<10240x128xf32, #tpu.memory_space<vmem_shared>>
      tpu.enqueue_indirect_dma source(%arg9 : memref<64x128xf32, #tpu.memory_space<vmem>>) target(%dma_start3A_126 : memref<10240x128xf32, #tpu.memory_space<vmem_shared>>) offsets(%dma_start3A_123 : memref<64xi32, #tpu.memory_space<vmem>>) semaphore(%arg14 : memref<!tpu.dma_semaphore, #tpu.memory_space<semaphore_mem>>) {add = true}
      %dma_start3A_127 = arith.constant 9 : i32
      %dma_start3A_128 = arith.constant 0 : i32
      %dma_start3A_129 = tpu.memref_slice %arg8[%dma_start3A_127, %dma_start3A_128] : memref<16x64xi32, #tpu.memory_space<vmem>> -> memref<1x64xi32, #tpu.memory_space<vmem>>
      %dma_start3A_130 = tpu.memref_squeeze %dma_start3A_129 : memref<1x64xi32, #tpu.memory_space<vmem>> -> memref<64xi32, #tpu.memory_space<vmem>>
      %dma_start3A_131 = arith.constant 0 : i32
      %dma_start3A_132 = arith.constant 0 : i32
      %dma_start3A_133 = tpu.memref_slice %arg12[%dma_start3A_131, %dma_start3A_132] : memref<10240x128xf32, #tpu.memory_space<vmem_shared>> -> memref<10240x128xf32, #tpu.memory_space<vmem_shared>>
      tpu.enqueue_indirect_dma source(%arg9 : memref<64x128xf32, #tpu.memory_space<vmem>>) target(%dma_start3A_133 : memref<10240x128xf32, #tpu.memory_space<vmem_shared>>) offsets(%dma_start3A_130 : memref<64xi32, #tpu.memory_space<vmem>>) semaphore(%arg14 : memref<!tpu.dma_semaphore, #tpu.memory_space<semaphore_mem>>) {add = true}
      %dma_start3A_134 = arith.constant 10 : i32
      %dma_start3A_135 = arith.constant 0 : i32
      %dma_start3A_136 = tpu.memref_slice %arg8[%dma_start3A_134, %dma_start3A_135] : memref<16x64xi32, #tpu.memory_space<vmem>> -> memref<1x64xi32, #tpu.memory_space<vmem>>
      %dma_start3A_137 = tpu.memref_squeeze %dma_start3A_136 : memref<1x64xi32, #tpu.memory_space<vmem>> -> memref<64xi32, #tpu.memory_space<vmem>>
      %dma_start3A_138 = arith.constant 0 : i32
      %dma_start3A_139 = arith.constant 0 : i32
      %dma_start3A_140 = tpu.memref_slice %arg12[%dma_start3A_138, %dma_start3A_139] : memref<10240x128xf32, #tpu.memory_space<vmem_shared>> -> memref<10240x128xf32, #tpu.memory_space<vmem_shared>>
      tpu.enqueue_indirect_dma source(%arg9 : memref<64x128xf32, #tpu.memory_space<vmem>>) target(%dma_start3A_140 : memref<10240x128xf32, #tpu.memory_space<vmem_shared>>) offsets(%dma_start3A_137 : memref<64xi32, #tpu.memory_space<vmem>>) semaphore(%arg14 : memref<!tpu.dma_semaphore, #tpu.memory_space<semaphore_mem>>) {add = true}
      %dma_start3A_141 = arith.constant 11 : i32
      %dma_start3A_142 = arith.constant 0 : i32
      %dma_start3A_143 = tpu.memref_slice %arg8[%dma_start3A_141, %dma_start3A_142] : memref<16x64xi32, #tpu.memory_space<vmem>> -> memref<1x64xi32, #tpu.memory_space<vmem>>
      %dma_start3A_144 = tpu.memref_squeeze %dma_start3A_143 : memref<1x64xi32, #tpu.memory_space<vmem>> -> memref<64xi32, #tpu.memory_space<vmem>>
      %dma_start3A_145 = arith.constant 0 : i32
      %dma_start3A_146 = arith.constant 0 : i32
      %dma_start3A_147 = tpu.memref_slice %arg12[%dma_start3A_145, %dma_start3A_146] : memref<10240x128xf32, #tpu.memory_space<vmem_shared>> -> memref<10240x128xf32, #tpu.memory_space<vmem_shared>>
      tpu.enqueue_indirect_dma source(%arg9 : memref<64x128xf32, #tpu.memory_space<vmem>>) target(%dma_start3A_147 : memref<10240x128xf32, #tpu.memory_space<vmem_shared>>) offsets(%dma_start3A_144 : memref<64xi32, #tpu.memory_space<vmem>>) semaphore(%arg14 : memref<!tpu.dma_semaphore, #tpu.memory_space<semaphore_mem>>) {add = true}
      %dma_start3A_148 = arith.constant 12 : i32
      %dma_start3A_149 = arith.constant 0 : i32
      %dma_start3A_150 = tpu.memref_slice %arg8[%dma_start3A_148, %dma_start3A_149] : memref<16x64xi32, #tpu.memory_space<vmem>> -> memref<1x64xi32, #tpu.memory_space<vmem>>
      %dma_start3A_151 = tpu.memref_squeeze %dma_start3A_150 : memref<1x64xi32, #tpu.memory_space<vmem>> -> memref<64xi32, #tpu.memory_space<vmem>>
      %dma_start3A_152 = arith.constant 0 : i32
      %dma_start3A_153 = arith.constant 0 : i32
      %dma_start3A_154 = tpu.memref_slice %arg12[%dma_start3A_152, %dma_start3A_153] : memref<10240x128xf32, #tpu.memory_space<vmem_shared>> -> memref<10240x128xf32, #tpu.memory_space<vmem_shared>>
      tpu.enqueue_indirect_dma source(%arg9 : memref<64x128xf32, #tpu.memory_space<vmem>>) target(%dma_start3A_154 : memref<10240x128xf32, #tpu.memory_space<vmem_shared>>) offsets(%dma_start3A_151 : memref<64xi32, #tpu.memory_space<vmem>>) semaphore(%arg14 : memref<!tpu.dma_semaphore, #tpu.memory_space<semaphore_mem>>) {add = true}
      %dma_start3A_155 = arith.constant 13 : i32
      %dma_start3A_156 = arith.constant 0 : i32
      %dma_start3A_157 = tpu.memref_slice %arg8[%dma_start3A_155, %dma_start3A_156] : memref<16x64xi32, #tpu.memory_space<vmem>> -> memref<1x64xi32, #tpu.memory_space<vmem>>
      %dma_start3A_158 = tpu.memref_squeeze %dma_start3A_157 : memref<1x64xi32, #tpu.memory_space<vmem>> -> memref<64xi32, #tpu.memory_space<vmem>>
      %dma_start3A_159 = arith.constant 0 : i32
      %dma_start3A_160 = arith.constant 0 : i32
      %dma_start3A_161 = tpu.memref_slice %arg12[%dma_start3A_159, %dma_start3A_160] : memref<10240x128xf32, #tpu.memory_space<vmem_shared>> -> memref<10240x128xf32, #tpu.memory_space<vmem_shared>>
      tpu.enqueue_indirect_dma source(%arg9 : memref<64x128xf32, #tpu.memory_space<vmem>>) target(%dma_start3A_161 : memref<10240x128xf32, #tpu.memory_space<vmem_shared>>) offsets(%dma_start3A_158 : memref<64xi32, #tpu.memory_space<vmem>>) semaphore(%arg14 : memref<!tpu.dma_semaphore, #tpu.memory_space<semaphore_mem>>) {add = true}
      %dma_start3A_162 = arith.constant 14 : i32
      %dma_start3A_163 = arith.constant 0 : i32
      %dma_start3A_164 = tpu.memref_slice %arg8[%dma_start3A_162, %dma_start3A_163] : memref<16x64xi32, #tpu.memory_space<vmem>> -> memref<1x64xi32, #tpu.memory_space<vmem>>
      %dma_start3A_165 = tpu.memref_squeeze %dma_start3A_164 : memref<1x64xi32, #tpu.memory_space<vmem>> -> memref<64xi32, #tpu.memory_space<vmem>>
      %dma_start3A_166 = arith.constant 0 : i32
      %dma_start3A_167 = arith.constant 0 : i32
      %dma_start3A_168 = tpu.memref_slice %arg12[%dma_start3A_166, %dma_start3A_167] : memref<10240x128xf32, #tpu.memory_space<vmem_shared>> -> memref<10240x128xf32, #tpu.memory_space<vmem_shared>>
      tpu.enqueue_indirect_dma source(%arg9 : memref<64x128xf32, #tpu.memory_space<vmem>>) target(%dma_start3A_168 : memref<10240x128xf32, #tpu.memory_space<vmem_shared>>) offsets(%dma_start3A_165 : memref<64xi32, #tpu.memory_space<vmem>>) semaphore(%arg14 : memref<!tpu.dma_semaphore, #tpu.memory_space<semaphore_mem>>) {add = true}
      %dma_start3A_169 = arith.constant 15 : i32
      %dma_start3A_170 = arith.constant 0 : i32
      %dma_start3A_171 = tpu.memref_slice %arg8[%dma_start3A_169, %dma_start3A_170] : memref<16x64xi32, #tpu.memory_space<vmem>> -> memref<1x64xi32, #tpu.memory_space<vmem>>
      %dma_start3A_172 = tpu.memref_squeeze %dma_start3A_171 : memref<1x64xi32, #tpu.memory_space<vmem>> -> memref<64xi32, #tpu.memory_space<vmem>>
      %dma_start3A_173 = arith.constant 0 : i32
      %dma_start3A_174 = arith.constant 0 : i32
      %dma_start3A_175 = tpu.memref_slice %arg12[%dma_start3A_173, %dma_start3A_174] : memref<10240x128xf32, #tpu.memory_space<vmem_shared>> -> memref<10240x128xf32, #tpu.memory_space<vmem_shared>>
      tpu.enqueue_indirect_dma source(%arg9 : memref<64x128xf32, #tpu.memory_space<vmem>>) target(%dma_start3A_175 : memref<10240x128xf32, #tpu.memory_space<vmem_shared>>) offsets(%dma_start3A_172 : memref<64xi32, #tpu.memory_space<vmem>>) semaphore(%arg14 : memref<!tpu.dma_semaphore, #tpu.memory_space<semaphore_mem>>) {add = true}
      %dma_wait3A = arith.constant 0 : i32
      %dma_wait3A_176 = arith.constant 0 : i32
      %dma_wait3A_177 = tpu.memref_slice %arg8[%dma_wait3A, %dma_wait3A_176] : memref<16x64xi32, #tpu.memory_space<vmem>> -> memref<1x64xi32, #tpu.memory_space<vmem>>
      %dma_wait3A_178 = tpu.memref_squeeze %dma_wait3A_177 : memref<1x64xi32, #tpu.memory_space<vmem>> -> memref<64xi32, #tpu.memory_space<vmem>>
      %dma_wait3A_179 = arith.constant 0 : i32
      %dma_wait3A_180 = arith.constant 0 : i32
      %dma_wait3A_181 = tpu.memref_slice %arg12[%dma_wait3A_179, %dma_wait3A_180] : memref<10240x128xf32, #tpu.memory_space<vmem_shared>> -> memref<10240x128xf32, #tpu.memory_space<vmem_shared>>
      tpu.wait_indirect_dma semaphore(%arg14 : memref<!tpu.dma_semaphore, #tpu.memory_space<semaphore_mem>>) src(%arg9 : memref<64x128xf32, #tpu.memory_space<vmem>>) dst(%dma_wait3A_181 : memref<10240x128xf32, #tpu.memory_space<vmem_shared>>)
      %dma_wait3A_182 = arith.constant 0 : i32
      %dma_wait3A_183 = arith.constant 0 : i32
      %dma_wait3A_184 = tpu.memref_slice %arg8[%dma_wait3A_182, %dma_wait3A_183] : memref<16x64xi32, #tpu.memory_space<vmem>> -> memref<1x64xi32, #tpu.memory_space<vmem>>
      %dma_wait3A_185 = tpu.memref_squeeze %dma_wait3A_184 : memref<1x64xi32, #tpu.memory_space<vmem>> -> memref<64xi32, #tpu.memory_space<vmem>>
      %dma_wait3A_186 = arith.constant 0 : i32
      %dma_wait3A_187 = arith.constant 0 : i32
      %dma_wait3A_188 = tpu.memref_slice %arg12[%dma_wait3A_186, %dma_wait3A_187] : memref<10240x128xf32, #tpu.memory_space<vmem_shared>> -> memref<10240x128xf32, #tpu.memory_space<vmem_shared>>
      tpu.wait_indirect_dma semaphore(%arg14 : memref<!tpu.dma_semaphore, #tpu.memory_space<semaphore_mem>>) src(%arg9 : memref<64x128xf32, #tpu.memory_space<vmem>>) dst(%dma_wait3A_188 : memref<10240x128xf32, #tpu.memory_space<vmem_shared>>)
      %dma_wait3A_189 = arith.constant 0 : i32
      %dma_wait3A_190 = arith.constant 0 : i32
      %dma_wait3A_191 = tpu.memref_slice %arg8[%dma_wait3A_189, %dma_wait3A_190] : memref<16x64xi32, #tpu.memory_space<vmem>> -> memref<1x64xi32, #tpu.memory_space<vmem>>
      %dma_wait3A_192 = tpu.memref_squeeze %dma_wait3A_191 : memref<1x64xi32, #tpu.memory_space<vmem>> -> memref<64xi32, #tpu.memory_space<vmem>>
      %dma_wait3A_193 = arith.constant 0 : i32
      %dma_wait3A_194 = arith.constant 0 : i32
      %dma_wait3A_195 = tpu.memref_slice %arg12[%dma_wait3A_193, %dma_wait3A_194] : memref<10240x128xf32, #tpu.memory_space<vmem_shared>> -> memref<10240x128xf32, #tpu.memory_space<vmem_shared>>
      tpu.wait_indirect_dma semaphore(%arg14 : memref<!tpu.dma_semaphore, #tpu.memory_space<semaphore_mem>>) src(%arg9 : memref<64x128xf32, #tpu.memory_space<vmem>>) dst(%dma_wait3A_195 : memref<10240x128xf32, #tpu.memory_space<vmem_shared>>)
      %dma_wait3A_196 = arith.constant 0 : i32
      %dma_wait3A_197 = arith.constant 0 : i32
      %dma_wait3A_198 = tpu.memref_slice %arg8[%dma_wait3A_196, %dma_wait3A_197] : memref<16x64xi32, #tpu.memory_space<vmem>> -> memref<1x64xi32, #tpu.memory_space<vmem>>
      %dma_wait3A_199 = tpu.memref_squeeze %dma_wait3A_198 : memref<1x64xi32, #tpu.memory_space<vmem>> -> memref<64xi32, #tpu.memory_space<vmem>>
      %dma_wait3A_200 = arith.constant 0 : i32
      %dma_wait3A_201 = arith.constant 0 : i32
      %dma_wait3A_202 = tpu.memref_slice %arg12[%dma_wait3A_200, %dma_wait3A_201] : memref<10240x128xf32, #tpu.memory_space<vmem_shared>> -> memref<10240x128xf32, #tpu.memory_space<vmem_shared>>
      tpu.wait_indirect_dma semaphore(%arg14 : memref<!tpu.dma_semaphore, #tpu.memory_space<semaphore_mem>>) src(%arg9 : memref<64x128xf32, #tpu.memory_space<vmem>>) dst(%dma_wait3A_202 : memref<10240x128xf32, #tpu.memory_space<vmem_shared>>)
      %dma_wait3A_203 = arith.constant 0 : i32
      %dma_wait3A_204 = arith.constant 0 : i32
      %dma_wait3A_205 = tpu.memref_slice %arg8[%dma_wait3A_203, %dma_wait3A_204] : memref<16x64xi32, #tpu.memory_space<vmem>> -> memref<1x64xi32, #tpu.memory_space<vmem>>
      %dma_wait3A_206 = tpu.memref_squeeze %dma_wait3A_205 : memref<1x64xi32, #tpu.memory_space<vmem>> -> memref<64xi32, #tpu.memory_space<vmem>>
      %dma_wait3A_207 = arith.constant 0 : i32
      %dma_wait3A_208 = arith.constant 0 : i32
      %dma_wait3A_209 = tpu.memref_slice %arg12[%dma_wait3A_207, %dma_wait3A_208] : memref<10240x128xf32, #tpu.memory_space<vmem_shared>> -> memref<10240x128xf32, #tpu.memory_space<vmem_shared>>
      tpu.wait_indirect_dma semaphore(%arg14 : memref<!tpu.dma_semaphore, #tpu.memory_space<semaphore_mem>>) src(%arg9 : memref<64x128xf32, #tpu.memory_space<vmem>>) dst(%dma_wait3A_209 : memref<10240x128xf32, #tpu.memory_space<vmem_shared>>)
      %dma_wait3A_210 = arith.constant 0 : i32
      %dma_wait3A_211 = arith.constant 0 : i32
      %dma_wait3A_212 = tpu.memref_slice %arg8[%dma_wait3A_210, %dma_wait3A_211] : memref<16x64xi32, #tpu.memory_space<vmem>> -> memref<1x64xi32, #tpu.memory_space<vmem>>
      %dma_wait3A_213 = tpu.memref_squeeze %dma_wait3A_212 : memref<1x64xi32, #tpu.memory_space<vmem>> -> memref<64xi32, #tpu.memory_space<vmem>>
      %dma_wait3A_214 = arith.constant 0 : i32
      %dma_wait3A_215 = arith.constant 0 : i32
      %dma_wait3A_216 = tpu.memref_slice %arg12[%dma_wait3A_214, %dma_wait3A_215] : memref<10240x128xf32, #tpu.memory_space<vmem_shared>> -> memref<10240x128xf32, #tpu.memory_space<vmem_shared>>
      tpu.wait_indirect_dma semaphore(%arg14 : memref<!tpu.dma_semaphore, #tpu.memory_space<semaphore_mem>>) src(%arg9 : memref<64x128xf32, #tpu.memory_space<vmem>>) dst(%dma_wait3A_216 : memref<10240x128xf32, #tpu.memory_space<vmem_shared>>)
      %dma_wait3A_217 = arith.constant 0 : i32
      %dma_wait3A_218 = arith.constant 0 : i32
      %dma_wait3A_219 = tpu.memref_slice %arg8[%dma_wait3A_217, %dma_wait3A_218] : memref<16x64xi32, #tpu.memory_space<vmem>> -> memref<1x64xi32, #tpu.memory_space<vmem>>
      %dma_wait3A_220 = tpu.memref_squeeze %dma_wait3A_219 : memref<1x64xi32, #tpu.memory_space<vmem>> -> memref<64xi32, #tpu.memory_space<vmem>>
      %dma_wait3A_221 = arith.constant 0 : i32
      %dma_wait3A_222 = arith.constant 0 : i32
      %dma_wait3A_223 = tpu.memref_slice %arg12[%dma_wait3A_221, %dma_wait3A_222] : memref<10240x128xf32, #tpu.memory_space<vmem_shared>> -> memref<10240x128xf32, #tpu.memory_space<vmem_shared>>
      tpu.wait_indirect_dma semaphore(%arg14 : memref<!tpu.dma_semaphore, #tpu.memory_space<semaphore_mem>>) src(%arg9 : memref<64x128xf32, #tpu.memory_space<vmem>>) dst(%dma_wait3A_223 : memref<10240x128xf32, #tpu.memory_space<vmem_shared>>)
      %dma_wait3A_224 = arith.constant 0 : i32
      %dma_wait3A_225 = arith.constant 0 : i32
      %dma_wait3A_226 = tpu.memref_slice %arg8[%dma_wait3A_224, %dma_wait3A_225] : memref<16x64xi32, #tpu.memory_space<vmem>> -> memref<1x64xi32, #tpu.memory_space<vmem>>
      %dma_wait3A_227 = tpu.memref_squeeze %dma_wait3A_226 : memref<1x64xi32, #tpu.memory_space<vmem>> -> memref<64xi32, #tpu.memory_space<vmem>>
      %dma_wait3A_228 = arith.constant 0 : i32
      %dma_wait3A_229 = arith.constant 0 : i32
      %dma_wait3A_230 = tpu.memref_slice %arg12[%dma_wait3A_228, %dma_wait3A_229] : memref<10240x128xf32, #tpu.memory_space<vmem_shared>> -> memref<10240x128xf32, #tpu.memory_space<vmem_shared>>
      tpu.wait_indirect_dma semaphore(%arg14 : memref<!tpu.dma_semaphore, #tpu.memory_space<semaphore_mem>>) src(%arg9 : memref<64x128xf32, #tpu.memory_space<vmem>>) dst(%dma_wait3A_230 : memref<10240x128xf32, #tpu.memory_space<vmem_shared>>)
      %dma_wait3A_231 = arith.constant 0 : i32
      %dma_wait3A_232 = arith.constant 0 : i32
      %dma_wait3A_233 = tpu.memref_slice %arg8[%dma_wait3A_231, %dma_wait3A_232] : memref<16x64xi32, #tpu.memory_space<vmem>> -> memref<1x64xi32, #tpu.memory_space<vmem>>
      %dma_wait3A_234 = tpu.memref_squeeze %dma_wait3A_233 : memref<1x64xi32, #tpu.memory_space<vmem>> -> memref<64xi32, #tpu.memory_space<vmem>>
      %dma_wait3A_235 = arith.constant 0 : i32
      %dma_wait3A_236 = arith.constant 0 : i32
      %dma_wait3A_237 = tpu.memref_slice %arg12[%dma_wait3A_235, %dma_wait3A_236] : memref<10240x128xf32, #tpu.memory_space<vmem_shared>> -> memref<10240x128xf32, #tpu.memory_space<vmem_shared>>
      tpu.wait_indirect_dma semaphore(%arg14 : memref<!tpu.dma_semaphore, #tpu.memory_space<semaphore_mem>>) src(%arg9 : memref<64x128xf32, #tpu.memory_space<vmem>>) dst(%dma_wait3A_237 : memref<10240x128xf32, #tpu.memory_space<vmem_shared>>)
      %dma_wait3A_238 = arith.constant 0 : i32
      %dma_wait3A_239 = arith.constant 0 : i32
      %dma_wait3A_240 = tpu.memref_slice %arg8[%dma_wait3A_238, %dma_wait3A_239] : memref<16x64xi32, #tpu.memory_space<vmem>> -> memref<1x64xi32, #tpu.memory_space<vmem>>
      %dma_wait3A_241 = tpu.memref_squeeze %dma_wait3A_240 : memref<1x64xi32, #tpu.memory_space<vmem>> -> memref<64xi32, #tpu.memory_space<vmem>>
      %dma_wait3A_242 = arith.constant 0 : i32
      %dma_wait3A_243 = arith.constant 0 : i32
      %dma_wait3A_244 = tpu.memref_slice %arg12[%dma_wait3A_242, %dma_wait3A_243] : memref<10240x128xf32, #tpu.memory_space<vmem_shared>> -> memref<10240x128xf32, #tpu.memory_space<vmem_shared>>
      tpu.wait_indirect_dma semaphore(%arg14 : memref<!tpu.dma_semaphore, #tpu.memory_space<semaphore_mem>>) src(%arg9 : memref<64x128xf32, #tpu.memory_space<vmem>>) dst(%dma_wait3A_244 : memref<10240x128xf32, #tpu.memory_space<vmem_shared>>)
      %dma_wait3A_245 = arith.constant 0 : i32
      %dma_wait3A_246 = arith.constant 0 : i32
      %dma_wait3A_247 = tpu.memref_slice %arg8[%dma_wait3A_245, %dma_wait3A_246] : memref<16x64xi32, #tpu.memory_space<vmem>> -> memref<1x64xi32, #tpu.memory_space<vmem>>
      %dma_wait3A_248 = tpu.memref_squeeze %dma_wait3A_247 : memref<1x64xi32, #tpu.memory_space<vmem>> -> memref<64xi32, #tpu.memory_space<vmem>>
      %dma_wait3A_249 = arith.constant 0 : i32
      %dma_wait3A_250 = arith.constant 0 : i32
      %dma_wait3A_251 = tpu.memref_slice %arg12[%dma_wait3A_249, %dma_wait3A_250] : memref<10240x128xf32, #tpu.memory_space<vmem_shared>> -> memref<10240x128xf32, #tpu.memory_space<vmem_shared>>
      tpu.wait_indirect_dma semaphore(%arg14 : memref<!tpu.dma_semaphore, #tpu.memory_space<semaphore_mem>>) src(%arg9 : memref<64x128xf32, #tpu.memory_space<vmem>>) dst(%dma_wait3A_251 : memref<10240x128xf32, #tpu.memory_space<vmem_shared>>)
      %dma_wait3A_252 = arith.constant 0 : i32
      %dma_wait3A_253 = arith.constant 0 : i32
      %dma_wait3A_254 = tpu.memref_slice %arg8[%dma_wait3A_252, %dma_wait3A_253] : memref<16x64xi32, #tpu.memory_space<vmem>> -> memref<1x64xi32, #tpu.memory_space<vmem>>
      %dma_wait3A_255 = tpu.memref_squeeze %dma_wait3A_254 : memref<1x64xi32, #tpu.memory_space<vmem>> -> memref<64xi32, #tpu.memory_space<vmem>>
      %dma_wait3A_256 = arith.constant 0 : i32
      %dma_wait3A_257 = arith.constant 0 : i32
      %dma_wait3A_258 = tpu.memref_slice %arg12[%dma_wait3A_256, %dma_wait3A_257] : memref<10240x128xf32, #tpu.memory_space<vmem_shared>> -> memref<10240x128xf32, #tpu.memory_space<vmem_shared>>
      tpu.wait_indirect_dma semaphore(%arg14 : memref<!tpu.dma_semaphore, #tpu.memory_space<semaphore_mem>>) src(%arg9 : memref<64x128xf32, #tpu.memory_space<vmem>>) dst(%dma_wait3A_258 : memref<10240x128xf32, #tpu.memory_space<vmem_shared>>)
      %dma_wait3A_259 = arith.constant 0 : i32
      %dma_wait3A_260 = arith.constant 0 : i32
      %dma_wait3A_261 = tpu.memref_slice %arg8[%dma_wait3A_259, %dma_wait3A_260] : memref<16x64xi32, #tpu.memory_space<vmem>> -> memref<1x64xi32, #tpu.memory_space<vmem>>
      %dma_wait3A_262 = tpu.memref_squeeze %dma_wait3A_261 : memref<1x64xi32, #tpu.memory_space<vmem>> -> memref<64xi32, #tpu.memory_space<vmem>>
      %dma_wait3A_263 = arith.constant 0 : i32
      %dma_wait3A_264 = arith.constant 0 : i32
      %dma_wait3A_265 = tpu.memref_slice %arg12[%dma_wait3A_263, %dma_wait3A_264] : memref<10240x128xf32, #tpu.memory_space<vmem_shared>> -> memref<10240x128xf32, #tpu.memory_space<vmem_shared>>
      tpu.wait_indirect_dma semaphore(%arg14 : memref<!tpu.dma_semaphore, #tpu.memory_space<semaphore_mem>>) src(%arg9 : memref<64x128xf32, #tpu.memory_space<vmem>>) dst(%dma_wait3A_265 : memref<10240x128xf32, #tpu.memory_space<vmem_shared>>)
      %dma_wait3A_266 = arith.constant 0 : i32
      %dma_wait3A_267 = arith.constant 0 : i32
      %dma_wait3A_268 = tpu.memref_slice %arg8[%dma_wait3A_266, %dma_wait3A_267] : memref<16x64xi32, #tpu.memory_space<vmem>> -> memref<1x64xi32, #tpu.memory_space<vmem>>
      %dma_wait3A_269 = tpu.memref_squeeze %dma_wait3A_268 : memref<1x64xi32, #tpu.memory_space<vmem>> -> memref<64xi32, #tpu.memory_space<vmem>>
      %dma_wait3A_270 = arith.constant 0 : i32
      %dma_wait3A_271 = arith.constant 0 : i32
      %dma_wait3A_272 = tpu.memref_slice %arg12[%dma_wait3A_270, %dma_wait3A_271] : memref<10240x128xf32, #tpu.memory_space<vmem_shared>> -> memref<10240x128xf32, #tpu.memory_space<vmem_shared>>
      tpu.wait_indirect_dma semaphore(%arg14 : memref<!tpu.dma_semaphore, #tpu.memory_space<semaphore_mem>>) src(%arg9 : memref<64x128xf32, #tpu.memory_space<vmem>>) dst(%dma_wait3A_272 : memref<10240x128xf32, #tpu.memory_space<vmem_shared>>)
      %dma_wait3A_273 = arith.constant 0 : i32
      %dma_wait3A_274 = arith.constant 0 : i32
      %dma_wait3A_275 = tpu.memref_slice %arg8[%dma_wait3A_273, %dma_wait3A_274] : memref<16x64xi32, #tpu.memory_space<vmem>> -> memref<1x64xi32, #tpu.memory_space<vmem>>
      %dma_wait3A_276 = tpu.memref_squeeze %dma_wait3A_275 : memref<1x64xi32, #tpu.memory_space<vmem>> -> memref<64xi32, #tpu.memory_space<vmem>>
      %dma_wait3A_277 = arith.constant 0 : i32
      %dma_wait3A_278 = arith.constant 0 : i32
      %dma_wait3A_279 = tpu.memref_slice %arg12[%dma_wait3A_277, %dma_wait3A_278] : memref<10240x128xf32, #tpu.memory_space<vmem_shared>> -> memref<10240x128xf32, #tpu.memory_space<vmem_shared>>
      tpu.wait_indirect_dma semaphore(%arg14 : memref<!tpu.dma_semaphore, #tpu.memory_space<semaphore_mem>>) src(%arg9 : memref<64x128xf32, #tpu.memory_space<vmem>>) dst(%dma_wait3A_279 : memref<10240x128xf32, #tpu.memory_space<vmem_shared>>)
      %dma_wait3A_280 = arith.constant 0 : i32
      %dma_wait3A_281 = arith.constant 0 : i32
      %dma_wait3A_282 = tpu.memref_slice %arg8[%dma_wait3A_280, %dma_wait3A_281] : memref<16x64xi32, #tpu.memory_space<vmem>> -> memref<1x64xi32, #tpu.memory_space<vmem>>
      %dma_wait3A_283 = tpu.memref_squeeze %dma_wait3A_282 : memref<1x64xi32, #tpu.memory_space<vmem>> -> memref<64xi32, #tpu.memory_space<vmem>>
      %dma_wait3A_284 = arith.constant 0 : i32
      %dma_wait3A_285 = arith.constant 0 : i32
      %dma_wait3A_286 = tpu.memref_slice %arg12[%dma_wait3A_284, %dma_wait3A_285] : memref<10240x128xf32, #tpu.memory_space<vmem_shared>> -> memref<10240x128xf32, #tpu.memory_space<vmem_shared>>
      tpu.wait_indirect_dma semaphore(%arg14 : memref<!tpu.dma_semaphore, #tpu.memory_space<semaphore_mem>>) src(%arg9 : memref<64x128xf32, #tpu.memory_space<vmem>>) dst(%dma_wait3A_286 : memref<10240x128xf32, #tpu.memory_space<vmem_shared>>)
    }
    %scan3A_24 = arith.constant 10 : i32
    %barrier3A_25 = arith.constant 0 : index
    tpu.barrier barrier_id(%barrier3A_25)
    %scan3A_26 = arith.constant 0 : i32
    %scan3A_27 = arith.constant 0 : i32
    %scan3A_28 = arith.constant 10 : i32
    %scan3A_29 = arith.addi %scan3A_27, %scan3A_28 : i32
    %scan3A_30 = arith.constant 1 : i32
    scf.for %scan3A_59 = %scan3A_27 to %scan3A_29 step %scan3A_30  : i32 {
      %mul3A_60 = arith.constant 640 : i32
      %mul3A_61 = arith.muli %arg1, %mul3A_60 : i32
      %mul3A_62 = arith.constant 64 : i32
      %mul3A_63 = arith.muli %scan3A_59, %mul3A_62 : i32
      %add3A_64 = arith.addi %mul3A_61, %mul3A_63 : i32
      "tpu.region"() ({
        %run_scoped3A = tpu.sem_alloc : memref<!tpu.dma_semaphore, #tpu.memory_space<semaphore_mem>>
        %dma_start3A = arith.constant 0 : i32
        %dma_start3A_65 = arith.constant 0 : i32
        %dma_start3A_66 = tpu.memref_slice %arg10[%dma_start3A, %dma_start3A_65] : memref<64x128xf32, #tpu.memory_space<vmem>> -> memref<64x128xf32, #tpu.memory_space<vmem>>
        %dma_start3A_67 = arith.constant 0 : i32
        %dma_start3A_68 = tpu.memref_slice %arg12[%add3A_64, %dma_start3A_67] : memref<10240x128xf32, #tpu.memory_space<vmem_shared>> -> memref<64x128xf32, #tpu.memory_space<vmem_shared>>
        %dma_start3A_69 = arith.constant 0 : i32
        %dma_start3A_70 = arith.constant 0 : i32
        %dma_start3A_71 = tpu.memref_slice %arg10[%dma_start3A_69, %dma_start3A_70] : memref<64x128xf32, #tpu.memory_space<vmem>> -> memref<64x128xf32, #tpu.memory_space<vmem>>
        %dma_start3A_72 = arith.constant 0 : i32
        %dma_start3A_73 = tpu.memref_slice %arg12[%add3A_64, %dma_start3A_72] : memref<10240x128xf32, #tpu.memory_space<vmem_shared>> -> memref<64x128xf32, #tpu.memory_space<vmem_shared>>
        tpu.enqueue_dma source(%dma_start3A_73 : memref<64x128xf32, #tpu.memory_space<vmem_shared>>) target(%dma_start3A_71 : memref<64x128xf32, #tpu.memory_space<vmem>>) target_semaphore(%run_scoped3A : memref<!tpu.dma_semaphore, #tpu.memory_space<semaphore_mem>>)
        %dma_wait3A = arith.constant 0 : i32
        %dma_wait3A_74 = arith.constant 0 : i32
        %dma_wait3A_75 = tpu.memref_slice %arg10[%dma_wait3A, %dma_wait3A_74] : memref<64x128xf32, #tpu.memory_space<vmem>> -> memref<64x128xf32, #tpu.memory_space<vmem>>
        %dma_wait3A_76 = arith.constant 0 : i32
        %dma_wait3A_77 = tpu.memref_slice %arg12[%add3A_64, %dma_wait3A_76] : memref<10240x128xf32, #tpu.memory_space<vmem_shared>> -> memref<64x128xf32, #tpu.memory_space<vmem_shared>>
        %dma_wait3A_78 = arith.constant 0 : i32
        %dma_wait3A_79 = arith.constant 0 : i32
        %dma_wait3A_80 = tpu.memref_slice %arg10[%dma_wait3A_78, %dma_wait3A_79] : memref<64x128xf32, #tpu.memory_space<vmem>> -> memref<64x128xf32, #tpu.memory_space<vmem>>
        %dma_wait3A_81 = arith.constant 0 : i32
        %dma_wait3A_82 = tpu.memref_slice %arg12[%add3A_64, %dma_wait3A_81] : memref<10240x128xf32, #tpu.memory_space<vmem_shared>> -> memref<64x128xf32, #tpu.memory_space<vmem_shared>>
        tpu.wait_dma2 semaphore(%run_scoped3A : memref<!tpu.dma_semaphore, #tpu.memory_space<semaphore_mem>>) src(%dma_wait3A_82 : memref<64x128xf32, #tpu.memory_space<vmem_shared>>) dst(%dma_wait3A_80 : memref<64x128xf32, #tpu.memory_space<vmem>>)
        tpu.yield
      }) : () -> ()
      "tpu.region"() ({
        %run_scoped3A = tpu.sem_alloc : memref<!tpu.dma_semaphore, #tpu.memory_space<semaphore_mem>>
        %dma_start3A = arith.constant 0 : i32
        %dma_start3A_65 = arith.constant 0 : i32
        %dma_start3A_66 = tpu.memref_slice %arg10[%dma_start3A, %dma_start3A_65] : memref<64x128xf32, #tpu.memory_space<vmem>> -> memref<64x128xf32, #tpu.memory_space<vmem>>
        %dma_start3A_67 = arith.constant 0 : i32
        %dma_start3A_68 = tpu.memref_slice %arg6[%arg0, %add3A_64, %dma_start3A_67] : memref<2x10240x128xf32, #tpu.memory_space<hbm>> -> memref<1x64x128xf32, #tpu.memory_space<hbm>>
        %dma_start3A_69 = tpu.memref_squeeze %dma_start3A_68 : memref<1x64x128xf32, #tpu.memory_space<hbm>> -> memref<64x128xf32, #tpu.memory_space<hbm>>
        %dma_start3A_70 = arith.constant 0 : i32
        %dma_start3A_71 = tpu.memref_slice %arg6[%arg0, %add3A_64, %dma_start3A_70] : memref<2x10240x128xf32, #tpu.memory_space<hbm>> -> memref<1x64x128xf32, #tpu.memory_space<hbm>>
        %dma_start3A_72 = tpu.memref_squeeze %dma_start3A_71 : memref<1x64x128xf32, #tpu.memory_space<hbm>> -> memref<64x128xf32, #tpu.memory_space<hbm>>
        %dma_start3A_73 = arith.constant 0 : i32
        %dma_start3A_74 = arith.constant 0 : i32
        %dma_start3A_75 = tpu.memref_slice %arg10[%dma_start3A_73, %dma_start3A_74] : memref<64x128xf32, #tpu.memory_space<vmem>> -> memref<64x128xf32, #tpu.memory_space<vmem>>
        tpu.enqueue_dma source(%dma_start3A_75 : memref<64x128xf32, #tpu.memory_space<vmem>>) target(%dma_start3A_72 : memref<64x128xf32, #tpu.memory_space<hbm>>) target_semaphore(%run_scoped3A : memref<!tpu.dma_semaphore, #tpu.memory_space<semaphore_mem>>)
        %dma_wait3A = arith.constant 0 : i32
        %dma_wait3A_76 = arith.constant 0 : i32
        %dma_wait3A_77 = tpu.memref_slice %arg10[%dma_wait3A, %dma_wait3A_76] : memref<64x128xf32, #tpu.memory_space<vmem>> -> memref<64x128xf32, #tpu.memory_space<vmem>>
        %dma_wait3A_78 = arith.constant 0 : i32
        %dma_wait3A_79 = tpu.memref_slice %arg6[%arg0, %add3A_64, %dma_wait3A_78] : memref<2x10240x128xf32, #tpu.memory_space<hbm>> -> memref<1x64x128xf32, #tpu.memory_space<hbm>>
        %dma_wait3A_80 = tpu.memref_squeeze %dma_wait3A_79 : memref<1x64x128xf32, #tpu.memory_space<hbm>> -> memref<64x128xf32, #tpu.memory_space<hbm>>
        %dma_wait3A_81 = arith.constant 0 : i32
        %dma_wait3A_82 = tpu.memref_slice %arg6[%arg0, %add3A_64, %dma_wait3A_81] : memref<2x10240x128xf32, #tpu.memory_space<hbm>> -> memref<1x64x128xf32, #tpu.memory_space<hbm>>
        %dma_wait3A_83 = tpu.memref_squeeze %dma_wait3A_82 : memref<1x64x128xf32, #tpu.memory_space<hbm>> -> memref<64x128xf32, #tpu.memory_space<hbm>>
        %dma_wait3A_84 = arith.constant 0 : i32
        %dma_wait3A_85 = arith.constant 0 : i32
        %dma_wait3A_86 = tpu.memref_slice %arg10[%dma_wait3A_84, %dma_wait3A_85] : memref<64x128xf32, #tpu.memory_space<vmem>> -> memref<64x128xf32, #tpu.memory_space<vmem>>
        tpu.wait_dma2 semaphore(%run_scoped3A : memref<!tpu.dma_semaphore, #tpu.memory_space<semaphore_mem>>) src(%dma_wait3A_86 : memref<64x128xf32, #tpu.memory_space<vmem>>) dst(%dma_wait3A_83 : memref<64x128xf32, #tpu.memory_space<hbm>>)
        tpu.yield
      }) : () -> ()
    }
    %scan3A_31 = arith.constant 10 : i32
    %barrier3A_32 = arith.constant 0 : index
    tpu.barrier barrier_id(%barrier3A_32)
    %scan3A_33 = arith.constant 0 : i32
    %scan3A_34 = arith.constant 0 : i32
    %scan3A_35 = arith.constant 64 : i32
    %scan3A_36 = arith.addi %scan3A_34, %scan3A_35 : i32
    %scan3A_37 = arith.constant 1 : i32
    scf.for %scan3A_59 = %scan3A_34 to %scan3A_36 step %scan3A_37  : i32 {
      %add3A_60 = arith.constant 0.000000e+00 : f32
      %add3A_61 = vector.broadcast %add3A_60 : f32 to vector<16xf32>
      %add3A_62 = arith.addf %broadcast_in_dim3A_1, %add3A_61 : vector<16xf32>
      %swap3A = arith.index_cast %scan3A_59 : i32 to index
      %swap3A_63 = arith.constant 0 : index
      %swap3A_64 = tpu.vector_load %arg9[%swap3A, %swap3A_63] {strides = array<i32>} : memref<64x128xf32, #tpu.memory_space<vmem>>, vector<1x16xf32>,
      %swap3A_65 = vector.shape_cast %swap3A_64 : vector<1x16xf32> to vector<16xf32>
      %swap3A_66 = vector.shape_cast %add3A_62 : vector<16xf32> to vector<1x16xf32>
      tpu.vector_store %arg9[%swap3A, %swap3A_63], %swap3A_66 {strides = array<i32>} : memref<64x128xf32, #tpu.memory_space<vmem>>, vector<1x16xf32>,
      %add3A_67 = arith.constant 0.000000e+00 : f32
      %add3A_68 = vector.broadcast %add3A_67 : f32 to vector<16xf32>
      %add3A_69 = arith.addf %broadcast_in_dim3A_1, %add3A_68 : vector<16xf32>
      %swap3A_70 = arith.index_cast %scan3A_59 : i32 to index
      %swap3A_71 = arith.constant 16 : index
      %swap3A_72 = tpu.vector_load %arg9[%swap3A_70, %swap3A_71] {strides = array<i32>} : memref<64x128xf32, #tpu.memory_space<vmem>>, vector<1x16xf32>,
      %swap3A_73 = vector.shape_cast %swap3A_72 : vector<1x16xf32> to vector<16xf32>
      %swap3A_74 = vector.shape_cast %add3A_69 : vector<16xf32> to vector<1x16xf32>
      tpu.vector_store %arg9[%swap3A_70, %swap3A_71], %swap3A_74 {strides = array<i32>} : memref<64x128xf32, #tpu.memory_space<vmem>>, vector<1x16xf32>,
      %add3A_75 = arith.constant 0.000000e+00 : f32
      %add3A_76 = vector.broadcast %add3A_75 : f32 to vector<16xf32>
      %add3A_77 = arith.addf %broadcast_in_dim3A_1, %add3A_76 : vector<16xf32>
      %swap3A_78 = arith.index_cast %scan3A_59 : i32 to index
      %swap3A_79 = arith.constant 32 : index
      %swap3A_80 = tpu.vector_load %arg9[%swap3A_78, %swap3A_79] {strides = array<i32>} : memref<64x128xf32, #tpu.memory_space<vmem>>, vector<1x16xf32>,
      %swap3A_81 = vector.shape_cast %swap3A_80 : vector<1x16xf32> to vector<16xf32>
      %swap3A_82 = vector.shape_cast %add3A_77 : vector<16xf32> to vector<1x16xf32>
      tpu.vector_store %arg9[%swap3A_78, %swap3A_79], %swap3A_82 {strides = array<i32>} : memref<64x128xf32, #tpu.memory_space<vmem>>, vector<1x16xf32>,
      %add3A_83 = arith.constant 0.000000e+00 : f32
      %add3A_84 = vector.broadcast %add3A_83 : f32 to vector<16xf32>
      %add3A_85 = arith.addf %broadcast_in_dim3A_1, %add3A_84 : vector<16xf32>
      %swap3A_86 = arith.index_cast %scan3A_59 : i32 to index
      %swap3A_87 = arith.constant 48 : index
      %swap3A_88 = tpu.vector_load %arg9[%swap3A_86, %swap3A_87] {strides = array<i32>} : memref<64x128xf32, #tpu.memory_space<vmem>>, vector<1x16xf32>,
      %swap3A_89 = vector.shape_cast %swap3A_88 : vector<1x16xf32> to vector<16xf32>
      %swap3A_90 = vector.shape_cast %add3A_85 : vector<16xf32> to vector<1x16xf32>
      tpu.vector_store %arg9[%swap3A_86, %swap3A_87], %swap3A_90 {strides = array<i32>} : memref<64x128xf32, #tpu.memory_space<vmem>>, vector<1x16xf32>,
      %add3A_91 = arith.constant 0.000000e+00 : f32
      %add3A_92 = vector.broadcast %add3A_91 : f32 to vector<16xf32>
      %add3A_93 = arith.addf %broadcast_in_dim3A_1, %add3A_92 : vector<16xf32>
      %swap3A_94 = arith.index_cast %scan3A_59 : i32 to index
      %swap3A_95 = arith.constant 64 : index
      %swap3A_96 = tpu.vector_load %arg9[%swap3A_94, %swap3A_95] {strides = array<i32>} : memref<64x128xf32, #tpu.memory_space<vmem>>, vector<1x16xf32>,
      %swap3A_97 = vector.shape_cast %swap3A_96 : vector<1x16xf32> to vector<16xf32>
      %swap3A_98 = vector.shape_cast %add3A_93 : vector<16xf32> to vector<1x16xf32>
      tpu.vector_store %arg9[%swap3A_94, %swap3A_95], %swap3A_98 {strides = array<i32>} : memref<64x128xf32, #tpu.memory_space<vmem>>, vector<1x16xf32>,
      %add3A_99 = arith.constant 0.000000e+00 : f32
      %add3A_100 = vector.broadcast %add3A_99 : f32 to vector<16xf32>
      %add3A_101 = arith.addf %broadcast_in_dim3A_1, %add3A_100 : vector<16xf32>
      %swap3A_102 = arith.index_cast %scan3A_59 : i32 to index
      %swap3A_103 = arith.constant 80 : index
      %swap3A_104 = tpu.vector_load %arg9[%swap3A_102, %swap3A_103] {strides = array<i32>} : memref<64x128xf32, #tpu.memory_space<vmem>>, vector<1x16xf32>,
      %swap3A_105 = vector.shape_cast %swap3A_104 : vector<1x16xf32> to vector<16xf32>
      %swap3A_106 = vector.shape_cast %add3A_101 : vector<16xf32> to vector<1x16xf32>
      tpu.vector_store %arg9[%swap3A_102, %swap3A_103], %swap3A_106 {strides = array<i32>} : memref<64x128xf32, #tpu.memory_space<vmem>>, vector<1x16xf32>,
      %add3A_107 = arith.constant 0.000000e+00 : f32
      %add3A_108 = vector.broadcast %add3A_107 : f32 to vector<16xf32>
      %add3A_109 = arith.addf %broadcast_in_dim3A_1, %add3A_108 : vector<16xf32>
      %swap3A_110 = arith.index_cast %scan3A_59 : i32 to index
      %swap3A_111 = arith.constant 96 : index
      %swap3A_112 = tpu.vector_load %arg9[%swap3A_110, %swap3A_111] {strides = array<i32>} : memref<64x128xf32, #tpu.memory_space<vmem>>, vector<1x16xf32>,
      %swap3A_113 = vector.shape_cast %swap3A_112 : vector<1x16xf32> to vector<16xf32>
      %swap3A_114 = vector.shape_cast %add3A_109 : vector<16xf32> to vector<1x16xf32>
      tpu.vector_store %arg9[%swap3A_110, %swap3A_111], %swap3A_114 {strides = array<i32>} : memref<64x128xf32, #tpu.memory_space<vmem>>, vector<1x16xf32>,
      %add3A_115 = arith.constant 0.000000e+00 : f32
      %add3A_116 = vector.broadcast %add3A_115 : f32 to vector<16xf32>
      %add3A_117 = arith.addf %broadcast_in_dim3A_1, %add3A_116 : vector<16xf32>
      %swap3A_118 = arith.index_cast %scan3A_59 : i32 to index
      %swap3A_119 = arith.constant 112 : index
      %swap3A_120 = tpu.vector_load %arg9[%swap3A_118, %swap3A_119] {strides = array<i32>} : memref<64x128xf32, #tpu.memory_space<vmem>>, vector<1x16xf32>,
      %swap3A_121 = vector.shape_cast %swap3A_120 : vector<1x16xf32> to vector<16xf32>
      %swap3A_122 = vector.shape_cast %add3A_117 : vector<16xf32> to vector<1x16xf32>
      tpu.vector_store %arg9[%swap3A_118, %swap3A_119], %swap3A_122 {strides = array<i32>} : memref<64x128xf32, #tpu.memory_space<vmem>>, vector<1x16xf32>,
    }
    %scan3A_38 = arith.constant 64 : i32
    %scan3A_39 = arith.constant 0 : i32
    %scan3A_40 = arith.constant 0 : i32
    %scan3A_41 = arith.constant 10 : i32
    %scan3A_42 = arith.addi %scan3A_40, %scan3A_41 : i32
    %scan3A_43 = arith.constant 1 : i32
    scf.for %scan3A_59 = %scan3A_40 to %scan3A_42 step %scan3A_43  : i32 {
      %mul3A_60 = arith.constant 640 : i32
      %mul3A_61 = arith.muli %arg1, %mul3A_60 : i32
      %mul3A_62 = arith.constant 64 : i32
      %mul3A_63 = arith.muli %scan3A_59, %mul3A_62 : i32
      %add3A_64 = arith.addi %mul3A_61, %mul3A_63 : i32
      "tpu.region"() ({
        %run_scoped3A = tpu.sem_alloc : memref<!tpu.dma_semaphore, #tpu.memory_space<semaphore_mem>>
        %dma_start3A = arith.constant 0 : i32
        %dma_start3A_65 = arith.constant 0 : i32
        %dma_start3A_66 = tpu.memref_slice %arg9[%dma_start3A, %dma_start3A_65] : memref<64x128xf32, #tpu.memory_space<vmem>> -> memref<64x128xf32, #tpu.memory_space<vmem>>
        %dma_start3A_67 = arith.constant 0 : i32
        %dma_start3A_68 = tpu.memref_slice %arg12[%add3A_64, %dma_start3A_67] : memref<10240x128xf32, #tpu.memory_space<vmem_shared>> -> memref<64x128xf32, #tpu.memory_space<vmem_shared>>
        %dma_start3A_69 = arith.constant 0 : i32
        %dma_start3A_70 = tpu.memref_slice %arg12[%add3A_64, %dma_start3A_69] : memref<10240x128xf32, #tpu.memory_space<vmem_shared>> -> memref<64x128xf32, #tpu.memory_space<vmem_shared>>
        %dma_start3A_71 = arith.constant 0 : i32
        %dma_start3A_72 = arith.constant 0 : i32
        %dma_start3A_73 = tpu.memref_slice %arg9[%dma_start3A_71, %dma_start3A_72] : memref<64x128xf32, #tpu.memory_space<vmem>> -> memref<64x128xf32, #tpu.memory_space<vmem>>
        tpu.enqueue_dma source(%dma_start3A_73 : memref<64x128xf32, #tpu.memory_space<vmem>>) target(%dma_start3A_70 : memref<64x128xf32, #tpu.memory_space<vmem_shared>>) target_semaphore(%run_scoped3A : memref<!tpu.dma_semaphore, #tpu.memory_space<semaphore_mem>>)
        %dma_wait3A = arith.constant 0 : i32
        %dma_wait3A_74 = arith.constant 0 : i32
        %dma_wait3A_75 = tpu.memref_slice %arg9[%dma_wait3A, %dma_wait3A_74] : memref<64x128xf32, #tpu.memory_space<vmem>> -> memref<64x128xf32, #tpu.memory_space<vmem>>
        %dma_wait3A_76 = arith.constant 0 : i32
        %dma_wait3A_77 = tpu.memref_slice %arg12[%add3A_64, %dma_wait3A_76] : memref<10240x128xf32, #tpu.memory_space<vmem_shared>> -> memref<64x128xf32, #tpu.memory_space<vmem_shared>>
        %dma_wait3A_78 = arith.constant 0 : i32
        %dma_wait3A_79 = tpu.memref_slice %arg12[%add3A_64, %dma_wait3A_78] : memref<10240x128xf32, #tpu.memory_space<vmem_shared>> -> memref<64x128xf32, #tpu.memory_space<vmem_shared>>
        %dma_wait3A_80 = arith.constant 0 : i32
        %dma_wait3A_81 = arith.constant 0 : i32
        %dma_wait3A_82 = tpu.memref_slice %arg9[%dma_wait3A_80, %dma_wait3A_81] : memref<64x128xf32, #tpu.memory_space<vmem>> -> memref<64x128xf32, #tpu.memory_space<vmem>>
        tpu.wait_dma2 semaphore(%run_scoped3A : memref<!tpu.dma_semaphore, #tpu.memory_space<semaphore_mem>>) src(%dma_wait3A_82 : memref<64x128xf32, #tpu.memory_space<vmem>>) dst(%dma_wait3A_79 : memref<64x128xf32, #tpu.memory_space<vmem_shared>>)
        tpu.yield
      }) : () -> ()
    }
    %scan3A_44 = arith.constant 10 : i32
    %barrier3A_45 = arith.constant 0 : index
    tpu.barrier barrier_id(%barrier3A_45)
    %scan3A_46 = arith.constant 0 : i32
    %scan3A_47 = arith.constant 0 : i32
    %scan3A_48 = arith.constant 10 : i32
    %scan3A_49 = arith.addi %scan3A_47, %scan3A_48 : i32
    %scan3A_50 = arith.constant 1 : i32
    scf.for %scan3A_59 = %scan3A_47 to %scan3A_49 step %scan3A_50  : i32 {
      %mul3A_60 = arith.constant 160 : i32
      %mul3A_61 = arith.muli %add3A, %mul3A_60 : i32
      %mul3A_62 = arith.constant 16 : i32
      %mul3A_63 = arith.muli %scan3A_59, %mul3A_62 : i32
      %add3A_64 = arith.addi %mul3A_61, %mul3A_63 : i32
      "tpu.region"() ({
        %run_scoped3A = tpu.sem_alloc : memref<!tpu.dma_semaphore, #tpu.memory_space<semaphore_mem>>
        %dma_start3A_511 = arith.constant 0 : i32
        %dma_start3A_512 = tpu.memref_slice %arg3[%add3A_64, %dma_start3A_511] : memref<5120x64xi32, #tpu.memory_space<hbm>> -> memref<16x64xi32, #tpu.memory_space<hbm>>
        %dma_start3A_513 = arith.constant 0 : i32
        %dma_start3A_514 = tpu.memref_slice %arg3[%add3A_64, %dma_start3A_513] : memref<5120x64xi32, #tpu.memory_space<hbm>> -> memref<16x64xi32, #tpu.memory_space<hbm>>
        tpu.enqueue_dma source(%dma_start3A_514 : memref<16x64xi32, #tpu.memory_space<hbm>>) target(%arg7 : memref<16x64xi32, #tpu.memory_space<vmem>>) target_semaphore(%run_scoped3A : memref<!tpu.dma_semaphore, #tpu.memory_space<semaphore_mem>>)
        %dma_wait3A_515 = arith.constant 0 : i32
        %dma_wait3A_516 = tpu.memref_slice %arg3[%add3A_64, %dma_wait3A_515] : memref<5120x64xi32, #tpu.memory_space<hbm>> -> memref<16x64xi32, #tpu.memory_space<hbm>>
        %dma_wait3A_517 = arith.constant 0 : i32
        %dma_wait3A_518 = tpu.memref_slice %arg3[%add3A_64, %dma_wait3A_517] : memref<5120x64xi32, #tpu.memory_space<hbm>> -> memref<16x64xi32, #tpu.memory_space<hbm>>
        tpu.wait_dma2 semaphore(%run_scoped3A : memref<!tpu.dma_semaphore, #tpu.memory_space<semaphore_mem>>) src(%dma_wait3A_518 : memref<16x64xi32, #tpu.memory_space<hbm>>) dst(%arg7 : memref<16x64xi32, #tpu.memory_space<vmem>>)
        tpu.yield
      }) : () -> ()
      "tpu.region"() ({
        %run_scoped3A = tpu.sem_alloc : memref<!tpu.dma_semaphore, #tpu.memory_space<semaphore_mem>>
        %dma_start3A_511 = arith.constant 0 : i32
        %dma_start3A_512 = tpu.memref_slice %arg4[%add3A_64, %dma_start3A_511] : memref<5120x64xi32, #tpu.memory_space<hbm>> -> memref<16x64xi32, #tpu.memory_space<hbm>>
        %dma_start3A_513 = arith.constant 0 : i32
        %dma_start3A_514 = tpu.memref_slice %arg4[%add3A_64, %dma_start3A_513] : memref<5120x64xi32, #tpu.memory_space<hbm>> -> memref<16x64xi32, #tpu.memory_space<hbm>>
        tpu.enqueue_dma source(%dma_start3A_514 : memref<16x64xi32, #tpu.memory_space<hbm>>) target(%arg8 : memref<16x64xi32, #tpu.memory_space<vmem>>) target_semaphore(%run_scoped3A : memref<!tpu.dma_semaphore, #tpu.memory_space<semaphore_mem>>)
        %dma_wait3A_515 = arith.constant 0 : i32
        %dma_wait3A_516 = tpu.memref_slice %arg4[%add3A_64, %dma_wait3A_515] : memref<5120x64xi32, #tpu.memory_space<hbm>> -> memref<16x64xi32, #tpu.memory_space<hbm>>
        %dma_wait3A_517 = arith.constant 0 : i32
        %dma_wait3A_518 = tpu.memref_slice %arg4[%add3A_64, %dma_wait3A_517] : memref<5120x64xi32, #tpu.memory_space<hbm>> -> memref<16x64xi32, #tpu.memory_space<hbm>>
        tpu.wait_dma2 semaphore(%run_scoped3A : memref<!tpu.dma_semaphore, #tpu.memory_space<semaphore_mem>>) src(%dma_wait3A_518 : memref<16x64xi32, #tpu.memory_space<hbm>>) dst(%arg8 : memref<16x64xi32, #tpu.memory_space<vmem>>)
        tpu.yield
      }) : () -> ()
      %dma_start3A = arith.constant 0 : i32
      %dma_start3A_65 = arith.constant 0 : i32
      %dma_start3A_66 = tpu.memref_slice %arg7[%dma_start3A, %dma_start3A_65] : memref<16x64xi32, #tpu.memory_space<vmem>> -> memref<1x64xi32, #tpu.memory_space<vmem>>
      %dma_start3A_67 = tpu.memref_squeeze %dma_start3A_66 : memref<1x64xi32, #tpu.memory_space<vmem>> -> memref<64xi32, #tpu.memory_space<vmem>>
      %dma_start3A_68 = arith.constant 0 : i32
      %dma_start3A_69 = arith.constant 0 : i32
      %dma_start3A_70 = tpu.memref_slice %arg2[%dma_start3A_68, %dma_start3A_69] : memref<10000x128xf32, #tpu.memory_space<hbm>> -> memref<10000x128xf32, #tpu.memory_space<hbm>>
      tpu.enqueue_indirect_dma source(%dma_start3A_70 : memref<10000x128xf32, #tpu.memory_space<hbm>>) target(%arg9 : memref<64x128xf32, #tpu.memory_space<vmem>>) offsets(%dma_start3A_67 : memref<64xi32, #tpu.memory_space<vmem>>) semaphore(%arg13 : memref<!tpu.dma_semaphore, #tpu.memory_space<semaphore_mem>>)
      %dma_start3A_71 = arith.constant 1 : i32
      %dma_start3A_72 = arith.constant 0 : i32
      %dma_start3A_73 = tpu.memref_slice %arg7[%dma_start3A_71, %dma_start3A_72] : memref<16x64xi32, #tpu.memory_space<vmem>> -> memref<1x64xi32, #tpu.memory_space<vmem>>
      %dma_start3A_74 = tpu.memref_squeeze %dma_start3A_73 : memref<1x64xi32, #tpu.memory_space<vmem>> -> memref<64xi32, #tpu.memory_space<vmem>>
      %dma_start3A_75 = arith.constant 0 : i32
      %dma_start3A_76 = arith.constant 0 : i32
      %dma_start3A_77 = tpu.memref_slice %arg2[%dma_start3A_75, %dma_start3A_76] : memref<10000x128xf32, #tpu.memory_space<hbm>> -> memref<10000x128xf32, #tpu.memory_space<hbm>>
      tpu.enqueue_indirect_dma source(%dma_start3A_77 : memref<10000x128xf32, #tpu.memory_space<hbm>>) target(%arg10 : memref<64x128xf32, #tpu.memory_space<vmem>>) offsets(%dma_start3A_74 : memref<64xi32, #tpu.memory_space<vmem>>) semaphore(%arg13 : memref<!tpu.dma_semaphore, #tpu.memory_space<semaphore_mem>>)
      %dma_wait3A = arith.constant 0 : i32
      %dma_wait3A_78 = arith.constant 0 : i32
      %dma_wait3A_79 = tpu.memref_slice %arg7[%dma_wait3A, %dma_wait3A_78] : memref<16x64xi32, #tpu.memory_space<vmem>> -> memref<1x64xi32, #tpu.memory_space<vmem>>
      %dma_wait3A_80 = tpu.memref_squeeze %dma_wait3A_79 : memref<1x64xi32, #tpu.memory_space<vmem>> -> memref<64xi32, #tpu.memory_space<vmem>>
      %dma_wait3A_81 = arith.constant 0 : i32
      %dma_wait3A_82 = arith.constant 0 : i32
      %dma_wait3A_83 = tpu.memref_slice %arg2[%dma_wait3A_81, %dma_wait3A_82] : memref<10000x128xf32, #tpu.memory_space<hbm>> -> memref<10000x128xf32, #tpu.memory_space<hbm>>
      tpu.wait_indirect_dma semaphore(%arg13 : memref<!tpu.dma_semaphore, #tpu.memory_space<semaphore_mem>>) src(%dma_wait3A_83 : memref<10000x128xf32, #tpu.memory_space<hbm>>) dst(%arg9 : memref<64x128xf32, #tpu.memory_space<vmem>>)
      %dma_start3A_84 = arith.constant 0 : i32
      %dma_start3A_85 = arith.constant 0 : i32
      %dma_start3A_86 = tpu.memref_slice %arg8[%dma_start3A_84, %dma_start3A_85] : memref<16x64xi32, #tpu.memory_space<vmem>> -> memref<1x64xi32, #tpu.memory_space<vmem>>
      %dma_start3A_87 = tpu.memref_squeeze %dma_start3A_86 : memref<1x64xi32, #tpu.memory_space<vmem>> -> memref<64xi32, #tpu.memory_space<vmem>>
      %dma_start3A_88 = arith.constant 0 : i32
      %dma_start3A_89 = arith.constant 0 : i32
      %dma_start3A_90 = tpu.memref_slice %arg12[%dma_start3A_88, %dma_start3A_89] : memref<10240x128xf32, #tpu.memory_space<vmem_shared>> -> memref<10240x128xf32, #tpu.memory_space<vmem_shared>>
      tpu.enqueue_indirect_dma source(%arg9 : memref<64x128xf32, #tpu.memory_space<vmem>>) target(%dma_start3A_90 : memref<10240x128xf32, #tpu.memory_space<vmem_shared>>) offsets(%dma_start3A_87 : memref<64xi32, #tpu.memory_space<vmem>>) semaphore(%arg14 : memref<!tpu.dma_semaphore, #tpu.memory_space<semaphore_mem>>) {add = true}
      %dma_start3A_91 = arith.constant 2 : i32
      %dma_start3A_92 = arith.constant 0 : i32
      %dma_start3A_93 = tpu.memref_slice %arg7[%dma_start3A_91, %dma_start3A_92] : memref<16x64xi32, #tpu.memory_space<vmem>> -> memref<1x64xi32, #tpu.memory_space<vmem>>
      %dma_start3A_94 = tpu.memref_squeeze %dma_start3A_93 : memref<1x64xi32, #tpu.memory_space<vmem>> -> memref<64xi32, #tpu.memory_space<vmem>>
      %dma_start3A_95 = arith.constant 0 : i32
      %dma_start3A_96 = arith.constant 0 : i32
      %dma_start3A_97 = tpu.memref_slice %arg2[%dma_start3A_95, %dma_start3A_96] : memref<10000x128xf32, #tpu.memory_space<hbm>> -> memref<10000x128xf32, #tpu.memory_space<hbm>>
      tpu.enqueue_indirect_dma source(%dma_start3A_97 : memref<10000x128xf32, #tpu.memory_space<hbm>>) target(%arg11 : memref<64x128xf32, #tpu.memory_space<vmem>>) offsets(%dma_start3A_94 : memref<64xi32, #tpu.memory_space<vmem>>) semaphore(%arg13 : memref<!tpu.dma_semaphore, #tpu.memory_space<semaphore_mem>>)
      %dma_wait3A_98 = arith.constant 0 : i32
      %dma_wait3A_99 = arith.constant 0 : i32
      %dma_wait3A_100 = tpu.memref_slice %arg7[%dma_wait3A_98, %dma_wait3A_99] : memref<16x64xi32, #tpu.memory_space<vmem>> -> memref<1x64xi32, #tpu.memory_space<vmem>>
      %dma_wait3A_101 = tpu.memref_squeeze %dma_wait3A_100 : memref<1x64xi32, #tpu.memory_space<vmem>> -> memref<64xi32, #tpu.memory_space<vmem>>
      %dma_wait3A_102 = arith.constant 0 : i32
      %dma_wait3A_103 = arith.constant 0 : i32
      %dma_wait3A_104 = tpu.memref_slice %arg2[%dma_wait3A_102, %dma_wait3A_103] : memref<10000x128xf32, #tpu.memory_space<hbm>> -> memref<10000x128xf32, #tpu.memory_space<hbm>>
      tpu.wait_indirect_dma semaphore(%arg13 : memref<!tpu.dma_semaphore, #tpu.memory_space<semaphore_mem>>) src(%dma_wait3A_104 : memref<10000x128xf32, #tpu.memory_space<hbm>>) dst(%arg10 : memref<64x128xf32, #tpu.memory_space<vmem>>)
      %dma_wait3A_105 = arith.constant 0 : i32
      %dma_wait3A_106 = arith.constant 0 : i32
      %dma_wait3A_107 = tpu.memref_slice %arg8[%dma_wait3A_105, %dma_wait3A_106] : memref<16x64xi32, #tpu.memory_space<vmem>> -> memref<1x64xi32, #tpu.memory_space<vmem>>
      %dma_wait3A_108 = tpu.memref_squeeze %dma_wait3A_107 : memref<1x64xi32, #tpu.memory_space<vmem>> -> memref<64xi32, #tpu.memory_space<vmem>>
      %dma_wait3A_109 = arith.constant 0 : i32
      %dma_wait3A_110 = arith.constant 0 : i32
      %dma_wait3A_111 = tpu.memref_slice %arg12[%dma_wait3A_109, %dma_wait3A_110] : memref<10240x128xf32, #tpu.memory_space<vmem_shared>> -> memref<10240x128xf32, #tpu.memory_space<vmem_shared>>
      tpu.wait_indirect_dma semaphore(%arg14 : memref<!tpu.dma_semaphore, #tpu.memory_space<semaphore_mem>>) src(%arg9 : memref<64x128xf32, #tpu.memory_space<vmem>>) dst(%dma_wait3A_111 : memref<10240x128xf32, #tpu.memory_space<vmem_shared>>)
      %dma_start3A_112 = arith.constant 1 : i32
      %dma_start3A_113 = arith.constant 0 : i32
      %dma_start3A_114 = tpu.memref_slice %arg8[%dma_start3A_112, %dma_start3A_113] : memref<16x64xi32, #tpu.memory_space<vmem>> -> memref<1x64xi32, #tpu.memory_space<vmem>>
      %dma_start3A_115 = tpu.memref_squeeze %dma_start3A_114 : memref<1x64xi32, #tpu.memory_space<vmem>> -> memref<64xi32, #tpu.memory_space<vmem>>
      %dma_start3A_116 = arith.constant 0 : i32
      %dma_start3A_117 = arith.constant 0 : i32
      %dma_start3A_118 = tpu.memref_slice %arg12[%dma_start3A_116, %dma_start3A_117] : memref<10240x128xf32, #tpu.memory_space<vmem_shared>> -> memref<10240x128xf32, #tpu.memory_space<vmem_shared>>
      tpu.enqueue_indirect_dma source(%arg10 : memref<64x128xf32, #tpu.memory_space<vmem>>) target(%dma_start3A_118 : memref<10240x128xf32, #tpu.memory_space<vmem_shared>>) offsets(%dma_start3A_115 : memref<64xi32, #tpu.memory_space<vmem>>) semaphore(%arg14 : memref<!tpu.dma_semaphore, #tpu.memory_space<semaphore_mem>>) {add = true}
      %dma_start3A_119 = arith.constant 3 : i32
      %dma_start3A_120 = arith.constant 0 : i32
      %dma_start3A_121 = tpu.memref_slice %arg7[%dma_start3A_119, %dma_start3A_120] : memref<16x64xi32, #tpu.memory_space<vmem>> -> memref<1x64xi32, #tpu.memory_space<vmem>>
      %dma_start3A_122 = tpu.memref_squeeze %dma_start3A_121 : memref<1x64xi32, #tpu.memory_space<vmem>> -> memref<64xi32, #tpu.memory_space<vmem>>
      %dma_start3A_123 = arith.constant 0 : i32
      %dma_start3A_124 = arith.constant 0 : i32
      %dma_start3A_125 = tpu.memref_slice %arg2[%dma_start3A_123, %dma_start3A_124] : memref<10000x128xf32, #tpu.memory_space<hbm>> -> memref<10000x128xf32, #tpu.memory_space<hbm>>
      tpu.enqueue_indirect_dma source(%dma_start3A_125 : memref<10000x128xf32, #tpu.memory_space<hbm>>) target(%arg9 : memref<64x128xf32, #tpu.memory_space<vmem>>) offsets(%dma_start3A_122 : memref<64xi32, #tpu.memory_space<vmem>>) semaphore(%arg13 : memref<!tpu.dma_semaphore, #tpu.memory_space<semaphore_mem>>)
      %dma_wait3A_126 = arith.constant 0 : i32
      %dma_wait3A_127 = arith.constant 0 : i32
      %dma_wait3A_128 = tpu.memref_slice %arg7[%dma_wait3A_126, %dma_wait3A_127] : memref<16x64xi32, #tpu.memory_space<vmem>> -> memref<1x64xi32, #tpu.memory_space<vmem>>
      %dma_wait3A_129 = tpu.memref_squeeze %dma_wait3A_128 : memref<1x64xi32, #tpu.memory_space<vmem>> -> memref<64xi32, #tpu.memory_space<vmem>>
      %dma_wait3A_130 = arith.constant 0 : i32
      %dma_wait3A_131 = arith.constant 0 : i32
      %dma_wait3A_132 = tpu.memref_slice %arg2[%dma_wait3A_130, %dma_wait3A_131] : memref<10000x128xf32, #tpu.memory_space<hbm>> -> memref<10000x128xf32, #tpu.memory_space<hbm>>
      tpu.wait_indirect_dma semaphore(%arg13 : memref<!tpu.dma_semaphore, #tpu.memory_space<semaphore_mem>>) src(%dma_wait3A_132 : memref<10000x128xf32, #tpu.memory_space<hbm>>) dst(%arg11 : memref<64x128xf32, #tpu.memory_space<vmem>>)
      %dma_wait3A_133 = arith.constant 0 : i32
      %dma_wait3A_134 = arith.constant 0 : i32
      %dma_wait3A_135 = tpu.memref_slice %arg8[%dma_wait3A_133, %dma_wait3A_134] : memref<16x64xi32, #tpu.memory_space<vmem>> -> memref<1x64xi32, #tpu.memory_space<vmem>>
      %dma_wait3A_136 = tpu.memref_squeeze %dma_wait3A_135 : memref<1x64xi32, #tpu.memory_space<vmem>> -> memref<64xi32, #tpu.memory_space<vmem>>
      %dma_wait3A_137 = arith.constant 0 : i32
      %dma_wait3A_138 = arith.constant 0 : i32
      %dma_wait3A_139 = tpu.memref_slice %arg12[%dma_wait3A_137, %dma_wait3A_138] : memref<10240x128xf32, #tpu.memory_space<vmem_shared>> -> memref<10240x128xf32, #tpu.memory_space<vmem_shared>>
      tpu.wait_indirect_dma semaphore(%arg14 : memref<!tpu.dma_semaphore, #tpu.memory_space<semaphore_mem>>) src(%arg9 : memref<64x128xf32, #tpu.memory_space<vmem>>) dst(%dma_wait3A_139 : memref<10240x128xf32, #tpu.memory_space<vmem_shared>>)
      %dma_start3A_140 = arith.constant 2 : i32
      %dma_start3A_141 = arith.constant 0 : i32
      %dma_start3A_142 = tpu.memref_slice %arg8[%dma_start3A_140, %dma_start3A_141] : memref<16x64xi32, #tpu.memory_space<vmem>> -> memref<1x64xi32, #tpu.memory_space<vmem>>
      %dma_start3A_143 = tpu.memref_squeeze %dma_start3A_142 : memref<1x64xi32, #tpu.memory_space<vmem>> -> memref<64xi32, #tpu.memory_space<vmem>>
      %dma_start3A_144 = arith.constant 0 : i32
      %dma_start3A_145 = arith.constant 0 : i32
      %dma_start3A_146 = tpu.memref_slice %arg12[%dma_start3A_144, %dma_start3A_145] : memref<10240x128xf32, #tpu.memory_space<vmem_shared>> -> memref<10240x128xf32, #tpu.memory_space<vmem_shared>>
      tpu.enqueue_indirect_dma source(%arg11 : memref<64x128xf32, #tpu.memory_space<vmem>>) target(%dma_start3A_146 : memref<10240x128xf32, #tpu.memory_space<vmem_shared>>) offsets(%dma_start3A_143 : memref<64xi32, #tpu.memory_space<vmem>>) semaphore(%arg14 : memref<!tpu.dma_semaphore, #tpu.memory_space<semaphore_mem>>) {add = true}
      %dma_start3A_147 = arith.constant 4 : i32
      %dma_start3A_148 = arith.constant 0 : i32
      %dma_start3A_149 = tpu.memref_slice %arg7[%dma_start3A_147, %dma_start3A_148] : memref<16x64xi32, #tpu.memory_space<vmem>> -> memref<1x64xi32, #tpu.memory_space<vmem>>
      %dma_start3A_150 = tpu.memref_squeeze %dma_start3A_149 : memref<1x64xi32, #tpu.memory_space<vmem>> -> memref<64xi32, #tpu.memory_space<vmem>>
      %dma_start3A_151 = arith.constant 0 : i32
      %dma_start3A_152 = arith.constant 0 : i32
      %dma_start3A_153 = tpu.memref_slice %arg2[%dma_start3A_151, %dma_start3A_152] : memref<10000x128xf32, #tpu.memory_space<hbm>> -> memref<10000x128xf32, #tpu.memory_space<hbm>>
      tpu.enqueue_indirect_dma source(%dma_start3A_153 : memref<10000x128xf32, #tpu.memory_space<hbm>>) target(%arg10 : memref<64x128xf32, #tpu.memory_space<vmem>>) offsets(%dma_start3A_150 : memref<64xi32, #tpu.memory_space<vmem>>) semaphore(%arg13 : memref<!tpu.dma_semaphore, #tpu.memory_space<semaphore_mem>>)
      %dma_wait3A_154 = arith.constant 0 : i32
      %dma_wait3A_155 = arith.constant 0 : i32
      %dma_wait3A_156 = tpu.memref_slice %arg7[%dma_wait3A_154, %dma_wait3A_155] : memref<16x64xi32, #tpu.memory_space<vmem>> -> memref<1x64xi32, #tpu.memory_space<vmem>>
      %dma_wait3A_157 = tpu.memref_squeeze %dma_wait3A_156 : memref<1x64xi32, #tpu.memory_space<vmem>> -> memref<64xi32, #tpu.memory_space<vmem>>
      %dma_wait3A_158 = arith.constant 0 : i32
      %dma_wait3A_159 = arith.constant 0 : i32
      %dma_wait3A_160 = tpu.memref_slice %arg2[%dma_wait3A_158, %dma_wait3A_159] : memref<10000x128xf32, #tpu.memory_space<hbm>> -> memref<10000x128xf32, #tpu.memory_space<hbm>>
      tpu.wait_indirect_dma semaphore(%arg13 : memref<!tpu.dma_semaphore, #tpu.memory_space<semaphore_mem>>) src(%dma_wait3A_160 : memref<10000x128xf32, #tpu.memory_space<hbm>>) dst(%arg9 : memref<64x128xf32, #tpu.memory_space<vmem>>)
      %dma_wait3A_161 = arith.constant 0 : i32
      %dma_wait3A_162 = arith.constant 0 : i32
      %dma_wait3A_163 = tpu.memref_slice %arg8[%dma_wait3A_161, %dma_wait3A_162] : memref<16x64xi32, #tpu.memory_space<vmem>> -> memref<1x64xi32, #tpu.memory_space<vmem>>
      %dma_wait3A_164 = tpu.memref_squeeze %dma_wait3A_163 : memref<1x64xi32, #tpu.memory_space<vmem>> -> memref<64xi32, #tpu.memory_space<vmem>>
      %dma_wait3A_165 = arith.constant 0 : i32
      %dma_wait3A_166 = arith.constant 0 : i32
      %dma_wait3A_167 = tpu.memref_slice %arg12[%dma_wait3A_165, %dma_wait3A_166] : memref<10240x128xf32, #tpu.memory_space<vmem_shared>> -> memref<10240x128xf32, #tpu.memory_space<vmem_shared>>
      tpu.wait_indirect_dma semaphore(%arg14 : memref<!tpu.dma_semaphore, #tpu.memory_space<semaphore_mem>>) src(%arg9 : memref<64x128xf32, #tpu.memory_space<vmem>>) dst(%dma_wait3A_167 : memref<10240x128xf32, #tpu.memory_space<vmem_shared>>)
      %dma_start3A_168 = arith.constant 3 : i32
      %dma_start3A_169 = arith.constant 0 : i32
      %dma_start3A_170 = tpu.memref_slice %arg8[%dma_start3A_168, %dma_start3A_169] : memref<16x64xi32, #tpu.memory_space<vmem>> -> memref<1x64xi32, #tpu.memory_space<vmem>>
      %dma_start3A_171 = tpu.memref_squeeze %dma_start3A_170 : memref<1x64xi32, #tpu.memory_space<vmem>> -> memref<64xi32, #tpu.memory_space<vmem>>
      %dma_start3A_172 = arith.constant 0 : i32
      %dma_start3A_173 = arith.constant 0 : i32
      %dma_start3A_174 = tpu.memref_slice %arg12[%dma_start3A_172, %dma_start3A_173] : memref<10240x128xf32, #tpu.memory_space<vmem_shared>> -> memref<10240x128xf32, #tpu.memory_space<vmem_shared>>
      tpu.enqueue_indirect_dma source(%arg9 : memref<64x128xf32, #tpu.memory_space<vmem>>) target(%dma_start3A_174 : memref<10240x128xf32, #tpu.memory_space<vmem_shared>>) offsets(%dma_start3A_171 : memref<64xi32, #tpu.memory_space<vmem>>) semaphore(%arg14 : memref<!tpu.dma_semaphore, #tpu.memory_space<semaphore_mem>>) {add = true}
      %dma_start3A_175 = arith.constant 5 : i32
      %dma_start3A_176 = arith.constant 0 : i32
      %dma_start3A_177 = tpu.memref_slice %arg7[%dma_start3A_175, %dma_start3A_176] : memref<16x64xi32, #tpu.memory_space<vmem>> -> memref<1x64xi32, #tpu.memory_space<vmem>>
      %dma_start3A_178 = tpu.memref_squeeze %dma_start3A_177 : memref<1x64xi32, #tpu.memory_space<vmem>> -> memref<64xi32, #tpu.memory_space<vmem>>
      %dma_start3A_179 = arith.constant 0 : i32
      %dma_start3A_180 = arith.constant 0 : i32
      %dma_start3A_181 = tpu.memref_slice %arg2[%dma_start3A_179, %dma_start3A_180] : memref<10000x128xf32, #tpu.memory_space<hbm>> -> memref<10000x128xf32, #tpu.memory_space<hbm>>
      tpu.enqueue_indirect_dma source(%dma_start3A_181 : memref<10000x128xf32, #tpu.memory_space<hbm>>) target(%arg11 : memref<64x128xf32, #tpu.memory_space<vmem>>) offsets(%dma_start3A_178 : memref<64xi32, #tpu.memory_space<vmem>>) semaphore(%arg13 : memref<!tpu.dma_semaphore, #tpu.memory_space<semaphore_mem>>)
      %dma_wait3A_182 = arith.constant 0 : i32
      %dma_wait3A_183 = arith.constant 0 : i32
      %dma_wait3A_184 = tpu.memref_slice %arg7[%dma_wait3A_182, %dma_wait3A_183] : memref<16x64xi32, #tpu.memory_space<vmem>> -> memref<1x64xi32, #tpu.memory_space<vmem>>
      %dma_wait3A_185 = tpu.memref_squeeze %dma_wait3A_184 : memref<1x64xi32, #tpu.memory_space<vmem>> -> memref<64xi32, #tpu.memory_space<vmem>>
      %dma_wait3A_186 = arith.constant 0 : i32
      %dma_wait3A_187 = arith.constant 0 : i32
      %dma_wait3A_188 = tpu.memref_slice %arg2[%dma_wait3A_186, %dma_wait3A_187] : memref<10000x128xf32, #tpu.memory_space<hbm>> -> memref<10000x128xf32, #tpu.memory_space<hbm>>
      tpu.wait_indirect_dma semaphore(%arg13 : memref<!tpu.dma_semaphore, #tpu.memory_space<semaphore_mem>>) src(%dma_wait3A_188 : memref<10000x128xf32, #tpu.memory_space<hbm>>) dst(%arg10 : memref<64x128xf32, #tpu.memory_space<vmem>>)
      %dma_wait3A_189 = arith.constant 0 : i32
      %dma_wait3A_190 = arith.constant 0 : i32
      %dma_wait3A_191 = tpu.memref_slice %arg8[%dma_wait3A_189, %dma_wait3A_190] : memref<16x64xi32, #tpu.memory_space<vmem>> -> memref<1x64xi32, #tpu.memory_space<vmem>>
      %dma_wait3A_192 = tpu.memref_squeeze %dma_wait3A_191 : memref<1x64xi32, #tpu.memory_space<vmem>> -> memref<64xi32, #tpu.memory_space<vmem>>
      %dma_wait3A_193 = arith.constant 0 : i32
      %dma_wait3A_194 = arith.constant 0 : i32
      %dma_wait3A_195 = tpu.memref_slice %arg12[%dma_wait3A_193, %dma_wait3A_194] : memref<10240x128xf32, #tpu.memory_space<vmem_shared>> -> memref<10240x128xf32, #tpu.memory_space<vmem_shared>>
      tpu.wait_indirect_dma semaphore(%arg14 : memref<!tpu.dma_semaphore, #tpu.memory_space<semaphore_mem>>) src(%arg9 : memref<64x128xf32, #tpu.memory_space<vmem>>) dst(%dma_wait3A_195 : memref<10240x128xf32, #tpu.memory_space<vmem_shared>>)
      %dma_start3A_196 = arith.constant 4 : i32
      %dma_start3A_197 = arith.constant 0 : i32
      %dma_start3A_198 = tpu.memref_slice %arg8[%dma_start3A_196, %dma_start3A_197] : memref<16x64xi32, #tpu.memory_space<vmem>> -> memref<1x64xi32, #tpu.memory_space<vmem>>
      %dma_start3A_199 = tpu.memref_squeeze %dma_start3A_198 : memref<1x64xi32, #tpu.memory_space<vmem>> -> memref<64xi32, #tpu.memory_space<vmem>>
      %dma_start3A_200 = arith.constant 0 : i32
      %dma_start3A_201 = arith.constant 0 : i32
      %dma_start3A_202 = tpu.memref_slice %arg12[%dma_start3A_200, %dma_start3A_201] : memref<10240x128xf32, #tpu.memory_space<vmem_shared>> -> memref<10240x128xf32, #tpu.memory_space<vmem_shared>>
      tpu.enqueue_indirect_dma source(%arg10 : memref<64x128xf32, #tpu.memory_space<vmem>>) target(%dma_start3A_202 : memref<10240x128xf32, #tpu.memory_space<vmem_shared>>) offsets(%dma_start3A_199 : memref<64xi32, #tpu.memory_space<vmem>>) semaphore(%arg14 : memref<!tpu.dma_semaphore, #tpu.memory_space<semaphore_mem>>) {add = true}
      %dma_start3A_203 = arith.constant 6 : i32
      %dma_start3A_204 = arith.constant 0 : i32
      %dma_start3A_205 = tpu.memref_slice %arg7[%dma_start3A_203, %dma_start3A_204] : memref<16x64xi32, #tpu.memory_space<vmem>> -> memref<1x64xi32, #tpu.memory_space<vmem>>
      %dma_start3A_206 = tpu.memref_squeeze %dma_start3A_205 : memref<1x64xi32, #tpu.memory_space<vmem>> -> memref<64xi32, #tpu.memory_space<vmem>>
      %dma_start3A_207 = arith.constant 0 : i32
      %dma_start3A_208 = arith.constant 0 : i32
      %dma_start3A_209 = tpu.memref_slice %arg2[%dma_start3A_207, %dma_start3A_208] : memref<10000x128xf32, #tpu.memory_space<hbm>> -> memref<10000x128xf32, #tpu.memory_space<hbm>>
      tpu.enqueue_indirect_dma source(%dma_start3A_209 : memref<10000x128xf32, #tpu.memory_space<hbm>>) target(%arg9 : memref<64x128xf32, #tpu.memory_space<vmem>>) offsets(%dma_start3A_206 : memref<64xi32, #tpu.memory_space<vmem>>) semaphore(%arg13 : memref<!tpu.dma_semaphore, #tpu.memory_space<semaphore_mem>>)
      %dma_wait3A_210 = arith.constant 0 : i32
      %dma_wait3A_211 = arith.constant 0 : i32
      %dma_wait3A_212 = tpu.memref_slice %arg7[%dma_wait3A_210, %dma_wait3A_211] : memref<16x64xi32, #tpu.memory_space<vmem>> -> memref<1x64xi32, #tpu.memory_space<vmem>>
      %dma_wait3A_213 = tpu.memref_squeeze %dma_wait3A_212 : memref<1x64xi32, #tpu.memory_space<vmem>> -> memref<64xi32, #tpu.memory_space<vmem>>
      %dma_wait3A_214 = arith.constant 0 : i32
      %dma_wait3A_215 = arith.constant 0 : i32
      %dma_wait3A_216 = tpu.memref_slice %arg2[%dma_wait3A_214, %dma_wait3A_215] : memref<10000x128xf32, #tpu.memory_space<hbm>> -> memref<10000x128xf32, #tpu.memory_space<hbm>>
      tpu.wait_indirect_dma semaphore(%arg13 : memref<!tpu.dma_semaphore, #tpu.memory_space<semaphore_mem>>) src(%dma_wait3A_216 : memref<10000x128xf32, #tpu.memory_space<hbm>>) dst(%arg11 : memref<64x128xf32, #tpu.memory_space<vmem>>)
      %dma_wait3A_217 = arith.constant 0 : i32
      %dma_wait3A_218 = arith.constant 0 : i32
      %dma_wait3A_219 = tpu.memref_slice %arg8[%dma_wait3A_217, %dma_wait3A_218] : memref<16x64xi32, #tpu.memory_space<vmem>> -> memref<1x64xi32, #tpu.memory_space<vmem>>
      %dma_wait3A_220 = tpu.memref_squeeze %dma_wait3A_219 : memref<1x64xi32, #tpu.memory_space<vmem>> -> memref<64xi32, #tpu.memory_space<vmem>>
      %dma_wait3A_221 = arith.constant 0 : i32
      %dma_wait3A_222 = arith.constant 0 : i32
      %dma_wait3A_223 = tpu.memref_slice %arg12[%dma_wait3A_221, %dma_wait3A_222] : memref<10240x128xf32, #tpu.memory_space<vmem_shared>> -> memref<10240x128xf32, #tpu.memory_space<vmem_shared>>
      tpu.wait_indirect_dma semaphore(%arg14 : memref<!tpu.dma_semaphore, #tpu.memory_space<semaphore_mem>>) src(%arg9 : memref<64x128xf32, #tpu.memory_space<vmem>>) dst(%dma_wait3A_223 : memref<10240x128xf32, #tpu.memory_space<vmem_shared>>)
      %dma_start3A_224 = arith.constant 5 : i32
      %dma_start3A_225 = arith.constant 0 : i32
      %dma_start3A_226 = tpu.memref_slice %arg8[%dma_start3A_224, %dma_start3A_225] : memref<16x64xi32, #tpu.memory_space<vmem>> -> memref<1x64xi32, #tpu.memory_space<vmem>>
      %dma_start3A_227 = tpu.memref_squeeze %dma_start3A_226 : memref<1x64xi32, #tpu.memory_space<vmem>> -> memref<64xi32, #tpu.memory_space<vmem>>
      %dma_start3A_228 = arith.constant 0 : i32
      %dma_start3A_229 = arith.constant 0 : i32
      %dma_start3A_230 = tpu.memref_slice %arg12[%dma_start3A_228, %dma_start3A_229] : memref<10240x128xf32, #tpu.memory_space<vmem_shared>> -> memref<10240x128xf32, #tpu.memory_space<vmem_shared>>
      tpu.enqueue_indirect_dma source(%arg11 : memref<64x128xf32, #tpu.memory_space<vmem>>) target(%dma_start3A_230 : memref<10240x128xf32, #tpu.memory_space<vmem_shared>>) offsets(%dma_start3A_227 : memref<64xi32, #tpu.memory_space<vmem>>) semaphore(%arg14 : memref<!tpu.dma_semaphore, #tpu.memory_space<semaphore_mem>>) {add = true}
      %dma_start3A_231 = arith.constant 7 : i32
      %dma_start3A_232 = arith.constant 0 : i32
      %dma_start3A_233 = tpu.memref_slice %arg7[%dma_start3A_231, %dma_start3A_232] : memref<16x64xi32, #tpu.memory_space<vmem>> -> memref<1x64xi32, #tpu.memory_space<vmem>>
      %dma_start3A_234 = tpu.memref_squeeze %dma_start3A_233 : memref<1x64xi32, #tpu.memory_space<vmem>> -> memref<64xi32, #tpu.memory_space<vmem>>
      %dma_start3A_235 = arith.constant 0 : i32
      %dma_start3A_236 = arith.constant 0 : i32
      %dma_start3A_237 = tpu.memref_slice %arg2[%dma_start3A_235, %dma_start3A_236] : memref<10000x128xf32, #tpu.memory_space<hbm>> -> memref<10000x128xf32, #tpu.memory_space<hbm>>
      tpu.enqueue_indirect_dma source(%dma_start3A_237 : memref<10000x128xf32, #tpu.memory_space<hbm>>) target(%arg10 : memref<64x128xf32, #tpu.memory_space<vmem>>) offsets(%dma_start3A_234 : memref<64xi32, #tpu.memory_space<vmem>>) semaphore(%arg13 : memref<!tpu.dma_semaphore, #tpu.memory_space<semaphore_mem>>)
      %dma_wait3A_238 = arith.constant 0 : i32
      %dma_wait3A_239 = arith.constant 0 : i32
      %dma_wait3A_240 = tpu.memref_slice %arg7[%dma_wait3A_238, %dma_wait3A_239] : memref<16x64xi32, #tpu.memory_space<vmem>> -> memref<1x64xi32, #tpu.memory_space<vmem>>
      %dma_wait3A_241 = tpu.memref_squeeze %dma_wait3A_240 : memref<1x64xi32, #tpu.memory_space<vmem>> -> memref<64xi32, #tpu.memory_space<vmem>>
      %dma_wait3A_242 = arith.constant 0 : i32
      %dma_wait3A_243 = arith.constant 0 : i32
      %dma_wait3A_244 = tpu.memref_slice %arg2[%dma_wait3A_242, %dma_wait3A_243] : memref<10000x128xf32, #tpu.memory_space<hbm>> -> memref<10000x128xf32, #tpu.memory_space<hbm>>
      tpu.wait_indirect_dma semaphore(%arg13 : memref<!tpu.dma_semaphore, #tpu.memory_space<semaphore_mem>>) src(%dma_wait3A_244 : memref<10000x128xf32, #tpu.memory_space<hbm>>) dst(%arg9 : memref<64x128xf32, #tpu.memory_space<vmem>>)
      %dma_wait3A_245 = arith.constant 0 : i32
      %dma_wait3A_246 = arith.constant 0 : i32
      %dma_wait3A_247 = tpu.memref_slice %arg8[%dma_wait3A_245, %dma_wait3A_246] : memref<16x64xi32, #tpu.memory_space<vmem>> -> memref<1x64xi32, #tpu.memory_space<vmem>>
      %dma_wait3A_248 = tpu.memref_squeeze %dma_wait3A_247 : memref<1x64xi32, #tpu.memory_space<vmem>> -> memref<64xi32, #tpu.memory_space<vmem>>
      %dma_wait3A_249 = arith.constant 0 : i32
      %dma_wait3A_250 = arith.constant 0 : i32
      %dma_wait3A_251 = tpu.memref_slice %arg12[%dma_wait3A_249, %dma_wait3A_250] : memref<10240x128xf32, #tpu.memory_space<vmem_shared>> -> memref<10240x128xf32, #tpu.memory_space<vmem_shared>>
      tpu.wait_indirect_dma semaphore(%arg14 : memref<!tpu.dma_semaphore, #tpu.memory_space<semaphore_mem>>) src(%arg9 : memref<64x128xf32, #tpu.memory_space<vmem>>) dst(%dma_wait3A_251 : memref<10240x128xf32, #tpu.memory_space<vmem_shared>>)
      %dma_start3A_252 = arith.constant 6 : i32
      %dma_start3A_253 = arith.constant 0 : i32
      %dma_start3A_254 = tpu.memref_slice %arg8[%dma_start3A_252, %dma_start3A_253] : memref<16x64xi32, #tpu.memory_space<vmem>> -> memref<1x64xi32, #tpu.memory_space<vmem>>
      %dma_start3A_255 = tpu.memref_squeeze %dma_start3A_254 : memref<1x64xi32, #tpu.memory_space<vmem>> -> memref<64xi32, #tpu.memory_space<vmem>>
      %dma_start3A_256 = arith.constant 0 : i32
      %dma_start3A_257 = arith.constant 0 : i32
      %dma_start3A_258 = tpu.memref_slice %arg12[%dma_start3A_256, %dma_start3A_257] : memref<10240x128xf32, #tpu.memory_space<vmem_shared>> -> memref<10240x128xf32, #tpu.memory_space<vmem_shared>>
      tpu.enqueue_indirect_dma source(%arg9 : memref<64x128xf32, #tpu.memory_space<vmem>>) target(%dma_start3A_258 : memref<10240x128xf32, #tpu.memory_space<vmem_shared>>) offsets(%dma_start3A_255 : memref<64xi32, #tpu.memory_space<vmem>>) semaphore(%arg14 : memref<!tpu.dma_semaphore, #tpu.memory_space<semaphore_mem>>) {add = true}
      %dma_start3A_259 = arith.constant 8 : i32
      %dma_start3A_260 = arith.constant 0 : i32
      %dma_start3A_261 = tpu.memref_slice %arg7[%dma_start3A_259, %dma_start3A_260] : memref<16x64xi32, #tpu.memory_space<vmem>> -> memref<1x64xi32, #tpu.memory_space<vmem>>
      %dma_start3A_262 = tpu.memref_squeeze %dma_start3A_261 : memref<1x64xi32, #tpu.memory_space<vmem>> -> memref<64xi32, #tpu.memory_space<vmem>>
      %dma_start3A_263 = arith.constant 0 : i32
      %dma_start3A_264 = arith.constant 0 : i32
      %dma_start3A_265 = tpu.memref_slice %arg2[%dma_start3A_263, %dma_start3A_264] : memref<10000x128xf32, #tpu.memory_space<hbm>> -> memref<10000x128xf32, #tpu.memory_space<hbm>>
      tpu.enqueue_indirect_dma source(%dma_start3A_265 : memref<10000x128xf32, #tpu.memory_space<hbm>>) target(%arg11 : memref<64x128xf32, #tpu.memory_space<vmem>>) offsets(%dma_start3A_262 : memref<64xi32, #tpu.memory_space<vmem>>) semaphore(%arg13 : memref<!tpu.dma_semaphore, #tpu.memory_space<semaphore_mem>>)
      %dma_wait3A_266 = arith.constant 0 : i32
      %dma_wait3A_267 = arith.constant 0 : i32
      %dma_wait3A_268 = tpu.memref_slice %arg7[%dma_wait3A_266, %dma_wait3A_267] : memref<16x64xi32, #tpu.memory_space<vmem>> -> memref<1x64xi32, #tpu.memory_space<vmem>>
      %dma_wait3A_269 = tpu.memref_squeeze %dma_wait3A_268 : memref<1x64xi32, #tpu.memory_space<vmem>> -> memref<64xi32, #tpu.memory_space<vmem>>
      %dma_wait3A_270 = arith.constant 0 : i32
      %dma_wait3A_271 = arith.constant 0 : i32
      %dma_wait3A_272 = tpu.memref_slice %arg2[%dma_wait3A_270, %dma_wait3A_271] : memref<10000x128xf32, #tpu.memory_space<hbm>> -> memref<10000x128xf32, #tpu.memory_space<hbm>>
      tpu.wait_indirect_dma semaphore(%arg13 : memref<!tpu.dma_semaphore, #tpu.memory_space<semaphore_mem>>) src(%dma_wait3A_272 : memref<10000x128xf32, #tpu.memory_space<hbm>>) dst(%arg10 : memref<64x128xf32, #tpu.memory_space<vmem>>)
      %dma_wait3A_273 = arith.constant 0 : i32
      %dma_wait3A_274 = arith.constant 0 : i32
      %dma_wait3A_275 = tpu.memref_slice %arg8[%dma_wait3A_273, %dma_wait3A_274] : memref<16x64xi32, #tpu.memory_space<vmem>> -> memref<1x64xi32, #tpu.memory_space<vmem>>
      %dma_wait3A_276 = tpu.memref_squeeze %dma_wait3A_275 : memref<1x64xi32, #tpu.memory_space<vmem>> -> memref<64xi32, #tpu.memory_space<vmem>>
      %dma_wait3A_277 = arith.constant 0 : i32
      %dma_wait3A_278 = arith.constant 0 : i32
      %dma_wait3A_279 = tpu.memref_slice %arg12[%dma_wait3A_277, %dma_wait3A_278] : memref<10240x128xf32, #tpu.memory_space<vmem_shared>> -> memref<10240x128xf32, #tpu.memory_space<vmem_shared>>
      tpu.wait_indirect_dma semaphore(%arg14 : memref<!tpu.dma_semaphore, #tpu.memory_space<semaphore_mem>>) src(%arg9 : memref<64x128xf32, #tpu.memory_space<vmem>>) dst(%dma_wait3A_279 : memref<10240x128xf32, #tpu.memory_space<vmem_shared>>)
      %dma_start3A_280 = arith.constant 7 : i32
      %dma_start3A_281 = arith.constant 0 : i32
      %dma_start3A_282 = tpu.memref_slice %arg8[%dma_start3A_280, %dma_start3A_281] : memref<16x64xi32, #tpu.memory_space<vmem>> -> memref<1x64xi32, #tpu.memory_space<vmem>>
      %dma_start3A_283 = tpu.memref_squeeze %dma_start3A_282 : memref<1x64xi32, #tpu.memory_space<vmem>> -> memref<64xi32, #tpu.memory_space<vmem>>
      %dma_start3A_284 = arith.constant 0 : i32
      %dma_start3A_285 = arith.constant 0 : i32
      %dma_start3A_286 = tpu.memref_slice %arg12[%dma_start3A_284, %dma_start3A_285] : memref<10240x128xf32, #tpu.memory_space<vmem_shared>> -> memref<10240x128xf32, #tpu.memory_space<vmem_shared>>
      tpu.enqueue_indirect_dma source(%arg10 : memref<64x128xf32, #tpu.memory_space<vmem>>) target(%dma_start3A_286 : memref<10240x128xf32, #tpu.memory_space<vmem_shared>>) offsets(%dma_start3A_283 : memref<64xi32, #tpu.memory_space<vmem>>) semaphore(%arg14 : memref<!tpu.dma_semaphore, #tpu.memory_space<semaphore_mem>>) {add = true}
      %dma_start3A_287 = arith.constant 9 : i32
      %dma_start3A_288 = arith.constant 0 : i32
      %dma_start3A_289 = tpu.memref_slice %arg7[%dma_start3A_287, %dma_start3A_288] : memref<16x64xi32, #tpu.memory_space<vmem>> -> memref<1x64xi32, #tpu.memory_space<vmem>>
      %dma_start3A_290 = tpu.memref_squeeze %dma_start3A_289 : memref<1x64xi32, #tpu.memory_space<vmem>> -> memref<64xi32, #tpu.memory_space<vmem>>
      %dma_start3A_291 = arith.constant 0 : i32
      %dma_start3A_292 = arith.constant 0 : i32
      %dma_start3A_293 = tpu.memref_slice %arg2[%dma_start3A_291, %dma_start3A_292] : memref<10000x128xf32, #tpu.memory_space<hbm>> -> memref<10000x128xf32, #tpu.memory_space<hbm>>
      tpu.enqueue_indirect_dma source(%dma_start3A_293 : memref<10000x128xf32, #tpu.memory_space<hbm>>) target(%arg9 : memref<64x128xf32, #tpu.memory_space<vmem>>) offsets(%dma_start3A_290 : memref<64xi32, #tpu.memory_space<vmem>>) semaphore(%arg13 : memref<!tpu.dma_semaphore, #tpu.memory_space<semaphore_mem>>)
      %dma_wait3A_294 = arith.constant 0 : i32
      %dma_wait3A_295 = arith.constant 0 : i32
      %dma_wait3A_296 = tpu.memref_slice %arg7[%dma_wait3A_294, %dma_wait3A_295] : memref<16x64xi32, #tpu.memory_space<vmem>> -> memref<1x64xi32, #tpu.memory_space<vmem>>
      %dma_wait3A_297 = tpu.memref_squeeze %dma_wait3A_296 : memref<1x64xi32, #tpu.memory_space<vmem>> -> memref<64xi32, #tpu.memory_space<vmem>>
      %dma_wait3A_298 = arith.constant 0 : i32
      %dma_wait3A_299 = arith.constant 0 : i32
      %dma_wait3A_300 = tpu.memref_slice %arg2[%dma_wait3A_298, %dma_wait3A_299] : memref<10000x128xf32, #tpu.memory_space<hbm>> -> memref<10000x128xf32, #tpu.memory_space<hbm>>
      tpu.wait_indirect_dma semaphore(%arg13 : memref<!tpu.dma_semaphore, #tpu.memory_space<semaphore_mem>>) src(%dma_wait3A_300 : memref<10000x128xf32, #tpu.memory_space<hbm>>) dst(%arg11 : memref<64x128xf32, #tpu.memory_space<vmem>>)
      %dma_wait3A_301 = arith.constant 0 : i32
      %dma_wait3A_302 = arith.constant 0 : i32
      %dma_wait3A_303 = tpu.memref_slice %arg8[%dma_wait3A_301, %dma_wait3A_302] : memref<16x64xi32, #tpu.memory_space<vmem>> -> memref<1x64xi32, #tpu.memory_space<vmem>>
      %dma_wait3A_304 = tpu.memref_squeeze %dma_wait3A_303 : memref<1x64xi32, #tpu.memory_space<vmem>> -> memref<64xi32, #tpu.memory_space<vmem>>
      %dma_wait3A_305 = arith.constant 0 : i32
      %dma_wait3A_306 = arith.constant 0 : i32
      %dma_wait3A_307 = tpu.memref_slice %arg12[%dma_wait3A_305, %dma_wait3A_306] : memref<10240x128xf32, #tpu.memory_space<vmem_shared>> -> memref<10240x128xf32, #tpu.memory_space<vmem_shared>>
      tpu.wait_indirect_dma semaphore(%arg14 : memref<!tpu.dma_semaphore, #tpu.memory_space<semaphore_mem>>) src(%arg9 : memref<64x128xf32, #tpu.memory_space<vmem>>) dst(%dma_wait3A_307 : memref<10240x128xf32, #tpu.memory_space<vmem_shared>>)
      %dma_start3A_308 = arith.constant 8 : i32
      %dma_start3A_309 = arith.constant 0 : i32
      %dma_start3A_310 = tpu.memref_slice %arg8[%dma_start3A_308, %dma_start3A_309] : memref<16x64xi32, #tpu.memory_space<vmem>> -> memref<1x64xi32, #tpu.memory_space<vmem>>
      %dma_start3A_311 = tpu.memref_squeeze %dma_start3A_310 : memref<1x64xi32, #tpu.memory_space<vmem>> -> memref<64xi32, #tpu.memory_space<vmem>>
      %dma_start3A_312 = arith.constant 0 : i32
      %dma_start3A_313 = arith.constant 0 : i32
      %dma_start3A_314 = tpu.memref_slice %arg12[%dma_start3A_312, %dma_start3A_313] : memref<10240x128xf32, #tpu.memory_space<vmem_shared>> -> memref<10240x128xf32, #tpu.memory_space<vmem_shared>>
      tpu.enqueue_indirect_dma source(%arg11 : memref<64x128xf32, #tpu.memory_space<vmem>>) target(%dma_start3A_314 : memref<10240x128xf32, #tpu.memory_space<vmem_shared>>) offsets(%dma_start3A_311 : memref<64xi32, #tpu.memory_space<vmem>>) semaphore(%arg14 : memref<!tpu.dma_semaphore, #tpu.memory_space<semaphore_mem>>) {add = true}
      %dma_start3A_315 = arith.constant 10 : i32
      %dma_start3A_316 = arith.constant 0 : i32
      %dma_start3A_317 = tpu.memref_slice %arg7[%dma_start3A_315, %dma_start3A_316] : memref<16x64xi32, #tpu.memory_space<vmem>> -> memref<1x64xi32, #tpu.memory_space<vmem>>
      %dma_start3A_318 = tpu.memref_squeeze %dma_start3A_317 : memref<1x64xi32, #tpu.memory_space<vmem>> -> memref<64xi32, #tpu.memory_space<vmem>>
      %dma_start3A_319 = arith.constant 0 : i32
      %dma_start3A_320 = arith.constant 0 : i32
      %dma_start3A_321 = tpu.memref_slice %arg2[%dma_start3A_319, %dma_start3A_320] : memref<10000x128xf32, #tpu.memory_space<hbm>> -> memref<10000x128xf32, #tpu.memory_space<hbm>>
      tpu.enqueue_indirect_dma source(%dma_start3A_321 : memref<10000x128xf32, #tpu.memory_space<hbm>>) target(%arg10 : memref<64x128xf32, #tpu.memory_space<vmem>>) offsets(%dma_start3A_318 : memref<64xi32, #tpu.memory_space<vmem>>) semaphore(%arg13 : memref<!tpu.dma_semaphore, #tpu.memory_space<semaphore_mem>>)
      %dma_wait3A_322 = arith.constant 0 : i32
      %dma_wait3A_323 = arith.constant 0 : i32
      %dma_wait3A_324 = tpu.memref_slice %arg7[%dma_wait3A_322, %dma_wait3A_323] : memref<16x64xi32, #tpu.memory_space<vmem>> -> memref<1x64xi32, #tpu.memory_space<vmem>>
      %dma_wait3A_325 = tpu.memref_squeeze %dma_wait3A_324 : memref<1x64xi32, #tpu.memory_space<vmem>> -> memref<64xi32, #tpu.memory_space<vmem>>
      %dma_wait3A_326 = arith.constant 0 : i32
      %dma_wait3A_327 = arith.constant 0 : i32
      %dma_wait3A_328 = tpu.memref_slice %arg2[%dma_wait3A_326, %dma_wait3A_327] : memref<10000x128xf32, #tpu.memory_space<hbm>> -> memref<10000x128xf32, #tpu.memory_space<hbm>>
      tpu.wait_indirect_dma semaphore(%arg13 : memref<!tpu.dma_semaphore, #tpu.memory_space<semaphore_mem>>) src(%dma_wait3A_328 : memref<10000x128xf32, #tpu.memory_space<hbm>>) dst(%arg9 : memref<64x128xf32, #tpu.memory_space<vmem>>)
      %dma_wait3A_329 = arith.constant 0 : i32
      %dma_wait3A_330 = arith.constant 0 : i32
      %dma_wait3A_331 = tpu.memref_slice %arg8[%dma_wait3A_329, %dma_wait3A_330] : memref<16x64xi32, #tpu.memory_space<vmem>> -> memref<1x64xi32, #tpu.memory_space<vmem>>
      %dma_wait3A_332 = tpu.memref_squeeze %dma_wait3A_331 : memref<1x64xi32, #tpu.memory_space<vmem>> -> memref<64xi32, #tpu.memory_space<vmem>>
      %dma_wait3A_333 = arith.constant 0 : i32
      %dma_wait3A_334 = arith.constant 0 : i32
      %dma_wait3A_335 = tpu.memref_slice %arg12[%dma_wait3A_333, %dma_wait3A_334] : memref<10240x128xf32, #tpu.memory_space<vmem_shared>> -> memref<10240x128xf32, #tpu.memory_space<vmem_shared>>
      tpu.wait_indirect_dma semaphore(%arg14 : memref<!tpu.dma_semaphore, #tpu.memory_space<semaphore_mem>>) src(%arg9 : memref<64x128xf32, #tpu.memory_space<vmem>>) dst(%dma_wait3A_335 : memref<10240x128xf32, #tpu.memory_space<vmem_shared>>)
      %dma_start3A_336 = arith.constant 9 : i32
      %dma_start3A_337 = arith.constant 0 : i32
      %dma_start3A_338 = tpu.memref_slice %arg8[%dma_start3A_336, %dma_start3A_337] : memref<16x64xi32, #tpu.memory_space<vmem>> -> memref<1x64xi32, #tpu.memory_space<vmem>>
      %dma_start3A_339 = tpu.memref_squeeze %dma_start3A_338 : memref<1x64xi32, #tpu.memory_space<vmem>> -> memref<64xi32, #tpu.memory_space<vmem>>
      %dma_start3A_340 = arith.constant 0 : i32
      %dma_start3A_341 = arith.constant 0 : i32
      %dma_start3A_342 = tpu.memref_slice %arg12[%dma_start3A_340, %dma_start3A_341] : memref<10240x128xf32, #tpu.memory_space<vmem_shared>> -> memref<10240x128xf32, #tpu.memory_space<vmem_shared>>
      tpu.enqueue_indirect_dma source(%arg9 : memref<64x128xf32, #tpu.memory_space<vmem>>) target(%dma_start3A_342 : memref<10240x128xf32, #tpu.memory_space<vmem_shared>>) offsets(%dma_start3A_339 : memref<64xi32, #tpu.memory_space<vmem>>) semaphore(%arg14 : memref<!tpu.dma_semaphore, #tpu.memory_space<semaphore_mem>>) {add = true}
      %dma_start3A_343 = arith.constant 11 : i32
      %dma_start3A_344 = arith.constant 0 : i32
      %dma_start3A_345 = tpu.memref_slice %arg7[%dma_start3A_343, %dma_start3A_344] : memref<16x64xi32, #tpu.memory_space<vmem>> -> memref<1x64xi32, #tpu.memory_space<vmem>>
      %dma_start3A_346 = tpu.memref_squeeze %dma_start3A_345 : memref<1x64xi32, #tpu.memory_space<vmem>> -> memref<64xi32, #tpu.memory_space<vmem>>
      %dma_start3A_347 = arith.constant 0 : i32
      %dma_start3A_348 = arith.constant 0 : i32
      %dma_start3A_349 = tpu.memref_slice %arg2[%dma_start3A_347, %dma_start3A_348] : memref<10000x128xf32, #tpu.memory_space<hbm>> -> memref<10000x128xf32, #tpu.memory_space<hbm>>
      tpu.enqueue_indirect_dma source(%dma_start3A_349 : memref<10000x128xf32, #tpu.memory_space<hbm>>) target(%arg11 : memref<64x128xf32, #tpu.memory_space<vmem>>) offsets(%dma_start3A_346 : memref<64xi32, #tpu.memory_space<vmem>>) semaphore(%arg13 : memref<!tpu.dma_semaphore, #tpu.memory_space<semaphore_mem>>)
      %dma_wait3A_350 = arith.constant 0 : i32
      %dma_wait3A_351 = arith.constant 0 : i32
      %dma_wait3A_352 = tpu.memref_slice %arg7[%dma_wait3A_350, %dma_wait3A_351] : memref<16x64xi32, #tpu.memory_space<vmem>> -> memref<1x64xi32, #tpu.memory_space<vmem>>
      %dma_wait3A_353 = tpu.memref_squeeze %dma_wait3A_352 : memref<1x64xi32, #tpu.memory_space<vmem>> -> memref<64xi32, #tpu.memory_space<vmem>>
      %dma_wait3A_354 = arith.constant 0 : i32
      %dma_wait3A_355 = arith.constant 0 : i32
      %dma_wait3A_356 = tpu.memref_slice %arg2[%dma_wait3A_354, %dma_wait3A_355] : memref<10000x128xf32, #tpu.memory_space<hbm>> -> memref<10000x128xf32, #tpu.memory_space<hbm>>
      tpu.wait_indirect_dma semaphore(%arg13 : memref<!tpu.dma_semaphore, #tpu.memory_space<semaphore_mem>>) src(%dma_wait3A_356 : memref<10000x128xf32, #tpu.memory_space<hbm>>) dst(%arg10 : memref<64x128xf32, #tpu.memory_space<vmem>>)
      %dma_wait3A_357 = arith.constant 0 : i32
      %dma_wait3A_358 = arith.constant 0 : i32
      %dma_wait3A_359 = tpu.memref_slice %arg8[%dma_wait3A_357, %dma_wait3A_358] : memref<16x64xi32, #tpu.memory_space<vmem>> -> memref<1x64xi32, #tpu.memory_space<vmem>>
      %dma_wait3A_360 = tpu.memref_squeeze %dma_wait3A_359 : memref<1x64xi32, #tpu.memory_space<vmem>> -> memref<64xi32, #tpu.memory_space<vmem>>
      %dma_wait3A_361 = arith.constant 0 : i32
      %dma_wait3A_362 = arith.constant 0 : i32
      %dma_wait3A_363 = tpu.memref_slice %arg12[%dma_wait3A_361, %dma_wait3A_362] : memref<10240x128xf32, #tpu.memory_space<vmem_shared>> -> memref<10240x128xf32, #tpu.memory_space<vmem_shared>>
      tpu.wait_indirect_dma semaphore(%arg14 : memref<!tpu.dma_semaphore, #tpu.memory_space<semaphore_mem>>) src(%arg9 : memref<64x128xf32, #tpu.memory_space<vmem>>) dst(%dma_wait3A_363 : memref<10240x128xf32, #tpu.memory_space<vmem_shared>>)
      %dma_start3A_364 = arith.constant 10 : i32
      %dma_start3A_365 = arith.constant 0 : i32
      %dma_start3A_366 = tpu.memref_slice %arg8[%dma_start3A_364, %dma_start3A_365] : memref<16x64xi32, #tpu.memory_space<vmem>> -> memref<1x64xi32, #tpu.memory_space<vmem>>
      %dma_start3A_367 = tpu.memref_squeeze %dma_start3A_366 : memref<1x64xi32, #tpu.memory_space<vmem>> -> memref<64xi32, #tpu.memory_space<vmem>>
      %dma_start3A_368 = arith.constant 0 : i32
      %dma_start3A_369 = arith.constant 0 : i32
      %dma_start3A_370 = tpu.memref_slice %arg12[%dma_start3A_368, %dma_start3A_369] : memref<10240x128xf32, #tpu.memory_space<vmem_shared>> -> memref<10240x128xf32, #tpu.memory_space<vmem_shared>>
      tpu.enqueue_indirect_dma source(%arg10 : memref<64x128xf32, #tpu.memory_space<vmem>>) target(%dma_start3A_370 : memref<10240x128xf32, #tpu.memory_space<vmem_shared>>) offsets(%dma_start3A_367 : memref<64xi32, #tpu.memory_space<vmem>>) semaphore(%arg14 : memref<!tpu.dma_semaphore, #tpu.memory_space<semaphore_mem>>) {add = true}
      %dma_start3A_371 = arith.constant 12 : i32
      %dma_start3A_372 = arith.constant 0 : i32
      %dma_start3A_373 = tpu.memref_slice %arg7[%dma_start3A_371, %dma_start3A_372] : memref<16x64xi32, #tpu.memory_space<vmem>> -> memref<1x64xi32, #tpu.memory_space<vmem>>
      %dma_start3A_374 = tpu.memref_squeeze %dma_start3A_373 : memref<1x64xi32, #tpu.memory_space<vmem>> -> memref<64xi32, #tpu.memory_space<vmem>>
      %dma_start3A_375 = arith.constant 0 : i32
      %dma_start3A_376 = arith.constant 0 : i32
      %dma_start3A_377 = tpu.memref_slice %arg2[%dma_start3A_375, %dma_start3A_376] : memref<10000x128xf32, #tpu.memory_space<hbm>> -> memref<10000x128xf32, #tpu.memory_space<hbm>>
      tpu.enqueue_indirect_dma source(%dma_start3A_377 : memref<10000x128xf32, #tpu.memory_space<hbm>>) target(%arg9 : memref<64x128xf32, #tpu.memory_space<vmem>>) offsets(%dma_start3A_374 : memref<64xi32, #tpu.memory_space<vmem>>) semaphore(%arg13 : memref<!tpu.dma_semaphore, #tpu.memory_space<semaphore_mem>>)
      %dma_wait3A_378 = arith.constant 0 : i32
      %dma_wait3A_379 = arith.constant 0 : i32
      %dma_wait3A_380 = tpu.memref_slice %arg7[%dma_wait3A_378, %dma_wait3A_379] : memref<16x64xi32, #tpu.memory_space<vmem>> -> memref<1x64xi32, #tpu.memory_space<vmem>>
      %dma_wait3A_381 = tpu.memref_squeeze %dma_wait3A_380 : memref<1x64xi32, #tpu.memory_space<vmem>> -> memref<64xi32, #tpu.memory_space<vmem>>
      %dma_wait3A_382 = arith.constant 0 : i32
      %dma_wait3A_383 = arith.constant 0 : i32
      %dma_wait3A_384 = tpu.memref_slice %arg2[%dma_wait3A_382, %dma_wait3A_383] : memref<10000x128xf32, #tpu.memory_space<hbm>> -> memref<10000x128xf32, #tpu.memory_space<hbm>>
      tpu.wait_indirect_dma semaphore(%arg13 : memref<!tpu.dma_semaphore, #tpu.memory_space<semaphore_mem>>) src(%dma_wait3A_384 : memref<10000x128xf32, #tpu.memory_space<hbm>>) dst(%arg11 : memref<64x128xf32, #tpu.memory_space<vmem>>)
      %dma_wait3A_385 = arith.constant 0 : i32
      %dma_wait3A_386 = arith.constant 0 : i32
      %dma_wait3A_387 = tpu.memref_slice %arg8[%dma_wait3A_385, %dma_wait3A_386] : memref<16x64xi32, #tpu.memory_space<vmem>> -> memref<1x64xi32, #tpu.memory_space<vmem>>
      %dma_wait3A_388 = tpu.memref_squeeze %dma_wait3A_387 : memref<1x64xi32, #tpu.memory_space<vmem>> -> memref<64xi32, #tpu.memory_space<vmem>>
      %dma_wait3A_389 = arith.constant 0 : i32
      %dma_wait3A_390 = arith.constant 0 : i32
      %dma_wait3A_391 = tpu.memref_slice %arg12[%dma_wait3A_389, %dma_wait3A_390] : memref<10240x128xf32, #tpu.memory_space<vmem_shared>> -> memref<10240x128xf32, #tpu.memory_space<vmem_shared>>
      tpu.wait_indirect_dma semaphore(%arg14 : memref<!tpu.dma_semaphore, #tpu.memory_space<semaphore_mem>>) src(%arg9 : memref<64x128xf32, #tpu.memory_space<vmem>>) dst(%dma_wait3A_391 : memref<10240x128xf32, #tpu.memory_space<vmem_shared>>)
      %dma_start3A_392 = arith.constant 11 : i32
      %dma_start3A_393 = arith.constant 0 : i32
      %dma_start3A_394 = tpu.memref_slice %arg8[%dma_start3A_392, %dma_start3A_393] : memref<16x64xi32, #tpu.memory_space<vmem>> -> memref<1x64xi32, #tpu.memory_space<vmem>>
      %dma_start3A_395 = tpu.memref_squeeze %dma_start3A_394 : memref<1x64xi32, #tpu.memory_space<vmem>> -> memref<64xi32, #tpu.memory_space<vmem>>
      %dma_start3A_396 = arith.constant 0 : i32
      %dma_start3A_397 = arith.constant 0 : i32
      %dma_start3A_398 = tpu.memref_slice %arg12[%dma_start3A_396, %dma_start3A_397] : memref<10240x128xf32, #tpu.memory_space<vmem_shared>> -> memref<10240x128xf32, #tpu.memory_space<vmem_shared>>
      tpu.enqueue_indirect_dma source(%arg11 : memref<64x128xf32, #tpu.memory_space<vmem>>) target(%dma_start3A_398 : memref<10240x128xf32, #tpu.memory_space<vmem_shared>>) offsets(%dma_start3A_395 : memref<64xi32, #tpu.memory_space<vmem>>) semaphore(%arg14 : memref<!tpu.dma_semaphore, #tpu.memory_space<semaphore_mem>>) {add = true}
      %dma_start3A_399 = arith.constant 13 : i32
      %dma_start3A_400 = arith.constant 0 : i32
      %dma_start3A_401 = tpu.memref_slice %arg7[%dma_start3A_399, %dma_start3A_400] : memref<16x64xi32, #tpu.memory_space<vmem>> -> memref<1x64xi32, #tpu.memory_space<vmem>>
      %dma_start3A_402 = tpu.memref_squeeze %dma_start3A_401 : memref<1x64xi32, #tpu.memory_space<vmem>> -> memref<64xi32, #tpu.memory_space<vmem>>
      %dma_start3A_403 = arith.constant 0 : i32
      %dma_start3A_404 = arith.constant 0 : i32
      %dma_start3A_405 = tpu.memref_slice %arg2[%dma_start3A_403, %dma_start3A_404] : memref<10000x128xf32, #tpu.memory_space<hbm>> -> memref<10000x128xf32, #tpu.memory_space<hbm>>
      tpu.enqueue_indirect_dma source(%dma_start3A_405 : memref<10000x128xf32, #tpu.memory_space<hbm>>) target(%arg10 : memref<64x128xf32, #tpu.memory_space<vmem>>) offsets(%dma_start3A_402 : memref<64xi32, #tpu.memory_space<vmem>>) semaphore(%arg13 : memref<!tpu.dma_semaphore, #tpu.memory_space<semaphore_mem>>)
      %dma_wait3A_406 = arith.constant 0 : i32
      %dma_wait3A_407 = arith.constant 0 : i32
      %dma_wait3A_408 = tpu.memref_slice %arg7[%dma_wait3A_406, %dma_wait3A_407] : memref<16x64xi32, #tpu.memory_space<vmem>> -> memref<1x64xi32, #tpu.memory_space<vmem>>
      %dma_wait3A_409 = tpu.memref_squeeze %dma_wait3A_408 : memref<1x64xi32, #tpu.memory_space<vmem>> -> memref<64xi32, #tpu.memory_space<vmem>>
      %dma_wait3A_410 = arith.constant 0 : i32
      %dma_wait3A_411 = arith.constant 0 : i32
      %dma_wait3A_412 = tpu.memref_slice %arg2[%dma_wait3A_410, %dma_wait3A_411] : memref<10000x128xf32, #tpu.memory_space<hbm>> -> memref<10000x128xf32, #tpu.memory_space<hbm>>
      tpu.wait_indirect_dma semaphore(%arg13 : memref<!tpu.dma_semaphore, #tpu.memory_space<semaphore_mem>>) src(%dma_wait3A_412 : memref<10000x128xf32, #tpu.memory_space<hbm>>) dst(%arg9 : memref<64x128xf32, #tpu.memory_space<vmem>>)
      %dma_wait3A_413 = arith.constant 0 : i32
      %dma_wait3A_414 = arith.constant 0 : i32
      %dma_wait3A_415 = tpu.memref_slice %arg8[%dma_wait3A_413, %dma_wait3A_414] : memref<16x64xi32, #tpu.memory_space<vmem>> -> memref<1x64xi32, #tpu.memory_space<vmem>>
      %dma_wait3A_416 = tpu.memref_squeeze %dma_wait3A_415 : memref<1x64xi32, #tpu.memory_space<vmem>> -> memref<64xi32, #tpu.memory_space<vmem>>
      %dma_wait3A_417 = arith.constant 0 : i32
      %dma_wait3A_418 = arith.constant 0 : i32
      %dma_wait3A_419 = tpu.memref_slice %arg12[%dma_wait3A_417, %dma_wait3A_418] : memref<10240x128xf32, #tpu.memory_space<vmem_shared>> -> memref<10240x128xf32, #tpu.memory_space<vmem_shared>>
      tpu.wait_indirect_dma semaphore(%arg14 : memref<!tpu.dma_semaphore, #tpu.memory_space<semaphore_mem>>) src(%arg9 : memref<64x128xf32, #tpu.memory_space<vmem>>) dst(%dma_wait3A_419 : memref<10240x128xf32, #tpu.memory_space<vmem_shared>>)
      %dma_start3A_420 = arith.constant 12 : i32
      %dma_start3A_421 = arith.constant 0 : i32
      %dma_start3A_422 = tpu.memref_slice %arg8[%dma_start3A_420, %dma_start3A_421] : memref<16x64xi32, #tpu.memory_space<vmem>> -> memref<1x64xi32, #tpu.memory_space<vmem>>
      %dma_start3A_423 = tpu.memref_squeeze %dma_start3A_422 : memref<1x64xi32, #tpu.memory_space<vmem>> -> memref<64xi32, #tpu.memory_space<vmem>>
      %dma_start3A_424 = arith.constant 0 : i32
      %dma_start3A_425 = arith.constant 0 : i32
      %dma_start3A_426 = tpu.memref_slice %arg12[%dma_start3A_424, %dma_start3A_425] : memref<10240x128xf32, #tpu.memory_space<vmem_shared>> -> memref<10240x128xf32, #tpu.memory_space<vmem_shared>>
      tpu.enqueue_indirect_dma source(%arg9 : memref<64x128xf32, #tpu.memory_space<vmem>>) target(%dma_start3A_426 : memref<10240x128xf32, #tpu.memory_space<vmem_shared>>) offsets(%dma_start3A_423 : memref<64xi32, #tpu.memory_space<vmem>>) semaphore(%arg14 : memref<!tpu.dma_semaphore, #tpu.memory_space<semaphore_mem>>) {add = true}
      %dma_start3A_427 = arith.constant 14 : i32
      %dma_start3A_428 = arith.constant 0 : i32
      %dma_start3A_429 = tpu.memref_slice %arg7[%dma_start3A_427, %dma_start3A_428] : memref<16x64xi32, #tpu.memory_space<vmem>> -> memref<1x64xi32, #tpu.memory_space<vmem>>
      %dma_start3A_430 = tpu.memref_squeeze %dma_start3A_429 : memref<1x64xi32, #tpu.memory_space<vmem>> -> memref<64xi32, #tpu.memory_space<vmem>>
      %dma_start3A_431 = arith.constant 0 : i32
      %dma_start3A_432 = arith.constant 0 : i32
      %dma_start3A_433 = tpu.memref_slice %arg2[%dma_start3A_431, %dma_start3A_432] : memref<10000x128xf32, #tpu.memory_space<hbm>> -> memref<10000x128xf32, #tpu.memory_space<hbm>>
      tpu.enqueue_indirect_dma source(%dma_start3A_433 : memref<10000x128xf32, #tpu.memory_space<hbm>>) target(%arg11 : memref<64x128xf32, #tpu.memory_space<vmem>>) offsets(%dma_start3A_430 : memref<64xi32, #tpu.memory_space<vmem>>) semaphore(%arg13 : memref<!tpu.dma_semaphore, #tpu.memory_space<semaphore_mem>>)
      %dma_wait3A_434 = arith.constant 0 : i32
      %dma_wait3A_435 = arith.constant 0 : i32
      %dma_wait3A_436 = tpu.memref_slice %arg7[%dma_wait3A_434, %dma_wait3A_435] : memref<16x64xi32, #tpu.memory_space<vmem>> -> memref<1x64xi32, #tpu.memory_space<vmem>>
      %dma_wait3A_437 = tpu.memref_squeeze %dma_wait3A_436 : memref<1x64xi32, #tpu.memory_space<vmem>> -> memref<64xi32, #tpu.memory_space<vmem>>
      %dma_wait3A_438 = arith.constant 0 : i32
      %dma_wait3A_439 = arith.constant 0 : i32
      %dma_wait3A_440 = tpu.memref_slice %arg2[%dma_wait3A_438, %dma_wait3A_439] : memref<10000x128xf32, #tpu.memory_space<hbm>> -> memref<10000x128xf32, #tpu.memory_space<hbm>>
      tpu.wait_indirect_dma semaphore(%arg13 : memref<!tpu.dma_semaphore, #tpu.memory_space<semaphore_mem>>) src(%dma_wait3A_440 : memref<10000x128xf32, #tpu.memory_space<hbm>>) dst(%arg10 : memref<64x128xf32, #tpu.memory_space<vmem>>)
      %dma_wait3A_441 = arith.constant 0 : i32
      %dma_wait3A_442 = arith.constant 0 : i32
      %dma_wait3A_443 = tpu.memref_slice %arg8[%dma_wait3A_441, %dma_wait3A_442] : memref<16x64xi32, #tpu.memory_space<vmem>> -> memref<1x64xi32, #tpu.memory_space<vmem>>
      %dma_wait3A_444 = tpu.memref_squeeze %dma_wait3A_443 : memref<1x64xi32, #tpu.memory_space<vmem>> -> memref<64xi32, #tpu.memory_space<vmem>>
      %dma_wait3A_445 = arith.constant 0 : i32
      %dma_wait3A_446 = arith.constant 0 : i32
      %dma_wait3A_447 = tpu.memref_slice %arg12[%dma_wait3A_445, %dma_wait3A_446] : memref<10240x128xf32, #tpu.memory_space<vmem_shared>> -> memref<10240x128xf32, #tpu.memory_space<vmem_shared>>
      tpu.wait_indirect_dma semaphore(%arg14 : memref<!tpu.dma_semaphore, #tpu.memory_space<semaphore_mem>>) src(%arg9 : memref<64x128xf32, #tpu.memory_space<vmem>>) dst(%dma_wait3A_447 : memref<10240x128xf32, #tpu.memory_space<vmem_shared>>)
      %dma_start3A_448 = arith.constant 13 : i32
      %dma_start3A_449 = arith.constant 0 : i32
      %dma_start3A_450 = tpu.memref_slice %arg8[%dma_start3A_448, %dma_start3A_449] : memref<16x64xi32, #tpu.memory_space<vmem>> -> memref<1x64xi32, #tpu.memory_space<vmem>>
      %dma_start3A_451 = tpu.memref_squeeze %dma_start3A_450 : memref<1x64xi32, #tpu.memory_space<vmem>> -> memref<64xi32, #tpu.memory_space<vmem>>
      %dma_start3A_452 = arith.constant 0 : i32
      %dma_start3A_453 = arith.constant 0 : i32
      %dma_start3A_454 = tpu.memref_slice %arg12[%dma_start3A_452, %dma_start3A_453] : memref<10240x128xf32, #tpu.memory_space<vmem_shared>> -> memref<10240x128xf32, #tpu.memory_space<vmem_shared>>
      tpu.enqueue_indirect_dma source(%arg10 : memref<64x128xf32, #tpu.memory_space<vmem>>) target(%dma_start3A_454 : memref<10240x128xf32, #tpu.memory_space<vmem_shared>>) offsets(%dma_start3A_451 : memref<64xi32, #tpu.memory_space<vmem>>) semaphore(%arg14 : memref<!tpu.dma_semaphore, #tpu.memory_space<semaphore_mem>>) {add = true}
      %dma_start3A_455 = arith.constant 15 : i32
      %dma_start3A_456 = arith.constant 0 : i32
      %dma_start3A_457 = tpu.memref_slice %arg7[%dma_start3A_455, %dma_start3A_456] : memref<16x64xi32, #tpu.memory_space<vmem>> -> memref<1x64xi32, #tpu.memory_space<vmem>>
      %dma_start3A_458 = tpu.memref_squeeze %dma_start3A_457 : memref<1x64xi32, #tpu.memory_space<vmem>> -> memref<64xi32, #tpu.memory_space<vmem>>
      %dma_start3A_459 = arith.constant 0 : i32
      %dma_start3A_460 = arith.constant 0 : i32
      %dma_start3A_461 = tpu.memref_slice %arg2[%dma_start3A_459, %dma_start3A_460] : memref<10000x128xf32, #tpu.memory_space<hbm>> -> memref<10000x128xf32, #tpu.memory_space<hbm>>
      tpu.enqueue_indirect_dma source(%dma_start3A_461 : memref<10000x128xf32, #tpu.memory_space<hbm>>) target(%arg9 : memref<64x128xf32, #tpu.memory_space<vmem>>) offsets(%dma_start3A_458 : memref<64xi32, #tpu.memory_space<vmem>>) semaphore(%arg13 : memref<!tpu.dma_semaphore, #tpu.memory_space<semaphore_mem>>)
      %dma_wait3A_462 = arith.constant 0 : i32
      %dma_wait3A_463 = arith.constant 0 : i32
      %dma_wait3A_464 = tpu.memref_slice %arg7[%dma_wait3A_462, %dma_wait3A_463] : memref<16x64xi32, #tpu.memory_space<vmem>> -> memref<1x64xi32, #tpu.memory_space<vmem>>
      %dma_wait3A_465 = tpu.memref_squeeze %dma_wait3A_464 : memref<1x64xi32, #tpu.memory_space<vmem>> -> memref<64xi32, #tpu.memory_space<vmem>>
      %dma_wait3A_466 = arith.constant 0 : i32
      %dma_wait3A_467 = arith.constant 0 : i32
      %dma_wait3A_468 = tpu.memref_slice %arg2[%dma_wait3A_466, %dma_wait3A_467] : memref<10000x128xf32, #tpu.memory_space<hbm>> -> memref<10000x128xf32, #tpu.memory_space<hbm>>
      tpu.wait_indirect_dma semaphore(%arg13 : memref<!tpu.dma_semaphore, #tpu.memory_space<semaphore_mem>>) src(%dma_wait3A_468 : memref<10000x128xf32, #tpu.memory_space<hbm>>) dst(%arg11 : memref<64x128xf32, #tpu.memory_space<vmem>>)
      %dma_wait3A_469 = arith.constant 0 : i32
      %dma_wait3A_470 = arith.constant 0 : i32
      %dma_wait3A_471 = tpu.memref_slice %arg8[%dma_wait3A_469, %dma_wait3A_470] : memref<16x64xi32, #tpu.memory_space<vmem>> -> memref<1x64xi32, #tpu.memory_space<vmem>>
      %dma_wait3A_472 = tpu.memref_squeeze %dma_wait3A_471 : memref<1x64xi32, #tpu.memory_space<vmem>> -> memref<64xi32, #tpu.memory_space<vmem>>
      %dma_wait3A_473 = arith.constant 0 : i32
      %dma_wait3A_474 = arith.constant 0 : i32
      %dma_wait3A_475 = tpu.memref_slice %arg12[%dma_wait3A_473, %dma_wait3A_474] : memref<10240x128xf32, #tpu.memory_space<vmem_shared>> -> memref<10240x128xf32, #tpu.memory_space<vmem_shared>>
      tpu.wait_indirect_dma semaphore(%arg14 : memref<!tpu.dma_semaphore, #tpu.memory_space<semaphore_mem>>) src(%arg9 : memref<64x128xf32, #tpu.memory_space<vmem>>) dst(%dma_wait3A_475 : memref<10240x128xf32, #tpu.memory_space<vmem_shared>>)
      %dma_start3A_476 = arith.constant 14 : i32
      %dma_start3A_477 = arith.constant 0 : i32
      %dma_start3A_478 = tpu.memref_slice %arg8[%dma_start3A_476, %dma_start3A_477] : memref<16x64xi32, #tpu.memory_space<vmem>> -> memref<1x64xi32, #tpu.memory_space<vmem>>
      %dma_start3A_479 = tpu.memref_squeeze %dma_start3A_478 : memref<1x64xi32, #tpu.memory_space<vmem>> -> memref<64xi32, #tpu.memory_space<vmem>>
      %dma_start3A_480 = arith.constant 0 : i32
      %dma_start3A_481 = arith.constant 0 : i32
      %dma_start3A_482 = tpu.memref_slice %arg12[%dma_start3A_480, %dma_start3A_481] : memref<10240x128xf32, #tpu.memory_space<vmem_shared>> -> memref<10240x128xf32, #tpu.memory_space<vmem_shared>>
      tpu.enqueue_indirect_dma source(%arg11 : memref<64x128xf32, #tpu.memory_space<vmem>>) target(%dma_start3A_482 : memref<10240x128xf32, #tpu.memory_space<vmem_shared>>) offsets(%dma_start3A_479 : memref<64xi32, #tpu.memory_space<vmem>>) semaphore(%arg14 : memref<!tpu.dma_semaphore, #tpu.memory_space<semaphore_mem>>) {add = true}
      %dma_wait3A_483 = arith.constant 0 : i32
      %dma_wait3A_484 = arith.constant 0 : i32
      %dma_wait3A_485 = tpu.memref_slice %arg7[%dma_wait3A_483, %dma_wait3A_484] : memref<16x64xi32, #tpu.memory_space<vmem>> -> memref<1x64xi32, #tpu.memory_space<vmem>>
      %dma_wait3A_486 = tpu.memref_squeeze %dma_wait3A_485 : memref<1x64xi32, #tpu.memory_space<vmem>> -> memref<64xi32, #tpu.memory_space<vmem>>
      %dma_wait3A_487 = arith.constant 0 : i32
      %dma_wait3A_488 = arith.constant 0 : i32
      %dma_wait3A_489 = tpu.memref_slice %arg2[%dma_wait3A_487, %dma_wait3A_488] : memref<10000x128xf32, #tpu.memory_space<hbm>> -> memref<10000x128xf32, #tpu.memory_space<hbm>>
      tpu.wait_indirect_dma semaphore(%arg13 : memref<!tpu.dma_semaphore, #tpu.memory_space<semaphore_mem>>) src(%dma_wait3A_489 : memref<10000x128xf32, #tpu.memory_space<hbm>>) dst(%arg9 : memref<64x128xf32, #tpu.memory_space<vmem>>)
      %dma_wait3A_490 = arith.constant 0 : i32
      %dma_wait3A_491 = arith.constant 0 : i32
      %dma_wait3A_492 = tpu.memref_slice %arg8[%dma_wait3A_490, %dma_wait3A_491] : memref<16x64xi32, #tpu.memory_space<vmem>> -> memref<1x64xi32, #tpu.memory_space<vmem>>
      %dma_wait3A_493 = tpu.memref_squeeze %dma_wait3A_492 : memref<1x64xi32, #tpu.memory_space<vmem>> -> memref<64xi32, #tpu.memory_space<vmem>>
      %dma_wait3A_494 = arith.constant 0 : i32
      %dma_wait3A_495 = arith.constant 0 : i32
      %dma_wait3A_496 = tpu.memref_slice %arg12[%dma_wait3A_494, %dma_wait3A_495] : memref<10240x128xf32, #tpu.memory_space<vmem_shared>> -> memref<10240x128xf32, #tpu.memory_space<vmem_shared>>
      tpu.wait_indirect_dma semaphore(%arg14 : memref<!tpu.dma_semaphore, #tpu.memory_space<semaphore_mem>>) src(%arg9 : memref<64x128xf32, #tpu.memory_space<vmem>>) dst(%dma_wait3A_496 : memref<10240x128xf32, #tpu.memory_space<vmem_shared>>)
      %dma_start3A_497 = arith.constant 15 : i32
      %dma_start3A_498 = arith.constant 0 : i32
      %dma_start3A_499 = tpu.memref_slice %arg8[%dma_start3A_497, %dma_start3A_498] : memref<16x64xi32, #tpu.memory_space<vmem>> -> memref<1x64xi32, #tpu.memory_space<vmem>>
      %dma_start3A_500 = tpu.memref_squeeze %dma_start3A_499 : memref<1x64xi32, #tpu.memory_space<vmem>> -> memref<64xi32, #tpu.memory_space<vmem>>
      %dma_start3A_501 = arith.constant 0 : i32
      %dma_start3A_502 = arith.constant 0 : i32
      %dma_start3A_503 = tpu.memref_slice %arg12[%dma_start3A_501, %dma_start3A_502] : memref<10240x128xf32, #tpu.memory_space<vmem_shared>> -> memref<10240x128xf32, #tpu.memory_space<vmem_shared>>
      tpu.enqueue_indirect_dma source(%arg9 : memref<64x128xf32, #tpu.memory_space<vmem>>) target(%dma_start3A_503 : memref<10240x128xf32, #tpu.memory_space<vmem_shared>>) offsets(%dma_start3A_500 : memref<64xi32, #tpu.memory_space<vmem>>) semaphore(%arg14 : memref<!tpu.dma_semaphore, #tpu.memory_space<semaphore_mem>>) {add = true}
      %dma_wait3A_504 = arith.constant 0 : i32
      %dma_wait3A_505 = arith.constant 0 : i32
      %dma_wait3A_506 = tpu.memref_slice %arg8[%dma_wait3A_504, %dma_wait3A_505] : memref<16x64xi32, #tpu.memory_space<vmem>> -> memref<1x64xi32, #tpu.memory_space<vmem>>
      %dma_wait3A_507 = tpu.memref_squeeze %dma_wait3A_506 : memref<1x64xi32, #tpu.memory_space<vmem>> -> memref<64xi32, #tpu.memory_space<vmem>>
      %dma_wait3A_508 = arith.constant 0 : i32
      %dma_wait3A_509 = arith.constant 0 : i32
      %dma_wait3A_510 = tpu.memref_slice %arg12[%dma_wait3A_508, %dma_wait3A_509] : memref<10240x128xf32, #tpu.memory_space<vmem_shared>> -> memref<10240x128xf32, #tpu.memory_space<vmem_shared>>
      tpu.wait_indirect_dma semaphore(%arg14 : memref<!tpu.dma_semaphore, #tpu.memory_space<semaphore_mem>>) src(%arg9 : memref<64x128xf32, #tpu.memory_space<vmem>>) dst(%dma_wait3A_510 : memref<10240x128xf32, #tpu.memory_space<vmem_shared>>)
    }
    %scan3A_51 = arith.constant 10 : i32
    %barrier3A_52 = arith.constant 0 : index
    tpu.barrier barrier_id(%barrier3A_52)
    %scan3A_53 = arith.constant 0 : i32
    %scan3A_54 = arith.constant 0 : i32
    %scan3A_55 = arith.constant 10 : i32
    %scan3A_56 = arith.addi %scan3A_54, %scan3A_55 : i32
    %scan3A_57 = arith.constant 1 : i32
    scf.for %scan3A_59 = %scan3A_54 to %scan3A_56 step %scan3A_57  : i32 {
      %mul3A_60 = arith.constant 640 : i32
      %mul3A_61 = arith.muli %arg1, %mul3A_60 : i32
      %mul3A_62 = arith.constant 64 : i32
      %mul3A_63 = arith.muli %scan3A_59, %mul3A_62 : i32
      %add3A_64 = arith.addi %mul3A_61, %mul3A_63 : i32
      "tpu.region"() ({
        %run_scoped3A = tpu.sem_alloc : memref<!tpu.dma_semaphore, #tpu.memory_space<semaphore_mem>>
        %dma_start3A = arith.constant 0 : i32
        %dma_start3A_65 = arith.constant 0 : i32
        %dma_start3A_66 = tpu.memref_slice %arg10[%dma_start3A, %dma_start3A_65] : memref<64x128xf32, #tpu.memory_space<vmem>> -> memref<64x128xf32, #tpu.memory_space<vmem>>
        %dma_start3A_67 = arith.constant 0 : i32
        %dma_start3A_68 = tpu.memref_slice %arg12[%add3A_64, %dma_start3A_67] : memref<10240x128xf32, #tpu.memory_space<vmem_shared>> -> memref<64x128xf32, #tpu.memory_space<vmem_shared>>
        %dma_start3A_69 = arith.constant 0 : i32
        %dma_start3A_70 = arith.constant 0 : i32
        %dma_start3A_71 = tpu.memref_slice %arg10[%dma_start3A_69, %dma_start3A_70] : memref<64x128xf32, #tpu.memory_space<vmem>> -> memref<64x128xf32, #tpu.memory_space<vmem>>
        %dma_start3A_72 = arith.constant 0 : i32
        %dma_start3A_73 = tpu.memref_slice %arg12[%add3A_64, %dma_start3A_72] : memref<10240x128xf32, #tpu.memory_space<vmem_shared>> -> memref<64x128xf32, #tpu.memory_space<vmem_shared>>
        tpu.enqueue_dma source(%dma_start3A_73 : memref<64x128xf32, #tpu.memory_space<vmem_shared>>) target(%dma_start3A_71 : memref<64x128xf32, #tpu.memory_space<vmem>>) target_semaphore(%run_scoped3A : memref<!tpu.dma_semaphore, #tpu.memory_space<semaphore_mem>>)
        %dma_wait3A = arith.constant 0 : i32
        %dma_wait3A_74 = arith.constant 0 : i32
        %dma_wait3A_75 = tpu.memref_slice %arg10[%dma_wait3A, %dma_wait3A_74] : memref<64x128xf32, #tpu.memory_space<vmem>> -> memref<64x128xf32, #tpu.memory_space<vmem>>
        %dma_wait3A_76 = arith.constant 0 : i32
        %dma_wait3A_77 = tpu.memref_slice %arg12[%add3A_64, %dma_wait3A_76] : memref<10240x128xf32, #tpu.memory_space<vmem_shared>> -> memref<64x128xf32, #tpu.memory_space<vmem_shared>>
        %dma_wait3A_78 = arith.constant 0 : i32
        %dma_wait3A_79 = arith.constant 0 : i32
        %dma_wait3A_80 = tpu.memref_slice %arg10[%dma_wait3A_78, %dma_wait3A_79] : memref<64x128xf32, #tpu.memory_space<vmem>> -> memref<64x128xf32, #tpu.memory_space<vmem>>
        %dma_wait3A_81 = arith.constant 0 : i32
        %dma_wait3A_82 = tpu.memref_slice %arg12[%add3A_64, %dma_wait3A_81] : memref<10240x128xf32, #tpu.memory_space<vmem_shared>> -> memref<64x128xf32, #tpu.memory_space<vmem_shared>>
        tpu.wait_dma2 semaphore(%run_scoped3A : memref<!tpu.dma_semaphore, #tpu.memory_space<semaphore_mem>>) src(%dma_wait3A_82 : memref<64x128xf32, #tpu.memory_space<vmem_shared>>) dst(%dma_wait3A_80 : memref<64x128xf32, #tpu.memory_space<vmem>>)
        tpu.yield
      }) : () -> ()
      "tpu.region"() ({
        %run_scoped3A = tpu.sem_alloc : memref<!tpu.dma_semaphore, #tpu.memory_space<semaphore_mem>>
        %dma_start3A = arith.constant 0 : i32
        %dma_start3A_65 = arith.constant 0 : i32
        %dma_start3A_66 = tpu.memref_slice %arg10[%dma_start3A, %dma_start3A_65] : memref<64x128xf32, #tpu.memory_space<vmem>> -> memref<64x128xf32, #tpu.memory_space<vmem>>
        %dma_start3A_67 = arith.constant 0 : i32
        %dma_start3A_68 = tpu.memref_slice %arg5[%arg0, %add3A_64, %dma_start3A_67] : memref<2x10240x128xf32, #tpu.memory_space<hbm>> -> memref<1x64x128xf32, #tpu.memory_space<hbm>>
        %dma_start3A_69 = tpu.memref_squeeze %dma_start3A_68 : memref<1x64x128xf32, #tpu.memory_space<hbm>> -> memref<64x128xf32, #tpu.memory_space<hbm>>
        %dma_start3A_70 = arith.constant 0 : i32
        %dma_start3A_71 = tpu.memref_slice %arg5[%arg0, %add3A_64, %dma_start3A_70] : memref<2x10240x128xf32, #tpu.memory_space<hbm>> -> memref<1x64x128xf32, #tpu.memory_space<hbm>>
        %dma_start3A_72 = tpu.memref_squeeze %dma_start3A_71 : memref<1x64x128xf32, #tpu.memory_space<hbm>> -> memref<64x128xf32, #tpu.memory_space<hbm>>
        %dma_start3A_73 = arith.constant 0 : i32
        %dma_start3A_74 = arith.constant 0 : i32
        %dma_start3A_75 = tpu.memref_slice %arg10[%dma_start3A_73, %dma_start3A_74] : memref<64x128xf32, #tpu.memory_space<vmem>> -> memref<64x128xf32, #tpu.memory_space<vmem>>
        tpu.enqueue_dma source(%dma_start3A_75 : memref<64x128xf32, #tpu.memory_space<vmem>>) target(%dma_start3A_72 : memref<64x128xf32, #tpu.memory_space<hbm>>) target_semaphore(%run_scoped3A : memref<!tpu.dma_semaphore, #tpu.memory_space<semaphore_mem>>)
        %dma_wait3A = arith.constant 0 : i32
        %dma_wait3A_76 = arith.constant 0 : i32
        %dma_wait3A_77 = tpu.memref_slice %arg10[%dma_wait3A, %dma_wait3A_76] : memref<64x128xf32, #tpu.memory_space<vmem>> -> memref<64x128xf32, #tpu.memory_space<vmem>>
        %dma_wait3A_78 = arith.constant 0 : i32
        %dma_wait3A_79 = tpu.memref_slice %arg5[%arg0, %add3A_64, %dma_wait3A_78] : memref<2x10240x128xf32, #tpu.memory_space<hbm>> -> memref<1x64x128xf32, #tpu.memory_space<hbm>>
        %dma_wait3A_80 = tpu.memref_squeeze %dma_wait3A_79 : memref<1x64x128xf32, #tpu.memory_space<hbm>> -> memref<64x128xf32, #tpu.memory_space<hbm>>
        %dma_wait3A_81 = arith.constant 0 : i32
        %dma_wait3A_82 = tpu.memref_slice %arg5[%arg0, %add3A_64, %dma_wait3A_81] : memref<2x10240x128xf32, #tpu.memory_space<hbm>> -> memref<1x64x128xf32, #tpu.memory_space<hbm>>
        %dma_wait3A_83 = tpu.memref_squeeze %dma_wait3A_82 : memref<1x64x128xf32, #tpu.memory_space<hbm>> -> memref<64x128xf32, #tpu.memory_space<hbm>>
        %dma_wait3A_84 = arith.constant 0 : i32
        %dma_wait3A_85 = arith.constant 0 : i32
        %dma_wait3A_86 = tpu.memref_slice %arg10[%dma_wait3A_84, %dma_wait3A_85] : memref<64x128xf32, #tpu.memory_space<vmem>> -> memref<64x128xf32, #tpu.memory_space<vmem>>
        tpu.wait_dma2 semaphore(%run_scoped3A : memref<!tpu.dma_semaphore, #tpu.memory_space<semaphore_mem>>) src(%dma_wait3A_86 : memref<64x128xf32, #tpu.memory_space<vmem>>) dst(%dma_wait3A_83 : memref<64x128xf32, #tpu.memory_space<hbm>>)
        tpu.yield
      }) : () -> ()
    }
    %scan3A_58 = arith.constant 10 : i32
    return
  }
}

module attributes {stable_mosaic.version = 14 : i64} {
  func.func @body(%arg0: i32, %arg1: memref<1x400x128xf32, #tpu.memory_space<vmem>>, %arg2: memref<1x400x128xf32, #tpu.memory_space<vmem>>, %arg3: memref<1x400x128xf32, #tpu.memory_space<vmem>>, %arg4: memref<1x400x128xf32, #tpu.memory_space<vmem>>, %arg5: memref<400x128xf32, #tpu.memory_space<vmem>>, %arg6: memref<128x128xf32, #tpu.memory_space<vmem>>, %arg7: memref<1x128xf32, #tpu.memory_space<vmem>>, %arg8: memref<128x128xf32, #tpu.memory_space<vmem>>, %arg9: memref<400x128xf32, #tpu.memory_space<vmem>>) attributes {dimension_semantics = [#tpu.dimension_semantics<arbitrary>], iteration_bounds = array<i64: 25>, scalar_prefetch = 0 : i64, scratch_operands = 0 : i64, tpu.core_type = #tpu.core_type<tc>, window_params = [{transform_indices = @transform_0, window_bounds = array<i64: 1, 400, 128>}, {transform_indices = @transform_1, window_bounds = array<i64: 1, 400, 128>}, {transform_indices = @transform_2, window_bounds = array<i64: 1, 400, 128>}, {transform_indices = @transform_3, window_bounds = array<i64: 1, 400, 128>}, {transform_indices = @transform_4, window_bounds = array<i64: 400, 128>}, {pipeline_mode = #tpu.pipeline_mode<synchronous>, transform_indices = @transform_5, window_bounds = array<i64: 128, 128>}, {pipeline_mode = #tpu.pipeline_mode<synchronous>, transform_indices = @transform_6, window_bounds = array<i64: 1, 128>}, {pipeline_mode = #tpu.pipeline_mode<synchronous>, transform_indices = @transform_7, window_bounds = array<i64: 128, 128>}, {transform_indices = @transform_8, window_bounds = array<i64: 400, 128>}]} {
    %get3A = arith.constant 0 : index
    %get3A_0 = arith.constant 0 : index
    %get3A_1 = arith.constant 0 : index
    %get3A_2 = vector.load %arg3[%get3A, %get3A_0, %get3A_1] : memref<1x400x128xf32, #tpu.memory_space<vmem>>, vector<1x400x1xf32>
    %get3A_3 = vector.shape_cast %get3A_2 : vector<1x400x1xf32> to vector<400x1xf32>
    %get3A_4 = arith.constant 0 : index
    %get3A_5 = arith.constant 0 : index
    %get3A_6 = arith.constant 0 : index
    %get3A_7 = vector.load %arg4[%get3A_4, %get3A_5, %get3A_6] : memref<1x400x128xf32, #tpu.memory_space<vmem>>, vector<1x400x1xf32>
    %get3A_8 = vector.shape_cast %get3A_7 : vector<1x400x1xf32> to vector<400x1xf32>
    %add3A = arith.addf %get3A_3, %get3A_8 : vector<400x1xf32>
    %get3A_9 = arith.constant 0 : index
    %get3A_10 = arith.constant 0 : index
    %get3A_11 = arith.constant 0 : index
    %get3A_12 = vector.load %arg1[%get3A_9, %get3A_10, %get3A_11] : memref<1x400x128xf32, #tpu.memory_space<vmem>>, vector<1x400x128xf32>
    %get3A_13 = vector.shape_cast %get3A_12 : vector<1x400x128xf32> to vector<400x128xf32>
    %get3A_14 = arith.constant 0 : index
    %get3A_15 = arith.constant 0 : index
    %get3A_16 = arith.constant 0 : index
    %get3A_17 = vector.load %arg2[%get3A_14, %get3A_15, %get3A_16] : memref<1x400x128xf32, #tpu.memory_space<vmem>>, vector<1x400x128xf32>
    %get3A_18 = vector.shape_cast %get3A_17 : vector<1x400x128xf32> to vector<400x128xf32>
    %add3A_19 = arith.addf %get3A_13, %get3A_18 : vector<400x128xf32>
    %max3A = arith.constant 1.000000e+00 : f32
    %max3A_20 = vector.broadcast %max3A : f32 to vector<400x1xf32>
    %max3A_21 = arith.maximumf %add3A, %max3A_20 : vector<400x1xf32>
    %div3A = vector.broadcast %max3A_21 : vector<400x1xf32> to vector<400x128xf32>
    %div3A_22 = arith.divf %add3A_19, %div3A : vector<400x128xf32>
    %get3A_23 = arith.constant 0 : index
    %get3A_24 = arith.constant 0 : index
    %get3A_25 = vector.load %arg6[%get3A_23, %get3A_24] : memref<128x128xf32, #tpu.memory_space<vmem>>, vector<128x128xf32>
    %dot_general3A = arith.constant dense<0.000000e+00> : vector<400x128xf32>
    %dot_general3A_26 = tpu.matmul %div3A_22, %get3A_25, %dot_general3A {dimension_numbers = #tpu.dot_dimension_numbers<[1], [1], [0], [0], [0, 0, 1, 0], [], []>, transpose_lhs_hint = false} : vector<400x128xf32>, vector<128x128xf32>, vector<400x128xf32> -> vector<400x128xf32>
    %get3A_27 = arith.constant 0 : index
    %get3A_28 = arith.constant 0 : index
    %get3A_29 = vector.load %arg5[%get3A_27, %get3A_28] : memref<400x128xf32, #tpu.memory_space<vmem>>, vector<400x128xf32>
    %get3A_30 = arith.constant 0 : index
    %get3A_31 = arith.constant 0 : index
    %get3A_32 = vector.load %arg8[%get3A_30, %get3A_31] : memref<128x128xf32, #tpu.memory_space<vmem>>, vector<128x128xf32>
    %dot_general3A_33 = arith.constant dense<0.000000e+00> : vector<400x128xf32>
    %dot_general3A_34 = tpu.matmul %get3A_29, %get3A_32, %dot_general3A_33 {dimension_numbers = #tpu.dot_dimension_numbers<[1], [1], [0], [0], [0, 0, 1, 0], [], []>, transpose_lhs_hint = false} : vector<400x128xf32>, vector<128x128xf32>, vector<400x128xf32> -> vector<400x128xf32>
    %add3A_35 = arith.addf %dot_general3A_26, %dot_general3A_34 : vector<400x128xf32>
    %get3A_36 = arith.constant 0 : index
    %get3A_37 = arith.constant 0 : index
    %get3A_38 = vector.load %arg7[%get3A_36, %get3A_37] : memref<1x128xf32, #tpu.memory_space<vmem>>, vector<1x128xf32>
    %add3A_39 = vector.broadcast %get3A_38 : vector<1x128xf32> to vector<400x128xf32>
    %add3A_40 = arith.addf %add3A_35, %add3A_39 : vector<400x128xf32>
    %max3A_41 = arith.constant 0.000000e+00 : f32
    %max3A_42 = vector.broadcast %max3A_41 : f32 to vector<400x128xf32>
    %max3A_43 = arith.maximumf %add3A_40, %max3A_42 : vector<400x128xf32>
    %swap3A = arith.constant 0 : index
    %swap3A_44 = arith.constant 0 : index
    %swap3A_45 = vector.load %arg9[%swap3A, %swap3A_44] : memref<400x128xf32, #tpu.memory_space<vmem>>, vector<400x128xf32>
    tpu.vector_store %arg9[%swap3A, %swap3A_44], %max3A_43 {strides = array<i32>} : memref<400x128xf32, #tpu.memory_space<vmem>>, vector<400x128xf32>,
    return
  }
  func.func @transform_0(%arg0: i32) -> (i32, i32, i32) {
    %c0_i32 = arith.constant 0 : i32
    %c0_i32_0 = arith.constant 0 : i32
    %c0_i32_1 = arith.constant 0 : i32
    return %c0_i32, %arg0, %c0_i32_0 : i32, i32, i32
  }
  func.func @transform_1(%arg0: i32) -> (i32, i32, i32) {
    %c1_i32 = arith.constant 1 : i32
    %c0_i32 = arith.constant 0 : i32
    %c0_i32_0 = arith.constant 0 : i32
    return %c1_i32, %arg0, %c0_i32 : i32, i32, i32
  }
  func.func @transform_2(%arg0: i32) -> (i32, i32, i32) {
    %c0_i32 = arith.constant 0 : i32
    %c0_i32_0 = arith.constant 0 : i32
    %c0_i32_1 = arith.constant 0 : i32
    return %c0_i32, %arg0, %c0_i32_0 : i32, i32, i32
  }
  func.func @transform_3(%arg0: i32) -> (i32, i32, i32) {
    %c1_i32 = arith.constant 1 : i32
    %c0_i32 = arith.constant 0 : i32
    %c0_i32_0 = arith.constant 0 : i32
    return %c1_i32, %arg0, %c0_i32 : i32, i32, i32
  }
  func.func @transform_4(%arg0: i32) -> (i32, i32) {
    %c0_i32 = arith.constant 0 : i32
    %c0_i32_0 = arith.constant 0 : i32
    return %arg0, %c0_i32 : i32, i32
  }
  func.func @transform_5(%arg0: i32) -> (i32, i32) {
    %c0_i32 = arith.constant 0 : i32
    %c0_i32_0 = arith.constant 0 : i32
    %c0_i32_1 = arith.constant 0 : i32
    return %c0_i32, %c0_i32_0 : i32, i32
  }
  func.func @transform_6(%arg0: i32) -> (i32, i32) {
    %c0_i32 = arith.constant 0 : i32
    %c0_i32_0 = arith.constant 0 : i32
    %c0_i32_1 = arith.constant 0 : i32
    return %c0_i32, %c0_i32_0 : i32, i32
  }
  func.func @transform_7(%arg0: i32) -> (i32, i32) {
    %c0_i32 = arith.constant 0 : i32
    %c0_i32_0 = arith.constant 0 : i32
    %c0_i32_1 = arith.constant 0 : i32
    return %c0_i32, %c0_i32_0 : i32, i32
  }
  func.func @transform_8(%arg0: i32) -> (i32, i32) {
    %c0_i32 = arith.constant 0 : i32
    %c0_i32_0 = arith.constant 0 : i32
    return %arg0, %c0_i32 : i32, i32
  }
}

module attributes {stable_mosaic.version = 14 : i64} {
  func.func @body(%arg0: i32, %arg1: memref<1x400x128xf32, #tpu.memory_space<vmem>>, %arg2: memref<1x400x128xf32, #tpu.memory_space<vmem>>, %arg3: memref<1x400x128xf32, #tpu.memory_space<vmem>>, %arg4: memref<1x400x128xf32, #tpu.memory_space<vmem>>, %arg5: memref<400x128xf32, #tpu.memory_space<vmem>>, %arg6: memref<128x128xf32, #tpu.memory_space<vmem>>, %arg7: memref<1x128xf32, #tpu.memory_space<vmem>>, %arg8: memref<128x128xf32, #tpu.memory_space<vmem>>, %arg9: memref<400x128xf32, #tpu.memory_space<vmem>>) attributes {dimension_semantics = [#tpu.dimension_semantics<arbitrary>], iteration_bounds = array<i64: 25>, scalar_prefetch = 0 : i64, scratch_operands = 0 : i64, tpu.core_type = #tpu.core_type<tc>, window_params = [{transform_indices = @transform_0, window_bounds = array<i64: 1, 400, 128>}, {transform_indices = @transform_1, window_bounds = array<i64: 1, 400, 128>}, {transform_indices = @transform_2, window_bounds = array<i64: 1, 400, 128>}, {transform_indices = @transform_3, window_bounds = array<i64: 1, 400, 128>}, {transform_indices = @transform_4, window_bounds = array<i64: 400, 128>}, {pipeline_mode = #tpu.pipeline_mode<synchronous>, transform_indices = @transform_5, window_bounds = array<i64: 128, 128>}, {pipeline_mode = #tpu.pipeline_mode<synchronous>, transform_indices = @transform_6, window_bounds = array<i64: 1, 128>}, {pipeline_mode = #tpu.pipeline_mode<synchronous>, transform_indices = @transform_7, window_bounds = array<i64: 128, 128>}, {transform_indices = @transform_8, window_bounds = array<i64: 400, 128>}]} {
    %get3A = arith.constant 0 : index
    %get3A_0 = arith.constant 0 : index
    %get3A_1 = arith.constant 0 : index
    %get3A_2 = vector.load %arg3[%get3A, %get3A_0, %get3A_1] : memref<1x400x128xf32, #tpu.memory_space<vmem>>, vector<1x400x1xf32>
    %get3A_3 = vector.shape_cast %get3A_2 : vector<1x400x1xf32> to vector<400x1xf32>
    %get3A_4 = arith.constant 0 : index
    %get3A_5 = arith.constant 0 : index
    %get3A_6 = arith.constant 0 : index
    %get3A_7 = vector.load %arg4[%get3A_4, %get3A_5, %get3A_6] : memref<1x400x128xf32, #tpu.memory_space<vmem>>, vector<1x400x1xf32>
    %get3A_8 = vector.shape_cast %get3A_7 : vector<1x400x1xf32> to vector<400x1xf32>
    %add3A = arith.addf %get3A_3, %get3A_8 : vector<400x1xf32>
    %get3A_9 = arith.constant 0 : index
    %get3A_10 = arith.constant 0 : index
    %get3A_11 = arith.constant 0 : index
    %get3A_12 = vector.load %arg1[%get3A_9, %get3A_10, %get3A_11] : memref<1x400x128xf32, #tpu.memory_space<vmem>>, vector<1x400x128xf32>
    %get3A_13 = vector.shape_cast %get3A_12 : vector<1x400x128xf32> to vector<400x128xf32>
    %get3A_14 = arith.constant 0 : index
    %get3A_15 = arith.constant 0 : index
    %get3A_16 = arith.constant 0 : index
    %get3A_17 = vector.load %arg2[%get3A_14, %get3A_15, %get3A_16] : memref<1x400x128xf32, #tpu.memory_space<vmem>>, vector<1x400x128xf32>
    %get3A_18 = vector.shape_cast %get3A_17 : vector<1x400x128xf32> to vector<400x128xf32>
    %add3A_19 = arith.addf %get3A_13, %get3A_18 : vector<400x128xf32>
    %max3A = arith.constant 1.000000e+00 : f32
    %max3A_20 = vector.broadcast %max3A : f32 to vector<400x1xf32>
    %max3A_21 = arith.maximumf %add3A, %max3A_20 : vector<400x1xf32>
    %div3A = vector.broadcast %max3A_21 : vector<400x1xf32> to vector<400x128xf32>
    %div3A_22 = arith.divf %add3A_19, %div3A : vector<400x128xf32>
    %get3A_23 = arith.constant 0 : index
    %get3A_24 = arith.constant 0 : index
    %get3A_25 = vector.load %arg6[%get3A_23, %get3A_24] : memref<128x128xf32, #tpu.memory_space<vmem>>, vector<128x128xf32>
    %dot_general3A = arith.constant dense<0.000000e+00> : vector<400x128xf32>
    %dot_general3A_26 = tpu.matmul %div3A_22, %get3A_25, %dot_general3A {dimension_numbers = #tpu.dot_dimension_numbers<[1], [1], [0], [0], [0, 0, 1, 0], [], []>, transpose_lhs_hint = false} : vector<400x128xf32>, vector<128x128xf32>, vector<400x128xf32> -> vector<400x128xf32>
    %get3A_27 = arith.constant 0 : index
    %get3A_28 = arith.constant 0 : index
    %get3A_29 = vector.load %arg5[%get3A_27, %get3A_28] : memref<400x128xf32, #tpu.memory_space<vmem>>, vector<400x128xf32>
    %get3A_30 = arith.constant 0 : index
    %get3A_31 = arith.constant 0 : index
    %get3A_32 = vector.load %arg8[%get3A_30, %get3A_31] : memref<128x128xf32, #tpu.memory_space<vmem>>, vector<128x128xf32>
    %dot_general3A_33 = arith.constant dense<0.000000e+00> : vector<400x128xf32>
    %dot_general3A_34 = tpu.matmul %get3A_29, %get3A_32, %dot_general3A_33 {dimension_numbers = #tpu.dot_dimension_numbers<[1], [1], [0], [0], [0, 0, 1, 0], [], []>, transpose_lhs_hint = false} : vector<400x128xf32>, vector<128x128xf32>, vector<400x128xf32> -> vector<400x128xf32>
    %add3A_35 = arith.addf %dot_general3A_26, %dot_general3A_34 : vector<400x128xf32>
    %get3A_36 = arith.constant 0 : index
    %get3A_37 = arith.constant 0 : index
    %get3A_38 = vector.load %arg7[%get3A_36, %get3A_37] : memref<1x128xf32, #tpu.memory_space<vmem>>, vector<1x128xf32>
    %add3A_39 = vector.broadcast %get3A_38 : vector<1x128xf32> to vector<400x128xf32>
    %add3A_40 = arith.addf %add3A_35, %add3A_39 : vector<400x128xf32>
    %swap3A = arith.constant 0 : index
    %swap3A_41 = arith.constant 0 : index
    %swap3A_42 = vector.load %arg9[%swap3A, %swap3A_41] : memref<400x128xf32, #tpu.memory_space<vmem>>, vector<400x128xf32>
    tpu.vector_store %arg9[%swap3A, %swap3A_41], %add3A_40 {strides = array<i32>} : memref<400x128xf32, #tpu.memory_space<vmem>>, vector<400x128xf32>,
    return
  }
  func.func @transform_0(%arg0: i32) -> (i32, i32, i32) {
    %c0_i32 = arith.constant 0 : i32
    %c0_i32_0 = arith.constant 0 : i32
    %c0_i32_1 = arith.constant 0 : i32
    return %c0_i32, %arg0, %c0_i32_0 : i32, i32, i32
  }
  func.func @transform_1(%arg0: i32) -> (i32, i32, i32) {
    %c1_i32 = arith.constant 1 : i32
    %c0_i32 = arith.constant 0 : i32
    %c0_i32_0 = arith.constant 0 : i32
    return %c1_i32, %arg0, %c0_i32 : i32, i32, i32
  }
  func.func @transform_2(%arg0: i32) -> (i32, i32, i32) {
    %c0_i32 = arith.constant 0 : i32
    %c0_i32_0 = arith.constant 0 : i32
    %c0_i32_1 = arith.constant 0 : i32
    return %c0_i32, %arg0, %c0_i32_0 : i32, i32, i32
  }
  func.func @transform_3(%arg0: i32) -> (i32, i32, i32) {
    %c1_i32 = arith.constant 1 : i32
    %c0_i32 = arith.constant 0 : i32
    %c0_i32_0 = arith.constant 0 : i32
    return %c1_i32, %arg0, %c0_i32 : i32, i32, i32
  }
  func.func @transform_4(%arg0: i32) -> (i32, i32) {
    %c0_i32 = arith.constant 0 : i32
    %c0_i32_0 = arith.constant 0 : i32
    return %arg0, %c0_i32 : i32, i32
  }
  func.func @transform_5(%arg0: i32) -> (i32, i32) {
    %c0_i32 = arith.constant 0 : i32
    %c0_i32_0 = arith.constant 0 : i32
    %c0_i32_1 = arith.constant 0 : i32
    return %c0_i32, %c0_i32_0 : i32, i32
  }
  func.func @transform_6(%arg0: i32) -> (i32, i32) {
    %c0_i32 = arith.constant 0 : i32
    %c0_i32_0 = arith.constant 0 : i32
    %c0_i32_1 = arith.constant 0 : i32
    return %c0_i32, %c0_i32_0 : i32, i32
  }
  func.func @transform_7(%arg0: i32) -> (i32, i32) {
    %c0_i32 = arith.constant 0 : i32
    %c0_i32_0 = arith.constant 0 : i32
    %c0_i32_1 = arith.constant 0 : i32
    return %c0_i32, %c0_i32_0 : i32, i32
  }
  func.func @transform_8(%arg0: i32) -> (i32, i32) {
    %c0_i32 = arith.constant 0 : i32
    %c0_i32_0 = arith.constant 0 : i32
    return %arg0, %c0_i32 : i32, i32
  }
}

</mosaic_0001>

<sc_bundles>
// kernel: kernel.6.cloned.1.call-start
scs
__scs_entry_jumppad:
0x0: {  	(pc) =	sbr.rel $0x88, $3  }
0x1: {  	(tag) =	ssettag $0x0;
	lr =	simm.s32 $0x1  }
0x2: {  	[smem:$0x3F99] =	sst lr;
	_ =	strace $0xD0000000  }
0x3: {  	_ = 	snop  }
0x4: {  	_ = 	snop  }
0x5: {  	_ = 	snop  }
0x6: {  	_ = 	snop  }
0x7: {  	_ = 	snop  }
__scs_overlays_trampoline_lowered:
0x8: {  	[smem:$0x3FA8] =	sst s0  }
0x9: {  	[smem:$0x3FA9] =	sst s1  }
0xa: {  	[smem:$0x3FAA] =	sst s2  }
0xb: {  	[smem:$0x3FAB] =	sst s3  }
0xc: {  	[smem:$0x3FAC] =	sst s4  }
0xd: {  	[smem:$0x3FAD] =	sst s5  }
0xe: {  	[smem:$0x3FAE] =	sst s6  }
0xf: {  	[smem:$0x3FAF] =	sst s7  }
0x10: {  	[smem:$0x3FB0] =	sst s8  }
0x11: {  	[smem:$0x3FB1] =	sst s9;
	s0 =	simm.s32 @!p0 $0x0  }
0x12: {  	s1 =	sld [smem:$0x3F97];
	s0 =	simm.s32 @p0 $0x1  }
0x13: {  	[smem:$0x3FB2] =	sst s0;
	s0 =	simm.s32 @!p1 $0x0  }
0x14: {  	s2 =	sld [smem:$0x3F96];
	s0 =	simm.s32 @p1 $0x1  }
0x15: {  	[smem:$0x3FB3] =	sst s0;
	s0 =	simm.s32 @!p2 $0x0  }
0x16: {  	s3 =	sld [smem:$0x3FDB];
	s0 =	simm.s32 @p2 $0x1  }
0x17: {  	s4 =	simm.s32 $0x1BF5;
	[smem:$0x3FB5] =	sst s0  }
0x18: {  	s0 =	sld [smem:$0x3F98];
	_ =	swait.ge [sflag:s4], $0x0  }
0x19: {  	s7 =	sld [smem:$0x3F99]  }
0x1a: {  	s8 =	sadd.s32 $0xFFFFE003, lr  }
0x1b: {  	s9 =	sadd.s32 $0xFFFFFEF7, lr;
	s5 =	simm.s32 $0xFFFFFFFF;
	p2 =	slt.u32 s8, $0xFFFFF086  }
0x1c: {  	p1 =	slt.u32 s9, $0xF7A;
	s5 =	simm.s32 @!p2 $0x0  }
0x1d: {  	s5 =	simm.s32 @p1 $0x1;
	p0 =	seq.s32 s7, s2  }
0x1e: {  	s7 =	smul.u32 @!p0 $0xF7A, s2;
	p2 =	seq.s32 @!p0 s5, $0x0  }
0x1f: {  	s9 =	smul.u32 $0xF7A, s1;
	s8 =	simm.s32 @!p0 $0x1BF5;
	p2 =	por !p2, p0  }
0x20: {  	[sflag:s8] =	ssyncset.s32 @!p0 $0xFFFFF086;
	s6 =	sadd.s32 @!p0 s3, s7;
	s7 =	simm.s32 @!p0 $0x108  }
0x21: {  	s3 =	sadd.s32 s3, s9;
	s6 =	sadd.s32 @!p0 $0x88, s6;
	s7 =	simm.s32 @p2 $0x1082  }
0x22: {  	[simem:s7], [sflag:s8] =	dma.local @!p0 [hbm:s6], $0xF7A  }
0x23: {  	s9 =	sor.u32 $0xD0000000, s2;
	s6 =	simm.s32 $0x108;
	_ =	swait.ge @!p0 [sflag:s8], $0x0  }
0x24: {  	s3 =	sadd.s32 $0x88, s3;
	s6 =	simm.s32 @!p1 $0x1082;
	[sflag:s4] =	ssyncset.s32 $0xFFFFF086  }
0x25: {  	[simem:s6], [sflag:s4] =	dma.local [hbm:s3], $0xF7A  }
0x26: {  	[smem:$0x3F99] =	sst s1;
	(tag) =	ssettag s2;
	_ =	strace s9  }
0x27: {  	s1 =	sld [smem:$0x3FA9]  }
0x28: {  	s2 =	sld [smem:$0x3FAA]  }
0x29: {  	s4 =	sld [smem:$0x3FAC]  }
0x2a: {  	p0 =	seq.s32 s5, $0x0;
	s5 =	sld [smem:$0x3FAD]  }
0x2b: {  	s6 =	sld [smem:$0x3FAE]  }
0x2c: {  	s7 =	sld [smem:$0x3FAF]  }
0x2d: {  	s3 =	simm.s32 $0x108;
	s8 =	sld [smem:$0x3FB0]  }
0x2e: {  	s3 =	simm.s32 @!p0 $0x1082;
	s9 =	sld [smem:$0x3FB1]  }
0x2f: {  	lr =	sadd.s32 s0, s3;
	s0 =	sld [smem:$0x3FA8]  }
0x30: {  	s3 =	sld [smem:$0x3FAB]  }
0x31: {  	[smem:$0x3FB4] =	sst s10  }
0x32: {  	s10 =	sld [smem:$0x3FB2];
	_ =	sdelay $0x3  }
0x33: {  	p0 =	seq.s32 s10, $0x1;
	s10 =	sld [smem:$0x3FB4];
	_ =	sdelay $0x3  }
0x34: {  	[smem:$0x3FB4] =	sst s10  }
0x35: {  	s10 =	sld [smem:$0x3FB3];
	_ =	sdelay $0x3  }
0x36: {  	p1 =	seq.s32 s10, $0x1;
	s10 =	sld [smem:$0x3FB4];
	_ =	sdelay $0x3  }
0x37: {  	[smem:$0x3FB4] =	sst s10  }
0x38: {  	s10 =	sld [smem:$0x3FB5]  }
0x39: {  	_ = 	snop;
	(pc) =	sbr.ind lr, $3  }
0x3a: {  	_ = 	snop  }
0x3b: {  	_ = 	snop  }
0x3c: {  	p2 =	seq.s32 s10, $0x1;
	s10 =	sld [smem:$0x3FB4]  }
0x3d: {  	_ =	shalt  }
0x3e: {  	_ =	shalt  }
0x3f: {  	_ =	shalt  }
0x40: {  	_ =	shalt  }
0x41: {  	_ =	shalt  }
0x42: {  	_ =	shalt  }
0x43: {  	_ =	shalt  }
0x44: {  	_ =	shalt  }
0x45: {  	_ =	shalt  }
0x46: {  	_ =	shalt  }
0x47: {  	_ =	shalt  }
0x48: {  	_ =	shalt  }
0x49: {  	_ =	shalt  }
0x4a: {  	_ =	shalt  }
0x4b: {  	_ =	shalt  }
0x4c: {  	_ =	shalt  }
0x4d: {  	_ =	shalt  }
0x4e: {  	_ =	shalt  }
0x4f: {  	_ =	shalt  }
0x50: {  	_ =	shalt  }
0x51: {  	_ =	shalt  }
0x52: {  	_ =	shalt  }
0x53: {  	_ =	shalt  }
0x54: {  	_ =	shalt  }
0x55: {  	_ =	shalt  }
0x56: {  	_ =	shalt  }
0x57: {  	_ =	shalt  }
0x58: {  	_ =	shalt  }
0x59: {  	_ =	shalt  }
0x5a: {  	_ =	shalt  }
0x5b: {  	_ =	shalt  }
0x5c: {  	_ =	shalt  }
0x5d: {  	_ =	shalt  }
0x5e: {  	_ =	shalt  }
0x5f: {  	_ =	shalt  }
0x60: {  	_ =	shalt  }
0x61: {  	_ =	shalt  }
0x62: {  	_ =	shalt  }
0x63: {  	_ =	shalt  }
0x64: {  	_ =	shalt  }
0x65: {  	_ =	shalt  }
0x66: {  	_ =	shalt  }
0x67: {  	_ =	shalt  }
0x68: {  	_ =	shalt  }
0x69: {  	_ =	shalt  }
0x6a: {  	_ =	shalt  }
0x6b: {  	_ =	shalt  }
0x6c: {  	_ =	shalt  }
0x6d: {  	_ =	shalt  }
0x6e: {  	_ =	shalt  }
0x6f: {  	_ =	shalt  }
0x70: {  	_ =	shalt  }
0x71: {  	_ =	shalt  }
0x72: {  	_ =	shalt  }
0x73: {  	_ =	shalt  }
0x74: {  	_ =	shalt  }
0x75: {  	_ =	shalt  }
0x76: {  	_ =	shalt  }
0x77: {  	_ =	shalt  }
0x78: {  	_ =	shalt  }
0x79: {  	_ =	shalt  }
0x7a: {  	_ =	shalt  }
0x7b: {  	_ =	shalt  }
0x7c: {  	_ =	shalt  }
0x7d: {  	_ =	shalt  }
0x7e: {  	_ =	shalt  }
0x7f: {  	_ =	shalt  }
0x80: {  	_ =	shalt  }
0x81: {  	_ =	shalt  }
0x82: {  	_ =	shalt  }
0x83: {  	_ =	shalt  }
0x84: {  	_ =	shalt  }
0x85: {  	_ =	shalt  }
0x86: {  	_ =	shalt  }
0x87: {  	_ =	shalt  }
.Lfunc_end0:
.L_simem_size_0:
called_computation_lowered:
.L_overlay_start_0:
0x88: {  	s2 =	sld [smem:$0x3FD9]  }
0x89: {  	s3 =	sld [smem:$0x3FFE];
	_ =	sdelay $0x1  }
0x8a: {  	s1 =	srdreg.scid  }
0x8b: {  	s0 =	sand.u32 $0x1, s1  }
0x8c: {  	s17 =	sshll.u32 s0, $0xA;
	s2 =	sadd.s32 s3, s2  }
0x8d: {  	s2 =	sadd.s32 s2, s17  }
0x8e: {  	[smem:$0x3FC0] =	sst s2  }
0x8f: {  	_ = 	snop  }
0x90: {  	s2 =	sld [smem:$0x3FC9];
	(tm) =	ssettm $0x1  }
0x91: {  	s18 =	sld [smem:$0x3FFB];
	_ =	sdelay $0x3  }
0x92: {  	_ =	strace s18  }
0x93: {  	s3 =	sld [smem:$0x3FFC];
	_ =	sdelay $0x3  }
0x94: {  	_ =	strace s3  }
0x95: {  	s3 =	sld [smem:$0x3FFD];
	_ =	sdelay $0x3  }
0x96: {  	_ =	strace s3  }
0x97: {  	_ =	strace $0x8FFFFFFF  }
0x98: {  	s19 =	sld [smem:$0x3FDB];
	_ =	sdelay $0x1  }
0x99: {  	s4 =	simm.s32 $_scs_section_size  }
0x9a: {  	s5 =	simm.s32 $_size__tile_overlayer_lowered;
	s6 =	simm.s32 $_tile_overlayer_lowered  }
0x9b: {  	s22 =	simm.s32 $0x1BFF;
	s21 =	sshll.u32 s6, $0x1;
	s3 =	sadd.s32 s4, s19  }
0x9c: {  	s7 =	simm.s32 $0x0;
	s20 =	sshll.u32 s5, $0x1;
	s5 =	sadd.s32 s21, s3  }
0x9d: {  	[timem:s7], [sflag:s22] =	dma.local [hbm:s5], s20  }
0x9e: {  	_ =	swait.ge [sflag:s22], s20  }
0x9f: {  	s4 =	ssub.s32 $0x0, s20;
	[sflag:s22] =	ssyncset.done $0x0  }
0xa0: {  	[sflag:s22] =	ssyncadd.s32 s4;
	_ =	sdelay $0x1  }
0xa1: {  	s23 =	simm.s32 $0x1B8B  }
0xa2: {  	_ =	swait.ge [sflag:s23], $0x1  }
0xa3: {  	[sflag:s23] =	ssyncset.done $0x0  }
0xa4: {  	s25 =	simm.s32 $0x1B8E;
	s24 =	sld [smem:$0x3FFE];
	[sflag:s23] =	ssyncadd.s32 $0xFFFFFFFF  }
0xa5: {  	s26 =	simm.s32 $execute0_lowered;
	[smem:$0x3FD2] =	sst s25  }
0xa6: {  	s5 =	sshll.u32 s26, $0x1;
	_ =	strace $0x80000046;
	[dreg:$0x1] =	wrdreg $0xFFFFFFFF  }
0xa7: {  	s28 =	simm.s32 $_size_execute0_lowered;
	s3 =	sadd.s32 s3, s5;
	[dreg:$0x0] =	wrdreg $0x0  }
0xa8: {  	s5 =	sshll.u32 s28, $0x1;
	[dreg:$0x2] =	wrdreg s3  }
0xa9: {  	[dreg:$0x3] =	wrdreg s5  }
0xaa: {  	[dreg:$0x4] =	wrdreg $0xC0  }
0xab: {  	_ =	task [dreg:s7], $0x5FFFF  }
0xac: {  	[dreg:$0x1] =	wrdreg $0xFFFFFFFF  }
0xad: {  	[dreg:$0x0] =	wrdreg $0x60  }
0xae: {  	[dreg:$0x2] =	wrdreg s2  }
0xaf: {  	[dreg:$0x3] =	wrdreg s24  }
0xb0: {  	[dreg:$0x4] =	wrdreg $0x70000  }
0xb1: {  	[dreg:$0x5] =	wrdreg $0x9  }
0xb2: {  	_ =	task.clear_ibuf [dreg:s7], $0x6FFFF;
	_ =	strace $0x90000046  }
0xb3: {  	s29 =	simm.s32 $0x9;
	_ =	strace $0x80000048  }
0xb4: {  	_ =	swait.ge [sflag:s29], $0x1  }
0xb5: {  	[sflag:s29] =	ssyncadd.s32 $0xFFFFFFFF  }
0xb6: {  	_ =	strace $0x90000048  }
0xb7: {  	_ =	sfence  }
0xb8: {  	s30 =	sld [smem:$0x0];
	_ =	sdelay $0x2  }
0xb9: {  	s31 =	sshll.u32 s1, $0xD;
	s1 =	sshrl.u32 s1, $0x2  }
0xba: {  	s3 =	sand.u32 $0x4000, s31;
	s1 =	sadd.s32 s1, s30  }
0xbb: {  	s0 =	sor.u32 s3, s0;
	s1 =	sshll.u32 s1, $0x11  }
0xbc: {  	s0 =	sor.u32 s1, s0  }
0xbd: {  	s0 =	sadd.s32 $0x8F2B, s0  }
0xbe: {  	[sflag:s0] =	ssyncadd.remote.s32 $0x1  }
0xbf: {  	_ =	sfence.sel $0xFFFF  }
0xc0: {  	[dreg:$0x0] =	wrdreg $0xFFFFFFFF;
	(pc) =	sbr.abs _section_cstart, $3  }
0xc1: {  	[dreg:$0x1] =	wrdreg $0xFFFFFFFF  }
0xc2: {  	_ =	task.clear_ibuf [dreg:s7], $0x2FFFF;
	_ =	strace $0x9FFFFFFF  }
0xc3: {  	(tm) =	ssettm $0x7FFFFFFF  }
tec
execute0_lowered:
.L_overlay_start_1:
0x0: {  	(tag) =	ssettag $0x1  }
0x1: {  	s1 =	rddreg [dreg:$0x0]  }
0x2: {  	s0 =	srdreg.scid;
	s2 =	rddreg [dreg:$0x1]  }
0x3: {  	s26 =	stileid.u32;
	s3 =	rddreg [dreg:$0x2];
	s4 =	simm.s32 $0x0  }
0x4: {  	s16 =	simm.s32 $0x80;
	s17 =	simm.s32 $0x100;
	[smem:$0x7FF] =	sst s4  }
0x5: {  	s18 =	simm.s32 $0x180;
	_ =	strace $0x80000047;
	[dreg:$0x5] =	wrdreg s16  }
0x6: {  	s19 =	simm.s32 $0x280;
	s20 =	simm.s32 $0x300;
	[dreg:$0x6] =	wrdreg s17  }
0x7: {  	s21 =	simm.s32 $0x380;
	s22 =	simm.s32 $0x400;
	[dreg:$0x7] =	wrdreg s18  }
0x8: {  	s23 =	simm.s32 $0x480;
	s24 =	simm.s32 $0x500;
	[dreg:$0x9] =	wrdreg s19  }
0x9: {  	s25 =	simm.s32 $0x580;
	s29 =	simm.s32 $0xB00;
	[dreg:$0xa] =	wrdreg s20  }
0xa: {  	s30 =	simm.s32 $0xB80;
	s6 =	smul.u32 $0x5000, s26;
	[dreg:$0xb] =	wrdreg s21  }
0xb: {  	s5 =	sand.u32 $0x1, s0;
	s15 =	smul.u32 $0x14000, s26;
	[dreg:$0xc] =	wrdreg s22  }
0xc: {  	s9 =	sadd.s32 $0x7A200, s2;
	s0 =	smul.u32 $0x50000, s5;
	[dreg:$0xd] =	wrdreg s23  }
0xd: {  	s13 =	smul.u32 $0x140000, s5;
	s11 =	ssub.s32 $0x2, s5;
	[dreg:$0xe] =	wrdreg s24  }
0xe: {  	s5 =	sadd.s32 $0x2A200, s2;
	s17 =	simm.s32 $0x200;
	[dreg:$0xf] =	wrdreg s25  }
0xf: {  	s23 =	simm.s32 $0x600;
	s24 =	simm.s32 $0x680;
	[dreg:$0x8] =	wrdreg s17  }
0x10: {  	s25 =	simm.s32 $0x700;
	s12 =	sshrl.u32 s11, $0x1;
	[dreg:$0x10] =	wrdreg s23  }
0x11: {  	s19 =	sadd.s32 $0xA000, s15;
	s21 =	sadd.s32 $0xC000, s15;
	[dreg:$0x11] =	wrdreg s24  }
0x12: {  	[dreg:$0x12] =	wrdreg s25;
	s0 =	sadd.s32 s6, s0;
	s6 =	sor.u32 $0x2000, s15  }
0x13: {  	s7 =	sadd.s32 s13, s15;
	s0 =	sshrl.u32 s0, $0x3;
	s8 =	sadd.s32 s13, s6  }
0x14: {  	s6 =	sadd.s32 s6, s3;
	s0 =	sadd.s32 s0, s2;
	s2 =	ssub.s32 s11, s12  }
0x15: {  	s11 =	sshrl.u32 s7, $0x3;
	[smem:$0x7EB] =	sst s6;
	s10 =	sadd.s32 $0x2200, s0  }
0x16: {  	s20 =	sadd.s32 s13, s19;
	s28 =	sadd.s32 s9, s11;
	[dreg:$0x4] =	wrdreg s10  }
0x17: {  	s7 =	sadd.s32 $0x4000, s15;
	s11 =	sadd.s32 s5, s11;
	[dreg:$0x14] =	wrdreg s28  }
0x18: {  	s12 =	sshrl.u32 s8, $0x3;
	s2 =	smax.u32 s2, $0x1;
	[dreg:$0x1e] =	wrdreg s11  }
0x19: {  	s14 =	sadd.s32 s13, s7;
	s7 =	sadd.s32 s7, s3;
	[smem:$0x7EA] =	sst s2  }
0x1a: {  	s8 =	sadd.s32 $0x6000, s15;
	s28 =	sadd.s32 s9, s12;
	[smem:$0x7EC] =	sst s7  }
0x1b: {  	s14 =	sshrl.u32 s14, $0x3;
	s12 =	sadd.s32 s5, s12;
	[dreg:$0x15] =	wrdreg s28  }
0x1c: {  	s16 =	sadd.s32 s13, s8;
	s28 =	sadd.s32 s9, s14;
	[dreg:$0x1f] =	wrdreg s12  }
0x1d: {  	s16 =	sshrl.u32 s16, $0x3;
	s11 =	sadd.s32 s5, s14;
	[dreg:$0x16] =	wrdreg s28  }
0x1e: {  	s10 =	sadd.s32 $0x8000, s15;
	s12 =	sadd.s32 s5, s16;
	[smem:$0x7E2] =	sst s11  }
0x1f: {  	s18 =	sadd.s32 s13, s10;
	s10 =	sadd.s32 s10, s3;
	[smem:$0x7E3] =	sst s12  }
0x20: {  	s20 =	sshrl.u32 s20, $0x3;
	s28 =	sadd.s32 s9, s16;
	[smem:$0x7EE] =	sst s10  }
0x21: {  	s23 =	sadd.s32 $0xE000, s15;
	s16 =	sadd.s32 s5, s20;
	[dreg:$0x17] =	wrdreg s28  }
0x22: {  	s17 =	sadd.s32 $0x10000, s15;
	s11 =	sadd.s32 s19, s3;
	[smem:$0x7E5] =	sst s16  }
0x23: {  	s18 =	sshrl.u32 s18, $0x3;
	s12 =	sadd.s32 s21, s3;
	[smem:$0x7EF] =	sst s11  }
0x24: {  	s22 =	sadd.s32 s13, s21;
	s28 =	sadd.s32 s9, s18;
	[smem:$0x7F0] =	sst s12  }
0x25: {  	s22 =	sshrl.u32 s22, $0x3;
	s14 =	sadd.s32 s5, s18;
	[dreg:$0x18] =	wrdreg s28  }
0x26: {  	s15 =	sadd.s32 $0x12000, s15;
	s18 =	sadd.s32 s5, s22;
	[smem:$0x7E4] =	sst s14  }
0x27: {  	s31 =	simm.s32 $0xC00;
	s16 =	sadd.s32 s15, s3;
	[smem:$0x7E6] =	sst s18  }
0x28: {  	s24 =	sadd.s32 s13, s23;
	s28 =	sadd.s32 s9, s20;
	[smem:$0x7F3] =	sst s16  }
0x29: {  	s25 =	sadd.s32 s13, s17;
	s14 =	sadd.s32 s17, s3;
	[dreg:$0x19] =	wrdreg s28  }
0x2a: {  	s24 =	sshrl.u32 s24, $0x3;
	s28 =	sadd.s32 s9, s22;
	[smem:$0x7F2] =	sst s14  }
0x2b: {  	s25 =	sshrl.u32 s25, $0x3;
	s22 =	sadd.s32 s5, s24;
	[dreg:$0x1a] =	wrdreg s28  }
0x2c: {  	s13 =	sadd.s32 s13, s15;
	s28 =	sadd.s32 s9, s24;
	[smem:$0x7E7] =	sst s22  }
0x2d: {  	s13 =	sshrl.u32 s13, $0x3;
	s24 =	sadd.s32 s5, s25;
	[dreg:$0x1b] =	wrdreg s28  }
0x2e: {  	s6 =	simm.s32 $0xE00;
	s5 =	sadd.s32 s5, s13;
	[smem:$0x7E8] =	sst s24  }
0x2f: {  	s2 =	simm.s32 $0xC80;
	s28 =	sadd.s32 s9, s25;
	[smem:$0x7E9] =	sst s5  }
0x30: {  	s7 =	simm.s32 $0xE80;
	s9 =	sadd.s32 s9, s13;
	[dreg:$0x1c] =	wrdreg s28  }
0x31: {  	s20 =	smul.u32 $0x50000, s26;
	s25 =	simm.s32 $0x780;
	[dreg:$0x1d] =	wrdreg s9  }
0x32: {  	s10 =	simm.s32 $0xF80;
	s13 =	sadd.s32 s23, s3;
	[dreg:$0x13] =	wrdreg s25  }
0x33: {  	s26 =	sshrl.u32 s20, $0x2;
	s9 =	sadd.s32 s8, s3;
	[smem:$0x7F1] =	sst s13  }
0x34: {  	s11 =	simm.s32 $0x2;
	s25 =	sadd.s32 s26, s3;
	[smem:$0x7ED] =	sst s9  }
0x35: {  	s12 =	simm.s32 $0x3000;
	s17 =	sadd.s32 $0x2000, s25;
	[smem:$0x7FD] =	sst s25  }
0x36: {  	s16 =	simm.s32 $0x0;
	s18 =	sadd.s32 $0x4000, s25;
	[smem:$0x7F4] =	sst s17  }
0x37: {  	s14 =	simm.s32 $0x5000;
	s19 =	sadd.s32 $0x6000, s25;
	[smem:$0x7F5] =	sst s18  }
0x38: {  	s5 =	simm.s32 $0xD80;
	s20 =	sadd.s32 $0x8000, s25;
	[smem:$0x7F6] =	sst s19  }
0x39: {  	s8 =	sadd.s32 $0x16200, s0;
	s21 =	sadd.s32 $0xA000, s25;
	[smem:$0x7F7] =	sst s20  }
0x3a: {  	s28 =	simm.s32 $0xA80;
	s22 =	sadd.s32 $0xC000, s25;
	[smem:$0x7F8] =	sst s21  }
0x3b: {  	s0 =	simm.s32 $0xD00;
	s23 =	sadd.s32 $0xE000, s25;
	[smem:$0x7F9] =	sst s22  }
0x3c: {  	s13 =	simm.s32 $0x1;
	s24 =	sadd.s32 $0x10000, s25;
	[smem:$0x7FA] =	sst s23  }
0x3d: {  	s26 =	sadd.s32 $0x12000, s25;
	s9 =	simm.s32 $0xF00;
	[smem:$0x7FB] =	sst s24  }
0x3e: {  	[smem:$0x7FC] =	sst s26;
	s18 =	simm.s32 $0x1000;
	s19 =	simm.s32 $0x3  }
0x3f: {  	s20 =	simm.s32 $0x800;
	s21 =	simm.s32 $0x40;
	s22 =	simm.s32 $0x880  }
0x40: {  	v0 =	vimm.f32 $0.0e+00;
	v1 =	vimm.f32 $1.000000000e+00;
	s23 =	simm.s32 $0x900;
	s24 =	simm.s32 $0x980;
	s26 =	simm.s32 $0xA00  }
.LBB2_1:
0x41: {  	[smem:$0x7E1] =	sst s16;
	s16 =	simm.s32 $0x0;
	s17 =	simm.s32 $0x200  }
.LBB2_2:
0x42: {  	p0 =	sne.s32 s17, $0x7E00;
	[tilespmem:s16+$0x1070] =	vst v0  }
0x43: {  	[tilespmem:s16+$0x1000] =	vst v0  }
0x44: {  	[tilespmem:s16+$0x1010] =	vst v0  }
.Ltmp0:
0x45: {  	[tilespmem:s16+$0x1020] =	vst v0;
	(pc) =	sbr.rel @p0 .LBB2_2-.Ltmp0, $4  }
0x46: {  	[tilespmem:s16+$0x1030] =	vst v0  }
0x47: {  	[tilespmem:s16+$0x1040] =	vst v0  }
0x48: {  	[tilespmem:s16+$0x1050] =	vst v0  }
0x49: {  	[tilespmem:s16+$0x1060] =	vst v0;
	s16 =	sshra.s32 s17, $0x2;
	s17 =	sadd.s32 $0x200, s17  }
0x4a: {  	[tilespmem:s16+$0x1070] =	vst v0  }
0x4b: {  	[tilespmem:s16+$0x1000] =	vst v0  }
0x4c: {  	[tilespmem:s16+$0x1010] =	vst v0  }
0x4d: {  	[tilespmem:s16+$0x1020] =	vst v0  }
0x4e: {  	[tilespmem:s16+$0x1030] =	vst v0  }
0x4f: {  	[tilespmem:s16+$0x1040] =	vst v0  }
0x50: {  	[tilespmem:s16+$0x1050] =	vst v0  }
0x51: {  	[tilespmem:s16+$0x1060] =	vst v0  }
0x52: {  	[spmem:s25] =	stream.linear.scatter [tilespmem:s18], [sflag:$0x3], $0x2000, $0x38;
	[tilespmem:$0x1B000] =	vst v63  }
0x53: {  	_ =	swait.ge [sflag:s19], $0x2000  }
0x54: {  	s15 =	sld [smem:$0x7F4]  }
0x55: {  	[sflag:s19] =	ssyncset.done $0x0  }
0x56: {  	[sflag:s19] =	ssyncadd.s32 $0xFFFFE000  }
0x57: {  	[spmem:s15] =	stream.linear.scatter [tilespmem:s18], [sflag:$0x3], $0x2000, $0x38;
	[tilespmem:$0x1B000] =	vst v63  }
0x58: {  	_ =	swait.ge [sflag:s19], $0x2000  }
0x59: {  	s17 =	sld [smem:$0x7F5]  }
0x5a: {  	[sflag:s19] =	ssyncset.done $0x0  }
0x5b: {  	[sflag:s19] =	ssyncadd.s32 $0xFFFFE000  }
0x5c: {  	[spmem:s17] =	stream.linear.scatter [tilespmem:s18], [sflag:$0x3], $0x2000, $0x38;
	[tilespmem:$0x1B000] =	vst v63  }
0x5d: {  	_ =	swait.ge [sflag:s19], $0x2000  }
0x5e: {  	s25 =	sld [smem:$0x7F6]  }
0x5f: {  	[sflag:s19] =	ssyncset.done $0x0  }
0x60: {  	[sflag:s19] =	ssyncadd.s32 $0xFFFFE000  }
0x61: {  	[spmem:s25] =	stream.linear.scatter [tilespmem:s18], [sflag:$0x3], $0x2000, $0x38;
	[tilespmem:$0x1B000] =	vst v63  }
0x62: {  	_ =	swait.ge [sflag:s19], $0x2000  }
0x63: {  	s16 =	sld [smem:$0x7F7]  }
0x64: {  	[sflag:s19] =	ssyncset.done $0x0  }
0x65: {  	[sflag:s19] =	ssyncadd.s32 $0xFFFFE000  }
0x66: {  	[spmem:s16] =	stream.linear.scatter [tilespmem:s18], [sflag:$0x3], $0x2000, $0x38;
	[tilespmem:$0x1B000] =	vst v63  }
0x67: {  	_ =	swait.ge [sflag:s19], $0x2000  }
0x68: {  	s17 =	sld [smem:$0x7F8]  }
0x69: {  	[sflag:s19] =	ssyncset.done $0x0  }
0x6a: {  	[sflag:s19] =	ssyncadd.s32 $0xFFFFE000  }
0x6b: {  	[spmem:s17] =	stream.linear.scatter [tilespmem:s18], [sflag:$0x3], $0x2000, $0x38;
	[tilespmem:$0x1B000] =	vst v63  }
0x6c: {  	_ =	swait.ge [sflag:s19], $0x2000  }
0x6d: {  	s25 =	sld [smem:$0x7F9]  }
0x6e: {  	[sflag:s19] =	ssyncset.done $0x0  }
0x6f: {  	[sflag:s19] =	ssyncadd.s32 $0xFFFFE000  }
0x70: {  	[spmem:s25] =	stream.linear.scatter [tilespmem:s18], [sflag:$0x3], $0x2000, $0x38;
	[tilespmem:$0x1B000] =	vst v63  }
0x71: {  	_ =	swait.ge [sflag:s19], $0x2000  }
0x72: {  	s16 =	sld [smem:$0x7FA]  }
0x73: {  	[sflag:s19] =	ssyncset.done $0x0  }
0x74: {  	[sflag:s19] =	ssyncadd.s32 $0xFFFFE000  }
0x75: {  	[spmem:s16] =	stream.linear.scatter [tilespmem:s18], [sflag:$0x3], $0x2000, $0x38;
	[tilespmem:$0x1B000] =	vst v63  }
0x76: {  	_ =	swait.ge [sflag:s19], $0x2000  }
0x77: {  	s17 =	sld [smem:$0x7FB]  }
0x78: {  	[sflag:s19] =	ssyncset.done $0x0  }
0x79: {  	[sflag:s19] =	ssyncadd.s32 $0xFFFFE000  }
0x7a: {  	[spmem:s17] =	stream.linear.scatter [tilespmem:s18], [sflag:$0x3], $0x2000, $0x38;
	[tilespmem:$0x1B000] =	vst v63  }
0x7b: {  	_ =	swait.ge [sflag:s19], $0x2000  }
0x7c: {  	s25 =	sld [smem:$0x7FC]  }
0x7d: {  	[sflag:s19] =	ssyncset.done $0x0  }
0x7e: {  	[sflag:s19] =	ssyncadd.s32 $0xFFFFE000  }
0x7f: {  	[spmem:s25] =	stream.linear.scatter [tilespmem:s18], [sflag:$0x3], $0x2000, $0x38;
	[tilespmem:$0x1B000] =	vst v63  }
0x80: {  	_ =	swait.ge [sflag:s19], $0x2000  }
0x81: {  	[sflag:s19] =	ssyncset.done $0x0  }
0x82: {  	s16 =	simm.s32 $0x0;
	s17 =	simm.s32 $0x200;
	[sflag:s19] =	ssyncadd.s32 $0xFFFFE000  }
.LBB2_4:
0x83: {  	p0 =	sne.s32 s17, $0x7E00;
	[tilespmem:s16+$0x1070] =	vst v1  }
0x84: {  	[tilespmem:s16+$0x1000] =	vst v1  }
0x85: {  	[tilespmem:s16+$0x1010] =	vst v1  }
.Ltmp1:
0x86: {  	[tilespmem:s16+$0x1020] =	vst v1;
	(pc) =	sbr.rel @p0 .LBB2_4-.Ltmp1, $4  }
0x87: {  	[tilespmem:s16+$0x1030] =	vst v1  }
0x88: {  	[tilespmem:s16+$0x1040] =	vst v1  }
0x89: {  	[tilespmem:s16+$0x1050] =	vst v1  }
0x8a: {  	[tilespmem:s16+$0x1060] =	vst v1;
	s16 =	sshra.s32 s17, $0x2;
	s17 =	sadd.s32 $0x200, s17  }
0x8b: {  	[tilespmem:s16+$0x1070] =	vst v1  }
0x8c: {  	[tilespmem:s16+$0x1000] =	vst v1  }
0x8d: {  	[tilespmem:s16+$0x1010] =	vst v1  }
0x8e: {  	[tilespmem:s16+$0x1020] =	vst v1  }
0x8f: {  	[tilespmem:s16+$0x1030] =	vst v1  }
0x90: {  	[tilespmem:s16+$0x1040] =	vst v1  }
0x91: {  	[tilespmem:s16+$0x1050] =	vst v1  }
0x92: {  	[tilespmem:s16+$0x1060] =	vst v1  }
0x93: {  	s25 =	sadd.s32 $0x0, s8;
	[bflag:$0x0] =	sbarrier.arrive $0xFFFF  }
0x94: {  	[tilespmem:s20], [sflag:$0x3] =	stream.linear.gather [hbm4b:s25+s4], $0x800, $0x38;
	[tilespmem:$0x1B000] =	vst v63  }
0x95: {  	_ =	swait.ge [sflag:s19], $0x800  }
0x96: {  	[sflag:s19] =	ssyncset.done $0x0  }
0x97: {  	[sflag:s19] =	ssyncadd.s32 $0xFFFFF800  }
0x98: {  	[spmem:s3] =	stream.indirect.scatter.add.f32 [tilespmem:s18], [sflag:$0x2], $0x80, s20, s21, $0xb8;
	[tilespmem:$0x1B000] =	vst v63  }
0x99: {  	_ = 	snop  }
0x9a: {  	[spmem:s3] =	stream.indirect.scatter.add.f32 [tilespmem:s18], [sflag:$0x2], $0x80, s22, s21, $0xb8;
	[tilespmem:$0x1B000] =	vst v63  }
0x9b: {  	_ = 	snop  }
0x9c: {  	[spmem:s3] =	stream.indirect.scatter.add.f32 [tilespmem:s18], [sflag:$0x2], $0x80, s23, s21, $0xb8;
	[tilespmem:$0x1B000] =	vst v63  }
0x9d: {  	_ = 	snop  }
0x9e: {  	[spmem:s3] =	stream.indirect.scatter.add.f32 [tilespmem:s18], [sflag:$0x2], $0x80, s24, s21, $0xb8;
	[tilespmem:$0x1B000] =	vst v63  }
0x9f: {  	_ = 	snop  }
0xa0: {  	[spmem:s3] =	stream.indirect.scatter.add.f32 [tilespmem:s18], [sflag:$0x2], $0x80, s26, s21, $0xb8;
	[tilespmem:$0x1B000] =	vst v63  }
0xa1: {  	_ = 	snop  }
0xa2: {  	[spmem:s3] =	stream.indirect.scatter.add.f32 [tilespmem:s18], [sflag:$0x2], $0x80, s28, s21, $0xb8;
	[tilespmem:$0x1B000] =	vst v63  }
0xa3: {  	_ = 	snop  }
0xa4: {  	[spmem:s3] =	stream.indirect.scatter.add.f32 [tilespmem:s18], [sflag:$0x2], $0x80, s29, s21, $0xb8;
	[tilespmem:$0x1B000] =	vst v63  }
0xa5: {  	_ = 	snop  }
0xa6: {  	[spmem:s3] =	stream.indirect.scatter.add.f32 [tilespmem:s18], [sflag:$0x2], $0x80, s30, s21, $0xb8;
	[tilespmem:$0x1B000] =	vst v63  }
0xa7: {  	_ = 	snop  }
0xa8: {  	[spmem:s3] =	stream.indirect.scatter.add.f32 [tilespmem:s18], [sflag:$0x2], $0x80, s31, s21, $0xb8;
	[tilespmem:$0x1B000] =	vst v63  }
0xa9: {  	_ = 	snop  }
0xaa: {  	[spmem:s3] =	stream.indirect.scatter.add.f32 [tilespmem:s18], [sflag:$0x2], $0x80, s2, s21, $0xb8;
	[tilespmem:$0x1B000] =	vst v63  }
0xab: {  	_ = 	snop  }
0xac: {  	[spmem:s3] =	stream.indirect.scatter.add.f32 [tilespmem:s18], [sflag:$0x2], $0x80, s0, s21, $0xb8;
	[tilespmem:$0x1B000] =	vst v63  }
0xad: {  	_ = 	snop  }
0xae: {  	[spmem:s3] =	stream.indirect.scatter.add.f32 [tilespmem:s18], [sflag:$0x2], $0x80, s5, s21, $0xb8;
	[tilespmem:$0x1B000] =	vst v63  }
0xaf: {  	_ = 	snop  }
0xb0: {  	[spmem:s3] =	stream.indirect.scatter.add.f32 [tilespmem:s18], [sflag:$0x2], $0x80, s6, s21, $0xb8;
	[tilespmem:$0x1B000] =	vst v63  }
0xb1: {  	_ = 	snop  }
0xb2: {  	[spmem:s3] =	stream.indirect.scatter.add.f32 [tilespmem:s18], [sflag:$0x2], $0x80, s7, s21, $0xb8;
	[tilespmem:$0x1B000] =	vst v63  }
0xb3: {  	_ = 	snop  }
0xb4: {  	[spmem:s3] =	stream.indirect.scatter.add.f32 [tilespmem:s18], [sflag:$0x2], $0x80, s9, s21, $0xb8;
	[tilespmem:$0x1B000] =	vst v63  }
0xb5: {  	_ = 	snop  }
0xb6: {  	[spmem:s3] =	stream.indirect.scatter.add.f32 [tilespmem:s18], [sflag:$0x2], $0x80, s10, s21, $0xb8;
	[tilespmem:$0x1B000] =	vst v63  }
0xb7: {  	_ =	swait.ge [sflag:s11], $0x2000  }
0xb8: {  	[sflag:s11] =	ssyncset.done $0x0  }
0xb9: {  	[sflag:s11] =	ssyncadd.s32 $0xFFFFE000  }
0xba: {  	_ =	swait.ge [sflag:s11], $0x2000  }
0xbb: {  	[sflag:s11] =	ssyncset.done $0x0  }
0xbc: {  	[sflag:s11] =	ssyncadd.s32 $0xFFFFE000  }
0xbd: {  	_ =	swait.ge [sflag:s11], $0x2000  }
0xbe: {  	[sflag:s11] =	ssyncset.done $0x0  }
0xbf: {  	[sflag:s11] =	ssyncadd.s32 $0xFFFFE000  }
0xc0: {  	_ =	swait.ge [sflag:s11], $0x2000  }
0xc1: {  	[sflag:s11] =	ssyncset.done $0x0  }
0xc2: {  	[sflag:s11] =	ssyncadd.s32 $0xFFFFE000  }
0xc3: {  	_ =	swait.ge [sflag:s11], $0x2000  }
0xc4: {  	[sflag:s11] =	ssyncset.done $0x0  }
0xc5: {  	[sflag:s11] =	ssyncadd.s32 $0xFFFFE000  }
0xc6: {  	_ =	swait.ge [sflag:s11], $0x2000  }
0xc7: {  	[sflag:s11] =	ssyncset.done $0x0  }
0xc8: {  	[sflag:s11] =	ssyncadd.s32 $0xFFFFE000  }
0xc9: {  	_ =	swait.ge [sflag:s11], $0x2000  }
0xca: {  	[sflag:s11] =	ssyncset.done $0x0  }
0xcb: {  	[sflag:s11] =	ssyncadd.s32 $0xFFFFE000  }
0xcc: {  	_ =	swait.ge [sflag:s11], $0x2000  }
0xcd: {  	[sflag:s11] =	ssyncset.done $0x0  }
0xce: {  	[sflag:s11] =	ssyncadd.s32 $0xFFFFE000  }
0xcf: {  	_ =	swait.ge [sflag:s11], $0x2000  }
0xd0: {  	[sflag:s11] =	ssyncset.done $0x0  }
0xd1: {  	[sflag:s11] =	ssyncadd.s32 $0xFFFFE000  }
0xd2: {  	_ =	swait.ge [sflag:s11], $0x2000  }
0xd3: {  	[sflag:s11] =	ssyncset.done $0x0  }
0xd4: {  	[sflag:s11] =	ssyncadd.s32 $0xFFFFE000  }
0xd5: {  	_ =	swait.ge [sflag:s11], $0x2000  }
0xd6: {  	[sflag:s11] =	ssyncset.done $0x0  }
0xd7: {  	[sflag:s11] =	ssyncadd.s32 $0xFFFFE000  }
0xd8: {  	_ =	swait.ge [sflag:s11], $0x2000  }
0xd9: {  	[sflag:s11] =	ssyncset.done $0x0  }
0xda: {  	[sflag:s11] =	ssyncadd.s32 $0xFFFFE000  }
0xdb: {  	_ =	swait.ge [sflag:s11], $0x2000  }
0xdc: {  	[sflag:s11] =	ssyncset.done $0x0  }
0xdd: {  	[sflag:s11] =	ssyncadd.s32 $0xFFFFE000  }
0xde: {  	_ =	swait.ge [sflag:s11], $0x2000  }
0xdf: {  	[sflag:s11] =	ssyncset.done $0x0  }
0xe0: {  	[sflag:s11] =	ssyncadd.s32 $0xFFFFE000  }
0xe1: {  	_ =	swait.ge [sflag:s11], $0x2000  }
0xe2: {  	[sflag:s11] =	ssyncset.done $0x0  }
0xe3: {  	[sflag:s11] =	ssyncadd.s32 $0xFFFFE000  }
0xe4: {  	_ =	swait.ge [sflag:s11], $0x2000  }
0xe5: {  	s16 =	simm.s32 $0x100;
	s25 =	simm.s32 $0x200;
	[sflag:s11] =	ssyncset.done $0x0  }
.LBB2_6:
0xe6: {  	s15 =	sadd.s32 s16, s8  }
0xe7: {  	[sflag:s11] =	ssyncadd.s32 $0xFFFFE000;
	s16 =	smov.u32 s25;
	s17 =	sadd.s32 $0x100, s25  }
0xe8: {  	[tilespmem:s20], [sflag:$0x3] =	stream.linear.gather [hbm4b:s15+s4], $0x800, $0x38;
	[tilespmem:$0x1B000] =	vst v63  }
0xe9: {  	p0 =	sne.s32 s25, $0x900;
	_ =	swait.ge [sflag:s19], $0x800  }
0xea: {  	[sflag:s19] =	ssyncset.done $0x0  }
0xeb: {  	[sflag:s19] =	ssyncadd.s32 $0xFFFFF800  }
0xec: {  	[spmem:s3] =	stream.indirect.scatter.add.f32 [tilespmem:s18], [sflag:$0x2], $0x80, s20, s21, $0xb8;
	[tilespmem:$0x1B000] =	vst v63  }
0xed: {  	_ = 	snop  }
0xee: {  	[spmem:s3] =	stream.indirect.scatter.add.f32 [tilespmem:s18], [sflag:$0x2], $0x80, s22, s21, $0xb8;
	[tilespmem:$0x1B000] =	vst v63  }
0xef: {  	_ = 	snop  }
0xf0: {  	[spmem:s3] =	stream.indirect.scatter.add.f32 [tilespmem:s18], [sflag:$0x2], $0x80, s23, s21, $0xb8;
	[tilespmem:$0x1B000] =	vst v63  }
0xf1: {  	_ = 	snop  }
0xf2: {  	[spmem:s3] =	stream.indirect.scatter.add.f32 [tilespmem:s18], [sflag:$0x2], $0x80, s24, s21, $0xb8;
	[tilespmem:$0x1B000] =	vst v63  }
0xf3: {  	_ = 	snop  }
0xf4: {  	[spmem:s3] =	stream.indirect.scatter.add.f32 [tilespmem:s18], [sflag:$0x2], $0x80, s26, s21, $0xb8;
	[tilespmem:$0x1B000] =	vst v63  }
0xf5: {  	_ = 	snop  }
0xf6: {  	[spmem:s3] =	stream.indirect.scatter.add.f32 [tilespmem:s18], [sflag:$0x2], $0x80, s28, s21, $0xb8;
	[tilespmem:$0x1B000] =	vst v63  }
0xf7: {  	_ = 	snop  }
0xf8: {  	[spmem:s3] =	stream.indirect.scatter.add.f32 [tilespmem:s18], [sflag:$0x2], $0x80, s29, s21, $0xb8;
	[tilespmem:$0x1B000] =	vst v63  }
0xf9: {  	_ = 	snop  }
0xfa: {  	[spmem:s3] =	stream.indirect.scatter.add.f32 [tilespmem:s18], [sflag:$0x2], $0x80, s30, s21, $0xb8;
	[tilespmem:$0x1B000] =	vst v63  }
0xfb: {  	_ = 	snop  }
0xfc: {  	[spmem:s3] =	stream.indirect.scatter.add.f32 [tilespmem:s18], [sflag:$0x2], $0x80, s31, s21, $0xb8;
	[tilespmem:$0x1B000] =	vst v63  }
0xfd: {  	_ = 	snop  }
0xfe: {  	[spmem:s3] =	stream.indirect.scatter.add.f32 [tilespmem:s18], [sflag:$0x2], $0x80, s2, s21, $0xb8;
	[tilespmem:$0x1B000] =	vst v63  }
0xff: {  	_ = 	snop  }
0x100: {  	[spmem:s3] =	stream.indirect.scatter.add.f32 [tilespmem:s18], [sflag:$0x2], $0x80, s0, s21, $0xb8;
	[tilespmem:$0x1B000] =	vst v63  }
0x101: {  	_ = 	snop  }
0x102: {  	[spmem:s3] =	stream.indirect.scatter.add.f32 [tilespmem:s18], [sflag:$0x2], $0x80, s5, s21, $0xb8;
	[tilespmem:$0x1B000] =	vst v63  }
0x103: {  	_ = 	snop  }
0x104: {  	[spmem:s3] =	stream.indirect.scatter.add.f32 [tilespmem:s18], [sflag:$0x2], $0x80, s6, s21, $0xb8;
	[tilespmem:$0x1B000] =	vst v63  }
0x105: {  	_ = 	snop  }
0x106: {  	[spmem:s3] =	stream.indirect.scatter.add.f32 [tilespmem:s18], [sflag:$0x2], $0x80, s7, s21, $0xb8;
	[tilespmem:$0x1B000] =	vst v63  }
0x107: {  	_ = 	snop  }
0x108: {  	[spmem:s3] =	stream.indirect.scatter.add.f32 [tilespmem:s18], [sflag:$0x2], $0x80, s9, s21, $0xb8;
	[tilespmem:$0x1B000] =	vst v63  }
0x109: {  	_ = 	snop  }
0x10a: {  	[spmem:s3] =	stream.indirect.scatter.add.f32 [tilespmem:s18], [sflag:$0x2], $0x80, s10, s21, $0xb8;
	[tilespmem:$0x1B000] =	vst v63  }
0x10b: {  	_ =	swait.ge [sflag:s11], $0x2000  }
0x10c: {  	[sflag:s11] =	ssyncset.done $0x0  }
0x10d: {  	[sflag:s11] =	ssyncadd.s32 $0xFFFFE000  }
0x10e: {  	_ =	swait.ge [sflag:s11], $0x2000  }
0x10f: {  	[sflag:s11] =	ssyncset.done $0x0  }
0x110: {  	[sflag:s11] =	ssyncadd.s32 $0xFFFFE000  }
0x111: {  	_ =	swait.ge [sflag:s11], $0x2000  }
0x112: {  	[sflag:s11] =	ssyncset.done $0x0  }
0x113: {  	[sflag:s11] =	ssyncadd.s32 $0xFFFFE000  }
0x114: {  	_ =	swait.ge [sflag:s11], $0x2000  }
0x115: {  	[sflag:s11] =	ssyncset.done $0x0  }
0x116: {  	[sflag:s11] =	ssyncadd.s32 $0xFFFFE000  }
0x117: {  	_ =	swait.ge [sflag:s11], $0x2000  }
0x118: {  	[sflag:s11] =	ssyncset.done $0x0  }
0x119: {  	[sflag:s11] =	ssyncadd.s32 $0xFFFFE000  }
0x11a: {  	_ =	swait.ge [sflag:s11], $0x2000  }
0x11b: {  	[sflag:s11] =	ssyncset.done $0x0  }
0x11c: {  	[sflag:s11] =	ssyncadd.s32 $0xFFFFE000  }
0x11d: {  	_ =	swait.ge [sflag:s11], $0x2000  }
0x11e: {  	[sflag:s11] =	ssyncset.done $0x0  }
0x11f: {  	[sflag:s11] =	ssyncadd.s32 $0xFFFFE000  }
0x120: {  	_ =	swait.ge [sflag:s11], $0x2000  }
0x121: {  	[sflag:s11] =	ssyncset.done $0x0  }
0x122: {  	[sflag:s11] =	ssyncadd.s32 $0xFFFFE000  }
0x123: {  	_ =	swait.ge [sflag:s11], $0x2000  }
0x124: {  	[sflag:s11] =	ssyncset.done $0x0  }
0x125: {  	[sflag:s11] =	ssyncadd.s32 $0xFFFFE000  }
0x126: {  	_ =	swait.ge [sflag:s11], $0x2000  }
0x127: {  	[sflag:s11] =	ssyncset.done $0x0  }
0x128: {  	[sflag:s11] =	ssyncadd.s32 $0xFFFFE000  }
0x129: {  	_ =	swait.ge [sflag:s11], $0x2000  }
0x12a: {  	[sflag:s11] =	ssyncset.done $0x0  }
0x12b: {  	[sflag:s11] =	ssyncadd.s32 $0xFFFFE000  }
0x12c: {  	_ =	swait.ge [sflag:s11], $0x2000  }
0x12d: {  	[sflag:s11] =	ssyncset.done $0x0  }
0x12e: {  	[sflag:s11] =	ssyncadd.s32 $0xFFFFE000  }
0x12f: {  	_ =	swait.ge [sflag:s11], $0x2000  }
0x130: {  	[sflag:s11] =	ssyncset.done $0x0  }
0x131: {  	[sflag:s11] =	ssyncadd.s32 $0xFFFFE000  }
0x132: {  	_ =	swait.ge [sflag:s11], $0x2000  }
0x133: {  	[sflag:s11] =	ssyncset.done $0x0  }
0x134: {  	[sflag:s11] =	ssyncadd.s32 $0xFFFFE000  }
.Ltmp2:
0x135: {  	_ =	swait.ge [sflag:s11], $0x2000;
	(pc) =	sbr.rel @p0 .LBB2_6-.Ltmp2, $4  }
0x136: {  	[sflag:s11] =	ssyncset.done $0x0  }
0x137: {  	[sflag:s11] =	ssyncadd.s32 $0xFFFFE000  }
0x138: {  	_ =	swait.ge [sflag:s11], $0x2000  }
0x139: {  	s25 =	smov.u32 s17;
	[sflag:s11] =	ssyncset.done $0x0  }
0x13a: {  	s15 =	sadd.s32 s16, s8;
	[sflag:s11] =	ssyncadd.s32 $0xFFFFE000  }
0x13b: {  	[tilespmem:s20], [sflag:$0x3] =	stream.linear.gather [hbm4b:s15+s4], $0x800, $0x38;
	[tilespmem:$0x1B000] =	vst v63  }
0x13c: {  	_ =	swait.ge [sflag:s19], $0x800  }
0x13d: {  	[sflag:s19] =	ssyncset.done $0x0  }
0x13e: {  	[sflag:s19] =	ssyncadd.s32 $0xFFFFF800  }
0x13f: {  	[spmem:s3] =	stream.indirect.scatter.add.f32 [tilespmem:s18], [sflag:$0x2], $0x80, s20, s21, $0xb8;
	[tilespmem:$0x1B000] =	vst v63  }
0x140: {  	_ = 	snop  }
0x141: {  	[spmem:s3] =	stream.indirect.scatter.add.f32 [tilespmem:s18], [sflag:$0x2], $0x80, s22, s21, $0xb8;
	[tilespmem:$0x1B000] =	vst v63  }
0x142: {  	_ = 	snop  }
0x143: {  	[spmem:s3] =	stream.indirect.scatter.add.f32 [tilespmem:s18], [sflag:$0x2], $0x80, s23, s21, $0xb8;
	[tilespmem:$0x1B000] =	vst v63  }
0x144: {  	_ = 	snop  }
0x145: {  	[spmem:s3] =	stream.indirect.scatter.add.f32 [tilespmem:s18], [sflag:$0x2], $0x80, s24, s21, $0xb8;
	[tilespmem:$0x1B000] =	vst v63  }
0x146: {  	_ = 	snop  }
0x147: {  	[spmem:s3] =	stream.indirect.scatter.add.f32 [tilespmem:s18], [sflag:$0x2], $0x80, s26, s21, $0xb8;
	[tilespmem:$0x1B000] =	vst v63  }
0x148: {  	_ = 	snop  }
0x149: {  	[spmem:s3] =	stream.indirect.scatter.add.f32 [tilespmem:s18], [sflag:$0x2], $0x80, s28, s21, $0xb8;
	[tilespmem:$0x1B000] =	vst v63  }
0x14a: {  	_ = 	snop  }
0x14b: {  	[spmem:s3] =	stream.indirect.scatter.add.f32 [tilespmem:s18], [sflag:$0x2], $0x80, s29, s21, $0xb8;
	[tilespmem:$0x1B000] =	vst v63  }
0x14c: {  	_ = 	snop  }
0x14d: {  	[spmem:s3] =	stream.indirect.scatter.add.f32 [tilespmem:s18], [sflag:$0x2], $0x80, s30, s21, $0xb8;
	[tilespmem:$0x1B000] =	vst v63  }
0x14e: {  	_ = 	snop  }
0x14f: {  	[spmem:s3] =	stream.indirect.scatter.add.f32 [tilespmem:s18], [sflag:$0x2], $0x80, s31, s21, $0xb8;
	[tilespmem:$0x1B000] =	vst v63  }
0x150: {  	_ = 	snop  }
0x151: {  	[spmem:s3] =	stream.indirect.scatter.add.f32 [tilespmem:s18], [sflag:$0x2], $0x80, s2, s21, $0xb8;
	[tilespmem:$0x1B000] =	vst v63  }
0x152: {  	_ = 	snop  }
0x153: {  	[spmem:s3] =	stream.indirect.scatter.add.f32 [tilespmem:s18], [sflag:$0x2], $0x80, s0, s21, $0xb8;
	[tilespmem:$0x1B000] =	vst v63  }
0x154: {  	_ = 	snop  }
0x155: {  	[spmem:s3] =	stream.indirect.scatter.add.f32 [tilespmem:s18], [sflag:$0x2], $0x80, s5, s21, $0xb8;
	[tilespmem:$0x1B000] =	vst v63  }
0x156: {  	_ = 	snop  }
0x157: {  	[spmem:s3] =	stream.indirect.scatter.add.f32 [tilespmem:s18], [sflag:$0x2], $0x80, s6, s21, $0xb8;
	[tilespmem:$0x1B000] =	vst v63  }
0x158: {  	_ = 	snop  }
0x159: {  	[spmem:s3] =	stream.indirect.scatter.add.f32 [tilespmem:s18], [sflag:$0x2], $0x80, s7, s21, $0xb8;
	[tilespmem:$0x1B000] =	vst v63  }
0x15a: {  	_ = 	snop  }
0x15b: {  	[spmem:s3] =	stream.indirect.scatter.add.f32 [tilespmem:s18], [sflag:$0x2], $0x80, s9, s21, $0xb8;
	[tilespmem:$0x1B000] =	vst v63  }
0x15c: {  	_ = 	snop  }
0x15d: {  	[spmem:s3] =	stream.indirect.scatter.add.f32 [tilespmem:s18], [sflag:$0x2], $0x80, s10, s21, $0xb8;
	[tilespmem:$0x1B000] =	vst v63  }
0x15e: {  	_ =	swait.ge [sflag:s11], $0x2000  }
0x15f: {  	[sflag:s11] =	ssyncset.done $0x0  }
0x160: {  	[sflag:s11] =	ssyncadd.s32 $0xFFFFE000  }
0x161: {  	_ =	swait.ge [sflag:s11], $0x2000  }
0x162: {  	[sflag:s11] =	ssyncset.done $0x0  }
0x163: {  	[sflag:s11] =	ssyncadd.s32 $0xFFFFE000  }
0x164: {  	_ =	swait.ge [sflag:s11], $0x2000  }
0x165: {  	[sflag:s11] =	ssyncset.done $0x0  }
0x166: {  	[sflag:s11] =	ssyncadd.s32 $0xFFFFE000  }
0x167: {  	_ =	swait.ge [sflag:s11], $0x2000  }
0x168: {  	[sflag:s11] =	ssyncset.done $0x0  }
0x169: {  	[sflag:s11] =	ssyncadd.s32 $0xFFFFE000  }
0x16a: {  	_ =	swait.ge [sflag:s11], $0x2000  }
0x16b: {  	[sflag:s11] =	ssyncset.done $0x0  }
0x16c: {  	[sflag:s11] =	ssyncadd.s32 $0xFFFFE000  }
0x16d: {  	_ =	swait.ge [sflag:s11], $0x2000  }
0x16e: {  	[sflag:s11] =	ssyncset.done $0x0  }
0x16f: {  	[sflag:s11] =	ssyncadd.s32 $0xFFFFE000  }
0x170: {  	_ =	swait.ge [sflag:s11], $0x2000  }
0x171: {  	[sflag:s11] =	ssyncset.done $0x0  }
0x172: {  	[sflag:s11] =	ssyncadd.s32 $0xFFFFE000  }
0x173: {  	_ =	swait.ge [sflag:s11], $0x2000  }
0x174: {  	[sflag:s11] =	ssyncset.done $0x0  }
0x175: {  	[sflag:s11] =	ssyncadd.s32 $0xFFFFE000  }
0x176: {  	_ =	swait.ge [sflag:s11], $0x2000  }
0x177: {  	[sflag:s11] =	ssyncset.done $0x0  }
0x178: {  	[sflag:s11] =	ssyncadd.s32 $0xFFFFE000  }
0x179: {  	_ =	swait.ge [sflag:s11], $0x2000  }
0x17a: {  	[sflag:s11] =	ssyncset.done $0x0  }
0x17b: {  	[sflag:s11] =	ssyncadd.s32 $0xFFFFE000  }
0x17c: {  	_ =	swait.ge [sflag:s11], $0x2000  }
0x17d: {  	[sflag:s11] =	ssyncset.done $0x0  }
0x17e: {  	[sflag:s11] =	ssyncadd.s32 $0xFFFFE000  }
0x17f: {  	_ =	swait.ge [sflag:s11], $0x2000  }
0x180: {  	[sflag:s11] =	ssyncset.done $0x0  }
0x181: {  	[sflag:s11] =	ssyncadd.s32 $0xFFFFE000  }
0x182: {  	_ =	swait.ge [sflag:s11], $0x2000  }
0x183: {  	[sflag:s11] =	ssyncset.done $0x0  }
0x184: {  	[sflag:s11] =	ssyncadd.s32 $0xFFFFE000  }
0x185: {  	_ =	swait.ge [sflag:s11], $0x2000  }
0x186: {  	[sflag:s11] =	ssyncset.done $0x0  }
0x187: {  	[sflag:s11] =	ssyncadd.s32 $0xFFFFE000  }
0x188: {  	_ =	swait.ge [sflag:s11], $0x2000  }
0x189: {  	[sflag:s11] =	ssyncset.done $0x0  }
0x18a: {  	[sflag:s11] =	ssyncadd.s32 $0xFFFFE000  }
0x18b: {  	_ =	swait.ge [sflag:s11], $0x2000  }
0x18c: {  	[sflag:s11] =	ssyncset.done $0x0  }
0x18d: {  	[sflag:s11] =	ssyncadd.s32 $0xFFFFE000  }
0x18e: {  	[bflag:$0x0] =	sbarrier.arrive $0xFFFF  }
0x18f: {  	s25 =	sld [smem:$0x7FD];
	_ =	sdelay $0x2  }
0x190: {  	[tilespmem:s12], [sflag:$0x3] =	stream.linear.gather [spmem:s25], $0x2000, $0x38;
	[tilespmem:$0x1B000] =	vst v63  }
0x191: {  	_ =	swait.ge [sflag:s19], $0x2000  }
0x192: {  	[sflag:s19] =	ssyncset.done $0x0  }
0x193: {  	s16 =	simm.s32 $0x0;
	s17 =	rddreg [dreg:$0x14];
	[sflag:s19] =	ssyncadd.s32 $0xFFFFE000  }
0x194: {  	[hbm4b:s17+s16] =	stream.linear.scatter [tilespmem:s12], [sflag:$0x3], $0x2000, $0x38;
	[tilespmem:$0x1B000] =	vst v63  }
0x195: {  	_ =	swait.ge [sflag:s19], $0x2000  }
0x196: {  	s17 =	sld [smem:$0x7EB]  }
0x197: {  	[sflag:s19] =	ssyncset.done $0x0  }
0x198: {  	[sflag:s19] =	ssyncadd.s32 $0xFFFFE000  }
0x199: {  	[tilespmem:s12], [sflag:$0x3] =	stream.linear.gather [spmem:s17], $0x2000, $0x38;
	[tilespmem:$0x1B000] =	vst v63  }
0x19a: {  	_ =	swait.ge [sflag:s19], $0x2000  }
0x19b: {  	[sflag:s19] =	ssyncset.done $0x0  }
0x19c: {  	s17 =	rddreg [dreg:$0x15];
	[sflag:s19] =	ssyncadd.s32 $0xFFFFE000  }
0x19d: {  	[hbm4b:s17+s16] =	stream.linear.scatter [tilespmem:s12], [sflag:$0x3], $0x2000, $0x38;
	[tilespmem:$0x1B000] =	vst v63  }
0x19e: {  	_ =	swait.ge [sflag:s19], $0x2000  }
0x19f: {  	s17 =	sld [smem:$0x7EC]  }
0x1a0: {  	[sflag:s19] =	ssyncset.done $0x0  }
0x1a1: {  	[sflag:s19] =	ssyncadd.s32 $0xFFFFE000  }
0x1a2: {  	[tilespmem:s12], [sflag:$0x3] =	stream.linear.gather [spmem:s17], $0x2000, $0x38;
	[tilespmem:$0x1B000] =	vst v63  }
0x1a3: {  	_ =	swait.ge [sflag:s19], $0x2000  }
0x1a4: {  	[sflag:s19] =	ssyncset.done $0x0  }
0x1a5: {  	s17 =	rddreg [dreg:$0x16];
	[sflag:s19] =	ssyncadd.s32 $0xFFFFE000  }
0x1a6: {  	[hbm4b:s17+s16] =	stream.linear.scatter [tilespmem:s12], [sflag:$0x3], $0x2000, $0x38;
	[tilespmem:$0x1B000] =	vst v63  }
0x1a7: {  	_ =	swait.ge [sflag:s19], $0x2000  }
0x1a8: {  	s17 =	sld [smem:$0x7ED]  }
0x1a9: {  	[sflag:s19] =	ssyncset.done $0x0  }
0x1aa: {  	[sflag:s19] =	ssyncadd.s32 $0xFFFFE000  }
0x1ab: {  	[tilespmem:s12], [sflag:$0x3] =	stream.linear.gather [spmem:s17], $0x2000, $0x38;
	[tilespmem:$0x1B000] =	vst v63  }
0x1ac: {  	_ =	swait.ge [sflag:s19], $0x2000  }
0x1ad: {  	[sflag:s19] =	ssyncset.done $0x0  }
0x1ae: {  	s17 =	rddreg [dreg:$0x17];
	[sflag:s19] =	ssyncadd.s32 $0xFFFFE000  }
0x1af: {  	[hbm4b:s17+s16] =	stream.linear.scatter [tilespmem:s12], [sflag:$0x3], $0x2000, $0x38;
	[tilespmem:$0x1B000] =	vst v63  }
0x1b0: {  	_ =	swait.ge [sflag:s19], $0x2000  }
0x1b1: {  	s17 =	sld [smem:$0x7EE]  }
0x1b2: {  	[sflag:s19] =	ssyncset.done $0x0  }
0x1b3: {  	[sflag:s19] =	ssyncadd.s32 $0xFFFFE000  }
0x1b4: {  	[tilespmem:s12], [sflag:$0x3] =	stream.linear.gather [spmem:s17], $0x2000, $0x38;
	[tilespmem:$0x1B000] =	vst v63  }
0x1b5: {  	_ =	swait.ge [sflag:s19], $0x2000  }
0x1b6: {  	[sflag:s19] =	ssyncset.done $0x0  }
0x1b7: {  	s17 =	rddreg [dreg:$0x18];
	[sflag:s19] =	ssyncadd.s32 $0xFFFFE000  }
0x1b8: {  	[hbm4b:s17+s16] =	stream.linear.scatter [tilespmem:s12], [sflag:$0x3], $0x2000, $0x38;
	[tilespmem:$0x1B000] =	vst v63  }
0x1b9: {  	_ =	swait.ge [sflag:s19], $0x2000  }
0x1ba: {  	s17 =	sld [smem:$0x7EF]  }
0x1bb: {  	[sflag:s19] =	ssyncset.done $0x0  }
0x1bc: {  	[sflag:s19] =	ssyncadd.s32 $0xFFFFE000  }
0x1bd: {  	[tilespmem:s12], [sflag:$0x3] =	stream.linear.gather [spmem:s17], $0x2000, $0x38;
	[tilespmem:$0x1B000] =	vst v63  }
0x1be: {  	_ =	swait.ge [sflag:s19], $0x2000  }
0x1bf: {  	[sflag:s19] =	ssyncset.done $0x0  }
0x1c0: {  	s17 =	rddreg [dreg:$0x19];
	[sflag:s19] =	ssyncadd.s32 $0xFFFFE000  }
0x1c1: {  	[hbm4b:s17+s16] =	stream.linear.scatter [tilespmem:s12], [sflag:$0x3], $0x2000, $0x38;
	[tilespmem:$0x1B000] =	vst v63  }
0x1c2: {  	_ =	swait.ge [sflag:s19], $0x2000  }
0x1c3: {  	s17 =	sld [smem:$0x7F0]  }
0x1c4: {  	[sflag:s19] =	ssyncset.done $0x0  }
0x1c5: {  	[sflag:s19] =	ssyncadd.s32 $0xFFFFE000  }
0x1c6: {  	[tilespmem:s12], [sflag:$0x3] =	stream.linear.gather [spmem:s17], $0x2000, $0x38;
	[tilespmem:$0x1B000] =	vst v63  }
0x1c7: {  	_ =	swait.ge [sflag:s19], $0x2000  }
0x1c8: {  	[sflag:s19] =	ssyncset.done $0x0  }
0x1c9: {  	s17 =	rddreg [dreg:$0x1a];
	[sflag:s19] =	ssyncadd.s32 $0xFFFFE000  }
0x1ca: {  	[hbm4b:s17+s16] =	stream.linear.scatter [tilespmem:s12], [sflag:$0x3], $0x2000, $0x38;
	[tilespmem:$0x1B000] =	vst v63  }
0x1cb: {  	_ =	swait.ge [sflag:s19], $0x2000  }
0x1cc: {  	s17 =	sld [smem:$0x7F1]  }
0x1cd: {  	[sflag:s19] =	ssyncset.done $0x0  }
0x1ce: {  	[sflag:s19] =	ssyncadd.s32 $0xFFFFE000  }
0x1cf: {  	[tilespmem:s12], [sflag:$0x3] =	stream.linear.gather [spmem:s17], $0x2000, $0x38;
	[tilespmem:$0x1B000] =	vst v63  }
0x1d0: {  	_ =	swait.ge [sflag:s19], $0x2000  }
0x1d1: {  	[sflag:s19] =	ssyncset.done $0x0  }
0x1d2: {  	s17 =	rddreg [dreg:$0x1b];
	[sflag:s19] =	ssyncadd.s32 $0xFFFFE000  }
0x1d3: {  	[hbm4b:s17+s16] =	stream.linear.scatter [tilespmem:s12], [sflag:$0x3], $0x2000, $0x38;
	[tilespmem:$0x1B000] =	vst v63  }
0x1d4: {  	_ =	swait.ge [sflag:s19], $0x2000  }
0x1d5: {  	s17 =	sld [smem:$0x7F2]  }
0x1d6: {  	[sflag:s19] =	ssyncset.done $0x0  }
0x1d7: {  	[sflag:s19] =	ssyncadd.s32 $0xFFFFE000  }
0x1d8: {  	[tilespmem:s12], [sflag:$0x3] =	stream.linear.gather [spmem:s17], $0x2000, $0x38;
	[tilespmem:$0x1B000] =	vst v63  }
0x1d9: {  	_ =	swait.ge [sflag:s19], $0x2000  }
0x1da: {  	[sflag:s19] =	ssyncset.done $0x0  }
0x1db: {  	s17 =	rddreg [dreg:$0x1c];
	[sflag:s19] =	ssyncadd.s32 $0xFFFFE000  }
0x1dc: {  	[hbm4b:s17+s16] =	stream.linear.scatter [tilespmem:s12], [sflag:$0x3], $0x2000, $0x38;
	[tilespmem:$0x1B000] =	vst v63  }
0x1dd: {  	_ =	swait.ge [sflag:s19], $0x2000  }
0x1de: {  	s17 =	sld [smem:$0x7F3]  }
0x1df: {  	[sflag:s19] =	ssyncset.done $0x0  }
0x1e0: {  	[sflag:s19] =	ssyncadd.s32 $0xFFFFE000  }
0x1e1: {  	[tilespmem:s12], [sflag:$0x3] =	stream.linear.gather [spmem:s17], $0x2000, $0x38;
	[tilespmem:$0x1B000] =	vst v63  }
0x1e2: {  	_ =	swait.ge [sflag:s19], $0x2000  }
0x1e3: {  	[sflag:s19] =	ssyncset.done $0x0  }
0x1e4: {  	s17 =	rddreg [dreg:$0x1d];
	[sflag:s19] =	ssyncadd.s32 $0xFFFFE000  }
0x1e5: {  	[hbm4b:s17+s16] =	stream.linear.scatter [tilespmem:s12], [sflag:$0x3], $0x2000, $0x38;
	[tilespmem:$0x1B000] =	vst v63  }
0x1e6: {  	_ =	swait.ge [sflag:s19], $0x2000  }
0x1e7: {  	[sflag:s19] =	ssyncset.done $0x0  }
0x1e8: {  	[sflag:s19] =	ssyncadd.s32 $0xFFFFE000  }
0x1e9: {  	s16 =	simm.s32 $0x0;
	s17 =	simm.s32 $0x200;
	[bflag:$0x0] =	sbarrier.arrive $0xFFFF  }
.LBB2_8:
0x1ea: {  	p0 =	seq.s32 s17, $0x7E00;
	[tilespmem:s16+$0x1070] =	vst v0  }
0x1eb: {  	[tilespmem:s16+$0x1000] =	vst v0  }
0x1ec: {  	[tilespmem:s16+$0x1010] =	vst v0  }
.Ltmp3:
0x1ed: {  	[tilespmem:s16+$0x1020] =	vst v0;
	(pc) =	sbr.rel @!p0 .LBB2_8-.Ltmp3, $4  }
0x1ee: {  	[tilespmem:s16+$0x1030] =	vst v0  }
0x1ef: {  	[tilespmem:s16+$0x1040] =	vst v0  }
0x1f0: {  	[tilespmem:s16+$0x1050] =	vst v0  }
0x1f1: {  	[tilespmem:s16+$0x1060] =	vst v0;
	s16 =	sshra.s32 s17, $0x2;
	s17 =	sadd.s32 $0x200, s17  }
0x1f2: {  	[tilespmem:s16+$0x1070] =	vst v0  }
0x1f3: {  	[tilespmem:s16+$0x1000] =	vst v0  }
0x1f4: {  	[tilespmem:s16+$0x1010] =	vst v0  }
0x1f5: {  	[tilespmem:s16+$0x1020] =	vst v0  }
0x1f6: {  	[tilespmem:s16+$0x1030] =	vst v0  }
0x1f7: {  	[tilespmem:s16+$0x1040] =	vst v0  }
0x1f8: {  	[tilespmem:s16+$0x1050] =	vst v0  }
0x1f9: {  	[tilespmem:s16+$0x1060] =	vst v0  }
0x1fa: {  	[spmem:s25] =	stream.linear.scatter [tilespmem:s18], [sflag:$0x3], $0x2000, $0x38;
	[tilespmem:$0x1B000] =	vst v63  }
0x1fb: {  	_ =	swait.ge [sflag:s19], $0x2000  }
0x1fc: {  	s15 =	sld [smem:$0x7F4]  }
0x1fd: {  	[sflag:s19] =	ssyncset.done $0x0  }
0x1fe: {  	[sflag:s19] =	ssyncadd.s32 $0xFFFFE000  }
0x1ff: {  	[spmem:s15] =	stream.linear.scatter [tilespmem:s18], [sflag:$0x3], $0x2000, $0x38;
	[tilespmem:$0x1B000] =	vst v63  }
0x200: {  	_ =	swait.ge [sflag:s19], $0x2000  }
0x201: {  	s25 =	sld [smem:$0x7F5]  }
0x202: {  	[sflag:s19] =	ssyncset.done $0x0  }
0x203: {  	[sflag:s19] =	ssyncadd.s32 $0xFFFFE000  }
0x204: {  	[spmem:s25] =	stream.linear.scatter [tilespmem:s18], [sflag:$0x3], $0x2000, $0x38;
	[tilespmem:$0x1B000] =	vst v63  }
0x205: {  	_ =	swait.ge [sflag:s19], $0x2000  }
0x206: {  	s16 =	sld [smem:$0x7F6]  }
0x207: {  	[sflag:s19] =	ssyncset.done $0x0  }
0x208: {  	[sflag:s19] =	ssyncadd.s32 $0xFFFFE000  }
0x209: {  	[spmem:s16] =	stream.linear.scatter [tilespmem:s18], [sflag:$0x3], $0x2000, $0x38;
	[tilespmem:$0x1B000] =	vst v63  }
0x20a: {  	_ =	swait.ge [sflag:s19], $0x2000  }
0x20b: {  	s17 =	sld [smem:$0x7F7]  }
0x20c: {  	[sflag:s19] =	ssyncset.done $0x0  }
0x20d: {  	[sflag:s19] =	ssyncadd.s32 $0xFFFFE000  }
0x20e: {  	[spmem:s17] =	stream.linear.scatter [tilespmem:s18], [sflag:$0x3], $0x2000, $0x38;
	[tilespmem:$0x1B000] =	vst v63  }
0x20f: {  	_ =	swait.ge [sflag:s19], $0x2000  }
0x210: {  	s25 =	sld [smem:$0x7F8]  }
0x211: {  	[sflag:s19] =	ssyncset.done $0x0  }
0x212: {  	[sflag:s19] =	ssyncadd.s32 $0xFFFFE000  }
0x213: {  	[spmem:s25] =	stream.linear.scatter [tilespmem:s18], [sflag:$0x3], $0x2000, $0x38;
	[tilespmem:$0x1B000] =	vst v63  }
0x214: {  	_ =	swait.ge [sflag:s19], $0x2000  }
0x215: {  	s16 =	sld [smem:$0x7F9]  }
0x216: {  	[sflag:s19] =	ssyncset.done $0x0  }
0x217: {  	[sflag:s19] =	ssyncadd.s32 $0xFFFFE000  }
0x218: {  	[spmem:s16] =	stream.linear.scatter [tilespmem:s18], [sflag:$0x3], $0x2000, $0x38;
	[tilespmem:$0x1B000] =	vst v63  }
0x219: {  	_ =	swait.ge [sflag:s19], $0x2000  }
0x21a: {  	s17 =	sld [smem:$0x7FA]  }
0x21b: {  	[sflag:s19] =	ssyncset.done $0x0  }
0x21c: {  	[sflag:s19] =	ssyncadd.s32 $0xFFFFE000  }
0x21d: {  	[spmem:s17] =	stream.linear.scatter [tilespmem:s18], [sflag:$0x3], $0x2000, $0x38;
	[tilespmem:$0x1B000] =	vst v63  }
0x21e: {  	_ =	swait.ge [sflag:s19], $0x2000  }
0x21f: {  	s25 =	sld [smem:$0x7FB]  }
0x220: {  	[sflag:s19] =	ssyncset.done $0x0  }
0x221: {  	[sflag:s19] =	ssyncadd.s32 $0xFFFFE000  }
0x222: {  	[spmem:s25] =	stream.linear.scatter [tilespmem:s18], [sflag:$0x3], $0x2000, $0x38;
	[tilespmem:$0x1B000] =	vst v63  }
0x223: {  	_ =	swait.ge [sflag:s19], $0x2000  }
0x224: {  	s16 =	sld [smem:$0x7FC]  }
0x225: {  	[sflag:s19] =	ssyncset.done $0x0  }
0x226: {  	[sflag:s19] =	ssyncadd.s32 $0xFFFFE000  }
0x227: {  	[spmem:s16] =	stream.linear.scatter [tilespmem:s18], [sflag:$0x3], $0x2000, $0x38;
	[tilespmem:$0x1B000] =	vst v63  }
0x228: {  	_ =	swait.ge [sflag:s19], $0x2000  }
0x229: {  	[sflag:s19] =	ssyncset.done $0x0  }
0x22a: {  	[sflag:s19] =	ssyncadd.s32 $0xFFFFE000  }
0x22b: {  	[bflag:$0x0] =	sbarrier.arrive $0xFFFF  }
0x22c: {  	s17 =	rddreg [dreg:$0x4]  }
0x22d: {  	s15 =	sadd.s32 $0x0, s17  }
0x22e: {  	[tilespmem:s4], [sflag:$0x3] =	stream.linear.gather [hbm4b:s15+s4], $0x800, $0x38;
	[tilespmem:$0x1B000] =	vst v63  }
0x22f: {  	_ =	swait.ge [sflag:s19], $0x800  }
0x230: {  	[sflag:s19] =	ssyncset.done $0x0  }
0x231: {  	s25 =	sadd.s32 $0x0, s8;
	[sflag:s19] =	ssyncadd.s32 $0xFFFFF800  }
0x232: {  	[tilespmem:s20], [sflag:$0x3] =	stream.linear.gather [hbm4b:s25+s4], $0x800, $0x38;
	[tilespmem:$0x1B000] =	vst v63  }
0x233: {  	_ =	swait.ge [sflag:s19], $0x800  }
0x234: {  	[sflag:s19] =	ssyncset.done $0x0  }
0x235: {  	[sflag:s19] =	ssyncadd.s32 $0xFFFFF800  }
0x236: {  	[tilespmem:s18], [sflag:$0x1] =	stream.indirect.gather [hbm4b:s1+s21], $0x80, s4, s21, $0xb8;
	[tilespmem:$0x1B000] =	vst v63  }
0x237: {  	s16 =	rddreg [dreg:$0x5]  }
0x238: {  	[tilespmem:s12], [sflag:$0x1] =	stream.indirect.gather [hbm4b:s1+s21], $0x80, s16, s21, $0xb8;
	[tilespmem:$0x1B000] =	vst v63  }
0x239: {  	_ =	swait.ge [sflag:s13], $0x2000  }
0x23a: {  	[sflag:s13] =	ssyncset.done $0x0  }
0x23b: {  	[sflag:s13] =	ssyncadd.s32 $0xFFFFE000  }
0x23c: {  	[spmem:s3] =	stream.indirect.scatter.add.f32 [tilespmem:s18], [sflag:$0x2], $0x80, s20, s21, $0xb8;
	[tilespmem:$0x1B000] =	vst v63  }
0x23d: {  	s17 =	rddreg [dreg:$0x6]  }
0x23e: {  	[tilespmem:s14], [sflag:$0x1] =	stream.indirect.gather [hbm4b:s1+s21], $0x80, s17, s21, $0xb8;
	[tilespmem:$0x1B000] =	vst v63  }
0x23f: {  	_ =	swait.ge [sflag:s13], $0x2000  }
0x240: {  	[sflag:s13] =	ssyncset.done $0x0  }
0x241: {  	[sflag:s13] =	ssyncadd.s32 $0xFFFFE000  }
0x242: {  	_ =	swait.ge [sflag:s11], $0x2000  }
0x243: {  	[sflag:s11] =	ssyncset.done $0x0  }
0x244: {  	[sflag:s11] =	ssyncadd.s32 $0xFFFFE000  }
0x245: {  	[spmem:s3] =	stream.indirect.scatter.add.f32 [tilespmem:s12], [sflag:$0x2], $0x80, s22, s21, $0xb8;
	[tilespmem:$0x1B000] =	vst v63  }
0x246: {  	s25 =	rddreg [dreg:$0x7]  }
0x247: {  	[tilespmem:s18], [sflag:$0x1] =	stream.indirect.gather [hbm4b:s1+s21], $0x80, s25, s21, $0xb8;
	[tilespmem:$0x1B000] =	vst v63  }
0x248: {  	_ =	swait.ge [sflag:s13], $0x2000  }
0x249: {  	[sflag:s13] =	ssyncset.done $0x0  }
0x24a: {  	[sflag:s13] =	ssyncadd.s32 $0xFFFFE000  }
0x24b: {  	_ =	swait.ge [sflag:s11], $0x2000  }
0x24c: {  	[sflag:s11] =	ssyncset.done $0x0  }
0x24d: {  	[sflag:s11] =	ssyncadd.s32 $0xFFFFE000  }
0x24e: {  	[spmem:s3] =	stream.indirect.scatter.add.f32 [tilespmem:s14], [sflag:$0x2], $0x80, s23, s21, $0xb8;
	[tilespmem:$0x1B000] =	vst v63  }
0x24f: {  	s16 =	rddreg [dreg:$0x8]  }
0x250: {  	[tilespmem:s12], [sflag:$0x1] =	stream.indirect.gather [hbm4b:s1+s21], $0x80, s16, s21, $0xb8;
	[tilespmem:$0x1B000] =	vst v63  }
0x251: {  	_ =	swait.ge [sflag:s13], $0x2000  }
0x252: {  	[sflag:s13] =	ssyncset.done $0x0  }
0x253: {  	[sflag:s13] =	ssyncadd.s32 $0xFFFFE000  }
0x254: {  	_ =	swait.ge [sflag:s11], $0x2000  }
0x255: {  	[sflag:s11] =	ssyncset.done $0x0  }
0x256: {  	[sflag:s11] =	ssyncadd.s32 $0xFFFFE000  }
0x257: {  	[spmem:s3] =	stream.indirect.scatter.add.f32 [tilespmem:s18], [sflag:$0x2], $0x80, s24, s21, $0xb8;
	[tilespmem:$0x1B000] =	vst v63  }
0x258: {  	s17 =	rddreg [dreg:$0x9]  }
0x259: {  	[tilespmem:s14], [sflag:$0x1] =	stream.indirect.gather [hbm4b:s1+s21], $0x80, s17, s21, $0xb8;
	[tilespmem:$0x1B000] =	vst v63  }
0x25a: {  	_ =	swait.ge [sflag:s13], $0x2000  }
0x25b: {  	[sflag:s13] =	ssyncset.done $0x0  }
0x25c: {  	[sflag:s13] =	ssyncadd.s32 $0xFFFFE000  }
0x25d: {  	_ =	swait.ge [sflag:s11], $0x2000  }
0x25e: {  	[sflag:s11] =	ssyncset.done $0x0  }
0x25f: {  	[sflag:s11] =	ssyncadd.s32 $0xFFFFE000  }
0x260: {  	[spmem:s3] =	stream.indirect.scatter.add.f32 [tilespmem:s12], [sflag:$0x2], $0x80, s26, s21, $0xb8;
	[tilespmem:$0x1B000] =	vst v63  }
0x261: {  	s25 =	rddreg [dreg:$0xa]  }
0x262: {  	[tilespmem:s18], [sflag:$0x1] =	stream.indirect.gather [hbm4b:s1+s21], $0x80, s25, s21, $0xb8;
	[tilespmem:$0x1B000] =	vst v63  }
0x263: {  	_ =	swait.ge [sflag:s13], $0x2000  }
0x264: {  	[sflag:s13] =	ssyncset.done $0x0  }
0x265: {  	[sflag:s13] =	ssyncadd.s32 $0xFFFFE000  }
0x266: {  	_ =	swait.ge [sflag:s11], $0x2000  }
0x267: {  	[sflag:s11] =	ssyncset.done $0x0  }
0x268: {  	[sflag:s11] =	ssyncadd.s32 $0xFFFFE000  }
0x269: {  	[spmem:s3] =	stream.indirect.scatter.add.f32 [tilespmem:s14], [sflag:$0x2], $0x80, s28, s21, $0xb8;
	[tilespmem:$0x1B000] =	vst v63  }
0x26a: {  	s16 =	rddreg [dreg:$0xb]  }
0x26b: {  	[tilespmem:s12], [sflag:$0x1] =	stream.indirect.gather [hbm4b:s1+s21], $0x80, s16, s21, $0xb8;
	[tilespmem:$0x1B000] =	vst v63  }
0x26c: {  	_ =	swait.ge [sflag:s13], $0x2000  }
0x26d: {  	[sflag:s13] =	ssyncset.done $0x0  }
0x26e: {  	[sflag:s13] =	ssyncadd.s32 $0xFFFFE000  }
0x26f: {  	_ =	swait.ge [sflag:s11], $0x2000  }
0x270: {  	[sflag:s11] =	ssyncset.done $0x0  }
0x271: {  	[sflag:s11] =	ssyncadd.s32 $0xFFFFE000  }
0x272: {  	[spmem:s3] =	stream.indirect.scatter.add.f32 [tilespmem:s18], [sflag:$0x2], $0x80, s29, s21, $0xb8;
	[tilespmem:$0x1B000] =	vst v63  }
0x273: {  	s17 =	rddreg [dreg:$0xc]  }
0x274: {  	[tilespmem:s14], [sflag:$0x1] =	stream.indirect.gather [hbm4b:s1+s21], $0x80, s17, s21, $0xb8;
	[tilespmem:$0x1B000] =	vst v63  }
0x275: {  	_ =	swait.ge [sflag:s13], $0x2000  }
0x276: {  	[sflag:s13] =	ssyncset.done $0x0  }
0x277: {  	[sflag:s13] =	ssyncadd.s32 $0xFFFFE000  }
0x278: {  	_ =	swait.ge [sflag:s11], $0x2000  }
0x279: {  	[sflag:s11] =	ssyncset.done $0x0  }
0x27a: {  	[sflag:s11] =	ssyncadd.s32 $0xFFFFE000  }
0x27b: {  	[spmem:s3] =	stream.indirect.scatter.add.f32 [tilespmem:s12], [sflag:$0x2], $0x80, s30, s21, $0xb8;
	[tilespmem:$0x1B000] =	vst v63  }
0x27c: {  	s25 =	rddreg [dreg:$0xd]  }
0x27d: {  	[tilespmem:s18], [sflag:$0x1] =	stream.indirect.gather [hbm4b:s1+s21], $0x80, s25, s21, $0xb8;
	[tilespmem:$0x1B000] =	vst v63  }
0x27e: {  	_ =	swait.ge [sflag:s13], $0x2000  }
0x27f: {  	[sflag:s13] =	ssyncset.done $0x0  }
0x280: {  	[sflag:s13] =	ssyncadd.s32 $0xFFFFE000  }
0x281: {  	_ =	swait.ge [sflag:s11], $0x2000  }
0x282: {  	[sflag:s11] =	ssyncset.done $0x0  }
0x283: {  	[sflag:s11] =	ssyncadd.s32 $0xFFFFE000  }
0x284: {  	[spmem:s3] =	stream.indirect.scatter.add.f32 [tilespmem:s14], [sflag:$0x2], $0x80, s31, s21, $0xb8;
	[tilespmem:$0x1B000] =	vst v63  }
0x285: {  	s16 =	rddreg [dreg:$0xe]  }
0x286: {  	[tilespmem:s12], [sflag:$0x1] =	stream.indirect.gather [hbm4b:s1+s21], $0x80, s16, s21, $0xb8;
	[tilespmem:$0x1B000] =	vst v63  }
0x287: {  	_ =	swait.ge [sflag:s13], $0x2000  }
0x288: {  	[sflag:s13] =	ssyncset.done $0x0  }
0x289: {  	[sflag:s13] =	ssyncadd.s32 $0xFFFFE000  }
0x28a: {  	_ =	swait.ge [sflag:s11], $0x2000  }
0x28b: {  	[sflag:s11] =	ssyncset.done $0x0  }
0x28c: {  	[sflag:s11] =	ssyncadd.s32 $0xFFFFE000  }
0x28d: {  	[spmem:s3] =	stream.indirect.scatter.add.f32 [tilespmem:s18], [sflag:$0x2], $0x80, s2, s21, $0xb8;
	[tilespmem:$0x1B000] =	vst v63  }
0x28e: {  	s17 =	rddreg [dreg:$0xf]  }
0x28f: {  	[tilespmem:s14], [sflag:$0x1] =	stream.indirect.gather [hbm4b:s1+s21], $0x80, s17, s21, $0xb8;
	[tilespmem:$0x1B000] =	vst v63  }
0x290: {  	_ =	swait.ge [sflag:s13], $0x2000  }
0x291: {  	[sflag:s13] =	ssyncset.done $0x0  }
0x292: {  	[sflag:s13] =	ssyncadd.s32 $0xFFFFE000  }
0x293: {  	_ =	swait.ge [sflag:s11], $0x2000  }
0x294: {  	[sflag:s11] =	ssyncset.done $0x0  }
0x295: {  	[sflag:s11] =	ssyncadd.s32 $0xFFFFE000  }
0x296: {  	[spmem:s3] =	stream.indirect.scatter.add.f32 [tilespmem:s12], [sflag:$0x2], $0x80, s0, s21, $0xb8;
	[tilespmem:$0x1B000] =	vst v63  }
0x297: {  	s25 =	rddreg [dreg:$0x10]  }
0x298: {  	[tilespmem:s18], [sflag:$0x1] =	stream.indirect.gather [hbm4b:s1+s21], $0x80, s25, s21, $0xb8;
	[tilespmem:$0x1B000] =	vst v63  }
0x299: {  	_ =	swait.ge [sflag:s13], $0x2000  }
0x29a: {  	[sflag:s13] =	ssyncset.done $0x0  }
0x29b: {  	[sflag:s13] =	ssyncadd.s32 $0xFFFFE000  }
0x29c: {  	_ =	swait.ge [sflag:s11], $0x2000  }
0x29d: {  	[sflag:s11] =	ssyncset.done $0x0  }
0x29e: {  	[sflag:s11] =	ssyncadd.s32 $0xFFFFE000  }
0x29f: {  	[spmem:s3] =	stream.indirect.scatter.add.f32 [tilespmem:s14], [sflag:$0x2], $0x80, s5, s21, $0xb8;
	[tilespmem:$0x1B000] =	vst v63  }
0x2a0: {  	s16 =	rddreg [dreg:$0x11]  }
0x2a1: {  	[tilespmem:s12], [sflag:$0x1] =	stream.indirect.gather [hbm4b:s1+s21], $0x80, s16, s21, $0xb8;
	[tilespmem:$0x1B000] =	vst v63  }
0x2a2: {  	_ =	swait.ge [sflag:s13], $0x2000  }
0x2a3: {  	[sflag:s13] =	ssyncset.done $0x0  }
0x2a4: {  	[sflag:s13] =	ssyncadd.s32 $0xFFFFE000  }
0x2a5: {  	_ =	swait.ge [sflag:s11], $0x2000  }
0x2a6: {  	[sflag:s11] =	ssyncset.done $0x0  }
0x2a7: {  	[sflag:s11] =	ssyncadd.s32 $0xFFFFE000  }
0x2a8: {  	[spmem:s3] =	stream.indirect.scatter.add.f32 [tilespmem:s18], [sflag:$0x2], $0x80, s6, s21, $0xb8;
	[tilespmem:$0x1B000] =	vst v63  }
0x2a9: {  	s17 =	rddreg [dreg:$0x12]  }
0x2aa: {  	[tilespmem:s14], [sflag:$0x1] =	stream.indirect.gather [hbm4b:s1+s21], $0x80, s17, s21, $0xb8;
	[tilespmem:$0x1B000] =	vst v63  }
0x2ab: {  	_ =	swait.ge [sflag:s13], $0x2000  }
0x2ac: {  	[sflag:s13] =	ssyncset.done $0x0  }
0x2ad: {  	[sflag:s13] =	ssyncadd.s32 $0xFFFFE000  }
0x2ae: {  	_ =	swait.ge [sflag:s11], $0x2000  }
0x2af: {  	[sflag:s11] =	ssyncset.done $0x0  }
0x2b0: {  	[sflag:s11] =	ssyncadd.s32 $0xFFFFE000  }
0x2b1: {  	[spmem:s3] =	stream.indirect.scatter.add.f32 [tilespmem:s12], [sflag:$0x2], $0x80, s7, s21, $0xb8;
	[tilespmem:$0x1B000] =	vst v63  }
0x2b2: {  	s25 =	rddreg [dreg:$0x13]  }
0x2b3: {  	[tilespmem:s18], [sflag:$0x1] =	stream.indirect.gather [hbm4b:s1+s21], $0x80, s25, s21, $0xb8;
	[tilespmem:$0x1B000] =	vst v63  }
0x2b4: {  	_ =	swait.ge [sflag:s13], $0x2000  }
0x2b5: {  	[sflag:s13] =	ssyncset.done $0x0  }
0x2b6: {  	[sflag:s13] =	ssyncadd.s32 $0xFFFFE000  }
0x2b7: {  	_ =	swait.ge [sflag:s11], $0x2000  }
0x2b8: {  	[sflag:s11] =	ssyncset.done $0x0  }
0x2b9: {  	[sflag:s11] =	ssyncadd.s32 $0xFFFFE000  }
0x2ba: {  	[spmem:s3] =	stream.indirect.scatter.add.f32 [tilespmem:s14], [sflag:$0x2], $0x80, s9, s21, $0xb8;
	[tilespmem:$0x1B000] =	vst v63  }
0x2bb: {  	_ =	swait.ge [sflag:s13], $0x2000  }
0x2bc: {  	[sflag:s13] =	ssyncset.done $0x0  }
0x2bd: {  	[sflag:s13] =	ssyncadd.s32 $0xFFFFE000  }
0x2be: {  	_ =	swait.ge [sflag:s11], $0x2000  }
0x2bf: {  	[sflag:s11] =	ssyncset.done $0x0  }
0x2c0: {  	[sflag:s11] =	ssyncadd.s32 $0xFFFFE000  }
0x2c1: {  	[spmem:s3] =	stream.indirect.scatter.add.f32 [tilespmem:s18], [sflag:$0x2], $0x80, s10, s21, $0xb8;
	[tilespmem:$0x1B000] =	vst v63  }
0x2c2: {  	s16 =	simm.s32 $0x100;
	_ =	swait.ge [sflag:s11], $0x2000  }
0x2c3: {  	s17 =	simm.s32 $0x200;
	s25 =	rddreg [dreg:$0x4];
	[sflag:s11] =	ssyncset.done $0x0  }
.LBB2_10:
0x2c4: {  	[sflag:s11] =	ssyncadd.s32 $0xFFFFE000;
	s25 =	sadd.s32 s16, s25  }
0x2c5: {  	[tilespmem:s4], [sflag:$0x3] =	stream.linear.gather [hbm4b:s25+s4], $0x800, $0x38;
	[tilespmem:$0x1B000] =	vst v63  }
0x2c6: {  	_ =	swait.ge [sflag:s19], $0x800  }
0x2c7: {  	[sflag:s19] =	ssyncset.done $0x0  }
0x2c8: {  	s25 =	sadd.s32 s16, s8;
	[sflag:s19] =	ssyncadd.s32 $0xFFFFF800  }
0x2c9: {  	[tilespmem:s20], [sflag:$0x3] =	stream.linear.gather [hbm4b:s25+s4], $0x800, $0x38;
	[tilespmem:$0x1B000] =	vst v63  }
0x2ca: {  	_ =	swait.ge [sflag:s19], $0x800  }
0x2cb: {  	[sflag:s19] =	ssyncset.done $0x0  }
0x2cc: {  	[sflag:s19] =	ssyncadd.s32 $0xFFFFF800  }
0x2cd: {  	[tilespmem:s18], [sflag:$0x1] =	stream.indirect.gather [hbm4b:s1+s21], $0x80, s4, s21, $0xb8;
	[tilespmem:$0x1B000] =	vst v63  }
0x2ce: {  	s25 =	rddreg [dreg:$0x5]  }
0x2cf: {  	[tilespmem:s12], [sflag:$0x1] =	stream.indirect.gather [hbm4b:s1+s21], $0x80, s25, s21, $0xb8;
	[tilespmem:$0x1B000] =	vst v63  }
0x2d0: {  	_ =	swait.ge [sflag:s13], $0x2000  }
0x2d1: {  	[sflag:s13] =	ssyncset.done $0x0  }
0x2d2: {  	[sflag:s13] =	ssyncadd.s32 $0xFFFFE000  }
0x2d3: {  	[spmem:s3] =	stream.indirect.scatter.add.f32 [tilespmem:s18], [sflag:$0x2], $0x80, s20, s21, $0xb8;
	[tilespmem:$0x1B000] =	vst v63  }
0x2d4: {  	s25 =	rddreg [dreg:$0x6]  }
0x2d5: {  	[tilespmem:s14], [sflag:$0x1] =	stream.indirect.gather [hbm4b:s1+s21], $0x80, s25, s21, $0xb8;
	[tilespmem:$0x1B000] =	vst v63  }
0x2d6: {  	_ =	swait.ge [sflag:s13], $0x2000  }
0x2d7: {  	[sflag:s13] =	ssyncset.done $0x0  }
0x2d8: {  	[sflag:s13] =	ssyncadd.s32 $0xFFFFE000  }
0x2d9: {  	_ =	swait.ge [sflag:s11], $0x2000  }
0x2da: {  	[sflag:s11] =	ssyncset.done $0x0  }
0x2db: {  	[sflag:s11] =	ssyncadd.s32 $0xFFFFE000  }
0x2dc: {  	[spmem:s3] =	stream.indirect.scatter.add.f32 [tilespmem:s12], [sflag:$0x2], $0x80, s22, s21, $0xb8;
	[tilespmem:$0x1B000] =	vst v63  }
0x2dd: {  	s25 =	rddreg [dreg:$0x7]  }
0x2de: {  	[tilespmem:s18], [sflag:$0x1] =	stream.indirect.gather [hbm4b:s1+s21], $0x80, s25, s21, $0xb8;
	[tilespmem:$0x1B000] =	vst v63  }
0x2df: {  	_ =	swait.ge [sflag:s13], $0x2000  }
0x2e0: {  	[sflag:s13] =	ssyncset.done $0x0  }
0x2e1: {  	[sflag:s13] =	ssyncadd.s32 $0xFFFFE000  }
0x2e2: {  	_ =	swait.ge [sflag:s11], $0x2000  }
0x2e3: {  	[sflag:s11] =	ssyncset.done $0x0  }
0x2e4: {  	[sflag:s11] =	ssyncadd.s32 $0xFFFFE000  }
0x2e5: {  	[spmem:s3] =	stream.indirect.scatter.add.f32 [tilespmem:s14], [sflag:$0x2], $0x80, s23, s21, $0xb8;
	[tilespmem:$0x1B000] =	vst v63  }
0x2e6: {  	s25 =	rddreg [dreg:$0x8]  }
0x2e7: {  	[tilespmem:s12], [sflag:$0x1] =	stream.indirect.gather [hbm4b:s1+s21], $0x80, s25, s21, $0xb8;
	[tilespmem:$0x1B000] =	vst v63  }
0x2e8: {  	_ =	swait.ge [sflag:s13], $0x2000  }
0x2e9: {  	[sflag:s13] =	ssyncset.done $0x0  }
0x2ea: {  	[sflag:s13] =	ssyncadd.s32 $0xFFFFE000  }
0x2eb: {  	_ =	swait.ge [sflag:s11], $0x2000  }
0x2ec: {  	[sflag:s11] =	ssyncset.done $0x0  }
0x2ed: {  	[sflag:s11] =	ssyncadd.s32 $0xFFFFE000  }
0x2ee: {  	[spmem:s3] =	stream.indirect.scatter.add.f32 [tilespmem:s18], [sflag:$0x2], $0x80, s24, s21, $0xb8;
	[tilespmem:$0x1B000] =	vst v63  }
0x2ef: {  	s25 =	rddreg [dreg:$0x9]  }
0x2f0: {  	[tilespmem:s14], [sflag:$0x1] =	stream.indirect.gather [hbm4b:s1+s21], $0x80, s25, s21, $0xb8;
	[tilespmem:$0x1B000] =	vst v63  }
0x2f1: {  	_ =	swait.ge [sflag:s13], $0x2000  }
0x2f2: {  	[sflag:s13] =	ssyncset.done $0x0  }
0x2f3: {  	[sflag:s13] =	ssyncadd.s32 $0xFFFFE000  }
0x2f4: {  	_ =	swait.ge [sflag:s11], $0x2000  }
0x2f5: {  	[sflag:s11] =	ssyncset.done $0x0  }
0x2f6: {  	[sflag:s11] =	ssyncadd.s32 $0xFFFFE000  }
0x2f7: {  	[spmem:s3] =	stream.indirect.scatter.add.f32 [tilespmem:s12], [sflag:$0x2], $0x80, s26, s21, $0xb8;
	[tilespmem:$0x1B000] =	vst v63  }
0x2f8: {  	s25 =	rddreg [dreg:$0xa]  }
0x2f9: {  	[tilespmem:s18], [sflag:$0x1] =	stream.indirect.gather [hbm4b:s1+s21], $0x80, s25, s21, $0xb8;
	[tilespmem:$0x1B000] =	vst v63  }
0x2fa: {  	_ =	swait.ge [sflag:s13], $0x2000  }
0x2fb: {  	[sflag:s13] =	ssyncset.done $0x0  }
0x2fc: {  	[sflag:s13] =	ssyncadd.s32 $0xFFFFE000  }
0x2fd: {  	_ =	swait.ge [sflag:s11], $0x2000  }
0x2fe: {  	[sflag:s11] =	ssyncset.done $0x0  }
0x2ff: {  	[sflag:s11] =	ssyncadd.s32 $0xFFFFE000  }
0x300: {  	[spmem:s3] =	stream.indirect.scatter.add.f32 [tilespmem:s14], [sflag:$0x2], $0x80, s28, s21, $0xb8;
	[tilespmem:$0x1B000] =	vst v63  }
0x301: {  	s25 =	rddreg [dreg:$0xb]  }
0x302: {  	[tilespmem:s12], [sflag:$0x1] =	stream.indirect.gather [hbm4b:s1+s21], $0x80, s25, s21, $0xb8;
	[tilespmem:$0x1B000] =	vst v63  }
0x303: {  	_ =	swait.ge [sflag:s13], $0x2000  }
0x304: {  	[sflag:s13] =	ssyncset.done $0x0  }
0x305: {  	[sflag:s13] =	ssyncadd.s32 $0xFFFFE000  }
0x306: {  	_ =	swait.ge [sflag:s11], $0x2000  }
0x307: {  	[sflag:s11] =	ssyncset.done $0x0  }
0x308: {  	[sflag:s11] =	ssyncadd.s32 $0xFFFFE000  }
0x309: {  	[spmem:s3] =	stream.indirect.scatter.add.f32 [tilespmem:s18], [sflag:$0x2], $0x80, s29, s21, $0xb8;
	[tilespmem:$0x1B000] =	vst v63  }
0x30a: {  	s25 =	rddreg [dreg:$0xc]  }
0x30b: {  	[tilespmem:s14], [sflag:$0x1] =	stream.indirect.gather [hbm4b:s1+s21], $0x80, s25, s21, $0xb8;
	[tilespmem:$0x1B000] =	vst v63  }
0x30c: {  	_ =	swait.ge [sflag:s13], $0x2000  }
0x30d: {  	[sflag:s13] =	ssyncset.done $0x0  }
0x30e: {  	[sflag:s13] =	ssyncadd.s32 $0xFFFFE000  }
0x30f: {  	_ =	swait.ge [sflag:s11], $0x2000  }
0x310: {  	[sflag:s11] =	ssyncset.done $0x0  }
0x311: {  	[sflag:s11] =	ssyncadd.s32 $0xFFFFE000  }
0x312: {  	[spmem:s3] =	stream.indirect.scatter.add.f32 [tilespmem:s12], [sflag:$0x2], $0x80, s30, s21, $0xb8;
	[tilespmem:$0x1B000] =	vst v63  }
0x313: {  	s25 =	rddreg [dreg:$0xd]  }
0x314: {  	[tilespmem:s18], [sflag:$0x1] =	stream.indirect.gather [hbm4b:s1+s21], $0x80, s25, s21, $0xb8;
	[tilespmem:$0x1B000] =	vst v63  }
0x315: {  	_ =	swait.ge [sflag:s13], $0x2000  }
0x316: {  	[sflag:s13] =	ssyncset.done $0x0  }
0x317: {  	[sflag:s13] =	ssyncadd.s32 $0xFFFFE000  }
0x318: {  	_ =	swait.ge [sflag:s11], $0x2000  }
0x319: {  	[sflag:s11] =	ssyncset.done $0x0  }
0x31a: {  	[sflag:s11] =	ssyncadd.s32 $0xFFFFE000  }
0x31b: {  	[spmem:s3] =	stream.indirect.scatter.add.f32 [tilespmem:s14], [sflag:$0x2], $0x80, s31, s21, $0xb8;
	[tilespmem:$0x1B000] =	vst v63  }
0x31c: {  	s25 =	rddreg [dreg:$0xe]  }
0x31d: {  	[tilespmem:s12], [sflag:$0x1] =	stream.indirect.gather [hbm4b:s1+s21], $0x80, s25, s21, $0xb8;
	[tilespmem:$0x1B000] =	vst v63  }
0x31e: {  	_ =	swait.ge [sflag:s13], $0x2000  }
0x31f: {  	[sflag:s13] =	ssyncset.done $0x0  }
0x320: {  	[sflag:s13] =	ssyncadd.s32 $0xFFFFE000  }
0x321: {  	_ =	swait.ge [sflag:s11], $0x2000  }
0x322: {  	[sflag:s11] =	ssyncset.done $0x0  }
0x323: {  	[sflag:s11] =	ssyncadd.s32 $0xFFFFE000  }
0x324: {  	[spmem:s3] =	stream.indirect.scatter.add.f32 [tilespmem:s18], [sflag:$0x2], $0x80, s2, s21, $0xb8;
	[tilespmem:$0x1B000] =	vst v63  }
0x325: {  	s25 =	rddreg [dreg:$0xf]  }
0x326: {  	[tilespmem:s14], [sflag:$0x1] =	stream.indirect.gather [hbm4b:s1+s21], $0x80, s25, s21, $0xb8;
	[tilespmem:$0x1B000] =	vst v63  }
0x327: {  	_ =	swait.ge [sflag:s13], $0x2000  }
0x328: {  	[sflag:s13] =	ssyncset.done $0x0  }
0x329: {  	[sflag:s13] =	ssyncadd.s32 $0xFFFFE000  }
0x32a: {  	_ =	swait.ge [sflag:s11], $0x2000  }
0x32b: {  	[sflag:s11] =	ssyncset.done $0x0  }
0x32c: {  	[sflag:s11] =	ssyncadd.s32 $0xFFFFE000  }
0x32d: {  	[spmem:s3] =	stream.indirect.scatter.add.f32 [tilespmem:s12], [sflag:$0x2], $0x80, s0, s21, $0xb8;
	[tilespmem:$0x1B000] =	vst v63  }
0x32e: {  	s25 =	rddreg [dreg:$0x10]  }
0x32f: {  	[tilespmem:s18], [sflag:$0x1] =	stream.indirect.gather [hbm4b:s1+s21], $0x80, s25, s21, $0xb8;
	[tilespmem:$0x1B000] =	vst v63  }
0x330: {  	_ =	swait.ge [sflag:s13], $0x2000  }
0x331: {  	[sflag:s13] =	ssyncset.done $0x0  }
0x332: {  	[sflag:s13] =	ssyncadd.s32 $0xFFFFE000  }
0x333: {  	_ =	swait.ge [sflag:s11], $0x2000  }
0x334: {  	[sflag:s11] =	ssyncset.done $0x0  }
0x335: {  	[sflag:s11] =	ssyncadd.s32 $0xFFFFE000  }
0x336: {  	[spmem:s3] =	stream.indirect.scatter.add.f32 [tilespmem:s14], [sflag:$0x2], $0x80, s5, s21, $0xb8;
	[tilespmem:$0x1B000] =	vst v63  }
0x337: {  	s25 =	rddreg [dreg:$0x11]  }
0x338: {  	[tilespmem:s12], [sflag:$0x1] =	stream.indirect.gather [hbm4b:s1+s21], $0x80, s25, s21, $0xb8;
	[tilespmem:$0x1B000] =	vst v63  }
0x339: {  	_ =	swait.ge [sflag:s13], $0x2000  }
0x33a: {  	[sflag:s13] =	ssyncset.done $0x0  }
0x33b: {  	[sflag:s13] =	ssyncadd.s32 $0xFFFFE000  }
0x33c: {  	_ =	swait.ge [sflag:s11], $0x2000  }
0x33d: {  	[sflag:s11] =	ssyncset.done $0x0  }
0x33e: {  	[sflag:s11] =	ssyncadd.s32 $0xFFFFE000  }
0x33f: {  	[spmem:s3] =	stream.indirect.scatter.add.f32 [tilespmem:s18], [sflag:$0x2], $0x80, s6, s21, $0xb8;
	[tilespmem:$0x1B000] =	vst v63  }
0x340: {  	s25 =	rddreg [dreg:$0x12]  }
0x341: {  	[tilespmem:s14], [sflag:$0x1] =	stream.indirect.gather [hbm4b:s1+s21], $0x80, s25, s21, $0xb8;
	[tilespmem:$0x1B000] =	vst v63  }
0x342: {  	_ =	swait.ge [sflag:s13], $0x2000  }
0x343: {  	[sflag:s13] =	ssyncset.done $0x0  }
0x344: {  	[sflag:s13] =	ssyncadd.s32 $0xFFFFE000  }
0x345: {  	_ =	swait.ge [sflag:s11], $0x2000  }
0x346: {  	[sflag:s11] =	ssyncset.done $0x0  }
0x347: {  	[sflag:s11] =	ssyncadd.s32 $0xFFFFE000  }
0x348: {  	[spmem:s3] =	stream.indirect.scatter.add.f32 [tilespmem:s12], [sflag:$0x2], $0x80, s7, s21, $0xb8;
	[tilespmem:$0x1B000] =	vst v63  }
0x349: {  	s25 =	rddreg [dreg:$0x13]  }
0x34a: {  	[tilespmem:s18], [sflag:$0x1] =	stream.indirect.gather [hbm4b:s1+s21], $0x80, s25, s21, $0xb8;
	[tilespmem:$0x1B000] =	vst v63  }
0x34b: {  	_ =	swait.ge [sflag:s13], $0x2000  }
0x34c: {  	[sflag:s13] =	ssyncset.done $0x0  }
0x34d: {  	[sflag:s13] =	ssyncadd.s32 $0xFFFFE000  }
0x34e: {  	_ =	swait.ge [sflag:s11], $0x2000  }
0x34f: {  	[sflag:s11] =	ssyncset.done $0x0  }
0x350: {  	[sflag:s11] =	ssyncadd.s32 $0xFFFFE000  }
0x351: {  	[spmem:s3] =	stream.indirect.scatter.add.f32 [tilespmem:s14], [sflag:$0x2], $0x80, s9, s21, $0xb8;
	[tilespmem:$0x1B000] =	vst v63  }
0x352: {  	_ =	swait.ge [sflag:s13], $0x2000  }
0x353: {  	[sflag:s13] =	ssyncset.done $0x0  }
0x354: {  	[sflag:s13] =	ssyncadd.s32 $0xFFFFE000  }
0x355: {  	p0 =	sne.s32 s17, $0x900;
	_ =	swait.ge [sflag:s11], $0x2000  }
.Ltmp4:
0x356: {  	[sflag:s11] =	ssyncset.done $0x0;
	(pc) =	sbr.rel @p0 .LBB2_10-.Ltmp4, $4  }
0x357: {  	[sflag:s11] =	ssyncadd.s32 $0xFFFFE000  }
0x358: {  	[spmem:s3] =	stream.indirect.scatter.add.f32 [tilespmem:s18], [sflag:$0x2], $0x80, s10, s21, $0xb8;
	[tilespmem:$0x1B000] =	vst v63  }
0x359: {  	s15 =	smov.u32 s17;
	s17 =	sadd.s32 $0x100, s17;
	_ =	swait.ge [sflag:s11], $0x2000  }
0x35a: {  	s16 =	smov.u32 s15;
	s25 =	rddreg [dreg:$0x4];
	[sflag:s11] =	ssyncset.done $0x0  }
0x35b: {  	[sflag:s11] =	ssyncadd.s32 $0xFFFFE000;
	s15 =	sadd.s32 s16, s25  }
0x35c: {  	[tilespmem:s4], [sflag:$0x3] =	stream.linear.gather [hbm4b:s15+s4], $0x800, $0x38;
	[tilespmem:$0x1B000] =	vst v63  }
0x35d: {  	_ =	swait.ge [sflag:s19], $0x800  }
0x35e: {  	[sflag:s19] =	ssyncset.done $0x0  }
0x35f: {  	s16 =	sadd.s32 s16, s8;
	[sflag:s19] =	ssyncadd.s32 $0xFFFFF800  }
0x360: {  	[tilespmem:s20], [sflag:$0x3] =	stream.linear.gather [hbm4b:s16+s4], $0x800, $0x38;
	[tilespmem:$0x1B000] =	vst v63  }
0x361: {  	_ =	swait.ge [sflag:s19], $0x800  }
0x362: {  	[sflag:s19] =	ssyncset.done $0x0  }
0x363: {  	[sflag:s19] =	ssyncadd.s32 $0xFFFFF800  }
0x364: {  	[tilespmem:s18], [sflag:$0x1] =	stream.indirect.gather [hbm4b:s1+s21], $0x80, s4, s21, $0xb8;
	[tilespmem:$0x1B000] =	vst v63  }
0x365: {  	s17 =	rddreg [dreg:$0x5]  }
0x366: {  	[tilespmem:s12], [sflag:$0x1] =	stream.indirect.gather [hbm4b:s1+s21], $0x80, s17, s21, $0xb8;
	[tilespmem:$0x1B000] =	vst v63  }
0x367: {  	_ =	swait.ge [sflag:s13], $0x2000  }
0x368: {  	[sflag:s13] =	ssyncset.done $0x0  }
0x369: {  	[sflag:s13] =	ssyncadd.s32 $0xFFFFE000  }
0x36a: {  	[spmem:s3] =	stream.indirect.scatter.add.f32 [tilespmem:s18], [sflag:$0x2], $0x80, s20, s21, $0xb8;
	[tilespmem:$0x1B000] =	vst v63  }
0x36b: {  	s25 =	rddreg [dreg:$0x6]  }
0x36c: {  	[tilespmem:s14], [sflag:$0x1] =	stream.indirect.gather [hbm4b:s1+s21], $0x80, s25, s21, $0xb8;
	[tilespmem:$0x1B000] =	vst v63  }
0x36d: {  	_ =	swait.ge [sflag:s13], $0x2000  }
0x36e: {  	[sflag:s13] =	ssyncset.done $0x0  }
0x36f: {  	[sflag:s13] =	ssyncadd.s32 $0xFFFFE000  }
0x370: {  	_ =	swait.ge [sflag:s11], $0x2000  }
0x371: {  	[sflag:s11] =	ssyncset.done $0x0  }
0x372: {  	[sflag:s11] =	ssyncadd.s32 $0xFFFFE000  }
0x373: {  	[spmem:s3] =	stream.indirect.scatter.add.f32 [tilespmem:s12], [sflag:$0x2], $0x80, s22, s21, $0xb8;
	[tilespmem:$0x1B000] =	vst v63  }
0x374: {  	s16 =	rddreg [dreg:$0x7]  }
0x375: {  	[tilespmem:s18], [sflag:$0x1] =	stream.indirect.gather [hbm4b:s1+s21], $0x80, s16, s21, $0xb8;
	[tilespmem:$0x1B000] =	vst v63  }
0x376: {  	_ =	swait.ge [sflag:s13], $0x2000  }
0x377: {  	[sflag:s13] =	ssyncset.done $0x0  }
0x378: {  	[sflag:s13] =	ssyncadd.s32 $0xFFFFE000  }
0x379: {  	_ =	swait.ge [sflag:s11], $0x2000  }
0x37a: {  	[sflag:s11] =	ssyncset.done $0x0  }
0x37b: {  	[sflag:s11] =	ssyncadd.s32 $0xFFFFE000  }
0x37c: {  	[spmem:s3] =	stream.indirect.scatter.add.f32 [tilespmem:s14], [sflag:$0x2], $0x80, s23, s21, $0xb8;
	[tilespmem:$0x1B000] =	vst v63  }
0x37d: {  	s17 =	rddreg [dreg:$0x8]  }
0x37e: {  	[tilespmem:s12], [sflag:$0x1] =	stream.indirect.gather [hbm4b:s1+s21], $0x80, s17, s21, $0xb8;
	[tilespmem:$0x1B000] =	vst v63  }
0x37f: {  	_ =	swait.ge [sflag:s13], $0x2000  }
0x380: {  	[sflag:s13] =	ssyncset.done $0x0  }
0x381: {  	[sflag:s13] =	ssyncadd.s32 $0xFFFFE000  }
0x382: {  	_ =	swait.ge [sflag:s11], $0x2000  }
0x383: {  	[sflag:s11] =	ssyncset.done $0x0  }
0x384: {  	[sflag:s11] =	ssyncadd.s32 $0xFFFFE000  }
0x385: {  	[spmem:s3] =	stream.indirect.scatter.add.f32 [tilespmem:s18], [sflag:$0x2], $0x80, s24, s21, $0xb8;
	[tilespmem:$0x1B000] =	vst v63  }
0x386: {  	s25 =	rddreg [dreg:$0x9]  }
0x387: {  	[tilespmem:s14], [sflag:$0x1] =	stream.indirect.gather [hbm4b:s1+s21], $0x80, s25, s21, $0xb8;
	[tilespmem:$0x1B000] =	vst v63  }
0x388: {  	_ =	swait.ge [sflag:s13], $0x2000  }
0x389: {  	[sflag:s13] =	ssyncset.done $0x0  }
0x38a: {  	[sflag:s13] =	ssyncadd.s32 $0xFFFFE000  }
0x38b: {  	_ =	swait.ge [sflag:s11], $0x2000  }
0x38c: {  	[sflag:s11] =	ssyncset.done $0x0  }
0x38d: {  	[sflag:s11] =	ssyncadd.s32 $0xFFFFE000  }
0x38e: {  	[spmem:s3] =	stream.indirect.scatter.add.f32 [tilespmem:s12], [sflag:$0x2], $0x80, s26, s21, $0xb8;
	[tilespmem:$0x1B000] =	vst v63  }
0x38f: {  	s16 =	rddreg [dreg:$0xa]  }
0x390: {  	[tilespmem:s18], [sflag:$0x1] =	stream.indirect.gather [hbm4b:s1+s21], $0x80, s16, s21, $0xb8;
	[tilespmem:$0x1B000] =	vst v63  }
0x391: {  	_ =	swait.ge [sflag:s13], $0x2000  }
0x392: {  	[sflag:s13] =	ssyncset.done $0x0  }
0x393: {  	[sflag:s13] =	ssyncadd.s32 $0xFFFFE000  }
0x394: {  	_ =	swait.ge [sflag:s11], $0x2000  }
0x395: {  	[sflag:s11] =	ssyncset.done $0x0  }
0x396: {  	[sflag:s11] =	ssyncadd.s32 $0xFFFFE000  }
0x397: {  	[spmem:s3] =	stream.indirect.scatter.add.f32 [tilespmem:s14], [sflag:$0x2], $0x80, s28, s21, $0xb8;
	[tilespmem:$0x1B000] =	vst v63  }
0x398: {  	s17 =	rddreg [dreg:$0xb]  }
0x399: {  	[tilespmem:s12], [sflag:$0x1] =	stream.indirect.gather [hbm4b:s1+s21], $0x80, s17, s21, $0xb8;
	[tilespmem:$0x1B000] =	vst v63  }
0x39a: {  	_ =	swait.ge [sflag:s13], $0x2000  }
0x39b: {  	[sflag:s13] =	ssyncset.done $0x0  }
0x39c: {  	[sflag:s13] =	ssyncadd.s32 $0xFFFFE000  }
0x39d: {  	_ =	swait.ge [sflag:s11], $0x2000  }
0x39e: {  	[sflag:s11] =	ssyncset.done $0x0  }
0x39f: {  	[sflag:s11] =	ssyncadd.s32 $0xFFFFE000  }
0x3a0: {  	[spmem:s3] =	stream.indirect.scatter.add.f32 [tilespmem:s18], [sflag:$0x2], $0x80, s29, s21, $0xb8;
	[tilespmem:$0x1B000] =	vst v63  }
0x3a1: {  	s25 =	rddreg [dreg:$0xc]  }
0x3a2: {  	[tilespmem:s14], [sflag:$0x1] =	stream.indirect.gather [hbm4b:s1+s21], $0x80, s25, s21, $0xb8;
	[tilespmem:$0x1B000] =	vst v63  }
0x3a3: {  	_ =	swait.ge [sflag:s13], $0x2000  }
0x3a4: {  	[sflag:s13] =	ssyncset.done $0x0  }
0x3a5: {  	[sflag:s13] =	ssyncadd.s32 $0xFFFFE000  }
0x3a6: {  	_ =	swait.ge [sflag:s11], $0x2000  }
0x3a7: {  	[sflag:s11] =	ssyncset.done $0x0  }
0x3a8: {  	[sflag:s11] =	ssyncadd.s32 $0xFFFFE000  }
0x3a9: {  	[spmem:s3] =	stream.indirect.scatter.add.f32 [tilespmem:s12], [sflag:$0x2], $0x80, s30, s21, $0xb8;
	[tilespmem:$0x1B000] =	vst v63  }
0x3aa: {  	s16 =	rddreg [dreg:$0xd]  }
0x3ab: {  	[tilespmem:s18], [sflag:$0x1] =	stream.indirect.gather [hbm4b:s1+s21], $0x80, s16, s21, $0xb8;
	[tilespmem:$0x1B000] =	vst v63  }
0x3ac: {  	_ =	swait.ge [sflag:s13], $0x2000  }
0x3ad: {  	[sflag:s13] =	ssyncset.done $0x0  }
0x3ae: {  	[sflag:s13] =	ssyncadd.s32 $0xFFFFE000  }
0x3af: {  	_ =	swait.ge [sflag:s11], $0x2000  }
0x3b0: {  	[sflag:s11] =	ssyncset.done $0x0  }
0x3b1: {  	[sflag:s11] =	ssyncadd.s32 $0xFFFFE000  }
0x3b2: {  	[spmem:s3] =	stream.indirect.scatter.add.f32 [tilespmem:s14], [sflag:$0x2], $0x80, s31, s21, $0xb8;
	[tilespmem:$0x1B000] =	vst v63  }
0x3b3: {  	s17 =	rddreg [dreg:$0xe]  }
0x3b4: {  	[tilespmem:s12], [sflag:$0x1] =	stream.indirect.gather [hbm4b:s1+s21], $0x80, s17, s21, $0xb8;
	[tilespmem:$0x1B000] =	vst v63  }
0x3b5: {  	_ =	swait.ge [sflag:s13], $0x2000  }
0x3b6: {  	[sflag:s13] =	ssyncset.done $0x0  }
0x3b7: {  	[sflag:s13] =	ssyncadd.s32 $0xFFFFE000  }
0x3b8: {  	_ =	swait.ge [sflag:s11], $0x2000  }
0x3b9: {  	[sflag:s11] =	ssyncset.done $0x0  }
0x3ba: {  	[sflag:s11] =	ssyncadd.s32 $0xFFFFE000  }
0x3bb: {  	[spmem:s3] =	stream.indirect.scatter.add.f32 [tilespmem:s18], [sflag:$0x2], $0x80, s2, s21, $0xb8;
	[tilespmem:$0x1B000] =	vst v63  }
0x3bc: {  	s25 =	rddreg [dreg:$0xf]  }
0x3bd: {  	[tilespmem:s14], [sflag:$0x1] =	stream.indirect.gather [hbm4b:s1+s21], $0x80, s25, s21, $0xb8;
	[tilespmem:$0x1B000] =	vst v63  }
0x3be: {  	_ =	swait.ge [sflag:s13], $0x2000  }
0x3bf: {  	[sflag:s13] =	ssyncset.done $0x0  }
0x3c0: {  	[sflag:s13] =	ssyncadd.s32 $0xFFFFE000  }
0x3c1: {  	_ =	swait.ge [sflag:s11], $0x2000  }
0x3c2: {  	[sflag:s11] =	ssyncset.done $0x0  }
0x3c3: {  	[sflag:s11] =	ssyncadd.s32 $0xFFFFE000  }
0x3c4: {  	[spmem:s3] =	stream.indirect.scatter.add.f32 [tilespmem:s12], [sflag:$0x2], $0x80, s0, s21, $0xb8;
	[tilespmem:$0x1B000] =	vst v63  }
0x3c5: {  	s16 =	rddreg [dreg:$0x10]  }
0x3c6: {  	[tilespmem:s18], [sflag:$0x1] =	stream.indirect.gather [hbm4b:s1+s21], $0x80, s16, s21, $0xb8;
	[tilespmem:$0x1B000] =	vst v63  }
0x3c7: {  	_ =	swait.ge [sflag:s13], $0x2000  }
0x3c8: {  	[sflag:s13] =	ssyncset.done $0x0  }
0x3c9: {  	[sflag:s13] =	ssyncadd.s32 $0xFFFFE000  }
0x3ca: {  	_ =	swait.ge [sflag:s11], $0x2000  }
0x3cb: {  	[sflag:s11] =	ssyncset.done $0x0  }
0x3cc: {  	[sflag:s11] =	ssyncadd.s32 $0xFFFFE000  }
0x3cd: {  	[spmem:s3] =	stream.indirect.scatter.add.f32 [tilespmem:s14], [sflag:$0x2], $0x80, s5, s21, $0xb8;
	[tilespmem:$0x1B000] =	vst v63  }
0x3ce: {  	s17 =	rddreg [dreg:$0x11]  }
0x3cf: {  	[tilespmem:s12], [sflag:$0x1] =	stream.indirect.gather [hbm4b:s1+s21], $0x80, s17, s21, $0xb8;
	[tilespmem:$0x1B000] =	vst v63  }
0x3d0: {  	_ =	swait.ge [sflag:s13], $0x2000  }
0x3d1: {  	[sflag:s13] =	ssyncset.done $0x0  }
0x3d2: {  	[sflag:s13] =	ssyncadd.s32 $0xFFFFE000  }
0x3d3: {  	_ =	swait.ge [sflag:s11], $0x2000  }
0x3d4: {  	[sflag:s11] =	ssyncset.done $0x0  }
0x3d5: {  	[sflag:s11] =	ssyncadd.s32 $0xFFFFE000  }
0x3d6: {  	[spmem:s3] =	stream.indirect.scatter.add.f32 [tilespmem:s18], [sflag:$0x2], $0x80, s6, s21, $0xb8;
	[tilespmem:$0x1B000] =	vst v63  }
0x3d7: {  	s25 =	rddreg [dreg:$0x12]  }
0x3d8: {  	[tilespmem:s14], [sflag:$0x1] =	stream.indirect.gather [hbm4b:s1+s21], $0x80, s25, s21, $0xb8;
	[tilespmem:$0x1B000] =	vst v63  }
0x3d9: {  	_ =	swait.ge [sflag:s13], $0x2000  }
0x3da: {  	[sflag:s13] =	ssyncset.done $0x0  }
0x3db: {  	[sflag:s13] =	ssyncadd.s32 $0xFFFFE000  }
0x3dc: {  	_ =	swait.ge [sflag:s11], $0x2000  }
0x3dd: {  	[sflag:s11] =	ssyncset.done $0x0  }
0x3de: {  	[sflag:s11] =	ssyncadd.s32 $0xFFFFE000  }
0x3df: {  	[spmem:s3] =	stream.indirect.scatter.add.f32 [tilespmem:s12], [sflag:$0x2], $0x80, s7, s21, $0xb8;
	[tilespmem:$0x1B000] =	vst v63  }
0x3e0: {  	s16 =	rddreg [dreg:$0x13]  }
0x3e1: {  	[tilespmem:s18], [sflag:$0x1] =	stream.indirect.gather [hbm4b:s1+s21], $0x80, s16, s21, $0xb8;
	[tilespmem:$0x1B000] =	vst v63  }
0x3e2: {  	_ =	swait.ge [sflag:s13], $0x2000  }
0x3e3: {  	[sflag:s13] =	ssyncset.done $0x0  }
0x3e4: {  	[sflag:s13] =	ssyncadd.s32 $0xFFFFE000  }
0x3e5: {  	_ =	swait.ge [sflag:s11], $0x2000  }
0x3e6: {  	[sflag:s11] =	ssyncset.done $0x0  }
0x3e7: {  	[sflag:s11] =	ssyncadd.s32 $0xFFFFE000  }
0x3e8: {  	[spmem:s3] =	stream.indirect.scatter.add.f32 [tilespmem:s14], [sflag:$0x2], $0x80, s9, s21, $0xb8;
	[tilespmem:$0x1B000] =	vst v63  }
0x3e9: {  	_ =	swait.ge [sflag:s13], $0x2000  }
0x3ea: {  	[sflag:s13] =	ssyncset.done $0x0  }
0x3eb: {  	[sflag:s13] =	ssyncadd.s32 $0xFFFFE000  }
0x3ec: {  	_ =	swait.ge [sflag:s11], $0x2000  }
0x3ed: {  	[sflag:s11] =	ssyncset.done $0x0  }
0x3ee: {  	[sflag:s11] =	ssyncadd.s32 $0xFFFFE000  }
0x3ef: {  	[spmem:s3] =	stream.indirect.scatter.add.f32 [tilespmem:s18], [sflag:$0x2], $0x80, s10, s21, $0xb8;
	[tilespmem:$0x1B000] =	vst v63  }
0x3f0: {  	_ =	swait.ge [sflag:s11], $0x2000  }
0x3f1: {  	[sflag:s11] =	ssyncset.done $0x0  }
0x3f2: {  	[sflag:s11] =	ssyncadd.s32 $0xFFFFE000  }
0x3f3: {  	[bflag:$0x0] =	sbarrier.arrive $0xFFFF  }
0x3f4: {  	s25 =	sld [smem:$0x7FD];
	_ =	sdelay $0x2  }
0x3f5: {  	[tilespmem:s12], [sflag:$0x3] =	stream.linear.gather [spmem:s25], $0x2000, $0x38;
	[tilespmem:$0x1B000] =	vst v63  }
0x3f6: {  	_ =	swait.ge [sflag:s19], $0x2000  }
0x3f7: {  	[sflag:s19] =	ssyncset.done $0x0  }
0x3f8: {  	s17 =	rddreg [dreg:$0x1e];
	[sflag:s19] =	ssyncadd.s32 $0xFFFFE000  }
0x3f9: {  	[hbm4b:s17+s4] =	stream.linear.scatter [tilespmem:s12], [sflag:$0x3], $0x2000, $0x38;
	[tilespmem:$0x1B000] =	vst v63  }
0x3fa: {  	_ =	swait.ge [sflag:s19], $0x2000  }
0x3fb: {  	s16 =	sld [smem:$0x7EB]  }
0x3fc: {  	[sflag:s19] =	ssyncset.done $0x0  }
0x3fd: {  	[sflag:s19] =	ssyncadd.s32 $0xFFFFE000  }
0x3fe: {  	[tilespmem:s12], [sflag:$0x3] =	stream.linear.gather [spmem:s16], $0x2000, $0x38;
	[tilespmem:$0x1B000] =	vst v63  }
0x3ff: {  	_ =	swait.ge [sflag:s19], $0x2000  }
0x400: {  	[sflag:s19] =	ssyncset.done $0x0  }
0x401: {  	s17 =	rddreg [dreg:$0x1f];
	[sflag:s19] =	ssyncadd.s32 $0xFFFFE000  }
0x402: {  	[hbm4b:s17+s4] =	stream.linear.scatter [tilespmem:s12], [sflag:$0x3], $0x2000, $0x38;
	[tilespmem:$0x1B000] =	vst v63  }
0x403: {  	_ =	swait.ge [sflag:s19], $0x2000  }
0x404: {  	s16 =	sld [smem:$0x7EC]  }
0x405: {  	[sflag:s19] =	ssyncset.done $0x0  }
0x406: {  	[sflag:s19] =	ssyncadd.s32 $0xFFFFE000  }
0x407: {  	[tilespmem:s12], [sflag:$0x3] =	stream.linear.gather [spmem:s16], $0x2000, $0x38;
	[tilespmem:$0x1B000] =	vst v63  }
0x408: {  	_ =	swait.ge [sflag:s19], $0x2000  }
0x409: {  	s17 =	sld [smem:$0x7E2]  }
0x40a: {  	[sflag:s19] =	ssyncset.done $0x0  }
0x40b: {  	[sflag:s19] =	ssyncadd.s32 $0xFFFFE000  }
0x40c: {  	[hbm4b:s17+s4] =	stream.linear.scatter [tilespmem:s12], [sflag:$0x3], $0x2000, $0x38;
	[tilespmem:$0x1B000] =	vst v63  }
0x40d: {  	_ =	swait.ge [sflag:s19], $0x2000  }
0x40e: {  	s16 =	sld [smem:$0x7ED]  }
0x40f: {  	[sflag:s19] =	ssyncset.done $0x0  }
0x410: {  	[sflag:s19] =	ssyncadd.s32 $0xFFFFE000  }
0x411: {  	[tilespmem:s12], [sflag:$0x3] =	stream.linear.gather [spmem:s16], $0x2000, $0x38;
	[tilespmem:$0x1B000] =	vst v63  }
0x412: {  	_ =	swait.ge [sflag:s19], $0x2000  }
0x413: {  	s17 =	sld [smem:$0x7E3]  }
0x414: {  	[sflag:s19] =	ssyncset.done $0x0  }
0x415: {  	[sflag:s19] =	ssyncadd.s32 $0xFFFFE000  }
0x416: {  	[hbm4b:s17+s4] =	stream.linear.scatter [tilespmem:s12], [sflag:$0x3], $0x2000, $0x38;
	[tilespmem:$0x1B000] =	vst v63  }
0x417: {  	_ =	swait.ge [sflag:s19], $0x2000  }
0x418: {  	s16 =	sld [smem:$0x7EE]  }
0x419: {  	[sflag:s19] =	ssyncset.done $0x0  }
0x41a: {  	[sflag:s19] =	ssyncadd.s32 $0xFFFFE000  }
0x41b: {  	[tilespmem:s12], [sflag:$0x3] =	stream.linear.gather [spmem:s16], $0x2000, $0x38;
	[tilespmem:$0x1B000] =	vst v63  }
0x41c: {  	_ =	swait.ge [sflag:s19], $0x2000  }
0x41d: {  	s17 =	sld [smem:$0x7E4]  }
0x41e: {  	[sflag:s19] =	ssyncset.done $0x0  }
0x41f: {  	[sflag:s19] =	ssyncadd.s32 $0xFFFFE000  }
0x420: {  	[hbm4b:s17+s4] =	stream.linear.scatter [tilespmem:s12], [sflag:$0x3], $0x2000, $0x38;
	[tilespmem:$0x1B000] =	vst v63  }
0x421: {  	_ =	swait.ge [sflag:s19], $0x2000  }
0x422: {  	s16 =	sld [smem:$0x7EF]  }
0x423: {  	[sflag:s19] =	ssyncset.done $0x0  }
0x424: {  	[sflag:s19] =	ssyncadd.s32 $0xFFFFE000  }
0x425: {  	[tilespmem:s12], [sflag:$0x3] =	stream.linear.gather [spmem:s16], $0x2000, $0x38;
	[tilespmem:$0x1B000] =	vst v63  }
0x426: {  	_ =	swait.ge [sflag:s19], $0x2000  }
0x427: {  	s17 =	sld [smem:$0x7E5]  }
0x428: {  	[sflag:s19] =	ssyncset.done $0x0  }
0x429: {  	[sflag:s19] =	ssyncadd.s32 $0xFFFFE000  }
0x42a: {  	[hbm4b:s17+s4] =	stream.linear.scatter [tilespmem:s12], [sflag:$0x3], $0x2000, $0x38;
	[tilespmem:$0x1B000] =	vst v63  }
0x42b: {  	_ =	swait.ge [sflag:s19], $0x2000  }
0x42c: {  	s16 =	sld [smem:$0x7F0]  }
0x42d: {  	[sflag:s19] =	ssyncset.done $0x0  }
0x42e: {  	[sflag:s19] =	ssyncadd.s32 $0xFFFFE000  }
0x42f: {  	[tilespmem:s12], [sflag:$0x3] =	stream.linear.gather [spmem:s16], $0x2000, $0x38;
	[tilespmem:$0x1B000] =	vst v63  }
0x430: {  	_ =	swait.ge [sflag:s19], $0x2000  }
0x431: {  	s17 =	sld [smem:$0x7E6]  }
0x432: {  	[sflag:s19] =	ssyncset.done $0x0  }
0x433: {  	[sflag:s19] =	ssyncadd.s32 $0xFFFFE000  }
0x434: {  	[hbm4b:s17+s4] =	stream.linear.scatter [tilespmem:s12], [sflag:$0x3], $0x2000, $0x38;
	[tilespmem:$0x1B000] =	vst v63  }
0x435: {  	_ =	swait.ge [sflag:s19], $0x2000  }
0x436: {  	s16 =	sld [smem:$0x7F1]  }
0x437: {  	[sflag:s19] =	ssyncset.done $0x0  }
0x438: {  	[sflag:s19] =	ssyncadd.s32 $0xFFFFE000  }
0x439: {  	[tilespmem:s12], [sflag:$0x3] =	stream.linear.gather [spmem:s16], $0x2000, $0x38;
	[tilespmem:$0x1B000] =	vst v63  }
0x43a: {  	_ =	swait.ge [sflag:s19], $0x2000  }
0x43b: {  	s17 =	sld [smem:$0x7E7]  }
0x43c: {  	[sflag:s19] =	ssyncset.done $0x0  }
0x43d: {  	[sflag:s19] =	ssyncadd.s32 $0xFFFFE000  }
0x43e: {  	[hbm4b:s17+s4] =	stream.linear.scatter [tilespmem:s12], [sflag:$0x3], $0x2000, $0x38;
	[tilespmem:$0x1B000] =	vst v63  }
0x43f: {  	_ =	swait.ge [sflag:s19], $0x2000  }
0x440: {  	s16 =	sld [smem:$0x7F2]  }
0x441: {  	[sflag:s19] =	ssyncset.done $0x0  }
0x442: {  	[sflag:s19] =	ssyncadd.s32 $0xFFFFE000  }
0x443: {  	[tilespmem:s12], [sflag:$0x3] =	stream.linear.gather [spmem:s16], $0x2000, $0x38;
	[tilespmem:$0x1B000] =	vst v63  }
0x444: {  	_ =	swait.ge [sflag:s19], $0x2000  }
0x445: {  	s17 =	sld [smem:$0x7E8]  }
0x446: {  	[sflag:s19] =	ssyncset.done $0x0  }
0x447: {  	[sflag:s19] =	ssyncadd.s32 $0xFFFFE000  }
0x448: {  	[hbm4b:s17+s4] =	stream.linear.scatter [tilespmem:s12], [sflag:$0x3], $0x2000, $0x38;
	[tilespmem:$0x1B000] =	vst v63  }
0x449: {  	_ =	swait.ge [sflag:s19], $0x2000  }
0x44a: {  	s16 =	sld [smem:$0x7F3]  }
0x44b: {  	[sflag:s19] =	ssyncset.done $0x0  }
0x44c: {  	[sflag:s19] =	ssyncadd.s32 $0xFFFFE000  }
0x44d: {  	[tilespmem:s12], [sflag:$0x3] =	stream.linear.gather [spmem:s16], $0x2000, $0x38;
	[tilespmem:$0x1B000] =	vst v63  }
0x44e: {  	_ =	swait.ge [sflag:s19], $0x2000  }
0x44f: {  	s17 =	sld [smem:$0x7E9]  }
0x450: {  	[sflag:s19] =	ssyncset.done $0x0  }
0x451: {  	[sflag:s19] =	ssyncadd.s32 $0xFFFFE000  }
0x452: {  	[hbm4b:s17+s4] =	stream.linear.scatter [tilespmem:s12], [sflag:$0x3], $0x2000, $0x38;
	[tilespmem:$0x1B000] =	vst v63  }
0x453: {  	_ =	swait.ge [sflag:s19], $0x2000  }
0x454: {  	s15 =	sld [smem:$0x7E1]  }
0x455: {  	s17 =	sld [smem:$0x7EA];
	_ =	sdelay $0x1  }
0x456: {  	s16 =	sadd.s32 $0x1, s15  }
0x457: {  	p0 =	sne.s32 s16, s17  }
.Ltmp5:
0x458: {  	_ = 	snop;
	(pc) =	sbr.rel @p0 .LBB2_1-.Ltmp5, $3  }
0x459: {  	_ =	sdelay $0x1  }
0x45a: {  	[sflag:s19] =	ssyncset.done $0x0  }
0x45b: {  	[sflag:s19] =	ssyncadd.s32 $0xFFFFE000  }
0x45c: {  	_ =	sfence.sel $0x180000  }
0x45d: {  	[bflag:$0x0] =	sbarrier.arrive $0xFFFF  }
0x45e: {  	_ =	strace $0x90000047  }
0x45f: {  	s0 =	stileid.u32;
	[bflag:$0x2] =	sbarrier.arrive $0xFFFF  }
0x460: {  	p0 =	sne.s32 s0, $0x0;
	s0 =	rddreg [dreg:$0x3]  }
0x461: {  	s0 =	sadd.s32 @!p0 $0x100000, s0  }
0x462: {  	[sflag:s0] =	ssyncadd.tile.s32 @!p0 $0x1;
	_ =	shalt  }
.Lfunc_end2:
_tile_overlayer_lowered:
.L_overlay_start_2:
0x463: {  	(tag) =	ssettag $0x2  }
0x464: {  	s0 =	rddreg [dreg:$0x0];
	s2 =	stileid.u32  }
0x465: {  	s1 =	rddreg [dreg:$0x1];
	p0 =	sne.s32 s2, $0x0  }
0x466: {  	s3 =	rddreg [dreg:$0x2];
	[bflag:$0x3] =	sbarrier.arrive $0xFFFF;
	s2 =	simm.s32 @!p0 $0x1C03  }
0x467: {  	[timem:s3], [sflag:s2] =	dma.local @!p0 [hbm:s0], s1  }
0x468: {  	s0 =	simm.s32 @!p0 $0x3  }
0x469: {  	_ =	swait.ge @!p0 [sflag:s0], s1  }
0x46a: {  	s1 =	ssub.s32 @!p0 $0x0, s1;
	[sflag:s0] =	ssyncset.done @!p0 $0x0  }
0x46b: {  	[sflag:s0] =	ssyncadd.s32 @!p0 s1  }
0x46c: {  	[bflag:$0x3] =	sbarrier.arrive $0xFFFF  }
0x46d: {  	_ =	shalt  }

// kernel: kernel.9.cloned.1.call-start
scs
__scs_entry_jumppad:
0x0: {  	(pc) =	sbr.rel $0x88, $3  }
0x1: {  	(tag) =	ssettag $0x0;
	lr =	simm.s32 $0x1  }
0x2: {  	[smem:$0x3F99] =	sst lr;
	_ =	strace $0xD0000000  }
0x3: {  	_ = 	snop  }
0x4: {  	_ = 	snop  }
0x5: {  	_ = 	snop  }
0x6: {  	_ = 	snop  }
0x7: {  	_ = 	snop  }
__scs_overlays_trampoline_lowered:
0x8: {  	[smem:$0x3FA8] =	sst s0  }
0x9: {  	[smem:$0x3FA9] =	sst s1  }
0xa: {  	[smem:$0x3FAA] =	sst s2  }
0xb: {  	[smem:$0x3FAB] =	sst s3  }
0xc: {  	[smem:$0x3FAC] =	sst s4  }
0xd: {  	[smem:$0x3FAD] =	sst s5  }
0xe: {  	[smem:$0x3FAE] =	sst s6  }
0xf: {  	[smem:$0x3FAF] =	sst s7  }
0x10: {  	[smem:$0x3FB0] =	sst s8  }
0x11: {  	[smem:$0x3FB1] =	sst s9;
	s0 =	simm.s32 @!p0 $0x0  }
0x12: {  	s1 =	sld [smem:$0x3F97];
	s0 =	simm.s32 @p0 $0x1  }
0x13: {  	[smem:$0x3FB2] =	sst s0;
	s0 =	simm.s32 @!p1 $0x0  }
0x14: {  	s2 =	sld [smem:$0x3F96];
	s0 =	simm.s32 @p1 $0x1  }
0x15: {  	[smem:$0x3FB3] =	sst s0;
	s0 =	simm.s32 @!p2 $0x0  }
0x16: {  	s3 =	sld [smem:$0x3FDB];
	s0 =	simm.s32 @p2 $0x1  }
0x17: {  	s4 =	simm.s32 $0x1BF5;
	[smem:$0x3FB5] =	sst s0  }
0x18: {  	s0 =	sld [smem:$0x3F98];
	_ =	swait.ge [sflag:s4], $0x0  }
0x19: {  	s7 =	sld [smem:$0x3F99]  }
0x1a: {  	s8 =	sadd.s32 $0xFFFFE003, lr  }
0x1b: {  	s9 =	sadd.s32 $0xFFFFFEF7, lr;
	s5 =	simm.s32 $0xFFFFFFFF;
	p2 =	slt.u32 s8, $0xFFFFF086  }
0x1c: {  	p1 =	slt.u32 s9, $0xF7A;
	s5 =	simm.s32 @!p2 $0x0  }
0x1d: {  	s5 =	simm.s32 @p1 $0x1;
	p0 =	seq.s32 s7, s2  }
0x1e: {  	s7 =	smul.u32 @!p0 $0xF7A, s2;
	p2 =	seq.s32 @!p0 s5, $0x0  }
0x1f: {  	s9 =	smul.u32 $0xF7A, s1;
	s8 =	simm.s32 @!p0 $0x1BF5;
	p2 =	por !p2, p0  }
0x20: {  	[sflag:s8] =	ssyncset.s32 @!p0 $0xFFFFF086;
	s6 =	sadd.s32 @!p0 s3, s7;
	s7 =	simm.s32 @!p0 $0x108  }
0x21: {  	s3 =	sadd.s32 s3, s9;
	s6 =	sadd.s32 @!p0 $0x88, s6;
	s7 =	simm.s32 @p2 $0x1082  }
0x22: {  	[simem:s7], [sflag:s8] =	dma.local @!p0 [hbm:s6], $0xF7A  }
0x23: {  	s9 =	sor.u32 $0xD0000000, s2;
	s6 =	simm.s32 $0x108;
	_ =	swait.ge @!p0 [sflag:s8], $0x0  }
0x24: {  	s3 =	sadd.s32 $0x88, s3;
	s6 =	simm.s32 @!p1 $0x1082;
	[sflag:s4] =	ssyncset.s32 $0xFFFFF086  }
0x25: {  	[simem:s6], [sflag:s4] =	dma.local [hbm:s3], $0xF7A  }
0x26: {  	[smem:$0x3F99] =	sst s1;
	(tag) =	ssettag s2;
	_ =	strace s9  }
0x27: {  	s1 =	sld [smem:$0x3FA9]  }
0x28: {  	s2 =	sld [smem:$0x3FAA]  }
0x29: {  	s4 =	sld [smem:$0x3FAC]  }
0x2a: {  	p0 =	seq.s32 s5, $0x0;
	s5 =	sld [smem:$0x3FAD]  }
0x2b: {  	s6 =	sld [smem:$0x3FAE]  }
0x2c: {  	s7 =	sld [smem:$0x3FAF]  }
0x2d: {  	s3 =	simm.s32 $0x108;
	s8 =	sld [smem:$0x3FB0]  }
0x2e: {  	s3 =	simm.s32 @!p0 $0x1082;
	s9 =	sld [smem:$0x3FB1]  }
0x2f: {  	lr =	sadd.s32 s0, s3;
	s0 =	sld [smem:$0x3FA8]  }
0x30: {  	s3 =	sld [smem:$0x3FAB]  }
0x31: {  	[smem:$0x3FB4] =	sst s10  }
0x32: {  	s10 =	sld [smem:$0x3FB2];
	_ =	sdelay $0x3  }
0x33: {  	p0 =	seq.s32 s10, $0x1;
	s10 =	sld [smem:$0x3FB4];
	_ =	sdelay $0x3  }
0x34: {  	[smem:$0x3FB4] =	sst s10  }
0x35: {  	s10 =	sld [smem:$0x3FB3];
	_ =	sdelay $0x3  }
0x36: {  	p1 =	seq.s32 s10, $0x1;
	s10 =	sld [smem:$0x3FB4];
	_ =	sdelay $0x3  }
0x37: {  	[smem:$0x3FB4] =	sst s10  }
0x38: {  	s10 =	sld [smem:$0x3FB5]  }
0x39: {  	_ = 	snop;
	(pc) =	sbr.ind lr, $3  }
0x3a: {  	_ = 	snop  }
0x3b: {  	_ = 	snop  }
0x3c: {  	p2 =	seq.s32 s10, $0x1;
	s10 =	sld [smem:$0x3FB4]  }
0x3d: {  	_ =	shalt  }
0x3e: {  	_ =	shalt  }
0x3f: {  	_ =	shalt  }
0x40: {  	_ =	shalt  }
0x41: {  	_ =	shalt  }
0x42: {  	_ =	shalt  }
0x43: {  	_ =	shalt  }
0x44: {  	_ =	shalt  }
0x45: {  	_ =	shalt  }
0x46: {  	_ =	shalt  }
0x47: {  	_ =	shalt  }
0x48: {  	_ =	shalt  }
0x49: {  	_ =	shalt  }
0x4a: {  	_ =	shalt  }
0x4b: {  	_ =	shalt  }
0x4c: {  	_ =	shalt  }
0x4d: {  	_ =	shalt  }
0x4e: {  	_ =	shalt  }
0x4f: {  	_ =	shalt  }
0x50: {  	_ =	shalt  }
0x51: {  	_ =	shalt  }
0x52: {  	_ =	shalt  }
0x53: {  	_ =	shalt  }
0x54: {  	_ =	shalt  }
0x55: {  	_ =	shalt  }
0x56: {  	_ =	shalt  }
0x57: {  	_ =	shalt  }
0x58: {  	_ =	shalt  }
0x59: {  	_ =	shalt  }
0x5a: {  	_ =	shalt  }
0x5b: {  	_ =	shalt  }
0x5c: {  	_ =	shalt  }
0x5d: {  	_ =	shalt  }
0x5e: {  	_ =	shalt  }
0x5f: {  	_ =	shalt  }
0x60: {  	_ =	shalt  }
0x61: {  	_ =	shalt  }
0x62: {  	_ =	shalt  }
0x63: {  	_ =	shalt  }
0x64: {  	_ =	shalt  }
0x65: {  	_ =	shalt  }
0x66: {  	_ =	shalt  }
0x67: {  	_ =	shalt  }
0x68: {  	_ =	shalt  }
0x69: {  	_ =	shalt  }
0x6a: {  	_ =	shalt  }
0x6b: {  	_ =	shalt  }
0x6c: {  	_ =	shalt  }
0x6d: {  	_ =	shalt  }
0x6e: {  	_ =	shalt  }
0x6f: {  	_ =	shalt  }
0x70: {  	_ =	shalt  }
0x71: {  	_ =	shalt  }
0x72: {  	_ =	shalt  }
0x73: {  	_ =	shalt  }
0x74: {  	_ =	shalt  }
0x75: {  	_ =	shalt  }
0x76: {  	_ =	shalt  }
0x77: {  	_ =	shalt  }
0x78: {  	_ =	shalt  }
0x79: {  	_ =	shalt  }
0x7a: {  	_ =	shalt  }
0x7b: {  	_ =	shalt  }
0x7c: {  	_ =	shalt  }
0x7d: {  	_ =	shalt  }
0x7e: {  	_ =	shalt  }
0x7f: {  	_ =	shalt  }
0x80: {  	_ =	shalt  }
0x81: {  	_ =	shalt  }
0x82: {  	_ =	shalt  }
0x83: {  	_ =	shalt  }
0x84: {  	_ =	shalt  }
0x85: {  	_ =	shalt  }
0x86: {  	_ =	shalt  }
0x87: {  	_ =	shalt  }
.Lfunc_end0:
.L_simem_size_0:
called_computation.1_lowered:
.L_overlay_start_0:
0x88: {  	s2 =	sld [smem:$0x3FD9]  }
0x89: {  	s3 =	sld [smem:$0x3FFE];
	_ =	sdelay $0x1  }
0x8a: {  	s1 =	srdreg.scid  }
0x8b: {  	s0 =	sand.u32 $0x1, s1  }
0x8c: {  	s17 =	sshll.u32 s0, $0xA;
	s2 =	sadd.s32 s3, s2  }
0x8d: {  	s2 =	sadd.s32 s2, s17  }
0x8e: {  	[smem:$0x3FC0] =	sst s2  }
0x8f: {  	_ = 	snop  }
0x90: {  	s2 =	sld [smem:$0x3FD0];
	(tm) =	ssettm $0x1  }
0x91: {  	s18 =	sld [smem:$0x3FFB];
	_ =	sdelay $0x3  }
0x92: {  	_ =	strace s18  }
0x93: {  	s3 =	sld [smem:$0x3FFC];
	_ =	sdelay $0x3  }
0x94: {  	_ =	strace s3  }
0x95: {  	s3 =	sld [smem:$0x3FFD];
	_ =	sdelay $0x3  }
0x96: {  	_ =	strace s3  }
0x97: {  	_ =	strace $0x8FFFFFFF  }
0x98: {  	s19 =	sld [smem:$0x3FDB];
	_ =	sdelay $0x1  }
0x99: {  	s4 =	simm.s32 $_scs_section_size  }
0x9a: {  	s5 =	simm.s32 $_size__tile_overlayer_lowered;
	s6 =	simm.s32 $_tile_overlayer_lowered  }
0x9b: {  	s22 =	simm.s32 $0x1BFF;
	s21 =	sshll.u32 s6, $0x1;
	s3 =	sadd.s32 s4, s19  }
0x9c: {  	s7 =	simm.s32 $0x0;
	s20 =	sshll.u32 s5, $0x1;
	s5 =	sadd.s32 s21, s3  }
0x9d: {  	[timem:s7], [sflag:s22] =	dma.local [hbm:s5], s20  }
0x9e: {  	_ =	swait.ge [sflag:s22], s20  }
0x9f: {  	s4 =	ssub.s32 $0x0, s20;
	[sflag:s22] =	ssyncset.done $0x0  }
0xa0: {  	[sflag:s22] =	ssyncadd.s32 s4;
	_ =	sdelay $0x1  }
0xa1: {  	s23 =	simm.s32 $0x1B8B  }
0xa2: {  	_ =	swait.ge [sflag:s23], $0x1  }
0xa3: {  	[sflag:s23] =	ssyncset.done $0x0  }
0xa4: {  	s25 =	simm.s32 $0x1B8E;
	s24 =	sld [smem:$0x3FFE];
	[sflag:s23] =	ssyncadd.s32 $0xFFFFFFFF  }
0xa5: {  	s26 =	simm.s32 $execute0_lowered;
	[smem:$0x3FD2] =	sst s25  }
0xa6: {  	s5 =	sshll.u32 s26, $0x1;
	_ =	strace $0x80000049;
	[dreg:$0x1] =	wrdreg $0xFFFFFFFF  }
0xa7: {  	s28 =	simm.s32 $_size_execute0_lowered;
	s3 =	sadd.s32 s3, s5;
	[dreg:$0x0] =	wrdreg $0x0  }
0xa8: {  	s5 =	sshll.u32 s28, $0x1;
	[dreg:$0x2] =	wrdreg s3  }
0xa9: {  	[dreg:$0x3] =	wrdreg s5  }
0xaa: {  	[dreg:$0x4] =	wrdreg $0xC0  }
0xab: {  	_ =	task [dreg:s7], $0x5FFFF  }
0xac: {  	[dreg:$0x1] =	wrdreg $0xFFFFFFFF  }
0xad: {  	[dreg:$0x0] =	wrdreg $0x60  }
0xae: {  	[dreg:$0x2] =	wrdreg s2  }
0xaf: {  	[dreg:$0x3] =	wrdreg s24  }
0xb0: {  	[dreg:$0x4] =	wrdreg $0x70000  }
0xb1: {  	[dreg:$0x5] =	wrdreg $0x9  }
0xb2: {  	_ =	task.clear_ibuf [dreg:s7], $0x6FFFF;
	_ =	strace $0x90000049  }
0xb3: {  	s29 =	simm.s32 $0x9;
	_ =	strace $0x8000004B  }
0xb4: {  	_ =	swait.ge [sflag:s29], $0x1  }
0xb5: {  	[sflag:s29] =	ssyncadd.s32 $0xFFFFFFFF  }
0xb6: {  	_ =	strace $0x9000004B  }
0xb7: {  	_ =	sfence  }
0xb8: {  	s30 =	sld [smem:$0x0];
	_ =	sdelay $0x2  }
0xb9: {  	s31 =	sshll.u32 s1, $0xD;
	s1 =	sshrl.u32 s1, $0x2  }
0xba: {  	s3 =	sand.u32 $0x4000, s31;
	s1 =	sadd.s32 s1, s30  }
0xbb: {  	s0 =	sor.u32 s3, s0;
	s1 =	sshll.u32 s1, $0x11  }
0xbc: {  	s0 =	sor.u32 s1, s0  }
0xbd: {  	s0 =	sadd.s32 $0x8F2B, s0  }
0xbe: {  	[sflag:s0] =	ssyncadd.remote.s32 $0x1  }
0xbf: {  	_ =	sfence.sel $0xFFFF  }
0xc0: {  	[dreg:$0x0] =	wrdreg $0xFFFFFFFF;
	(pc) =	sbr.abs _section_cstart, $3  }
0xc1: {  	[dreg:$0x1] =	wrdreg $0xFFFFFFFF  }
0xc2: {  	_ =	task.clear_ibuf [dreg:s7], $0x2FFFF;
	_ =	strace $0x9FFFFFFF  }
0xc3: {  	(tm) =	ssettm $0x7FFFFFFF  }
tec
execute0_lowered:
.L_overlay_start_1:
0x0: {  	(tag) =	ssettag $0x1  }
0x1: {  	s1 =	rddreg [dreg:$0x0]  }
0x2: {  	s0 =	srdreg.scid;
	s2 =	rddreg [dreg:$0x1]  }
0x3: {  	s16 =	stileid.u32;
	s3 =	rddreg [dreg:$0x2];
	s4 =	simm.s32 $0x0  }
0x4: {  	s20 =	simm.s32 $0x80;
	s22 =	simm.s32 $0x100;
	[smem:$0x7FF] =	sst s4  }
0x5: {  	s23 =	simm.s32 $0x880;
	_ =	strace $0x8000004A;
	[dreg:$0x6] =	wrdreg s20  }
0x6: {  	s24 =	simm.s32 $0x180;
	s25 =	simm.s32 $0x900;
	[dreg:$0x7] =	wrdreg s22  }
0x7: {  	s26 =	simm.s32 $0x200;
	s6 =	smul.u32 $0x5000, s16;
	[dreg:$0x8] =	wrdreg s23  }
0x8: {  	s0 =	sand.u32 $0x1, s0;
	s8 =	smul.u32 $0x14000, s16;
	[dreg:$0x9] =	wrdreg s24  }
0x9: {  	s5 =	smul.u32 $0x50000, s0;
	s12 =	ssub.s32 $0x2, s0;
	[dreg:$0xa] =	wrdreg s25  }
0xa: {  	[dreg:$0xb] =	wrdreg s26;
	s20 =	simm.s32 $0x300;
	s22 =	simm.s32 $0x380  }
0xb: {  	s24 =	simm.s32 $0xB00;
	s26 =	simm.s32 $0x400;
	[dreg:$0xf] =	wrdreg s20  }
0xc: {  	s7 =	sshrl.u32 s12, $0x1;
	s23 =	sadd.s32 $0x10000, s8;
	[dreg:$0x11] =	wrdreg s22  }
0xd: {  	[dreg:$0x12] =	wrdreg s24;
	s6 =	sadd.s32 s6, s5;
	s5 =	smul.u32 $0x140000, s0  }
0xe: {  	[dreg:$0x13] =	wrdreg s26;
	s0 =	sor.u32 $0x2000, s8;
	s6 =	sshrl.u32 s6, $0x3  }
0xf: {  	s11 =	sadd.s32 s6, s2;
	s2 =	sadd.s32 $0x2A200, s2;
	s9 =	sadd.s32 s5, s8  }
0x10: {  	s6 =	ssub.s32 s12, s7;
	s14 =	sadd.s32 s5, s0;
	s0 =	sadd.s32 s0, s3  }
0x11: {  	s25 =	sadd.s32 s5, s23;
	s19 =	sadd.s32 $0x16200, s11;
	[smem:$0x7EC] =	sst s0  }
0x12: {  	s13 =	sshrl.u32 s9, $0x3;
	s11 =	sadd.s32 $0x2200, s11;
	[dreg:$0x4] =	wrdreg s19  }
0x13: {  	s9 =	sshrl.u32 s14, $0x3;
	s6 =	smax.u32 s6, $0x1;
	[dreg:$0x5] =	wrdreg s11  }
0x14: {  	s7 =	sadd.s32 s2, s13;
	s9 =	sadd.s32 s2, s9;
	[dreg:$0x1f] =	wrdreg s6  }
0x15: {  	s19 =	simm.s32 $0xA00;
	s11 =	sshrl.u32 s25, $0x3;
	[dreg:$0x14] =	wrdreg s7  }
0x16: {  	s7 =	sadd.s32 $0x4000, s8;
	[dreg:$0x15] =	wrdreg s9;
	s9 =	sadd.s32 $0x6000, s8  }
0x17: {  	[dreg:$0xe] =	wrdreg s19;
	s11 =	sadd.s32 s2, s11;
	s10 =	sadd.s32 s5, s7  }
0x18: {  	s13 =	sadd.s32 s5, s9;
	[dreg:$0x1c] =	wrdreg s11;
	s7 =	sadd.s32 s7, s3  }
0x19: {  	s9 =	sadd.s32 s9, s3;
	s12 =	sshrl.u32 s10, $0x3;
	[smem:$0x7ED] =	sst s7  }
0x1a: {  	s10 =	sadd.s32 $0x8000, s8;
	[smem:$0x7EE] =	sst s9;
	s12 =	sadd.s32 s2, s12  }
0x1b: {  	s15 =	sshrl.u32 s13, $0x3;
	s11 =	sadd.s32 s10, s3;
	[dreg:$0x16] =	wrdreg s12  }
0x1c: {  	s28 =	simm.s32 $0x700;
	s12 =	sadd.s32 s2, s15;
	[smem:$0x7EF] =	sst s11  }
0x1d: {  	s17 =	sadd.s32 s5, s10;
	s15 =	simm.s32 $0x980;
	[dreg:$0x17] =	wrdreg s12  }
0x1e: {  	s18 =	sshrl.u32 s17, $0x3;
	s17 =	simm.s32 $0x280;
	[dreg:$0xc] =	wrdreg s15  }
0x1f: {  	s12 =	sadd.s32 s2, s18;
	s18 =	sadd.s32 $0xE000, s8;
	[dreg:$0xd] =	wrdreg s17  }
0x20: {  	[dreg:$0x18] =	wrdreg s12;
	s12 =	sadd.s32 $0xA000, s8;
	s15 =	sadd.s32 s5, s18  }
0x21: {  	s21 =	sadd.s32 s5, s12;
	s15 =	sshrl.u32 s15, $0x3;
	s12 =	sadd.s32 s12, s3  }
0x22: {  	s29 =	simm.s32 $0xE80;
	s15 =	sadd.s32 s2, s15;
	[smem:$0x7F0] =	sst s12  }
0x23: {  	s13 =	sshrl.u32 s21, $0x3;
	s21 =	simm.s32 $0xA80;
	[dreg:$0x1b] =	wrdreg s15  }
0x24: {  	s16 =	smul.u32 $0x50000, s16;
	s13 =	sadd.s32 s2, s13;
	[dreg:$0x10] =	wrdreg s21  }
0x25: {  	[dreg:$0x19] =	wrdreg s13;
	s13 =	sadd.s32 $0xC000, s8;
	s8 =	sadd.s32 $0x12000, s8  }
0x26: {  	s14 =	sadd.s32 s5, s13;
	s5 =	sadd.s32 s5, s8;
	s13 =	sadd.s32 s13, s3  }
0x27: {  	s17 =	sadd.s32 s8, s3;
	s14 =	sshrl.u32 s14, $0x3;
	[smem:$0x7F1] =	sst s13  }
0x28: {  	s5 =	sshrl.u32 s5, $0x3;
	[smem:$0x7F4] =	sst s17;
	s14 =	sadd.s32 s2, s14  }
0x29: {  	s30 =	simm.s32 $0x780;
	s2 =	sadd.s32 s2, s5;
	[dreg:$0x1a] =	wrdreg s14  }
0x2a: {  	s5 =	sshrl.u32 s16, $0x2;
	s16 =	sadd.s32 s23, s3;
	[dreg:$0x1d] =	wrdreg s2  }
0x2b: {  	s31 =	simm.s32 $0xF00;
	s14 =	sadd.s32 s18, s3;
	[smem:$0x7F3] =	sst s16  }
0x2c: {  	s7 =	simm.s32 $0x1000;
	s2 =	sadd.s32 s5, s3;
	[smem:$0x7F2] =	sst s14  }
0x2d: {  	s9 =	simm.s32 $0x800;
	s18 =	sadd.s32 $0x2000, s2;
	[dreg:$0x1e] =	wrdreg s2  }
0x2e: {  	s10 =	simm.s32 $0x40;
	s19 =	sadd.s32 $0x4000, s2;
	[smem:$0x7F5] =	sst s18  }
0x2f: {  	s11 =	simm.s32 $0x3000;
	s20 =	sadd.s32 $0x6000, s2;
	[smem:$0x7F6] =	sst s19  }
0x30: {  	s12 =	simm.s32 $0x1;
	s21 =	sadd.s32 $0x8000, s2;
	[smem:$0x7F7] =	sst s20  }
0x31: {  	s8 =	simm.s32 $0x3;
	s22 =	sadd.s32 $0xA000, s2;
	[smem:$0x7F8] =	sst s21  }
0x32: {  	s13 =	simm.s32 $0x5000;
	s23 =	sadd.s32 $0xC000, s2;
	[smem:$0x7F9] =	sst s22  }
0x33: {  	s17 =	simm.s32 $0x480;
	s24 =	sadd.s32 $0xE000, s2;
	[smem:$0x7FA] =	sst s23  }
0x34: {  	s16 =	simm.s32 $0xB80;
	s25 =	sadd.s32 $0x10000, s2;
	[smem:$0x7FB] =	sst s24  }
0x35: {  	s5 =	simm.s32 $0x0;
	s26 =	sadd.s32 $0x12000, s2;
	[smem:$0x7FC] =	sst s25  }
0x36: {  	s14 =	simm.s32 $0x2;
	s2 =	simm.s32 $0xF80;
	[smem:$0x7FD] =	sst s26  }
0x37: {  	s18 =	simm.s32 $0xC00;
	s19 =	simm.s32 $0x500;
	s20 =	simm.s32 $0xC80  }
0x38: {  	s21 =	simm.s32 $0x580;
	s22 =	simm.s32 $0xD00;
	s23 =	simm.s32 $0x600  }
0x39: {  	v0 =	vimm.f32 $0.0e+00;
	s24 =	simm.s32 $0xD80;
	s25 =	simm.s32 $0x680;
	s26 =	simm.s32 $0xE00  }
.LBB2_1:
0x3a: {  	[smem:$0x7EB] =	sst s5;
	s5 =	simm.s32 $0x0;
	s6 =	simm.s32 $0x200  }
.LBB2_2:
0x3b: {  	p0 =	sne.s32 s6, $0x7E00;
	[tilespmem:s5+$0x1070] =	vst v0  }
0x3c: {  	[tilespmem:s5+$0x1000] =	vst v0  }
0x3d: {  	[tilespmem:s5+$0x1010] =	vst v0  }
.Ltmp0:
0x3e: {  	[tilespmem:s5+$0x1020] =	vst v0;
	(pc) =	sbr.rel @p0 .LBB2_2-.Ltmp0, $4  }
0x3f: {  	[tilespmem:s5+$0x1030] =	vst v0  }
0x40: {  	[tilespmem:s5+$0x1040] =	vst v0  }
0x41: {  	[tilespmem:s5+$0x1050] =	vst v0  }
0x42: {  	[tilespmem:s5+$0x1060] =	vst v0;
	s5 =	sshra.s32 s6, $0x2;
	s6 =	sadd.s32 $0x200, s6  }
0x43: {  	[tilespmem:s5+$0x1070] =	vst v0  }
0x44: {  	[tilespmem:s5+$0x1000] =	vst v0  }
0x45: {  	[tilespmem:s5+$0x1010] =	vst v0  }
0x46: {  	[tilespmem:s5+$0x1020] =	vst v0  }
0x47: {  	[tilespmem:s5+$0x1030] =	vst v0  }
0x48: {  	[tilespmem:s5+$0x1040] =	vst v0  }
0x49: {  	[tilespmem:s5+$0x1050] =	vst v0  }
0x4a: {  	[tilespmem:s5+$0x1060] =	vst v0;
	s0 =	rddreg [dreg:$0x1e]  }
0x4b: {  	[spmem:s0] =	stream.linear.scatter [tilespmem:s7], [sflag:$0x3], $0x2000, $0x38;
	[tilespmem:$0x1B000] =	vst v63  }
0x4c: {  	_ =	swait.ge [sflag:s8], $0x2000  }
0x4d: {  	s15 =	sld [smem:$0x7F5]  }
0x4e: {  	[sflag:s8] =	ssyncset.done $0x0  }
0x4f: {  	[sflag:s8] =	ssyncadd.s32 $0xFFFFE000  }
0x50: {  	[spmem:s15] =	stream.linear.scatter [tilespmem:s7], [sflag:$0x3], $0x2000, $0x38;
	[tilespmem:$0x1B000] =	vst v63  }
0x51: {  	_ =	swait.ge [sflag:s8], $0x2000  }
0x52: {  	s5 =	sld [smem:$0x7F6]  }
0x53: {  	[sflag:s8] =	ssyncset.done $0x0  }
0x54: {  	[sflag:s8] =	ssyncadd.s32 $0xFFFFE000  }
0x55: {  	[spmem:s5] =	stream.linear.scatter [tilespmem:s7], [sflag:$0x3], $0x2000, $0x38;
	[tilespmem:$0x1B000] =	vst v63  }
0x56: {  	_ =	swait.ge [sflag:s8], $0x2000  }
0x57: {  	s6 =	sld [smem:$0x7F7]  }
0x58: {  	[sflag:s8] =	ssyncset.done $0x0  }
0x59: {  	[sflag:s8] =	ssyncadd.s32 $0xFFFFE000  }
0x5a: {  	[spmem:s6] =	stream.linear.scatter [tilespmem:s7], [sflag:$0x3], $0x2000, $0x38;
	[tilespmem:$0x1B000] =	vst v63  }
0x5b: {  	_ =	swait.ge [sflag:s8], $0x2000  }
0x5c: {  	s15 =	sld [smem:$0x7F8]  }
0x5d: {  	[sflag:s8] =	ssyncset.done $0x0  }
0x5e: {  	[sflag:s8] =	ssyncadd.s32 $0xFFFFE000  }
0x5f: {  	[spmem:s15] =	stream.linear.scatter [tilespmem:s7], [sflag:$0x3], $0x2000, $0x38;
	[tilespmem:$0x1B000] =	vst v63  }
0x60: {  	_ =	swait.ge [sflag:s8], $0x2000  }
0x61: {  	s5 =	sld [smem:$0x7F9]  }
0x62: {  	[sflag:s8] =	ssyncset.done $0x0  }
0x63: {  	[sflag:s8] =	ssyncadd.s32 $0xFFFFE000  }
0x64: {  	[spmem:s5] =	stream.linear.scatter [tilespmem:s7], [sflag:$0x3], $0x2000, $0x38;
	[tilespmem:$0x1B000] =	vst v63  }
0x65: {  	_ =	swait.ge [sflag:s8], $0x2000  }
0x66: {  	s6 =	sld [smem:$0x7FA]  }
0x67: {  	[sflag:s8] =	ssyncset.done $0x0  }
0x68: {  	[sflag:s8] =	ssyncadd.s32 $0xFFFFE000  }
0x69: {  	[spmem:s6] =	stream.linear.scatter [tilespmem:s7], [sflag:$0x3], $0x2000, $0x38;
	[tilespmem:$0x1B000] =	vst v63  }
0x6a: {  	_ =	swait.ge [sflag:s8], $0x2000  }
0x6b: {  	s15 =	sld [smem:$0x7FB]  }
0x6c: {  	[sflag:s8] =	ssyncset.done $0x0  }
0x6d: {  	[sflag:s8] =	ssyncadd.s32 $0xFFFFE000  }
0x6e: {  	[spmem:s15] =	stream.linear.scatter [tilespmem:s7], [sflag:$0x3], $0x2000, $0x38;
	[tilespmem:$0x1B000] =	vst v63  }
0x6f: {  	_ =	swait.ge [sflag:s8], $0x2000  }
0x70: {  	s5 =	sld [smem:$0x7FC]  }
0x71: {  	[sflag:s8] =	ssyncset.done $0x0  }
0x72: {  	[sflag:s8] =	ssyncadd.s32 $0xFFFFE000  }
0x73: {  	[spmem:s5] =	stream.linear.scatter [tilespmem:s7], [sflag:$0x3], $0x2000, $0x38;
	[tilespmem:$0x1B000] =	vst v63  }
0x74: {  	_ =	swait.ge [sflag:s8], $0x2000  }
0x75: {  	s6 =	sld [smem:$0x7FD]  }
0x76: {  	[sflag:s8] =	ssyncset.done $0x0  }
0x77: {  	[sflag:s8] =	ssyncadd.s32 $0xFFFFE000  }
0x78: {  	[spmem:s6] =	stream.linear.scatter [tilespmem:s7], [sflag:$0x3], $0x2000, $0x38;
	[tilespmem:$0x1B000] =	vst v63  }
0x79: {  	_ =	swait.ge [sflag:s8], $0x2000  }
0x7a: {  	[sflag:s8] =	ssyncset.done $0x0  }
0x7b: {  	[sflag:s8] =	ssyncadd.s32 $0xFFFFE000  }
0x7c: {  	[bflag:$0x0] =	sbarrier.arrive $0xFFFF  }
0x7d: {  	s15 =	rddreg [dreg:$0x5]  }
0x7e: {  	s5 =	sadd.s32 $0x0, s15  }
0x7f: {  	[tilespmem:s4], [sflag:$0x3] =	stream.linear.gather [hbm4b:s5+s4], $0x800, $0x38;
	[tilespmem:$0x1B000] =	vst v63  }
0x80: {  	_ =	swait.ge [sflag:s8], $0x800  }
0x81: {  	s0 =	rddreg [dreg:$0x4];
	[sflag:s8] =	ssyncset.done $0x0  }
0x82: {  	[sflag:s8] =	ssyncadd.s32 $0xFFFFF800;
	s5 =	sadd.s32 $0x0, s0  }
0x83: {  	[tilespmem:s9], [sflag:$0x3] =	stream.linear.gather [hbm4b:s5+s4], $0x800, $0x38;
	[tilespmem:$0x1B000] =	vst v63  }
0x84: {  	_ =	swait.ge [sflag:s8], $0x800  }
0x85: {  	[sflag:s8] =	ssyncset.done $0x0  }
0x86: {  	[sflag:s8] =	ssyncadd.s32 $0xFFFFF800  }
0x87: {  	[tilespmem:s7], [sflag:$0x1] =	stream.indirect.gather [hbm4b:s1+s10], $0x80, s4, s10, $0xb8;
	[tilespmem:$0x1B000] =	vst v63  }
0x88: {  	s6 =	rddreg [dreg:$0x6]  }
0x89: {  	[tilespmem:s11], [sflag:$0x1] =	stream.indirect.gather [hbm4b:s1+s10], $0x80, s6, s10, $0xb8;
	[tilespmem:$0x1B000] =	vst v63  }
0x8a: {  	_ =	swait.ge [sflag:s12], $0x2000  }
0x8b: {  	[sflag:s12] =	ssyncset.done $0x0  }
0x8c: {  	[sflag:s12] =	ssyncadd.s32 $0xFFFFE000  }
0x8d: {  	[spmem:s3] =	stream.indirect.scatter.add.f32 [tilespmem:s7], [sflag:$0x2], $0x80, s9, s10, $0xb8;
	[tilespmem:$0x1B000] =	vst v63  }
0x8e: {  	s15 =	rddreg [dreg:$0x7]  }
0x8f: {  	[tilespmem:s13], [sflag:$0x1] =	stream.indirect.gather [hbm4b:s1+s10], $0x80, s15, s10, $0xb8;
	[tilespmem:$0x1B000] =	vst v63  }
0x90: {  	_ =	swait.ge [sflag:s12], $0x2000  }
0x91: {  	[sflag:s12] =	ssyncset.done $0x0  }
0x92: {  	[sflag:s12] =	ssyncadd.s32 $0xFFFFE000  }
0x93: {  	_ =	swait.ge [sflag:s14], $0x2000  }
0x94: {  	[sflag:s14] =	ssyncset.done $0x0  }
0x95: {  	s0 =	rddreg [dreg:$0x8];
	[sflag:s14] =	ssyncadd.s32 $0xFFFFE000  }
0x96: {  	[spmem:s3] =	stream.indirect.scatter.add.f32 [tilespmem:s11], [sflag:$0x2], $0x80, s0, s10, $0xb8;
	[tilespmem:$0x1B000] =	vst v63  }
0x97: {  	s6 =	rddreg [dreg:$0x9]  }
0x98: {  	[tilespmem:s7], [sflag:$0x1] =	stream.indirect.gather [hbm4b:s1+s10], $0x80, s6, s10, $0xb8;
	[tilespmem:$0x1B000] =	vst v63  }
0x99: {  	_ =	swait.ge [sflag:s12], $0x2000  }
0x9a: {  	[sflag:s12] =	ssyncset.done $0x0  }
0x9b: {  	[sflag:s12] =	ssyncadd.s32 $0xFFFFE000  }
0x9c: {  	_ =	swait.ge [sflag:s14], $0x2000  }
0x9d: {  	[sflag:s14] =	ssyncset.done $0x0  }
0x9e: {  	s15 =	rddreg [dreg:$0xa];
	[sflag:s14] =	ssyncadd.s32 $0xFFFFE000  }
0x9f: {  	[spmem:s3] =	stream.indirect.scatter.add.f32 [tilespmem:s13], [sflag:$0x2], $0x80, s15, s10, $0xb8;
	[tilespmem:$0x1B000] =	vst v63  }
0xa0: {  	s0 =	rddreg [dreg:$0xb]  }
0xa1: {  	[tilespmem:s11], [sflag:$0x1] =	stream.indirect.gather [hbm4b:s1+s10], $0x80, s0, s10, $0xb8;
	[tilespmem:$0x1B000] =	vst v63  }
0xa2: {  	_ =	swait.ge [sflag:s12], $0x2000  }
0xa3: {  	[sflag:s12] =	ssyncset.done $0x0  }
0xa4: {  	[sflag:s12] =	ssyncadd.s32 $0xFFFFE000  }
0xa5: {  	_ =	swait.ge [sflag:s14], $0x2000  }
0xa6: {  	[sflag:s14] =	ssyncset.done $0x0  }
0xa7: {  	s15 =	rddreg [dreg:$0xc];
	[sflag:s14] =	ssyncadd.s32 $0xFFFFE000  }
0xa8: {  	[spmem:s3] =	stream.indirect.scatter.add.f32 [tilespmem:s7], [sflag:$0x2], $0x80, s15, s10, $0xb8;
	[tilespmem:$0x1B000] =	vst v63  }
0xa9: {  	s0 =	rddreg [dreg:$0xd]  }
0xaa: {  	[tilespmem:s13], [sflag:$0x1] =	stream.indirect.gather [hbm4b:s1+s10], $0x80, s0, s10, $0xb8;
	[tilespmem:$0x1B000] =	vst v63  }
0xab: {  	_ =	swait.ge [sflag:s12], $0x2000  }
0xac: {  	[sflag:s12] =	ssyncset.done $0x0  }
0xad: {  	[sflag:s12] =	ssyncadd.s32 $0xFFFFE000  }
0xae: {  	_ =	swait.ge [sflag:s14], $0x2000  }
0xaf: {  	[sflag:s14] =	ssyncset.done $0x0  }
0xb0: {  	s15 =	rddreg [dreg:$0xe];
	[sflag:s14] =	ssyncadd.s32 $0xFFFFE000  }
0xb1: {  	[spmem:s3] =	stream.indirect.scatter.add.f32 [tilespmem:s11], [sflag:$0x2], $0x80, s15, s10, $0xb8;
	[tilespmem:$0x1B000] =	vst v63  }
0xb2: {  	s0 =	rddreg [dreg:$0xf]  }
0xb3: {  	[tilespmem:s7], [sflag:$0x1] =	stream.indirect.gather [hbm4b:s1+s10], $0x80, s0, s10, $0xb8;
	[tilespmem:$0x1B000] =	vst v63  }
0xb4: {  	_ =	swait.ge [sflag:s12], $0x2000  }
0xb5: {  	[sflag:s12] =	ssyncset.done $0x0  }
0xb6: {  	[sflag:s12] =	ssyncadd.s32 $0xFFFFE000  }
0xb7: {  	_ =	swait.ge [sflag:s14], $0x2000  }
0xb8: {  	[sflag:s14] =	ssyncset.done $0x0  }
0xb9: {  	s15 =	rddreg [dreg:$0x10];
	[sflag:s14] =	ssyncadd.s32 $0xFFFFE000  }
0xba: {  	[spmem:s3] =	stream.indirect.scatter.add.f32 [tilespmem:s13], [sflag:$0x2], $0x80, s15, s10, $0xb8;
	[tilespmem:$0x1B000] =	vst v63  }
0xbb: {  	s0 =	rddreg [dreg:$0x11]  }
0xbc: {  	[tilespmem:s11], [sflag:$0x1] =	stream.indirect.gather [hbm4b:s1+s10], $0x80, s0, s10, $0xb8;
	[tilespmem:$0x1B000] =	vst v63  }
0xbd: {  	_ =	swait.ge [sflag:s12], $0x2000  }
0xbe: {  	[sflag:s12] =	ssyncset.done $0x0  }
0xbf: {  	[sflag:s12] =	ssyncadd.s32 $0xFFFFE000  }
0xc0: {  	_ =	swait.ge [sflag:s14], $0x2000  }
0xc1: {  	[sflag:s14] =	ssyncset.done $0x0  }
0xc2: {  	s6 =	rddreg [dreg:$0x12];
	[sflag:s14] =	ssyncadd.s32 $0xFFFFE000  }
0xc3: {  	[spmem:s3] =	stream.indirect.scatter.add.f32 [tilespmem:s7], [sflag:$0x2], $0x80, s6, s10, $0xb8;
	[tilespmem:$0x1B000] =	vst v63  }
0xc4: {  	s15 =	rddreg [dreg:$0x13]  }
0xc5: {  	[tilespmem:s13], [sflag:$0x1] =	stream.indirect.gather [hbm4b:s1+s10], $0x80, s15, s10, $0xb8;
	[tilespmem:$0x1B000] =	vst v63  }
0xc6: {  	_ =	swait.ge [sflag:s12], $0x2000  }
0xc7: {  	[sflag:s12] =	ssyncset.done $0x0  }
0xc8: {  	[sflag:s12] =	ssyncadd.s32 $0xFFFFE000  }
0xc9: {  	_ =	swait.ge [sflag:s14], $0x2000  }
0xca: {  	[sflag:s14] =	ssyncset.done $0x0  }
0xcb: {  	[sflag:s14] =	ssyncadd.s32 $0xFFFFE000  }
0xcc: {  	[spmem:s3] =	stream.indirect.scatter.add.f32 [tilespmem:s11], [sflag:$0x2], $0x80, s16, s10, $0xb8;
	[tilespmem:$0x1B000] =	vst v63  }
0xcd: {  	_ = 	snop  }
0xce: {  	[tilespmem:s7], [sflag:$0x1] =	stream.indirect.gather [hbm4b:s1+s10], $0x80, s17, s10, $0xb8;
	[tilespmem:$0x1B000] =	vst v63  }
0xcf: {  	_ =	swait.ge [sflag:s12], $0x2000  }
0xd0: {  	[sflag:s12] =	ssyncset.done $0x0  }
0xd1: {  	[sflag:s12] =	ssyncadd.s32 $0xFFFFE000  }
0xd2: {  	_ =	swait.ge [sflag:s14], $0x2000  }
0xd3: {  	[sflag:s14] =	ssyncset.done $0x0  }
0xd4: {  	[sflag:s14] =	ssyncadd.s32 $0xFFFFE000  }
0xd5: {  	[spmem:s3] =	stream.indirect.scatter.add.f32 [tilespmem:s13], [sflag:$0x2], $0x80, s18, s10, $0xb8;
	[tilespmem:$0x1B000] =	vst v63  }
0xd6: {  	_ = 	snop  }
0xd7: {  	[tilespmem:s11], [sflag:$0x1] =	stream.indirect.gather [hbm4b:s1+s10], $0x80, s19, s10, $0xb8;
	[tilespmem:$0x1B000] =	vst v63  }
0xd8: {  	_ =	swait.ge [sflag:s12], $0x2000  }
0xd9: {  	[sflag:s12] =	ssyncset.done $0x0  }
0xda: {  	[sflag:s12] =	ssyncadd.s32 $0xFFFFE000  }
0xdb: {  	_ =	swait.ge [sflag:s14], $0x2000  }
0xdc: {  	[sflag:s14] =	ssyncset.done $0x0  }
0xdd: {  	[sflag:s14] =	ssyncadd.s32 $0xFFFFE000  }
0xde: {  	[spmem:s3] =	stream.indirect.scatter.add.f32 [tilespmem:s7], [sflag:$0x2], $0x80, s20, s10, $0xb8;
	[tilespmem:$0x1B000] =	vst v63  }
0xdf: {  	_ = 	snop  }
0xe0: {  	[tilespmem:s13], [sflag:$0x1] =	stream.indirect.gather [hbm4b:s1+s10], $0x80, s21, s10, $0xb8;
	[tilespmem:$0x1B000] =	vst v63  }
0xe1: {  	_ =	swait.ge [sflag:s12], $0x2000  }
0xe2: {  	[sflag:s12] =	ssyncset.done $0x0  }
0xe3: {  	[sflag:s12] =	ssyncadd.s32 $0xFFFFE000  }
0xe4: {  	_ =	swait.ge [sflag:s14], $0x2000  }
0xe5: {  	[sflag:s14] =	ssyncset.done $0x0  }
0xe6: {  	[sflag:s14] =	ssyncadd.s32 $0xFFFFE000  }
0xe7: {  	[spmem:s3] =	stream.indirect.scatter.add.f32 [tilespmem:s11], [sflag:$0x2], $0x80, s22, s10, $0xb8;
	[tilespmem:$0x1B000] =	vst v63  }
0xe8: {  	_ = 	snop  }
0xe9: {  	[tilespmem:s7], [sflag:$0x1] =	stream.indirect.gather [hbm4b:s1+s10], $0x80, s23, s10, $0xb8;
	[tilespmem:$0x1B000] =	vst v63  }
0xea: {  	_ =	swait.ge [sflag:s12], $0x2000  }
0xeb: {  	[sflag:s12] =	ssyncset.done $0x0  }
0xec: {  	[sflag:s12] =	ssyncadd.s32 $0xFFFFE000  }
0xed: {  	_ =	swait.ge [sflag:s14], $0x2000  }
0xee: {  	[sflag:s14] =	ssyncset.done $0x0  }
0xef: {  	[sflag:s14] =	ssyncadd.s32 $0xFFFFE000  }
0xf0: {  	[spmem:s3] =	stream.indirect.scatter.add.f32 [tilespmem:s13], [sflag:$0x2], $0x80, s24, s10, $0xb8;
	[tilespmem:$0x1B000] =	vst v63  }
0xf1: {  	_ = 	snop  }
0xf2: {  	[tilespmem:s11], [sflag:$0x1] =	stream.indirect.gather [hbm4b:s1+s10], $0x80, s25, s10, $0xb8;
	[tilespmem:$0x1B000] =	vst v63  }
0xf3: {  	_ =	swait.ge [sflag:s12], $0x2000  }
0xf4: {  	[sflag:s12] =	ssyncset.done $0x0  }
0xf5: {  	[sflag:s12] =	ssyncadd.s32 $0xFFFFE000  }
0xf6: {  	_ =	swait.ge [sflag:s14], $0x2000  }
0xf7: {  	[sflag:s14] =	ssyncset.done $0x0  }
0xf8: {  	[sflag:s14] =	ssyncadd.s32 $0xFFFFE000  }
0xf9: {  	[spmem:s3] =	stream.indirect.scatter.add.f32 [tilespmem:s7], [sflag:$0x2], $0x80, s26, s10, $0xb8;
	[tilespmem:$0x1B000] =	vst v63  }
0xfa: {  	_ = 	snop  }
0xfb: {  	[tilespmem:s13], [sflag:$0x1] =	stream.indirect.gather [hbm4b:s1+s10], $0x80, s28, s10, $0xb8;
	[tilespmem:$0x1B000] =	vst v63  }
0xfc: {  	_ =	swait.ge [sflag:s12], $0x2000  }
0xfd: {  	[sflag:s12] =	ssyncset.done $0x0  }
0xfe: {  	[sflag:s12] =	ssyncadd.s32 $0xFFFFE000  }
0xff: {  	_ =	swait.ge [sflag:s14], $0x2000  }
0x100: {  	[sflag:s14] =	ssyncset.done $0x0  }
0x101: {  	[sflag:s14] =	ssyncadd.s32 $0xFFFFE000  }
0x102: {  	[spmem:s3] =	stream.indirect.scatter.add.f32 [tilespmem:s11], [sflag:$0x2], $0x80, s29, s10, $0xb8;
	[tilespmem:$0x1B000] =	vst v63  }
0x103: {  	_ = 	snop  }
0x104: {  	[tilespmem:s7], [sflag:$0x1] =	stream.indirect.gather [hbm4b:s1+s10], $0x80, s30, s10, $0xb8;
	[tilespmem:$0x1B000] =	vst v63  }
0x105: {  	_ =	swait.ge [sflag:s12], $0x2000  }
0x106: {  	[sflag:s12] =	ssyncset.done $0x0  }
0x107: {  	[sflag:s12] =	ssyncadd.s32 $0xFFFFE000  }
0x108: {  	_ =	swait.ge [sflag:s14], $0x2000  }
0x109: {  	[sflag:s14] =	ssyncset.done $0x0  }
0x10a: {  	[sflag:s14] =	ssyncadd.s32 $0xFFFFE000  }
0x10b: {  	[spmem:s3] =	stream.indirect.scatter.add.f32 [tilespmem:s13], [sflag:$0x2], $0x80, s31, s10, $0xb8;
	[tilespmem:$0x1B000] =	vst v63  }
0x10c: {  	_ =	swait.ge [sflag:s12], $0x2000  }
0x10d: {  	[sflag:s12] =	ssyncset.done $0x0  }
0x10e: {  	[sflag:s12] =	ssyncadd.s32 $0xFFFFE000  }
0x10f: {  	_ =	swait.ge [sflag:s14], $0x2000  }
0x110: {  	[sflag:s14] =	ssyncset.done $0x0  }
0x111: {  	[sflag:s14] =	ssyncadd.s32 $0xFFFFE000  }
0x112: {  	[spmem:s3] =	stream.indirect.scatter.add.f32 [tilespmem:s7], [sflag:$0x2], $0x80, s2, s10, $0xb8;
	[tilespmem:$0x1B000] =	vst v63  }
0x113: {  	s5 =	simm.s32 $0x100;
	_ =	swait.ge [sflag:s14], $0x2000  }
0x114: {  	s6 =	simm.s32 $0x200;
	s15 =	rddreg [dreg:$0x5];
	[sflag:s14] =	ssyncset.done $0x0  }
.LBB2_4:
0x115: {  	[sflag:s14] =	ssyncadd.s32 $0xFFFFE000;
	s15 =	sadd.s32 s5, s15  }
0x116: {  	[tilespmem:s4], [sflag:$0x3] =	stream.linear.gather [hbm4b:s15+s4], $0x800, $0x38;
	[tilespmem:$0x1B000] =	vst v63  }
0x117: {  	_ =	swait.ge [sflag:s8], $0x800  }
0x118: {  	s15 =	rddreg [dreg:$0x4];
	[sflag:s8] =	ssyncset.done $0x0  }
0x119: {  	[sflag:s8] =	ssyncadd.s32 $0xFFFFF800;
	s15 =	sadd.s32 s5, s15  }
0x11a: {  	[tilespmem:s9], [sflag:$0x3] =	stream.linear.gather [hbm4b:s15+s4], $0x800, $0x38;
	[tilespmem:$0x1B000] =	vst v63  }
0x11b: {  	_ =	swait.ge [sflag:s8], $0x800  }
0x11c: {  	[sflag:s8] =	ssyncset.done $0x0  }
0x11d: {  	[sflag:s8] =	ssyncadd.s32 $0xFFFFF800  }
0x11e: {  	[tilespmem:s7], [sflag:$0x1] =	stream.indirect.gather [hbm4b:s1+s10], $0x80, s4, s10, $0xb8;
	[tilespmem:$0x1B000] =	vst v63  }
0x11f: {  	s15 =	rddreg [dreg:$0x6]  }
0x120: {  	[tilespmem:s11], [sflag:$0x1] =	stream.indirect.gather [hbm4b:s1+s10], $0x80, s15, s10, $0xb8;
	[tilespmem:$0x1B000] =	vst v63  }
0x121: {  	_ =	swait.ge [sflag:s12], $0x2000  }
0x122: {  	[sflag:s12] =	ssyncset.done $0x0  }
0x123: {  	[sflag:s12] =	ssyncadd.s32 $0xFFFFE000  }
0x124: {  	[spmem:s3] =	stream.indirect.scatter.add.f32 [tilespmem:s7], [sflag:$0x2], $0x80, s9, s10, $0xb8;
	[tilespmem:$0x1B000] =	vst v63  }
0x125: {  	s15 =	rddreg [dreg:$0x7]  }
0x126: {  	[tilespmem:s13], [sflag:$0x1] =	stream.indirect.gather [hbm4b:s1+s10], $0x80, s15, s10, $0xb8;
	[tilespmem:$0x1B000] =	vst v63  }
0x127: {  	_ =	swait.ge [sflag:s12], $0x2000  }
0x128: {  	[sflag:s12] =	ssyncset.done $0x0  }
0x129: {  	[sflag:s12] =	ssyncadd.s32 $0xFFFFE000  }
0x12a: {  	_ =	swait.ge [sflag:s14], $0x2000  }
0x12b: {  	s0 =	smov.u32 s6;
	[sflag:s14] =	ssyncset.done $0x0  }
0x12c: {  	s5 =	smov.u32 s0;
	s0 =	rddreg [dreg:$0x8];
	[sflag:s14] =	ssyncadd.s32 $0xFFFFE000  }
0x12d: {  	[spmem:s3] =	stream.indirect.scatter.add.f32 [tilespmem:s11], [sflag:$0x2], $0x80, s0, s10, $0xb8;
	[tilespmem:$0x1B000] =	vst v63  }
0x12e: {  	s15 =	rddreg [dreg:$0x9]  }
0x12f: {  	[tilespmem:s7], [sflag:$0x1] =	stream.indirect.gather [hbm4b:s1+s10], $0x80, s15, s10, $0xb8;
	[tilespmem:$0x1B000] =	vst v63  }
0x130: {  	_ =	swait.ge [sflag:s12], $0x2000  }
0x131: {  	[sflag:s12] =	ssyncset.done $0x0  }
0x132: {  	[sflag:s12] =	ssyncadd.s32 $0xFFFFE000  }
0x133: {  	_ =	swait.ge [sflag:s14], $0x2000  }
0x134: {  	[sflag:s14] =	ssyncset.done $0x0  }
0x135: {  	s0 =	rddreg [dreg:$0xa];
	[sflag:s14] =	ssyncadd.s32 $0xFFFFE000  }
0x136: {  	[spmem:s3] =	stream.indirect.scatter.add.f32 [tilespmem:s13], [sflag:$0x2], $0x80, s0, s10, $0xb8;
	[tilespmem:$0x1B000] =	vst v63  }
0x137: {  	s15 =	rddreg [dreg:$0xb]  }
0x138: {  	[tilespmem:s11], [sflag:$0x1] =	stream.indirect.gather [hbm4b:s1+s10], $0x80, s15, s10, $0xb8;
	[tilespmem:$0x1B000] =	vst v63  }
0x139: {  	_ =	swait.ge [sflag:s12], $0x2000  }
0x13a: {  	[sflag:s12] =	ssyncset.done $0x0  }
0x13b: {  	[sflag:s12] =	ssyncadd.s32 $0xFFFFE000  }
0x13c: {  	_ =	swait.ge [sflag:s14], $0x2000  }
0x13d: {  	[sflag:s14] =	ssyncset.done $0x0  }
0x13e: {  	s0 =	rddreg [dreg:$0xc];
	[sflag:s14] =	ssyncadd.s32 $0xFFFFE000  }
0x13f: {  	[spmem:s3] =	stream.indirect.scatter.add.f32 [tilespmem:s7], [sflag:$0x2], $0x80, s0, s10, $0xb8;
	[tilespmem:$0x1B000] =	vst v63  }
0x140: {  	s15 =	rddreg [dreg:$0xd]  }
0x141: {  	[tilespmem:s13], [sflag:$0x1] =	stream.indirect.gather [hbm4b:s1+s10], $0x80, s15, s10, $0xb8;
	[tilespmem:$0x1B000] =	vst v63  }
0x142: {  	_ =	swait.ge [sflag:s12], $0x2000  }
0x143: {  	[sflag:s12] =	ssyncset.done $0x0  }
0x144: {  	[sflag:s12] =	ssyncadd.s32 $0xFFFFE000  }
0x145: {  	_ =	swait.ge [sflag:s14], $0x2000  }
0x146: {  	[sflag:s14] =	ssyncset.done $0x0  }
0x147: {  	s0 =	rddreg [dreg:$0xe];
	[sflag:s14] =	ssyncadd.s32 $0xFFFFE000  }
0x148: {  	[spmem:s3] =	stream.indirect.scatter.add.f32 [tilespmem:s11], [sflag:$0x2], $0x80, s0, s10, $0xb8;
	[tilespmem:$0x1B000] =	vst v63  }
0x149: {  	s15 =	rddreg [dreg:$0xf]  }
0x14a: {  	[tilespmem:s7], [sflag:$0x1] =	stream.indirect.gather [hbm4b:s1+s10], $0x80, s15, s10, $0xb8;
	[tilespmem:$0x1B000] =	vst v63  }
0x14b: {  	_ =	swait.ge [sflag:s12], $0x2000  }
0x14c: {  	[sflag:s12] =	ssyncset.done $0x0  }
0x14d: {  	[sflag:s12] =	ssyncadd.s32 $0xFFFFE000  }
0x14e: {  	_ =	swait.ge [sflag:s14], $0x2000  }
0x14f: {  	[sflag:s14] =	ssyncset.done $0x0  }
0x150: {  	s0 =	rddreg [dreg:$0x10];
	[sflag:s14] =	ssyncadd.s32 $0xFFFFE000  }
0x151: {  	[spmem:s3] =	stream.indirect.scatter.add.f32 [tilespmem:s13], [sflag:$0x2], $0x80, s0, s10, $0xb8;
	[tilespmem:$0x1B000] =	vst v63  }
0x152: {  	s15 =	rddreg [dreg:$0x11]  }
0x153: {  	[tilespmem:s11], [sflag:$0x1] =	stream.indirect.gather [hbm4b:s1+s10], $0x80, s15, s10, $0xb8;
	[tilespmem:$0x1B000] =	vst v63  }
0x154: {  	_ =	swait.ge [sflag:s12], $0x2000  }
0x155: {  	[sflag:s12] =	ssyncset.done $0x0  }
0x156: {  	[sflag:s12] =	ssyncadd.s32 $0xFFFFE000  }
0x157: {  	_ =	swait.ge [sflag:s14], $0x2000  }
0x158: {  	[sflag:s14] =	ssyncset.done $0x0  }
0x159: {  	s0 =	rddreg [dreg:$0x12];
	[sflag:s14] =	ssyncadd.s32 $0xFFFFE000  }
0x15a: {  	[spmem:s3] =	stream.indirect.scatter.add.f32 [tilespmem:s7], [sflag:$0x2], $0x80, s0, s10, $0xb8;
	[tilespmem:$0x1B000] =	vst v63  }
0x15b: {  	s15 =	rddreg [dreg:$0x13]  }
0x15c: {  	[tilespmem:s13], [sflag:$0x1] =	stream.indirect.gather [hbm4b:s1+s10], $0x80, s15, s10, $0xb8;
	[tilespmem:$0x1B000] =	vst v63  }
0x15d: {  	_ =	swait.ge [sflag:s12], $0x2000  }
0x15e: {  	[sflag:s12] =	ssyncset.done $0x0  }
0x15f: {  	[sflag:s12] =	ssyncadd.s32 $0xFFFFE000  }
0x160: {  	_ =	swait.ge [sflag:s14], $0x2000  }
0x161: {  	[sflag:s14] =	ssyncset.done $0x0  }
0x162: {  	[sflag:s14] =	ssyncadd.s32 $0xFFFFE000  }
0x163: {  	[spmem:s3] =	stream.indirect.scatter.add.f32 [tilespmem:s11], [sflag:$0x2], $0x80, s16, s10, $0xb8;
	[tilespmem:$0x1B000] =	vst v63  }
0x164: {  	_ = 	snop  }
0x165: {  	[tilespmem:s7], [sflag:$0x1] =	stream.indirect.gather [hbm4b:s1+s10], $0x80, s17, s10, $0xb8;
	[tilespmem:$0x1B000] =	vst v63  }
0x166: {  	_ =	swait.ge [sflag:s12], $0x2000  }
0x167: {  	[sflag:s12] =	ssyncset.done $0x0  }
0x168: {  	[sflag:s12] =	ssyncadd.s32 $0xFFFFE000  }
0x169: {  	_ =	swait.ge [sflag:s14], $0x2000  }
0x16a: {  	[sflag:s14] =	ssyncset.done $0x0  }
0x16b: {  	[sflag:s14] =	ssyncadd.s32 $0xFFFFE000  }
0x16c: {  	[spmem:s3] =	stream.indirect.scatter.add.f32 [tilespmem:s13], [sflag:$0x2], $0x80, s18, s10, $0xb8;
	[tilespmem:$0x1B000] =	vst v63  }
0x16d: {  	_ = 	snop  }
0x16e: {  	[tilespmem:s11], [sflag:$0x1] =	stream.indirect.gather [hbm4b:s1+s10], $0x80, s19, s10, $0xb8;
	[tilespmem:$0x1B000] =	vst v63  }
0x16f: {  	_ =	swait.ge [sflag:s12], $0x2000  }
0x170: {  	[sflag:s12] =	ssyncset.done $0x0  }
0x171: {  	[sflag:s12] =	ssyncadd.s32 $0xFFFFE000  }
0x172: {  	_ =	swait.ge [sflag:s14], $0x2000  }
0x173: {  	[sflag:s14] =	ssyncset.done $0x0  }
0x174: {  	[sflag:s14] =	ssyncadd.s32 $0xFFFFE000  }
0x175: {  	[spmem:s3] =	stream.indirect.scatter.add.f32 [tilespmem:s7], [sflag:$0x2], $0x80, s20, s10, $0xb8;
	[tilespmem:$0x1B000] =	vst v63  }
0x176: {  	_ = 	snop  }
0x177: {  	[tilespmem:s13], [sflag:$0x1] =	stream.indirect.gather [hbm4b:s1+s10], $0x80, s21, s10, $0xb8;
	[tilespmem:$0x1B000] =	vst v63  }
0x178: {  	_ =	swait.ge [sflag:s12], $0x2000  }
0x179: {  	[sflag:s12] =	ssyncset.done $0x0  }
0x17a: {  	[sflag:s12] =	ssyncadd.s32 $0xFFFFE000  }
0x17b: {  	_ =	swait.ge [sflag:s14], $0x2000  }
0x17c: {  	[sflag:s14] =	ssyncset.done $0x0  }
0x17d: {  	[sflag:s14] =	ssyncadd.s32 $0xFFFFE000  }
0x17e: {  	[spmem:s3] =	stream.indirect.scatter.add.f32 [tilespmem:s11], [sflag:$0x2], $0x80, s22, s10, $0xb8;
	[tilespmem:$0x1B000] =	vst v63  }
0x17f: {  	_ = 	snop  }
0x180: {  	[tilespmem:s7], [sflag:$0x1] =	stream.indirect.gather [hbm4b:s1+s10], $0x80, s23, s10, $0xb8;
	[tilespmem:$0x1B000] =	vst v63  }
0x181: {  	_ =	swait.ge [sflag:s12], $0x2000  }
0x182: {  	[sflag:s12] =	ssyncset.done $0x0  }
0x183: {  	[sflag:s12] =	ssyncadd.s32 $0xFFFFE000  }
0x184: {  	_ =	swait.ge [sflag:s14], $0x2000  }
0x185: {  	[sflag:s14] =	ssyncset.done $0x0  }
0x186: {  	[sflag:s14] =	ssyncadd.s32 $0xFFFFE000  }
0x187: {  	[spmem:s3] =	stream.indirect.scatter.add.f32 [tilespmem:s13], [sflag:$0x2], $0x80, s24, s10, $0xb8;
	[tilespmem:$0x1B000] =	vst v63  }
0x188: {  	_ = 	snop  }
0x189: {  	[tilespmem:s11], [sflag:$0x1] =	stream.indirect.gather [hbm4b:s1+s10], $0x80, s25, s10, $0xb8;
	[tilespmem:$0x1B000] =	vst v63  }
0x18a: {  	_ =	swait.ge [sflag:s12], $0x2000  }
0x18b: {  	[sflag:s12] =	ssyncset.done $0x0  }
0x18c: {  	[sflag:s12] =	ssyncadd.s32 $0xFFFFE000  }
0x18d: {  	_ =	swait.ge [sflag:s14], $0x2000  }
0x18e: {  	[sflag:s14] =	ssyncset.done $0x0  }
0x18f: {  	[sflag:s14] =	ssyncadd.s32 $0xFFFFE000  }
0x190: {  	[spmem:s3] =	stream.indirect.scatter.add.f32 [tilespmem:s7], [sflag:$0x2], $0x80, s26, s10, $0xb8;
	[tilespmem:$0x1B000] =	vst v63  }
0x191: {  	_ = 	snop  }
0x192: {  	[tilespmem:s13], [sflag:$0x1] =	stream.indirect.gather [hbm4b:s1+s10], $0x80, s28, s10, $0xb8;
	[tilespmem:$0x1B000] =	vst v63  }
0x193: {  	_ =	swait.ge [sflag:s12], $0x2000  }
0x194: {  	[sflag:s12] =	ssyncset.done $0x0  }
0x195: {  	[sflag:s12] =	ssyncadd.s32 $0xFFFFE000  }
0x196: {  	_ =	swait.ge [sflag:s14], $0x2000  }
0x197: {  	[sflag:s14] =	ssyncset.done $0x0  }
0x198: {  	[sflag:s14] =	ssyncadd.s32 $0xFFFFE000  }
0x199: {  	[spmem:s3] =	stream.indirect.scatter.add.f32 [tilespmem:s11], [sflag:$0x2], $0x80, s29, s10, $0xb8;
	[tilespmem:$0x1B000] =	vst v63  }
0x19a: {  	_ = 	snop  }
0x19b: {  	[tilespmem:s7], [sflag:$0x1] =	stream.indirect.gather [hbm4b:s1+s10], $0x80, s30, s10, $0xb8;
	[tilespmem:$0x1B000] =	vst v63  }
0x19c: {  	_ =	swait.ge [sflag:s12], $0x2000  }
0x19d: {  	[sflag:s12] =	ssyncset.done $0x0  }
0x19e: {  	[sflag:s12] =	ssyncadd.s32 $0xFFFFE000  }
0x19f: {  	_ =	swait.ge [sflag:s14], $0x2000  }
0x1a0: {  	[sflag:s14] =	ssyncset.done $0x0  }
0x1a1: {  	[sflag:s14] =	ssyncadd.s32 $0xFFFFE000  }
0x1a2: {  	[spmem:s3] =	stream.indirect.scatter.add.f32 [tilespmem:s13], [sflag:$0x2], $0x80, s31, s10, $0xb8;
	[tilespmem:$0x1B000] =	vst v63  }
0x1a3: {  	_ =	swait.ge [sflag:s12], $0x2000  }
0x1a4: {  	[sflag:s12] =	ssyncset.done $0x0  }
0x1a5: {  	[sflag:s12] =	ssyncadd.s32 $0xFFFFE000  }
0x1a6: {  	p0 =	sne.s32 s6, $0x900;
	_ =	swait.ge [sflag:s14], $0x2000  }
.Ltmp1:
0x1a7: {  	[sflag:s14] =	ssyncset.done $0x0;
	(pc) =	sbr.rel @p0 .LBB2_4-.Ltmp1, $4  }
0x1a8: {  	[sflag:s14] =	ssyncadd.s32 $0xFFFFE000  }
0x1a9: {  	[spmem:s3] =	stream.indirect.scatter.add.f32 [tilespmem:s7], [sflag:$0x2], $0x80, s2, s10, $0xb8;
	[tilespmem:$0x1B000] =	vst v63  }
0x1aa: {  	_ =	swait.ge [sflag:s14], $0x2000  }
0x1ab: {  	s6 =	sadd.s32 $0x100, s6;
	s15 =	rddreg [dreg:$0x5];
	[sflag:s14] =	ssyncset.done $0x0  }
0x1ac: {  	[sflag:s14] =	ssyncadd.s32 $0xFFFFE000;
	s0 =	sadd.s32 s5, s15  }
0x1ad: {  	[tilespmem:s4], [sflag:$0x3] =	stream.linear.gather [hbm4b:s0+s4], $0x800, $0x38;
	[tilespmem:$0x1B000] =	vst v63  }
0x1ae: {  	_ =	swait.ge [sflag:s8], $0x800  }
0x1af: {  	s6 =	rddreg [dreg:$0x4];
	[sflag:s8] =	ssyncset.done $0x0  }
0x1b0: {  	[sflag:s8] =	ssyncadd.s32 $0xFFFFF800;
	s0 =	sadd.s32 s5, s6  }
0x1b1: {  	[tilespmem:s9], [sflag:$0x3] =	stream.linear.gather [hbm4b:s0+s4], $0x800, $0x38;
	[tilespmem:$0x1B000] =	vst v63  }
0x1b2: {  	_ =	swait.ge [sflag:s8], $0x800  }
0x1b3: {  	[sflag:s8] =	ssyncset.done $0x0  }
0x1b4: {  	[sflag:s8] =	ssyncadd.s32 $0xFFFFF800  }
0x1b5: {  	[tilespmem:s7], [sflag:$0x1] =	stream.indirect.gather [hbm4b:s1+s10], $0x80, s4, s10, $0xb8;
	[tilespmem:$0x1B000] =	vst v63  }
0x1b6: {  	s15 =	rddreg [dreg:$0x6]  }
0x1b7: {  	[tilespmem:s11], [sflag:$0x1] =	stream.indirect.gather [hbm4b:s1+s10], $0x80, s15, s10, $0xb8;
	[tilespmem:$0x1B000] =	vst v63  }
0x1b8: {  	_ =	swait.ge [sflag:s12], $0x2000  }
0x1b9: {  	[sflag:s12] =	ssyncset.done $0x0  }
0x1ba: {  	[sflag:s12] =	ssyncadd.s32 $0xFFFFE000  }
0x1bb: {  	[spmem:s3] =	stream.indirect.scatter.add.f32 [tilespmem:s7], [sflag:$0x2], $0x80, s9, s10, $0xb8;
	[tilespmem:$0x1B000] =	vst v63  }
0x1bc: {  	s5 =	rddreg [dreg:$0x7]  }
0x1bd: {  	[tilespmem:s13], [sflag:$0x1] =	stream.indirect.gather [hbm4b:s1+s10], $0x80, s5, s10, $0xb8;
	[tilespmem:$0x1B000] =	vst v63  }
0x1be: {  	_ =	swait.ge [sflag:s12], $0x2000  }
0x1bf: {  	[sflag:s12] =	ssyncset.done $0x0  }
0x1c0: {  	[sflag:s12] =	ssyncadd.s32 $0xFFFFE000  }
0x1c1: {  	_ =	swait.ge [sflag:s14], $0x2000  }
0x1c2: {  	[sflag:s14] =	ssyncset.done $0x0  }
0x1c3: {  	s6 =	rddreg [dreg:$0x8];
	[sflag:s14] =	ssyncadd.s32 $0xFFFFE000  }
0x1c4: {  	[spmem:s3] =	stream.indirect.scatter.add.f32 [tilespmem:s11], [sflag:$0x2], $0x80, s6, s10, $0xb8;
	[tilespmem:$0x1B000] =	vst v63  }
0x1c5: {  	s15 =	rddreg [dreg:$0x9]  }
0x1c6: {  	[tilespmem:s7], [sflag:$0x1] =	stream.indirect.gather [hbm4b:s1+s10], $0x80, s15, s10, $0xb8;
	[tilespmem:$0x1B000] =	vst v63  }
0x1c7: {  	_ =	swait.ge [sflag:s12], $0x2000  }
0x1c8: {  	[sflag:s12] =	ssyncset.done $0x0  }
0x1c9: {  	[sflag:s12] =	ssyncadd.s32 $0xFFFFE000  }
0x1ca: {  	_ =	swait.ge [sflag:s14], $0x2000  }
0x1cb: {  	[sflag:s14] =	ssyncset.done $0x0  }
0x1cc: {  	s6 =	rddreg [dreg:$0xa];
	[sflag:s14] =	ssyncadd.s32 $0xFFFFE000  }
0x1cd: {  	[spmem:s3] =	stream.indirect.scatter.add.f32 [tilespmem:s13], [sflag:$0x2], $0x80, s6, s10, $0xb8;
	[tilespmem:$0x1B000] =	vst v63  }
0x1ce: {  	s15 =	rddreg [dreg:$0xb]  }
0x1cf: {  	[tilespmem:s11], [sflag:$0x1] =	stream.indirect.gather [hbm4b:s1+s10], $0x80, s15, s10, $0xb8;
	[tilespmem:$0x1B000] =	vst v63  }
0x1d0: {  	_ =	swait.ge [sflag:s12], $0x2000  }
0x1d1: {  	[sflag:s12] =	ssyncset.done $0x0  }
0x1d2: {  	[sflag:s12] =	ssyncadd.s32 $0xFFFFE000  }
0x1d3: {  	_ =	swait.ge [sflag:s14], $0x2000  }
0x1d4: {  	[sflag:s14] =	ssyncset.done $0x0  }
0x1d5: {  	s6 =	rddreg [dreg:$0xc];
	[sflag:s14] =	ssyncadd.s32 $0xFFFFE000  }
0x1d6: {  	[spmem:s3] =	stream.indirect.scatter.add.f32 [tilespmem:s7], [sflag:$0x2], $0x80, s6, s10, $0xb8;
	[tilespmem:$0x1B000] =	vst v63  }
0x1d7: {  	s15 =	rddreg [dreg:$0xd]  }
0x1d8: {  	[tilespmem:s13], [sflag:$0x1] =	stream.indirect.gather [hbm4b:s1+s10], $0x80, s15, s10, $0xb8;
	[tilespmem:$0x1B000] =	vst v63  }
0x1d9: {  	_ =	swait.ge [sflag:s12], $0x2000  }
0x1da: {  	[sflag:s12] =	ssyncset.done $0x0  }
0x1db: {  	[sflag:s12] =	ssyncadd.s32 $0xFFFFE000  }
0x1dc: {  	_ =	swait.ge [sflag:s14], $0x2000  }
0x1dd: {  	[sflag:s14] =	ssyncset.done $0x0  }
0x1de: {  	s6 =	rddreg [dreg:$0xe];
	[sflag:s14] =	ssyncadd.s32 $0xFFFFE000  }
0x1df: {  	[spmem:s3] =	stream.indirect.scatter.add.f32 [tilespmem:s11], [sflag:$0x2], $0x80, s6, s10, $0xb8;
	[tilespmem:$0x1B000] =	vst v63  }
0x1e0: {  	s15 =	rddreg [dreg:$0xf]  }
0x1e1: {  	[tilespmem:s7], [sflag:$0x1] =	stream.indirect.gather [hbm4b:s1+s10], $0x80, s15, s10, $0xb8;
	[tilespmem:$0x1B000] =	vst v63  }
0x1e2: {  	_ =	swait.ge [sflag:s12], $0x2000  }
0x1e3: {  	[sflag:s12] =	ssyncset.done $0x0  }
0x1e4: {  	[sflag:s12] =	ssyncadd.s32 $0xFFFFE000  }
0x1e5: {  	_ =	swait.ge [sflag:s14], $0x2000  }
0x1e6: {  	[sflag:s14] =	ssyncset.done $0x0  }
0x1e7: {  	s6 =	rddreg [dreg:$0x10];
	[sflag:s14] =	ssyncadd.s32 $0xFFFFE000  }
0x1e8: {  	[spmem:s3] =	stream.indirect.scatter.add.f32 [tilespmem:s13], [sflag:$0x2], $0x80, s6, s10, $0xb8;
	[tilespmem:$0x1B000] =	vst v63  }
0x1e9: {  	s15 =	rddreg [dreg:$0x11]  }
0x1ea: {  	[tilespmem:s11], [sflag:$0x1] =	stream.indirect.gather [hbm4b:s1+s10], $0x80, s15, s10, $0xb8;
	[tilespmem:$0x1B000] =	vst v63  }
0x1eb: {  	_ =	swait.ge [sflag:s12], $0x2000  }
0x1ec: {  	[sflag:s12] =	ssyncset.done $0x0  }
0x1ed: {  	[sflag:s12] =	ssyncadd.s32 $0xFFFFE000  }
0x1ee: {  	_ =	swait.ge [sflag:s14], $0x2000  }
0x1ef: {  	[sflag:s14] =	ssyncset.done $0x0  }
0x1f0: {  	s5 =	rddreg [dreg:$0x12];
	[sflag:s14] =	ssyncadd.s32 $0xFFFFE000  }
0x1f1: {  	[spmem:s3] =	stream.indirect.scatter.add.f32 [tilespmem:s7], [sflag:$0x2], $0x80, s5, s10, $0xb8;
	[tilespmem:$0x1B000] =	vst v63  }
0x1f2: {  	s6 =	rddreg [dreg:$0x13]  }
0x1f3: {  	[tilespmem:s13], [sflag:$0x1] =	stream.indirect.gather [hbm4b:s1+s10], $0x80, s6, s10, $0xb8;
	[tilespmem:$0x1B000] =	vst v63  }
0x1f4: {  	_ =	swait.ge [sflag:s12], $0x2000  }
0x1f5: {  	[sflag:s12] =	ssyncset.done $0x0  }
0x1f6: {  	[sflag:s12] =	ssyncadd.s32 $0xFFFFE000  }
0x1f7: {  	_ =	swait.ge [sflag:s14], $0x2000  }
0x1f8: {  	[sflag:s14] =	ssyncset.done $0x0  }
0x1f9: {  	[sflag:s14] =	ssyncadd.s32 $0xFFFFE000  }
0x1fa: {  	[spmem:s3] =	stream.indirect.scatter.add.f32 [tilespmem:s11], [sflag:$0x2], $0x80, s16, s10, $0xb8;
	[tilespmem:$0x1B000] =	vst v63  }
0x1fb: {  	_ = 	snop  }
0x1fc: {  	[tilespmem:s7], [sflag:$0x1] =	stream.indirect.gather [hbm4b:s1+s10], $0x80, s17, s10, $0xb8;
	[tilespmem:$0x1B000] =	vst v63  }
0x1fd: {  	_ =	swait.ge [sflag:s12], $0x2000  }
0x1fe: {  	[sflag:s12] =	ssyncset.done $0x0  }
0x1ff: {  	[sflag:s12] =	ssyncadd.s32 $0xFFFFE000  }
0x200: {  	_ =	swait.ge [sflag:s14], $0x2000  }
0x201: {  	[sflag:s14] =	ssyncset.done $0x0  }
0x202: {  	[sflag:s14] =	ssyncadd.s32 $0xFFFFE000  }
0x203: {  	[spmem:s3] =	stream.indirect.scatter.add.f32 [tilespmem:s13], [sflag:$0x2], $0x80, s18, s10, $0xb8;
	[tilespmem:$0x1B000] =	vst v63  }
0x204: {  	_ = 	snop  }
0x205: {  	[tilespmem:s11], [sflag:$0x1] =	stream.indirect.gather [hbm4b:s1+s10], $0x80, s19, s10, $0xb8;
	[tilespmem:$0x1B000] =	vst v63  }
0x206: {  	_ =	swait.ge [sflag:s12], $0x2000  }
0x207: {  	[sflag:s12] =	ssyncset.done $0x0  }
0x208: {  	[sflag:s12] =	ssyncadd.s32 $0xFFFFE000  }
0x209: {  	_ =	swait.ge [sflag:s14], $0x2000  }
0x20a: {  	[sflag:s14] =	ssyncset.done $0x0  }
0x20b: {  	[sflag:s14] =	ssyncadd.s32 $0xFFFFE000  }
0x20c: {  	[spmem:s3] =	stream.indirect.scatter.add.f32 [tilespmem:s7], [sflag:$0x2], $0x80, s20, s10, $0xb8;
	[tilespmem:$0x1B000] =	vst v63  }
0x20d: {  	_ = 	snop  }
0x20e: {  	[tilespmem:s13], [sflag:$0x1] =	stream.indirect.gather [hbm4b:s1+s10], $0x80, s21, s10, $0xb8;
	[tilespmem:$0x1B000] =	vst v63  }
0x20f: {  	_ =	swait.ge [sflag:s12], $0x2000  }
0x210: {  	[sflag:s12] =	ssyncset.done $0x0  }
0x211: {  	[sflag:s12] =	ssyncadd.s32 $0xFFFFE000  }
0x212: {  	_ =	swait.ge [sflag:s14], $0x2000  }
0x213: {  	[sflag:s14] =	ssyncset.done $0x0  }
0x214: {  	[sflag:s14] =	ssyncadd.s32 $0xFFFFE000  }
0x215: {  	[spmem:s3] =	stream.indirect.scatter.add.f32 [tilespmem:s11], [sflag:$0x2], $0x80, s22, s10, $0xb8;
	[tilespmem:$0x1B000] =	vst v63  }
0x216: {  	_ = 	snop  }
0x217: {  	[tilespmem:s7], [sflag:$0x1] =	stream.indirect.gather [hbm4b:s1+s10], $0x80, s23, s10, $0xb8;
	[tilespmem:$0x1B000] =	vst v63  }
0x218: {  	_ =	swait.ge [sflag:s12], $0x2000  }
0x219: {  	[sflag:s12] =	ssyncset.done $0x0  }
0x21a: {  	[sflag:s12] =	ssyncadd.s32 $0xFFFFE000  }
0x21b: {  	_ =	swait.ge [sflag:s14], $0x2000  }
0x21c: {  	[sflag:s14] =	ssyncset.done $0x0  }
0x21d: {  	[sflag:s14] =	ssyncadd.s32 $0xFFFFE000  }
0x21e: {  	[spmem:s3] =	stream.indirect.scatter.add.f32 [tilespmem:s13], [sflag:$0x2], $0x80, s24, s10, $0xb8;
	[tilespmem:$0x1B000] =	vst v63  }
0x21f: {  	_ = 	snop  }
0x220: {  	[tilespmem:s11], [sflag:$0x1] =	stream.indirect.gather [hbm4b:s1+s10], $0x80, s25, s10, $0xb8;
	[tilespmem:$0x1B000] =	vst v63  }
0x221: {  	_ =	swait.ge [sflag:s12], $0x2000  }
0x222: {  	[sflag:s12] =	ssyncset.done $0x0  }
0x223: {  	[sflag:s12] =	ssyncadd.s32 $0xFFFFE000  }
0x224: {  	_ =	swait.ge [sflag:s14], $0x2000  }
0x225: {  	[sflag:s14] =	ssyncset.done $0x0  }
0x226: {  	[sflag:s14] =	ssyncadd.s32 $0xFFFFE000  }
0x227: {  	[spmem:s3] =	stream.indirect.scatter.add.f32 [tilespmem:s7], [sflag:$0x2], $0x80, s26, s10, $0xb8;
	[tilespmem:$0x1B000] =	vst v63  }
0x228: {  	_ = 	snop  }
0x229: {  	[tilespmem:s13], [sflag:$0x1] =	stream.indirect.gather [hbm4b:s1+s10], $0x80, s28, s10, $0xb8;
	[tilespmem:$0x1B000] =	vst v63  }
0x22a: {  	_ =	swait.ge [sflag:s12], $0x2000  }
0x22b: {  	[sflag:s12] =	ssyncset.done $0x0  }
0x22c: {  	[sflag:s12] =	ssyncadd.s32 $0xFFFFE000  }
0x22d: {  	_ =	swait.ge [sflag:s14], $0x2000  }
0x22e: {  	[sflag:s14] =	ssyncset.done $0x0  }
0x22f: {  	[sflag:s14] =	ssyncadd.s32 $0xFFFFE000  }
0x230: {  	[spmem:s3] =	stream.indirect.scatter.add.f32 [tilespmem:s11], [sflag:$0x2], $0x80, s29, s10, $0xb8;
	[tilespmem:$0x1B000] =	vst v63  }
0x231: {  	_ = 	snop  }
0x232: {  	[tilespmem:s7], [sflag:$0x1] =	stream.indirect.gather [hbm4b:s1+s10], $0x80, s30, s10, $0xb8;
	[tilespmem:$0x1B000] =	vst v63  }
0x233: {  	_ =	swait.ge [sflag:s12], $0x2000  }
0x234: {  	[sflag:s12] =	ssyncset.done $0x0  }
0x235: {  	[sflag:s12] =	ssyncadd.s32 $0xFFFFE000  }
0x236: {  	_ =	swait.ge [sflag:s14], $0x2000  }
0x237: {  	[sflag:s14] =	ssyncset.done $0x0  }
0x238: {  	[sflag:s14] =	ssyncadd.s32 $0xFFFFE000  }
0x239: {  	[spmem:s3] =	stream.indirect.scatter.add.f32 [tilespmem:s13], [sflag:$0x2], $0x80, s31, s10, $0xb8;
	[tilespmem:$0x1B000] =	vst v63  }
0x23a: {  	_ =	swait.ge [sflag:s12], $0x2000  }
0x23b: {  	[sflag:s12] =	ssyncset.done $0x0  }
0x23c: {  	[sflag:s12] =	ssyncadd.s32 $0xFFFFE000  }
0x23d: {  	_ =	swait.ge [sflag:s14], $0x2000  }
0x23e: {  	[sflag:s14] =	ssyncset.done $0x0  }
0x23f: {  	[sflag:s14] =	ssyncadd.s32 $0xFFFFE000  }
0x240: {  	[spmem:s3] =	stream.indirect.scatter.add.f32 [tilespmem:s7], [sflag:$0x2], $0x80, s2, s10, $0xb8;
	[tilespmem:$0x1B000] =	vst v63  }
0x241: {  	_ =	swait.ge [sflag:s14], $0x2000  }
0x242: {  	[sflag:s14] =	ssyncset.done $0x0  }
0x243: {  	[sflag:s14] =	ssyncadd.s32 $0xFFFFE000  }
0x244: {  	[bflag:$0x0] =	sbarrier.arrive $0xFFFF  }
0x245: {  	s15 =	rddreg [dreg:$0x1e]  }
0x246: {  	[tilespmem:s11], [sflag:$0x3] =	stream.linear.gather [spmem:s15], $0x2000, $0x38;
	[tilespmem:$0x1B000] =	vst v63  }
0x247: {  	_ =	swait.ge [sflag:s8], $0x2000  }
0x248: {  	[sflag:s8] =	ssyncset.done $0x0  }
0x249: {  	s5 =	rddreg [dreg:$0x14];
	[sflag:s8] =	ssyncadd.s32 $0xFFFFE000  }
0x24a: {  	[hbm4b:s5+s4] =	stream.linear.scatter [tilespmem:s11], [sflag:$0x3], $0x2000, $0x38;
	[tilespmem:$0x1B000] =	vst v63  }
0x24b: {  	_ =	swait.ge [sflag:s8], $0x2000  }
0x24c: {  	s6 =	sld [smem:$0x7EC]  }
0x24d: {  	[sflag:s8] =	ssyncset.done $0x0  }
0x24e: {  	[sflag:s8] =	ssyncadd.s32 $0xFFFFE000  }
0x24f: {  	[tilespmem:s11], [sflag:$0x3] =	stream.linear.gather [spmem:s6], $0x2000, $0x38;
	[tilespmem:$0x1B000] =	vst v63  }
0x250: {  	_ =	swait.ge [sflag:s8], $0x2000  }
0x251: {  	[sflag:s8] =	ssyncset.done $0x0  }
0x252: {  	s15 =	rddreg [dreg:$0x15];
	[sflag:s8] =	ssyncadd.s32 $0xFFFFE000  }
0x253: {  	[hbm4b:s15+s4] =	stream.linear.scatter [tilespmem:s11], [sflag:$0x3], $0x2000, $0x38;
	[tilespmem:$0x1B000] =	vst v63  }
0x254: {  	_ =	swait.ge [sflag:s8], $0x2000  }
0x255: {  	s5 =	sld [smem:$0x7ED]  }
0x256: {  	[sflag:s8] =	ssyncset.done $0x0  }
0x257: {  	[sflag:s8] =	ssyncadd.s32 $0xFFFFE000  }
0x258: {  	[tilespmem:s11], [sflag:$0x3] =	stream.linear.gather [spmem:s5], $0x2000, $0x38;
	[tilespmem:$0x1B000] =	vst v63  }
0x259: {  	_ =	swait.ge [sflag:s8], $0x2000  }
0x25a: {  	[sflag:s8] =	ssyncset.done $0x0  }
0x25b: {  	s6 =	rddreg [dreg:$0x16];
	[sflag:s8] =	ssyncadd.s32 $0xFFFFE000  }
0x25c: {  	[hbm4b:s6+s4] =	stream.linear.scatter [tilespmem:s11], [sflag:$0x3], $0x2000, $0x38;
	[tilespmem:$0x1B000] =	vst v63  }
0x25d: {  	_ =	swait.ge [sflag:s8], $0x2000  }
0x25e: {  	s15 =	sld [smem:$0x7EE]  }
0x25f: {  	[sflag:s8] =	ssyncset.done $0x0  }
0x260: {  	[sflag:s8] =	ssyncadd.s32 $0xFFFFE000  }
0x261: {  	[tilespmem:s11], [sflag:$0x3] =	stream.linear.gather [spmem:s15], $0x2000, $0x38;
	[tilespmem:$0x1B000] =	vst v63  }
0x262: {  	_ =	swait.ge [sflag:s8], $0x2000  }
0x263: {  	[sflag:s8] =	ssyncset.done $0x0  }
0x264: {  	s5 =	rddreg [dreg:$0x17];
	[sflag:s8] =	ssyncadd.s32 $0xFFFFE000  }
0x265: {  	[hbm4b:s5+s4] =	stream.linear.scatter [tilespmem:s11], [sflag:$0x3], $0x2000, $0x38;
	[tilespmem:$0x1B000] =	vst v63  }
0x266: {  	_ =	swait.ge [sflag:s8], $0x2000  }
0x267: {  	s6 =	sld [smem:$0x7EF]  }
0x268: {  	[sflag:s8] =	ssyncset.done $0x0  }
0x269: {  	[sflag:s8] =	ssyncadd.s32 $0xFFFFE000  }
0x26a: {  	[tilespmem:s11], [sflag:$0x3] =	stream.linear.gather [spmem:s6], $0x2000, $0x38;
	[tilespmem:$0x1B000] =	vst v63  }
0x26b: {  	_ =	swait.ge [sflag:s8], $0x2000  }
0x26c: {  	[sflag:s8] =	ssyncset.done $0x0  }
0x26d: {  	s15 =	rddreg [dreg:$0x18];
	[sflag:s8] =	ssyncadd.s32 $0xFFFFE000  }
0x26e: {  	[hbm4b:s15+s4] =	stream.linear.scatter [tilespmem:s11], [sflag:$0x3], $0x2000, $0x38;
	[tilespmem:$0x1B000] =	vst v63  }
0x26f: {  	_ =	swait.ge [sflag:s8], $0x2000  }
0x270: {  	s5 =	sld [smem:$0x7F0]  }
0x271: {  	[sflag:s8] =	ssyncset.done $0x0  }
0x272: {  	[sflag:s8] =	ssyncadd.s32 $0xFFFFE000  }
0x273: {  	[tilespmem:s11], [sflag:$0x3] =	stream.linear.gather [spmem:s5], $0x2000, $0x38;
	[tilespmem:$0x1B000] =	vst v63  }
0x274: {  	_ =	swait.ge [sflag:s8], $0x2000  }
0x275: {  	[sflag:s8] =	ssyncset.done $0x0  }
0x276: {  	s6 =	rddreg [dreg:$0x19];
	[sflag:s8] =	ssyncadd.s32 $0xFFFFE000  }
0x277: {  	[hbm4b:s6+s4] =	stream.linear.scatter [tilespmem:s11], [sflag:$0x3], $0x2000, $0x38;
	[tilespmem:$0x1B000] =	vst v63  }
0x278: {  	_ =	swait.ge [sflag:s8], $0x2000  }
0x279: {  	s15 =	sld [smem:$0x7F1]  }
0x27a: {  	[sflag:s8] =	ssyncset.done $0x0  }
0x27b: {  	[sflag:s8] =	ssyncadd.s32 $0xFFFFE000  }
0x27c: {  	[tilespmem:s11], [sflag:$0x3] =	stream.linear.gather [spmem:s15], $0x2000, $0x38;
	[tilespmem:$0x1B000] =	vst v63  }
0x27d: {  	_ =	swait.ge [sflag:s8], $0x2000  }
0x27e: {  	[sflag:s8] =	ssyncset.done $0x0  }
0x27f: {  	s5 =	rddreg [dreg:$0x1a];
	[sflag:s8] =	ssyncadd.s32 $0xFFFFE000  }
0x280: {  	[hbm4b:s5+s4] =	stream.linear.scatter [tilespmem:s11], [sflag:$0x3], $0x2000, $0x38;
	[tilespmem:$0x1B000] =	vst v63  }
0x281: {  	_ =	swait.ge [sflag:s8], $0x2000  }
0x282: {  	s6 =	sld [smem:$0x7F2]  }
0x283: {  	[sflag:s8] =	ssyncset.done $0x0  }
0x284: {  	[sflag:s8] =	ssyncadd.s32 $0xFFFFE000  }
0x285: {  	[tilespmem:s11], [sflag:$0x3] =	stream.linear.gather [spmem:s6], $0x2000, $0x38;
	[tilespmem:$0x1B000] =	vst v63  }
0x286: {  	_ =	swait.ge [sflag:s8], $0x2000  }
0x287: {  	[sflag:s8] =	ssyncset.done $0x0  }
0x288: {  	s15 =	rddreg [dreg:$0x1b];
	[sflag:s8] =	ssyncadd.s32 $0xFFFFE000  }
0x289: {  	[hbm4b:s15+s4] =	stream.linear.scatter [tilespmem:s11], [sflag:$0x3], $0x2000, $0x38;
	[tilespmem:$0x1B000] =	vst v63  }
0x28a: {  	_ =	swait.ge [sflag:s8], $0x2000  }
0x28b: {  	s5 =	sld [smem:$0x7F3]  }
0x28c: {  	[sflag:s8] =	ssyncset.done $0x0  }
0x28d: {  	[sflag:s8] =	ssyncadd.s32 $0xFFFFE000  }
0x28e: {  	[tilespmem:s11], [sflag:$0x3] =	stream.linear.gather [spmem:s5], $0x2000, $0x38;
	[tilespmem:$0x1B000] =	vst v63  }
0x28f: {  	_ =	swait.ge [sflag:s8], $0x2000  }
0x290: {  	[sflag:s8] =	ssyncset.done $0x0  }
0x291: {  	s6 =	rddreg [dreg:$0x1c];
	[sflag:s8] =	ssyncadd.s32 $0xFFFFE000  }
0x292: {  	[hbm4b:s6+s4] =	stream.linear.scatter [tilespmem:s11], [sflag:$0x3], $0x2000, $0x38;
	[tilespmem:$0x1B000] =	vst v63  }
0x293: {  	_ =	swait.ge [sflag:s8], $0x2000  }
0x294: {  	s15 =	sld [smem:$0x7F4]  }
0x295: {  	[sflag:s8] =	ssyncset.done $0x0  }
0x296: {  	[sflag:s8] =	ssyncadd.s32 $0xFFFFE000  }
0x297: {  	[tilespmem:s11], [sflag:$0x3] =	stream.linear.gather [spmem:s15], $0x2000, $0x38;
	[tilespmem:$0x1B000] =	vst v63  }
0x298: {  	_ =	swait.ge [sflag:s8], $0x2000  }
0x299: {  	[sflag:s8] =	ssyncset.done $0x0  }
0x29a: {  	s5 =	rddreg [dreg:$0x1d];
	[sflag:s8] =	ssyncadd.s32 $0xFFFFE000  }
0x29b: {  	[hbm4b:s5+s4] =	stream.linear.scatter [tilespmem:s11], [sflag:$0x3], $0x2000, $0x38;
	[tilespmem:$0x1B000] =	vst v63  }
0x29c: {  	_ =	swait.ge [sflag:s8], $0x2000  }
0x29d: {  	s6 =	sld [smem:$0x7EB];
	_ =	sdelay $0x2  }
0x29e: {  	s15 =	rddreg [dreg:$0x1f];
	s5 =	sadd.s32 $0x1, s6  }
0x29f: {  	p0 =	sne.s32 s5, s15  }
.Ltmp2:
0x2a0: {  	_ = 	snop;
	(pc) =	sbr.rel @p0 .LBB2_1-.Ltmp2, $3  }
0x2a1: {  	_ =	sdelay $0x1  }
0x2a2: {  	[sflag:s8] =	ssyncset.done $0x0  }
0x2a3: {  	[sflag:s8] =	ssyncadd.s32 $0xFFFFE000  }
0x2a4: {  	_ =	sfence.sel $0x180000  }
0x2a5: {  	[bflag:$0x0] =	sbarrier.arrive $0xFFFF  }
0x2a6: {  	_ =	strace $0x9000004A  }
0x2a7: {  	s0 =	stileid.u32;
	[bflag:$0x2] =	sbarrier.arrive $0xFFFF  }
0x2a8: {  	p0 =	sne.s32 s0, $0x0;
	s0 =	rddreg [dreg:$0x3]  }
0x2a9: {  	s0 =	sadd.s32 @!p0 $0x100000, s0  }
0x2aa: {  	[sflag:s0] =	ssyncadd.tile.s32 @!p0 $0x1;
	_ =	shalt  }
.Lfunc_end2:
_tile_overlayer_lowered:
.L_overlay_start_2:
0x2ab: {  	(tag) =	ssettag $0x2  }
0x2ac: {  	s0 =	rddreg [dreg:$0x0];
	s2 =	stileid.u32  }
0x2ad: {  	s1 =	rddreg [dreg:$0x1];
	p0 =	sne.s32 s2, $0x0  }
0x2ae: {  	s3 =	rddreg [dreg:$0x2];
	[bflag:$0x3] =	sbarrier.arrive $0xFFFF;
	s2 =	simm.s32 @!p0 $0x1C03  }
0x2af: {  	[timem:s3], [sflag:s2] =	dma.local @!p0 [hbm:s0], s1  }
0x2b0: {  	s0 =	simm.s32 @!p0 $0x3  }
0x2b1: {  	_ =	swait.ge @!p0 [sflag:s0], s1  }
0x2b2: {  	s1 =	ssub.s32 @!p0 $0x0, s1;
	[sflag:s0] =	ssyncset.done @!p0 $0x0  }
0x2b3: {  	[sflag:s0] =	ssyncadd.s32 @!p0 s1  }
0x2b4: {  	[bflag:$0x3] =	sbarrier.arrive $0xFFFF  }
0x2b5: {  	_ =	shalt  }

</sc_bundles>
